<compile_context>
chip_gen: v7x
topology: tpu7x:2x2x1
jax: 0.10.2.dev20260603
libtpu: 0.0.44.dev20260713+nightly
codegen_flags: <defaults>
</compile_context>

<pallas_src>
import functools

import jax
import jax.numpy as jnp
from jax import lax
from jax.experimental import pallas as pl
from jax.experimental.pallas import tpu as pltpu
from jax.experimental.pallas import tpu_sc as plsc

N = 16384
E = 32768
F_NODE = 16
W = 128
QTR = N // 4
TRASH = QTR

_NS = 16
_GCHUNK = E // 32
_SCHUNK = E // _NS
_ACC_ROWS = QTR + 16
_ZROWS = _ACC_ROWS // _NS



def _sc_gather(table, idx2d):
    mesh = plsc.VectorSubcoreMesh(core_axis_name="c", subcore_axis_name="s")
    jg = _GCHUNK // 128
    sub = 512

    @functools.partial(
        pl.kernel,
        out_type=jax.ShapeDtypeStruct((E, W), jnp.float32),
        mesh=mesh,
        scratch_types=[
            pltpu.VMEM((jg, 128), jnp.int32),
            pltpu.VMEM((sub, W), jnp.float32),
            pltpu.SemaphoreType.DMA,
        ],
    )
    def k(table_hbm, idx_hbm, out_hbm, idx_v, rows_v, sem):
        wid = lax.axis_index("s") * 2 + lax.axis_index("c")
        pltpu.sync_copy(idx_hbm.at[pl.ds(wid * jg, jg)], idx_v)
        for h in range(_GCHUNK // sub):
            descs = []
            for j in range(sub // 128):
                descs.append(pltpu.async_copy(
                    table_hbm.at[idx_v.at[h * (sub // 128) + j]],
                    rows_v.at[pl.ds(j * 128, 128)], sem))
            for dsc in descs:
                dsc.wait()
            pltpu.sync_copy(rows_v,
                            out_hbm.at[pl.ds(wid * _GCHUNK + h * sub, sub)])

    return k(table, idx2d)


def _sc_scatter_add(msg_aug, dst_t, zslab):
    mesh = plsc.VectorSubcoreMesh(core_axis_name="c", subcore_axis_name="s")
    js = _SCHUNK // 128
    nbuf = 4
    lag = 2
    out_rows_per_tile = QTR // _NS

    @functools.partial(
        pl.kernel,
        out_type=jax.ShapeDtypeStruct((N, W), jnp.float32),
        mesh=mesh,
        scratch_types=[
            pltpu.VMEM((js, 128), jnp.int32),
            [pltpu.VMEM((128, W), jnp.float32) for _ in range(nbuf)],
            pltpu.SemaphoreType.DMA,
            pltpu.SemaphoreType.DMA,
            pltpu.VMEM_SHARED((_ACC_ROWS, W), jnp.float32),
        ],
    )
    def k(msg_hbm, dst_hbm, z_hbm, out_hbm, idx_v, bufs, ldsem, scsem,
          acc_sh):
        c = lax.axis_index("c")
        s = lax.axis_index("s")
        base = s * _SCHUNK
        for p in range(2):
            q = c * 2 + p
            pltpu.sync_copy(z_hbm, acc_sh.at[pl.ds(s * _ZROWS, _ZROWS)])
            plsc.subcore_barrier()
            pltpu.sync_copy(
                dst_hbm.at[pl.ds(q * (E // 128) + s * js, js)], idx_v)
            ld, sc = {}, {}
            for h in range(js + lag):
                if h < js:
                    b = h % nbuf
                    if h >= nbuf:
                        sc[h - nbuf].wait()
                    ld[h] = pltpu.async_copy(
                        msg_hbm.at[pl.ds(base + h * 128, 128)],
                        bufs[b], ldsem)
                if h >= lag:
                    hh = h - lag
                    ld[hh].wait()
                    sc[hh] = pltpu.async_copy(
                        bufs[hh % nbuf], acc_sh.at[idx_v.at[hh]],
                        scsem, add=True)
            for hh in range(js - nbuf, js):
                sc[hh].wait()
            plsc.subcore_barrier()
            pltpu.sync_copy(
                acc_sh.at[pl.ds(s * out_rows_per_tile, out_rows_per_tile)],
                out_hbm.at[pl.ds(q * QTR + s * out_rows_per_tile,
                                 out_rows_per_tile)])
            plsc.subcore_barrier()

    return k(msg_aug, dst_t, zslab)



_BE = 2048
_BN = 2048


def _full(*shape):
    return pl.BlockSpec(shape, lambda i: tuple(0 for _ in shape))


def _dst_local_body(dst_ref, out_ref):
    d = dst_ref[...]
    r = E // 128
    for q in range(4):
        lo = q * QTR
        loc = d - lo
        out_ref[q * r:(q + 1) * r] = jnp.where(
            (loc >= 0) & (loc < QTR), loc, TRASH)


def _dst_localize(dst2d):
    r = E // 128
    return pl.pallas_call(
        _dst_local_body,
        in_specs=[pl.BlockSpec((r, 128), lambda: (0, 0))],
        out_specs=pl.BlockSpec((4 * r, 128), lambda: (0, 0)),
        out_shape=jax.ShapeDtypeStruct((4 * r, 128), jnp.int32),
    )(dst2d)


def _msg_kernel_body(ea_ref, xj_ref, w0, b0, w1, b1, w2, b2,
                     twr, rep, bmat, out_ref, *, fe, fold_xj):
    g = jnp.maximum(jnp.dot(ea_ref[...], w0[...],
                            preferred_element_type=jnp.float32) + b0[...], 0.0)
    g = jnp.maximum(jnp.dot(g, w1[...],
                            preferred_element_type=jnp.float32) + b1[...], 0.0)
    g = jnp.maximum(jnp.dot(g, w2[...],
                            preferred_element_type=jnp.float32) + b2[...], 0.0)
    xj = xj_ref[:, :fe]
    big, small = (g, xj) if fold_xj else (xj, g)
    v = jnp.dot(big, twr[...], preferred_element_type=jnp.float32)
    p = jnp.dot(small, rep[...], preferred_element_type=jnp.float32)
    nrows = out_ref.shape[0]
    acc = jnp.zeros((nrows, 128), jnp.float32)
    for c in range(twr.shape[1] // 128):
        acc = acc + p[:, c * 128:(c + 1) * 128] * v[:, c * 128:(c + 1) * 128]
    m = acc[:, :64] + acc[:, 64:] + \
        jnp.dot(xj, bmat[...], preferred_element_type=jnp.float32)
    out_ref[:, :64] = m
    lane = lax.broadcasted_iota(jnp.int32, (out_ref.shape[0], W - 64), 1)
    out_ref[:, 64:] = jnp.where(lane == 0, 1.0, 0.0)


def _msg_pallas(ea, xj, w0, b0, w1, b1, w2, b2, twr, rep, bmat, fe, fold_xj):
    fin = ea.shape[1]
    kdim = twr.shape[1]
    return pl.pallas_call(
        functools.partial(_msg_kernel_body, fe=fe, fold_xj=fold_xj),
        grid=(E // _BE,),
        in_specs=[
            pl.BlockSpec((_BE, fin), lambda i: (i, 0)),
            pl.BlockSpec((_BE, W), lambda i: (i, 0)),
            _full(*w0.shape), _full(1, b0.shape[1]),
            _full(*w1.shape), _full(1, b1.shape[1]),
            _full(*w2.shape), _full(1, b2.shape[1]),
            _full(twr.shape[0], kdim),
            _full(*rep.shape),
            _full(fe, 64),
        ],
        out_specs=pl.BlockSpec((_BE, W), lambda i: (i, 0)),
        out_shape=jax.ShapeDtypeStruct((E, W), jnp.float32),
    )(ea, xj, w0, b0, w1, b1, w2, b2, twr, rep, bmat)


def _elu(v):
    return jnp.where(v > 0.0, v, jnp.exp(v) - 1.0)


def _h1_body(p0, x_ref, rw, bias, out_ref):
    s = p0[...]
    mean = s[:, :64] / jnp.maximum(s[:, 64:65], 1.0)
    h = mean + jnp.dot(x_ref[:, :F_NODE], rw[...],
                       preferred_element_type=jnp.float32) + bias[...]
    out_ref[:, :64] = _elu(h)
    out_ref[:, 64:] = jnp.zeros((out_ref.shape[0], W - 64), jnp.float32)


def _h1_pallas(p0, xpad, root_w, bias):
    return pl.pallas_call(
        _h1_body,
        grid=(N // _BN,),
        in_specs=[
            pl.BlockSpec((_BN, W), lambda i: (i, 0)),
            pl.BlockSpec((_BN, W), lambda i: (i, 0)),
            _full(F_NODE, 64), _full(1, 64),
        ],
        out_specs=pl.BlockSpec((_BN, W), lambda i: (i, 0)),
        out_shape=jax.ShapeDtypeStruct((N, W), jnp.float32),
    )(p0, xpad, root_w, bias)


def _head_body(q0, h1_ref, rw, bias, f1w, f1b, f2w, f2b, out_ref):
    s = q0[...]
    mean = s[:, :64] / jnp.maximum(s[:, 64:65], 1.0)
    h2 = _elu(mean + jnp.dot(h1_ref[:, :64], rw[...],
                             preferred_element_type=jnp.float32) + bias[...])
    t = _elu(jnp.dot(h2, f1w[...], preferred_element_type=jnp.float32) + f1b[...])
    logits = jnp.dot(t, f2w[...], preferred_element_type=jnp.float32) + f2b[...]
    mx = jnp.max(logits, axis=1, keepdims=True)
    lse = mx + jnp.log(jnp.sum(jnp.exp(logits - mx), axis=1, keepdims=True))
    out_ref[...] = logits - lse


def _head_pallas(q0, h1, root_w, bias, f1w, f1b, f2w, f2b):
    ncls = f2w.shape[1]
    return pl.pallas_call(
        _head_body,
        grid=(N // _BN,),
        in_specs=[
            pl.BlockSpec((_BN, W), lambda i: (i, 0)),
            pl.BlockSpec((_BN, W), lambda i: (i, 0)),
            _full(64, 64), _full(1, 64),
            _full(64, 64), _full(1, 64),
            _full(64, ncls), _full(1, ncls),
        ],
        out_specs=pl.BlockSpec((_BN, ncls), lambda i: (i, 0)),
        out_shape=jax.ShapeDtypeStruct((N, ncls), jnp.float32),
    )(q0, h1, root_w, bias, f1w, f1b, f2w, f2b)



def kernel(x, edge_index, edge_attr,
           nn1_w0, nn1_b0, nn1_w1, nn1_b1, nn1_w2, nn1_b2, nn1_w3, nn1_b3,
           nn2_w0, nn2_b0, nn2_w1, nn2_b1, nn2_w2, nn2_b2, nn2_w3, nn2_b3,
           root1, bias1, root2, bias2, fc1_w, fc1_b, fc2_w, fc2_b):
    src2d = edge_index[0].reshape(E // 128, 128)
    dst2d = edge_index[1].reshape(E // 128, 128)
    xpad = jnp.pad(x, ((0, 0), (0, W - F_NODE)))

    twr1 = nn1_w3
    bm1 = nn1_b3.reshape(F_NODE, 64)
    rep1 = jnp.repeat(jnp.eye(F_NODE, dtype=jnp.float32), 64, axis=1)
    rep2 = jnp.repeat(jnp.eye(26, dtype=jnp.float32), 64, axis=1)
    twr2 = jnp.pad(nn2_w3.reshape(25, 64, 64).transpose(1, 0, 2),
                   ((0, 0), (0, 1), (0, 0))).reshape(64, 26 * 64)
    bm2 = nn2_b3.reshape(64, 64)
    w2p = jnp.pad(nn2_w2, ((0, 0), (0, 1)))
    b2p = jnp.pad(nn2_b2, ((0, 1),))

    r2 = lambda b: b.reshape(1, -1)
    dst_t = _dst_localize(dst2d)
    zslab = jnp.zeros((_ZROWS, W), jnp.float32)

    xj = _sc_gather(xpad, src2d)
    m1 = _msg_pallas(edge_attr, xj, nn1_w0, r2(nn1_b0), nn1_w1, r2(nn1_b1),
                     nn1_w2, r2(nn1_b2), twr1, rep1, bm1, F_NODE, True)
    p = _sc_scatter_add(m1, dst_t, zslab)
    h1 = _h1_pallas(p, xpad, root1, r2(bias1))

    hj = _sc_gather(h1, src2d)
    m2 = _msg_pallas(edge_attr, hj, nn2_w0, r2(nn2_b0), nn2_w1, r2(nn2_b1),
                     w2p, r2(b2p), twr2, rep2, bm2, 64, False)
    q = _sc_scatter_add(m2, dst_t, zslab)

    return _head_pallas(q, h1, root2, r2(bias2),
                        fc1_w, r2(fc1_b), fc2_w, r2(fc2_b))

# --- scband reference (transcript-rebuilt; emitter-appended) ---
"""Pipeline reference for scband-sequoia-72602127171911 (READ-ONLY COPY).

The authoritative reference and input builder live on the scoring server;
editing this copy changes nothing except your own understanding.
"""

import jax, jax.numpy as jnp
import numpy as np

N = 16384
E = 32768
F_NODE = 16
F_EDGE = 4
NUM_CLASSES = 10

MLP1_DIMS = [(F_EDGE, 64), (64, 64), (64, 64), (64, F_NODE * 64)]
MLP2_DIMS = [(F_EDGE, 25), (25, 25), (25, 25), (25, 64 * 64)]


def setup_inputs(seed: int = 0):
    key = jax.random.key(seed)
    ks = iter(jax.random.split(key, 64))
    inp = {}
    inp["x"] = jax.random.normal(next(ks), (N, F_NODE), dtype=jnp.float32)
    inp["edge_index"] = jax.random.randint(next(ks), (2, E), 0, N, dtype=jnp.int32)
    inp["edge_attr"] = jax.random.uniform(next(ks), (E, F_EDGE), dtype=jnp.float32)
    for prefix, dims in (("nn1", MLP1_DIMS), ("nn2", MLP2_DIMS)):
        for i, (din, dout) in enumerate(dims):
            s = 1.0 / float(np.sqrt(din))
            inp[f"{prefix}_w{i}"] = jax.random.uniform(next(ks), (din, dout), dtype=jnp.float32, minval=-s, maxval=s)
            inp[f"{prefix}_b{i}"] = jax.random.uniform(next(ks), (dout,), dtype=jnp.float32, minval=-s, maxval=s)
    inp["root1"] = jax.random.uniform(next(ks), (F_NODE, 64), dtype=jnp.float32, minval=-0.25, maxval=0.25)
    inp["bias1"] = jnp.zeros((64,), dtype=jnp.float32)
    inp["root2"] = jax.random.uniform(next(ks), (64, 64), dtype=jnp.float32, minval=-0.125, maxval=0.125)
    inp["bias2"] = jnp.zeros((64,), dtype=jnp.float32)
    s = 1.0 / float(np.sqrt(64))
    inp["fc1_w"] = jax.random.uniform(next(ks), (64, 64), dtype=jnp.float32, minval=-s, maxval=s)
    inp["fc1_b"] = jnp.zeros((64,), dtype=jnp.float32)
    inp["fc2_w"] = jax.random.uniform(next(ks), (64, NUM_CLASSES), dtype=jnp.float32, minval=-s, maxval=s)
    inp["fc2_b"] = jnp.zeros((NUM_CLASSES,), dtype=jnp.float32)
    return inp


def _mlp(e, params):
    h = e
    for i, (W, b) in enumerate(params):
        h = h @ W + b
        if i < len(params) - 1:
            h = jax.nn.relu(h)
    return h


def _nnconv(x, edge_index, edge_attr, mlp_params, root_w, bias, in_ch, out_ch):
    # PyG NNConv with aggr='mean', root weight and bias
    src = edge_index[0]
    dst = edge_index[1]
    n = x.shape[0]
    W = _mlp(edge_attr, mlp_params).reshape(-1, in_ch, out_ch)
    x_j = jnp.take(x, src, axis=0)
    msg = jnp.einsum('ei,eio->eo', x_j, W)
    summed = jax.ops.segment_sum(msg, dst, num_segments=n)
    cnt = jax.ops.segment_sum(jnp.ones((msg.shape[0],), dtype=x.dtype), dst, num_segments=n)
    mean = summed / jnp.clip(cnt, 1.0)[:, None]
    return mean + x @ root_w + bias


def reference(x, edge_index, edge_attr,
              nn1_w0, nn1_b0, nn1_w1, nn1_b1, nn1_w2, nn1_b2, nn1_w3, nn1_b3,
              nn2_w0, nn2_b0, nn2_w1, nn2_b1, nn2_w2, nn2_b2, nn2_w3, nn2_b3,
              root1, bias1, root2, bias2, fc1_w, fc1_b, fc2_w, fc2_b):
    p1 = [(nn1_w0, nn1_b0), (nn1_w1, nn1_b1), (nn1_w2, nn1_b2), (nn1_w3, nn1_b3)]
    p2 = [(nn2_w0, nn2_b0), (nn2_w1, nn2_b1), (nn2_w2, nn2_b2), (nn2_w3, nn2_b3)]
    h = jax.nn.elu(_nnconv(x, edge_index, edge_attr, p1, root1, bias1, F_NODE, 64))
    h = jax.nn.elu(_nnconv(h, edge_index, edge_attr, p2, root2, bias2, 64, 64))
    h = jax.nn.elu(h @ fc1_w + fc1_b)
    # F.dropout(x, training=False) is identity in eval mode
    logits = h @ fc2_w + fc2_b
    return jax.nn.log_softmax(logits, axis=1)

if __name__ == "__main__":
    import jax
    _d = setup_inputs()
    print(jax.jit(kernel)(*tuple(_d.values())))

</pallas_src>

<mosaic_0001>
#map = affine_map<(d0, d1) -> (0, 0)>
module attributes {stable_mosaic.version = 14 : i64} {
  func.func @k(%arg0: i32, %arg1: i32, %arg2: memref<32768x128xf32, #tpu.memory_space<hbm>>, %arg3: memref<1024x128xi32, #tpu.memory_space<hbm>>, %arg4: memref<257x128xf32, #tpu.memory_space<hbm>>, %arg5: memref<16384x128xf32, #tpu.memory_space<hbm>>, %arg6: memref<16x128xi32, #tpu.memory_space<vmem>>, %arg7: memref<128x128xf32, #tpu.memory_space<vmem>>, %arg8: memref<128x128xf32, #tpu.memory_space<vmem>>, %arg9: memref<128x128xf32, #tpu.memory_space<vmem>>, %arg10: memref<128x128xf32, #tpu.memory_space<vmem>>, %arg11: memref<!tpu.dma_semaphore, #tpu.memory_space<semaphore_mem>>, %arg12: memref<!tpu.dma_semaphore, #tpu.memory_space<semaphore_mem>>, %arg13: memref<4112x128xf32, #tpu.memory_space<vmem_shared>>) attributes {dimension_semantics = [#tpu.dimension_semantics<core_parallel>, #tpu.dimension_semantics<subcore_parallel>], iteration_bounds = array<i64: 2, 16>, scalar_prefetch = 0 : i64, scratch_operands = 8 : i64, tpu.core_type = #tpu.core_type<sc_vector_subcore>, window_params = [{transform_indices = #map}, {transform_indices = #map}, {transform_indices = #map}, {transform_indices = #map}]} {
    %mul3A = arith.constant 2048 : i32
    %mul3A_0 = arith.muli %arg1, %mul3A : i32
    %mul3A_1 = arith.constant 2 : i32
    %mul3A_2 = arith.muli %arg0, %mul3A_1 : i32
    %add3A = arith.constant 0 : i32
    %add3A_3 = arith.addi %mul3A_2, %add3A : i32
    %mul3A_4 = arith.constant 257 : i32
    %mul3A_5 = arith.muli %arg1, %mul3A_4 : i32
    "tpu.region"() ({
      %run_scoped3A = tpu.sem_alloc : memref<!tpu.dma_semaphore, #tpu.memory_space<semaphore_mem>>
      %dma_start3A_807 = arith.constant 0 : i32
      %dma_start3A_808 = tpu.memref_slice %arg13[%mul3A_5, %dma_start3A_807] : memref<4112x128xf32, #tpu.memory_space<vmem_shared>> -> memref<257x128xf32, #tpu.memory_space<vmem_shared>>
      tpu.enqueue_dma source(%arg4 : memref<257x128xf32, #tpu.memory_space<hbm>>) target(%dma_start3A_808 : memref<257x128xf32, #tpu.memory_space<vmem_shared>>) target_semaphore(%run_scoped3A : memref<!tpu.dma_semaphore, #tpu.memory_space<semaphore_mem>>)
      %dma_wait3A_809 = arith.constant 0 : i32
      %dma_wait3A_810 = tpu.memref_slice %arg13[%mul3A_5, %dma_wait3A_809] : memref<4112x128xf32, #tpu.memory_space<vmem_shared>> -> memref<257x128xf32, #tpu.memory_space<vmem_shared>>
      tpu.wait_dma2 semaphore(%run_scoped3A : memref<!tpu.dma_semaphore, #tpu.memory_space<semaphore_mem>>) src(%arg4 : memref<257x128xf32, #tpu.memory_space<hbm>>) dst(%dma_wait3A_810 : memref<257x128xf32, #tpu.memory_space<vmem_shared>>)
      tpu.yield
    }) : () -> ()
    %barrier3A = arith.constant 0 : index
    tpu.barrier barrier_id(%barrier3A)
    %mul3A_6 = arith.constant 256 : i32
    %mul3A_7 = arith.muli %add3A_3, %mul3A_6 : i32
    %mul3A_8 = arith.constant 16 : i32
    %mul3A_9 = arith.muli %arg1, %mul3A_8 : i32
    %add3A_10 = arith.addi %mul3A_7, %mul3A_9 : i32
    "tpu.region"() ({
      %run_scoped3A = tpu.sem_alloc : memref<!tpu.dma_semaphore, #tpu.memory_space<semaphore_mem>>
      %dma_start3A_807 = arith.constant 0 : i32
      %dma_start3A_808 = tpu.memref_slice %arg3[%add3A_10, %dma_start3A_807] : memref<1024x128xi32, #tpu.memory_space<hbm>> -> memref<16x128xi32, #tpu.memory_space<hbm>>
      %dma_start3A_809 = arith.constant 0 : i32
      %dma_start3A_810 = tpu.memref_slice %arg3[%add3A_10, %dma_start3A_809] : memref<1024x128xi32, #tpu.memory_space<hbm>> -> memref<16x128xi32, #tpu.memory_space<hbm>>
      tpu.enqueue_dma source(%dma_start3A_810 : memref<16x128xi32, #tpu.memory_space<hbm>>) target(%arg6 : memref<16x128xi32, #tpu.memory_space<vmem>>) target_semaphore(%run_scoped3A : memref<!tpu.dma_semaphore, #tpu.memory_space<semaphore_mem>>)
      %dma_wait3A_811 = arith.constant 0 : i32
      %dma_wait3A_812 = tpu.memref_slice %arg3[%add3A_10, %dma_wait3A_811] : memref<1024x128xi32, #tpu.memory_space<hbm>> -> memref<16x128xi32, #tpu.memory_space<hbm>>
      %dma_wait3A_813 = arith.constant 0 : i32
      %dma_wait3A_814 = tpu.memref_slice %arg3[%add3A_10, %dma_wait3A_813] : memref<1024x128xi32, #tpu.memory_space<hbm>> -> memref<16x128xi32, #tpu.memory_space<hbm>>
      tpu.wait_dma2 semaphore(%run_scoped3A : memref<!tpu.dma_semaphore, #tpu.memory_space<semaphore_mem>>) src(%dma_wait3A_814 : memref<16x128xi32, #tpu.memory_space<hbm>>) dst(%arg6 : memref<16x128xi32, #tpu.memory_space<vmem>>)
      tpu.yield
    }) : () -> ()
    %add3A_11 = arith.constant 0 : i32
    %add3A_12 = arith.addi %mul3A_0, %add3A_11 : i32
    %dma_start3A = arith.constant 0 : i32
    %dma_start3A_13 = tpu.memref_slice %arg2[%add3A_12, %dma_start3A] : memref<32768x128xf32, #tpu.memory_space<hbm>> -> memref<128x128xf32, #tpu.memory_space<hbm>>
    %dma_start3A_14 = arith.constant 0 : i32
    %dma_start3A_15 = tpu.memref_slice %arg2[%add3A_12, %dma_start3A_14] : memref<32768x128xf32, #tpu.memory_space<hbm>> -> memref<128x128xf32, #tpu.memory_space<hbm>>
    tpu.enqueue_dma source(%dma_start3A_15 : memref<128x128xf32, #tpu.memory_space<hbm>>) target(%arg7 : memref<128x128xf32, #tpu.memory_space<vmem>>) target_semaphore(%arg11 : memref<!tpu.dma_semaphore, #tpu.memory_space<semaphore_mem>>)
    %add3A_16 = arith.constant 128 : i32
    %add3A_17 = arith.addi %mul3A_0, %add3A_16 : i32
    %dma_start3A_18 = arith.constant 0 : i32
    %dma_start3A_19 = tpu.memref_slice %arg2[%add3A_17, %dma_start3A_18] : memref<32768x128xf32, #tpu.memory_space<hbm>> -> memref<128x128xf32, #tpu.memory_space<hbm>>
    %dma_start3A_20 = arith.constant 0 : i32
    %dma_start3A_21 = tpu.memref_slice %arg2[%add3A_17, %dma_start3A_20] : memref<32768x128xf32, #tpu.memory_space<hbm>> -> memref<128x128xf32, #tpu.memory_space<hbm>>
    tpu.enqueue_dma source(%dma_start3A_21 : memref<128x128xf32, #tpu.memory_space<hbm>>) target(%arg8 : memref<128x128xf32, #tpu.memory_space<vmem>>) target_semaphore(%arg11 : memref<!tpu.dma_semaphore, #tpu.memory_space<semaphore_mem>>)
    %add3A_22 = arith.constant 256 : i32
    %add3A_23 = arith.addi %mul3A_0, %add3A_22 : i32
    %dma_start3A_24 = arith.constant 0 : i32
    %dma_start3A_25 = tpu.memref_slice %arg2[%add3A_23, %dma_start3A_24] : memref<32768x128xf32, #tpu.memory_space<hbm>> -> memref<128x128xf32, #tpu.memory_space<hbm>>
    %dma_start3A_26 = arith.constant 0 : i32
    %dma_start3A_27 = tpu.memref_slice %arg2[%add3A_23, %dma_start3A_26] : memref<32768x128xf32, #tpu.memory_space<hbm>> -> memref<128x128xf32, #tpu.memory_space<hbm>>
    tpu.enqueue_dma source(%dma_start3A_27 : memref<128x128xf32, #tpu.memory_space<hbm>>) target(%arg9 : memref<128x128xf32, #tpu.memory_space<vmem>>) target_semaphore(%arg11 : memref<!tpu.dma_semaphore, #tpu.memory_space<semaphore_mem>>)
    %dma_wait3A = arith.constant 0 : i32
    %dma_wait3A_28 = tpu.memref_slice %arg2[%add3A_12, %dma_wait3A] : memref<32768x128xf32, #tpu.memory_space<hbm>> -> memref<128x128xf32, #tpu.memory_space<hbm>>
    %dma_wait3A_29 = arith.constant 0 : i32
    %dma_wait3A_30 = tpu.memref_slice %arg2[%add3A_12, %dma_wait3A_29] : memref<32768x128xf32, #tpu.memory_space<hbm>> -> memref<128x128xf32, #tpu.memory_space<hbm>>
    tpu.wait_dma2 semaphore(%arg11 : memref<!tpu.dma_semaphore, #tpu.memory_space<semaphore_mem>>) src(%dma_wait3A_30 : memref<128x128xf32, #tpu.memory_space<hbm>>) dst(%arg7 : memref<128x128xf32, #tpu.memory_space<vmem>>)
    %dma_start3A_31 = arith.constant 0 : i32
    %dma_start3A_32 = arith.constant 0 : i32
    %dma_start3A_33 = tpu.memref_slice %arg6[%dma_start3A_31, %dma_start3A_32] : memref<16x128xi32, #tpu.memory_space<vmem>> -> memref<1x128xi32, #tpu.memory_space<vmem>>
    %dma_start3A_34 = tpu.memref_squeeze %dma_start3A_33 : memref<1x128xi32, #tpu.memory_space<vmem>> -> memref<128xi32, #tpu.memory_space<vmem>>
    %dma_start3A_35 = arith.constant 0 : i32
    %dma_start3A_36 = arith.constant 0 : i32
    %dma_start3A_37 = tpu.memref_slice %arg13[%dma_start3A_35, %dma_start3A_36] : memref<4112x128xf32, #tpu.memory_space<vmem_shared>> -> memref<4112x128xf32, #tpu.memory_space<vmem_shared>>
    tpu.enqueue_indirect_dma source(%arg7 : memref<128x128xf32, #tpu.memory_space<vmem>>) target(%dma_start3A_37 : memref<4112x128xf32, #tpu.memory_space<vmem_shared>>) offsets(%dma_start3A_34 : memref<128xi32, #tpu.memory_space<vmem>>) semaphore(%arg12 : memref<!tpu.dma_semaphore, #tpu.memory_space<semaphore_mem>>) {add = true}
    %add3A_38 = arith.constant 384 : i32
    %add3A_39 = arith.addi %mul3A_0, %add3A_38 : i32
    %dma_start3A_40 = arith.constant 0 : i32
    %dma_start3A_41 = tpu.memref_slice %arg2[%add3A_39, %dma_start3A_40] : memref<32768x128xf32, #tpu.memory_space<hbm>> -> memref<128x128xf32, #tpu.memory_space<hbm>>
    %dma_start3A_42 = arith.constant 0 : i32
    %dma_start3A_43 = tpu.memref_slice %arg2[%add3A_39, %dma_start3A_42] : memref<32768x128xf32, #tpu.memory_space<hbm>> -> memref<128x128xf32, #tpu.memory_space<hbm>>
    tpu.enqueue_dma source(%dma_start3A_43 : memref<128x128xf32, #tpu.memory_space<hbm>>) target(%arg10 : memref<128x128xf32, #tpu.memory_space<vmem>>) target_semaphore(%arg11 : memref<!tpu.dma_semaphore, #tpu.memory_space<semaphore_mem>>)
    %dma_wait3A_44 = arith.constant 0 : i32
    %dma_wait3A_45 = tpu.memref_slice %arg2[%add3A_17, %dma_wait3A_44] : memref<32768x128xf32, #tpu.memory_space<hbm>> -> memref<128x128xf32, #tpu.memory_space<hbm>>
    %dma_wait3A_46 = arith.constant 0 : i32
    %dma_wait3A_47 = tpu.memref_slice %arg2[%add3A_17, %dma_wait3A_46] : memref<32768x128xf32, #tpu.memory_space<hbm>> -> memref<128x128xf32, #tpu.memory_space<hbm>>
    tpu.wait_dma2 semaphore(%arg11 : memref<!tpu.dma_semaphore, #tpu.memory_space<semaphore_mem>>) src(%dma_wait3A_47 : memref<128x128xf32, #tpu.memory_space<hbm>>) dst(%arg8 : memref<128x128xf32, #tpu.memory_space<vmem>>)
    %dma_start3A_48 = arith.constant 1 : i32
    %dma_start3A_49 = arith.constant 0 : i32
    %dma_start3A_50 = tpu.memref_slice %arg6[%dma_start3A_48, %dma_start3A_49] : memref<16x128xi32, #tpu.memory_space<vmem>> -> memref<1x128xi32, #tpu.memory_space<vmem>>
    %dma_start3A_51 = tpu.memref_squeeze %dma_start3A_50 : memref<1x128xi32, #tpu.memory_space<vmem>> -> memref<128xi32, #tpu.memory_space<vmem>>
    %dma_start3A_52 = arith.constant 0 : i32
    %dma_start3A_53 = arith.constant 0 : i32
    %dma_start3A_54 = tpu.memref_slice %arg13[%dma_start3A_52, %dma_start3A_53] : memref<4112x128xf32, #tpu.memory_space<vmem_shared>> -> memref<4112x128xf32, #tpu.memory_space<vmem_shared>>
    tpu.enqueue_indirect_dma source(%arg8 : memref<128x128xf32, #tpu.memory_space<vmem>>) target(%dma_start3A_54 : memref<4112x128xf32, #tpu.memory_space<vmem_shared>>) offsets(%dma_start3A_51 : memref<128xi32, #tpu.memory_space<vmem>>) semaphore(%arg12 : memref<!tpu.dma_semaphore, #tpu.memory_space<semaphore_mem>>) {add = true}
    %dma_wait3A_55 = arith.constant 0 : i32
    %dma_wait3A_56 = arith.constant 0 : i32
    %dma_wait3A_57 = tpu.memref_slice %arg6[%dma_wait3A_55, %dma_wait3A_56] : memref<16x128xi32, #tpu.memory_space<vmem>> -> memref<1x128xi32, #tpu.memory_space<vmem>>
    %dma_wait3A_58 = tpu.memref_squeeze %dma_wait3A_57 : memref<1x128xi32, #tpu.memory_space<vmem>> -> memref<128xi32, #tpu.memory_space<vmem>>
    %dma_wait3A_59 = arith.constant 0 : i32
    %dma_wait3A_60 = arith.constant 0 : i32
    %dma_wait3A_61 = tpu.memref_slice %arg13[%dma_wait3A_59, %dma_wait3A_60] : memref<4112x128xf32, #tpu.memory_space<vmem_shared>> -> memref<4112x128xf32, #tpu.memory_space<vmem_shared>>
    tpu.wait_indirect_dma semaphore(%arg12 : memref<!tpu.dma_semaphore, #tpu.memory_space<semaphore_mem>>) src(%arg7 : memref<128x128xf32, #tpu.memory_space<vmem>>) dst(%dma_wait3A_61 : memref<4112x128xf32, #tpu.memory_space<vmem_shared>>)
    %add3A_62 = arith.constant 512 : i32
    %add3A_63 = arith.addi %mul3A_0, %add3A_62 : i32
    %dma_start3A_64 = arith.constant 0 : i32
    %dma_start3A_65 = tpu.memref_slice %arg2[%add3A_63, %dma_start3A_64] : memref<32768x128xf32, #tpu.memory_space<hbm>> -> memref<128x128xf32, #tpu.memory_space<hbm>>
    %dma_start3A_66 = arith.constant 0 : i32
    %dma_start3A_67 = tpu.memref_slice %arg2[%add3A_63, %dma_start3A_66] : memref<32768x128xf32, #tpu.memory_space<hbm>> -> memref<128x128xf32, #tpu.memory_space<hbm>>
    tpu.enqueue_dma source(%dma_start3A_67 : memref<128x128xf32, #tpu.memory_space<hbm>>) target(%arg7 : memref<128x128xf32, #tpu.memory_space<vmem>>) target_semaphore(%arg11 : memref<!tpu.dma_semaphore, #tpu.memory_space<semaphore_mem>>)
    %dma_wait3A_68 = arith.constant 0 : i32
    %dma_wait3A_69 = tpu.memref_slice %arg2[%add3A_23, %dma_wait3A_68] : memref<32768x128xf32, #tpu.memory_space<hbm>> -> memref<128x128xf32, #tpu.memory_space<hbm>>
    %dma_wait3A_70 = arith.constant 0 : i32
    %dma_wait3A_71 = tpu.memref_slice %arg2[%add3A_23, %dma_wait3A_70] : memref<32768x128xf32, #tpu.memory_space<hbm>> -> memref<128x128xf32, #tpu.memory_space<hbm>>
    tpu.wait_dma2 semaphore(%arg11 : memref<!tpu.dma_semaphore, #tpu.memory_space<semaphore_mem>>) src(%dma_wait3A_71 : memref<128x128xf32, #tpu.memory_space<hbm>>) dst(%arg9 : memref<128x128xf32, #tpu.memory_space<vmem>>)
    %dma_start3A_72 = arith.constant 2 : i32
    %dma_start3A_73 = arith.constant 0 : i32
    %dma_start3A_74 = tpu.memref_slice %arg6[%dma_start3A_72, %dma_start3A_73] : memref<16x128xi32, #tpu.memory_space<vmem>> -> memref<1x128xi32, #tpu.memory_space<vmem>>
    %dma_start3A_75 = tpu.memref_squeeze %dma_start3A_74 : memref<1x128xi32, #tpu.memory_space<vmem>> -> memref<128xi32, #tpu.memory_space<vmem>>
    %dma_start3A_76 = arith.constant 0 : i32
    %dma_start3A_77 = arith.constant 0 : i32
    %dma_start3A_78 = tpu.memref_slice %arg13[%dma_start3A_76, %dma_start3A_77] : memref<4112x128xf32, #tpu.memory_space<vmem_shared>> -> memref<4112x128xf32, #tpu.memory_space<vmem_shared>>
    tpu.enqueue_indirect_dma source(%arg9 : memref<128x128xf32, #tpu.memory_space<vmem>>) target(%dma_start3A_78 : memref<4112x128xf32, #tpu.memory_space<vmem_shared>>) offsets(%dma_start3A_75 : memref<128xi32, #tpu.memory_space<vmem>>) semaphore(%arg12 : memref<!tpu.dma_semaphore, #tpu.memory_space<semaphore_mem>>) {add = true}
    %dma_wait3A_79 = arith.constant 1 : i32
    %dma_wait3A_80 = arith.constant 0 : i32
    %dma_wait3A_81 = tpu.memref_slice %arg6[%dma_wait3A_79, %dma_wait3A_80] : memref<16x128xi32, #tpu.memory_space<vmem>> -> memref<1x128xi32, #tpu.memory_space<vmem>>
    %dma_wait3A_82 = tpu.memref_squeeze %dma_wait3A_81 : memref<1x128xi32, #tpu.memory_space<vmem>> -> memref<128xi32, #tpu.memory_space<vmem>>
    %dma_wait3A_83 = arith.constant 0 : i32
    %dma_wait3A_84 = arith.constant 0 : i32
    %dma_wait3A_85 = tpu.memref_slice %arg13[%dma_wait3A_83, %dma_wait3A_84] : memref<4112x128xf32, #tpu.memory_space<vmem_shared>> -> memref<4112x128xf32, #tpu.memory_space<vmem_shared>>
    tpu.wait_indirect_dma semaphore(%arg12 : memref<!tpu.dma_semaphore, #tpu.memory_space<semaphore_mem>>) src(%arg8 : memref<128x128xf32, #tpu.memory_space<vmem>>) dst(%dma_wait3A_85 : memref<4112x128xf32, #tpu.memory_space<vmem_shared>>)
    %add3A_86 = arith.constant 640 : i32
    %add3A_87 = arith.addi %mul3A_0, %add3A_86 : i32
    %dma_start3A_88 = arith.constant 0 : i32
    %dma_start3A_89 = tpu.memref_slice %arg2[%add3A_87, %dma_start3A_88] : memref<32768x128xf32, #tpu.memory_space<hbm>> -> memref<128x128xf32, #tpu.memory_space<hbm>>
    %dma_start3A_90 = arith.constant 0 : i32
    %dma_start3A_91 = tpu.memref_slice %arg2[%add3A_87, %dma_start3A_90] : memref<32768x128xf32, #tpu.memory_space<hbm>> -> memref<128x128xf32, #tpu.memory_space<hbm>>
    tpu.enqueue_dma source(%dma_start3A_91 : memref<128x128xf32, #tpu.memory_space<hbm>>) target(%arg8 : memref<128x128xf32, #tpu.memory_space<vmem>>) target_semaphore(%arg11 : memref<!tpu.dma_semaphore, #tpu.memory_space<semaphore_mem>>)
    %dma_wait3A_92 = arith.constant 0 : i32
    %dma_wait3A_93 = tpu.memref_slice %arg2[%add3A_39, %dma_wait3A_92] : memref<32768x128xf32, #tpu.memory_space<hbm>> -> memref<128x128xf32, #tpu.memory_space<hbm>>
    %dma_wait3A_94 = arith.constant 0 : i32
    %dma_wait3A_95 = tpu.memref_slice %arg2[%add3A_39, %dma_wait3A_94] : memref<32768x128xf32, #tpu.memory_space<hbm>> -> memref<128x128xf32, #tpu.memory_space<hbm>>
    tpu.wait_dma2 semaphore(%arg11 : memref<!tpu.dma_semaphore, #tpu.memory_space<semaphore_mem>>) src(%dma_wait3A_95 : memref<128x128xf32, #tpu.memory_space<hbm>>) dst(%arg10 : memref<128x128xf32, #tpu.memory_space<vmem>>)
    %dma_start3A_96 = arith.constant 3 : i32
    %dma_start3A_97 = arith.constant 0 : i32
    %dma_start3A_98 = tpu.memref_slice %arg6[%dma_start3A_96, %dma_start3A_97] : memref<16x128xi32, #tpu.memory_space<vmem>> -> memref<1x128xi32, #tpu.memory_space<vmem>>
    %dma_start3A_99 = tpu.memref_squeeze %dma_start3A_98 : memref<1x128xi32, #tpu.memory_space<vmem>> -> memref<128xi32, #tpu.memory_space<vmem>>
    %dma_start3A_100 = arith.constant 0 : i32
    %dma_start3A_101 = arith.constant 0 : i32
    %dma_start3A_102 = tpu.memref_slice %arg13[%dma_start3A_100, %dma_start3A_101] : memref<4112x128xf32, #tpu.memory_space<vmem_shared>> -> memref<4112x128xf32, #tpu.memory_space<vmem_shared>>
    tpu.enqueue_indirect_dma source(%arg10 : memref<128x128xf32, #tpu.memory_space<vmem>>) target(%dma_start3A_102 : memref<4112x128xf32, #tpu.memory_space<vmem_shared>>) offsets(%dma_start3A_99 : memref<128xi32, #tpu.memory_space<vmem>>) semaphore(%arg12 : memref<!tpu.dma_semaphore, #tpu.memory_space<semaphore_mem>>) {add = true}
    %dma_wait3A_103 = arith.constant 2 : i32
    %dma_wait3A_104 = arith.constant 0 : i32
    %dma_wait3A_105 = tpu.memref_slice %arg6[%dma_wait3A_103, %dma_wait3A_104] : memref<16x128xi32, #tpu.memory_space<vmem>> -> memref<1x128xi32, #tpu.memory_space<vmem>>
    %dma_wait3A_106 = tpu.memref_squeeze %dma_wait3A_105 : memref<1x128xi32, #tpu.memory_space<vmem>> -> memref<128xi32, #tpu.memory_space<vmem>>
    %dma_wait3A_107 = arith.constant 0 : i32
    %dma_wait3A_108 = arith.constant 0 : i32
    %dma_wait3A_109 = tpu.memref_slice %arg13[%dma_wait3A_107, %dma_wait3A_108] : memref<4112x128xf32, #tpu.memory_space<vmem_shared>> -> memref<4112x128xf32, #tpu.memory_space<vmem_shared>>
    tpu.wait_indirect_dma semaphore(%arg12 : memref<!tpu.dma_semaphore, #tpu.memory_space<semaphore_mem>>) src(%arg9 : memref<128x128xf32, #tpu.memory_space<vmem>>) dst(%dma_wait3A_109 : memref<4112x128xf32, #tpu.memory_space<vmem_shared>>)
    %add3A_110 = arith.constant 768 : i32
    %add3A_111 = arith.addi %mul3A_0, %add3A_110 : i32
    %dma_start3A_112 = arith.constant 0 : i32
    %dma_start3A_113 = tpu.memref_slice %arg2[%add3A_111, %dma_start3A_112] : memref<32768x128xf32, #tpu.memory_space<hbm>> -> memref<128x128xf32, #tpu.memory_space<hbm>>
    %dma_start3A_114 = arith.constant 0 : i32
    %dma_start3A_115 = tpu.memref_slice %arg2[%add3A_111, %dma_start3A_114] : memref<32768x128xf32, #tpu.memory_space<hbm>> -> memref<128x128xf32, #tpu.memory_space<hbm>>
    tpu.enqueue_dma source(%dma_start3A_115 : memref<128x128xf32, #tpu.memory_space<hbm>>) target(%arg9 : memref<128x128xf32, #tpu.memory_space<vmem>>) target_semaphore(%arg11 : memref<!tpu.dma_semaphore, #tpu.memory_space<semaphore_mem>>)
    %dma_wait3A_116 = arith.constant 0 : i32
    %dma_wait3A_117 = tpu.memref_slice %arg2[%add3A_63, %dma_wait3A_116] : memref<32768x128xf32, #tpu.memory_space<hbm>> -> memref<128x128xf32, #tpu.memory_space<hbm>>
    %dma_wait3A_118 = arith.constant 0 : i32
    %dma_wait3A_119 = tpu.memref_slice %arg2[%add3A_63, %dma_wait3A_118] : memref<32768x128xf32, #tpu.memory_space<hbm>> -> memref<128x128xf32, #tpu.memory_space<hbm>>
    tpu.wait_dma2 semaphore(%arg11 : memref<!tpu.dma_semaphore, #tpu.memory_space<semaphore_mem>>) src(%dma_wait3A_119 : memref<128x128xf32, #tpu.memory_space<hbm>>) dst(%arg7 : memref<128x128xf32, #tpu.memory_space<vmem>>)
    %dma_start3A_120 = arith.constant 4 : i32
    %dma_start3A_121 = arith.constant 0 : i32
    %dma_start3A_122 = tpu.memref_slice %arg6[%dma_start3A_120, %dma_start3A_121] : memref<16x128xi32, #tpu.memory_space<vmem>> -> memref<1x128xi32, #tpu.memory_space<vmem>>
    %dma_start3A_123 = tpu.memref_squeeze %dma_start3A_122 : memref<1x128xi32, #tpu.memory_space<vmem>> -> memref<128xi32, #tpu.memory_space<vmem>>
    %dma_start3A_124 = arith.constant 0 : i32
    %dma_start3A_125 = arith.constant 0 : i32
    %dma_start3A_126 = tpu.memref_slice %arg13[%dma_start3A_124, %dma_start3A_125] : memref<4112x128xf32, #tpu.memory_space<vmem_shared>> -> memref<4112x128xf32, #tpu.memory_space<vmem_shared>>
    tpu.enqueue_indirect_dma source(%arg7 : memref<128x128xf32, #tpu.memory_space<vmem>>) target(%dma_start3A_126 : memref<4112x128xf32, #tpu.memory_space<vmem_shared>>) offsets(%dma_start3A_123 : memref<128xi32, #tpu.memory_space<vmem>>) semaphore(%arg12 : memref<!tpu.dma_semaphore, #tpu.memory_space<semaphore_mem>>) {add = true}
    %dma_wait3A_127 = arith.constant 3 : i32
    %dma_wait3A_128 = arith.constant 0 : i32
    %dma_wait3A_129 = tpu.memref_slice %arg6[%dma_wait3A_127, %dma_wait3A_128] : memref<16x128xi32, #tpu.memory_space<vmem>> -> memref<1x128xi32, #tpu.memory_space<vmem>>
    %dma_wait3A_130 = tpu.memref_squeeze %dma_wait3A_129 : memref<1x128xi32, #tpu.memory_space<vmem>> -> memref<128xi32, #tpu.memory_space<vmem>>
    %dma_wait3A_131 = arith.constant 0 : i32
    %dma_wait3A_132 = arith.constant 0 : i32
    %dma_wait3A_133 = tpu.memref_slice %arg13[%dma_wait3A_131, %dma_wait3A_132] : memref<4112x128xf32, #tpu.memory_space<vmem_shared>> -> memref<4112x128xf32, #tpu.memory_space<vmem_shared>>
    tpu.wait_indirect_dma semaphore(%arg12 : memref<!tpu.dma_semaphore, #tpu.memory_space<semaphore_mem>>) src(%arg10 : memref<128x128xf32, #tpu.memory_space<vmem>>) dst(%dma_wait3A_133 : memref<4112x128xf32, #tpu.memory_space<vmem_shared>>)
    %add3A_134 = arith.constant 896 : i32
    %add3A_135 = arith.addi %mul3A_0, %add3A_134 : i32
    %dma_start3A_136 = arith.constant 0 : i32
    %dma_start3A_137 = tpu.memref_slice %arg2[%add3A_135, %dma_start3A_136] : memref<32768x128xf32, #tpu.memory_space<hbm>> -> memref<128x128xf32, #tpu.memory_space<hbm>>
    %dma_start3A_138 = arith.constant 0 : i32
    %dma_start3A_139 = tpu.memref_slice %arg2[%add3A_135, %dma_start3A_138] : memref<32768x128xf32, #tpu.memory_space<hbm>> -> memref<128x128xf32, #tpu.memory_space<hbm>>
    tpu.enqueue_dma source(%dma_start3A_139 : memref<128x128xf32, #tpu.memory_space<hbm>>) target(%arg10 : memref<128x128xf32, #tpu.memory_space<vmem>>) target_semaphore(%arg11 : memref<!tpu.dma_semaphore, #tpu.memory_space<semaphore_mem>>)
    %dma_wait3A_140 = arith.constant 0 : i32
    %dma_wait3A_141 = tpu.memref_slice %arg2[%add3A_87, %dma_wait3A_140] : memref<32768x128xf32, #tpu.memory_space<hbm>> -> memref<128x128xf32, #tpu.memory_space<hbm>>
    %dma_wait3A_142 = arith.constant 0 : i32
    %dma_wait3A_143 = tpu.memref_slice %arg2[%add3A_87, %dma_wait3A_142] : memref<32768x128xf32, #tpu.memory_space<hbm>> -> memref<128x128xf32, #tpu.memory_space<hbm>>
    tpu.wait_dma2 semaphore(%arg11 : memref<!tpu.dma_semaphore, #tpu.memory_space<semaphore_mem>>) src(%dma_wait3A_143 : memref<128x128xf32, #tpu.memory_space<hbm>>) dst(%arg8 : memref<128x128xf32, #tpu.memory_space<vmem>>)
    %dma_start3A_144 = arith.constant 5 : i32
    %dma_start3A_145 = arith.constant 0 : i32
    %dma_start3A_146 = tpu.memref_slice %arg6[%dma_start3A_144, %dma_start3A_145] : memref<16x128xi32, #tpu.memory_space<vmem>> -> memref<1x128xi32, #tpu.memory_space<vmem>>
    %dma_start3A_147 = tpu.memref_squeeze %dma_start3A_146 : memref<1x128xi32, #tpu.memory_space<vmem>> -> memref<128xi32, #tpu.memory_space<vmem>>
    %dma_start3A_148 = arith.constant 0 : i32
    %dma_start3A_149 = arith.constant 0 : i32
    %dma_start3A_150 = tpu.memref_slice %arg13[%dma_start3A_148, %dma_start3A_149] : memref<4112x128xf32, #tpu.memory_space<vmem_shared>> -> memref<4112x128xf32, #tpu.memory_space<vmem_shared>>
    tpu.enqueue_indirect_dma source(%arg8 : memref<128x128xf32, #tpu.memory_space<vmem>>) target(%dma_start3A_150 : memref<4112x128xf32, #tpu.memory_space<vmem_shared>>) offsets(%dma_start3A_147 : memref<128xi32, #tpu.memory_space<vmem>>) semaphore(%arg12 : memref<!tpu.dma_semaphore, #tpu.memory_space<semaphore_mem>>) {add = true}
    %dma_wait3A_151 = arith.constant 4 : i32
    %dma_wait3A_152 = arith.constant 0 : i32
    %dma_wait3A_153 = tpu.memref_slice %arg6[%dma_wait3A_151, %dma_wait3A_152] : memref<16x128xi32, #tpu.memory_space<vmem>> -> memref<1x128xi32, #tpu.memory_space<vmem>>
    %dma_wait3A_154 = tpu.memref_squeeze %dma_wait3A_153 : memref<1x128xi32, #tpu.memory_space<vmem>> -> memref<128xi32, #tpu.memory_space<vmem>>
    %dma_wait3A_155 = arith.constant 0 : i32
    %dma_wait3A_156 = arith.constant 0 : i32
    %dma_wait3A_157 = tpu.memref_slice %arg13[%dma_wait3A_155, %dma_wait3A_156] : memref<4112x128xf32, #tpu.memory_space<vmem_shared>> -> memref<4112x128xf32, #tpu.memory_space<vmem_shared>>
    tpu.wait_indirect_dma semaphore(%arg12 : memref<!tpu.dma_semaphore, #tpu.memory_space<semaphore_mem>>) src(%arg7 : memref<128x128xf32, #tpu.memory_space<vmem>>) dst(%dma_wait3A_157 : memref<4112x128xf32, #tpu.memory_space<vmem_shared>>)
    %add3A_158 = arith.constant 1024 : i32
    %add3A_159 = arith.addi %mul3A_0, %add3A_158 : i32
    %dma_start3A_160 = arith.constant 0 : i32
    %dma_start3A_161 = tpu.memref_slice %arg2[%add3A_159, %dma_start3A_160] : memref<32768x128xf32, #tpu.memory_space<hbm>> -> memref<128x128xf32, #tpu.memory_space<hbm>>
    %dma_start3A_162 = arith.constant 0 : i32
    %dma_start3A_163 = tpu.memref_slice %arg2[%add3A_159, %dma_start3A_162] : memref<32768x128xf32, #tpu.memory_space<hbm>> -> memref<128x128xf32, #tpu.memory_space<hbm>>
    tpu.enqueue_dma source(%dma_start3A_163 : memref<128x128xf32, #tpu.memory_space<hbm>>) target(%arg7 : memref<128x128xf32, #tpu.memory_space<vmem>>) target_semaphore(%arg11 : memref<!tpu.dma_semaphore, #tpu.memory_space<semaphore_mem>>)
    %dma_wait3A_164 = arith.constant 0 : i32
    %dma_wait3A_165 = tpu.memref_slice %arg2[%add3A_111, %dma_wait3A_164] : memref<32768x128xf32, #tpu.memory_space<hbm>> -> memref<128x128xf32, #tpu.memory_space<hbm>>
    %dma_wait3A_166 = arith.constant 0 : i32
    %dma_wait3A_167 = tpu.memref_slice %arg2[%add3A_111, %dma_wait3A_166] : memref<32768x128xf32, #tpu.memory_space<hbm>> -> memref<128x128xf32, #tpu.memory_space<hbm>>
    tpu.wait_dma2 semaphore(%arg11 : memref<!tpu.dma_semaphore, #tpu.memory_space<semaphore_mem>>) src(%dma_wait3A_167 : memref<128x128xf32, #tpu.memory_space<hbm>>) dst(%arg9 : memref<128x128xf32, #tpu.memory_space<vmem>>)
    %dma_start3A_168 = arith.constant 6 : i32
    %dma_start3A_169 = arith.constant 0 : i32
    %dma_start3A_170 = tpu.memref_slice %arg6[%dma_start3A_168, %dma_start3A_169] : memref<16x128xi32, #tpu.memory_space<vmem>> -> memref<1x128xi32, #tpu.memory_space<vmem>>
    %dma_start3A_171 = tpu.memref_squeeze %dma_start3A_170 : memref<1x128xi32, #tpu.memory_space<vmem>> -> memref<128xi32, #tpu.memory_space<vmem>>
    %dma_start3A_172 = arith.constant 0 : i32
    %dma_start3A_173 = arith.constant 0 : i32
    %dma_start3A_174 = tpu.memref_slice %arg13[%dma_start3A_172, %dma_start3A_173] : memref<4112x128xf32, #tpu.memory_space<vmem_shared>> -> memref<4112x128xf32, #tpu.memory_space<vmem_shared>>
    tpu.enqueue_indirect_dma source(%arg9 : memref<128x128xf32, #tpu.memory_space<vmem>>) target(%dma_start3A_174 : memref<4112x128xf32, #tpu.memory_space<vmem_shared>>) offsets(%dma_start3A_171 : memref<128xi32, #tpu.memory_space<vmem>>) semaphore(%arg12 : memref<!tpu.dma_semaphore, #tpu.memory_space<semaphore_mem>>) {add = true}
    %dma_wait3A_175 = arith.constant 5 : i32
    %dma_wait3A_176 = arith.constant 0 : i32
    %dma_wait3A_177 = tpu.memref_slice %arg6[%dma_wait3A_175, %dma_wait3A_176] : memref<16x128xi32, #tpu.memory_space<vmem>> -> memref<1x128xi32, #tpu.memory_space<vmem>>
    %dma_wait3A_178 = tpu.memref_squeeze %dma_wait3A_177 : memref<1x128xi32, #tpu.memory_space<vmem>> -> memref<128xi32, #tpu.memory_space<vmem>>
    %dma_wait3A_179 = arith.constant 0 : i32
    %dma_wait3A_180 = arith.constant 0 : i32
    %dma_wait3A_181 = tpu.memref_slice %arg13[%dma_wait3A_179, %dma_wait3A_180] : memref<4112x128xf32, #tpu.memory_space<vmem_shared>> -> memref<4112x128xf32, #tpu.memory_space<vmem_shared>>
    tpu.wait_indirect_dma semaphore(%arg12 : memref<!tpu.dma_semaphore, #tpu.memory_space<semaphore_mem>>) src(%arg8 : memref<128x128xf32, #tpu.memory_space<vmem>>) dst(%dma_wait3A_181 : memref<4112x128xf32, #tpu.memory_space<vmem_shared>>)
    %add3A_182 = arith.constant 1152 : i32
    %add3A_183 = arith.addi %mul3A_0, %add3A_182 : i32
    %dma_start3A_184 = arith.constant 0 : i32
    %dma_start3A_185 = tpu.memref_slice %arg2[%add3A_183, %dma_start3A_184] : memref<32768x128xf32, #tpu.memory_space<hbm>> -> memref<128x128xf32, #tpu.memory_space<hbm>>
    %dma_start3A_186 = arith.constant 0 : i32
    %dma_start3A_187 = tpu.memref_slice %arg2[%add3A_183, %dma_start3A_186] : memref<32768x128xf32, #tpu.memory_space<hbm>> -> memref<128x128xf32, #tpu.memory_space<hbm>>
    tpu.enqueue_dma source(%dma_start3A_187 : memref<128x128xf32, #tpu.memory_space<hbm>>) target(%arg8 : memref<128x128xf32, #tpu.memory_space<vmem>>) target_semaphore(%arg11 : memref<!tpu.dma_semaphore, #tpu.memory_space<semaphore_mem>>)
    %dma_wait3A_188 = arith.constant 0 : i32
    %dma_wait3A_189 = tpu.memref_slice %arg2[%add3A_135, %dma_wait3A_188] : memref<32768x128xf32, #tpu.memory_space<hbm>> -> memref<128x128xf32, #tpu.memory_space<hbm>>
    %dma_wait3A_190 = arith.constant 0 : i32
    %dma_wait3A_191 = tpu.memref_slice %arg2[%add3A_135, %dma_wait3A_190] : memref<32768x128xf32, #tpu.memory_space<hbm>> -> memref<128x128xf32, #tpu.memory_space<hbm>>
    tpu.wait_dma2 semaphore(%arg11 : memref<!tpu.dma_semaphore, #tpu.memory_space<semaphore_mem>>) src(%dma_wait3A_191 : memref<128x128xf32, #tpu.memory_space<hbm>>) dst(%arg10 : memref<128x128xf32, #tpu.memory_space<vmem>>)
    %dma_start3A_192 = arith.constant 7 : i32
    %dma_start3A_193 = arith.constant 0 : i32
    %dma_start3A_194 = tpu.memref_slice %arg6[%dma_start3A_192, %dma_start3A_193] : memref<16x128xi32, #tpu.memory_space<vmem>> -> memref<1x128xi32, #tpu.memory_space<vmem>>
    %dma_start3A_195 = tpu.memref_squeeze %dma_start3A_194 : memref<1x128xi32, #tpu.memory_space<vmem>> -> memref<128xi32, #tpu.memory_space<vmem>>
    %dma_start3A_196 = arith.constant 0 : i32
    %dma_start3A_197 = arith.constant 0 : i32
    %dma_start3A_198 = tpu.memref_slice %arg13[%dma_start3A_196, %dma_start3A_197] : memref<4112x128xf32, #tpu.memory_space<vmem_shared>> -> memref<4112x128xf32, #tpu.memory_space<vmem_shared>>
    tpu.enqueue_indirect_dma source(%arg10 : memref<128x128xf32, #tpu.memory_space<vmem>>) target(%dma_start3A_198 : memref<4112x128xf32, #tpu.memory_space<vmem_shared>>) offsets(%dma_start3A_195 : memref<128xi32, #tpu.memory_space<vmem>>) semaphore(%arg12 : memref<!tpu.dma_semaphore, #tpu.memory_space<semaphore_mem>>) {add = true}
    %dma_wait3A_199 = arith.constant 6 : i32
    %dma_wait3A_200 = arith.constant 0 : i32
    %dma_wait3A_201 = tpu.memref_slice %arg6[%dma_wait3A_199, %dma_wait3A_200] : memref<16x128xi32, #tpu.memory_space<vmem>> -> memref<1x128xi32, #tpu.memory_space<vmem>>
    %dma_wait3A_202 = tpu.memref_squeeze %dma_wait3A_201 : memref<1x128xi32, #tpu.memory_space<vmem>> -> memref<128xi32, #tpu.memory_space<vmem>>
    %dma_wait3A_203 = arith.constant 0 : i32
    %dma_wait3A_204 = arith.constant 0 : i32
    %dma_wait3A_205 = tpu.memref_slice %arg13[%dma_wait3A_203, %dma_wait3A_204] : memref<4112x128xf32, #tpu.memory_space<vmem_shared>> -> memref<4112x128xf32, #tpu.memory_space<vmem_shared>>
    tpu.wait_indirect_dma semaphore(%arg12 : memref<!tpu.dma_semaphore, #tpu.memory_space<semaphore_mem>>) src(%arg9 : memref<128x128xf32, #tpu.memory_space<vmem>>) dst(%dma_wait3A_205 : memref<4112x128xf32, #tpu.memory_space<vmem_shared>>)
    %add3A_206 = arith.constant 1280 : i32
    %add3A_207 = arith.addi %mul3A_0, %add3A_206 : i32
    %dma_start3A_208 = arith.constant 0 : i32
    %dma_start3A_209 = tpu.memref_slice %arg2[%add3A_207, %dma_start3A_208] : memref<32768x128xf32, #tpu.memory_space<hbm>> -> memref<128x128xf32, #tpu.memory_space<hbm>>
    %dma_start3A_210 = arith.constant 0 : i32
    %dma_start3A_211 = tpu.memref_slice %arg2[%add3A_207, %dma_start3A_210] : memref<32768x128xf32, #tpu.memory_space<hbm>> -> memref<128x128xf32, #tpu.memory_space<hbm>>
    tpu.enqueue_dma source(%dma_start3A_211 : memref<128x128xf32, #tpu.memory_space<hbm>>) target(%arg9 : memref<128x128xf32, #tpu.memory_space<vmem>>) target_semaphore(%arg11 : memref<!tpu.dma_semaphore, #tpu.memory_space<semaphore_mem>>)
    %dma_wait3A_212 = arith.constant 0 : i32
    %dma_wait3A_213 = tpu.memref_slice %arg2[%add3A_159, %dma_wait3A_212] : memref<32768x128xf32, #tpu.memory_space<hbm>> -> memref<128x128xf32, #tpu.memory_space<hbm>>
    %dma_wait3A_214 = arith.constant 0 : i32
    %dma_wait3A_215 = tpu.memref_slice %arg2[%add3A_159, %dma_wait3A_214] : memref<32768x128xf32, #tpu.memory_space<hbm>> -> memref<128x128xf32, #tpu.memory_space<hbm>>
    tpu.wait_dma2 semaphore(%arg11 : memref<!tpu.dma_semaphore, #tpu.memory_space<semaphore_mem>>) src(%dma_wait3A_215 : memref<128x128xf32, #tpu.memory_space<hbm>>) dst(%arg7 : memref<128x128xf32, #tpu.memory_space<vmem>>)
    %dma_start3A_216 = arith.constant 8 : i32
    %dma_start3A_217 = arith.constant 0 : i32
    %dma_start3A_218 = tpu.memref_slice %arg6[%dma_start3A_216, %dma_start3A_217] : memref<16x128xi32, #tpu.memory_space<vmem>> -> memref<1x128xi32, #tpu.memory_space<vmem>>
    %dma_start3A_219 = tpu.memref_squeeze %dma_start3A_218 : memref<1x128xi32, #tpu.memory_space<vmem>> -> memref<128xi32, #tpu.memory_space<vmem>>
    %dma_start3A_220 = arith.constant 0 : i32
    %dma_start3A_221 = arith.constant 0 : i32
    %dma_start3A_222 = tpu.memref_slice %arg13[%dma_start3A_220, %dma_start3A_221] : memref<4112x128xf32, #tpu.memory_space<vmem_shared>> -> memref<4112x128xf32, #tpu.memory_space<vmem_shared>>
    tpu.enqueue_indirect_dma source(%arg7 : memref<128x128xf32, #tpu.memory_space<vmem>>) target(%dma_start3A_222 : memref<4112x128xf32, #tpu.memory_space<vmem_shared>>) offsets(%dma_start3A_219 : memref<128xi32, #tpu.memory_space<vmem>>) semaphore(%arg12 : memref<!tpu.dma_semaphore, #tpu.memory_space<semaphore_mem>>) {add = true}
    %dma_wait3A_223 = arith.constant 7 : i32
    %dma_wait3A_224 = arith.constant 0 : i32
    %dma_wait3A_225 = tpu.memref_slice %arg6[%dma_wait3A_223, %dma_wait3A_224] : memref<16x128xi32, #tpu.memory_space<vmem>> -> memref<1x128xi32, #tpu.memory_space<vmem>>
    %dma_wait3A_226 = tpu.memref_squeeze %dma_wait3A_225 : memref<1x128xi32, #tpu.memory_space<vmem>> -> memref<128xi32, #tpu.memory_space<vmem>>
    %dma_wait3A_227 = arith.constant 0 : i32
    %dma_wait3A_228 = arith.constant 0 : i32
    %dma_wait3A_229 = tpu.memref_slice %arg13[%dma_wait3A_227, %dma_wait3A_228] : memref<4112x128xf32, #tpu.memory_space<vmem_shared>> -> memref<4112x128xf32, #tpu.memory_space<vmem_shared>>
    tpu.wait_indirect_dma semaphore(%arg12 : memref<!tpu.dma_semaphore, #tpu.memory_space<semaphore_mem>>) src(%arg10 : memref<128x128xf32, #tpu.memory_space<vmem>>) dst(%dma_wait3A_229 : memref<4112x128xf32, #tpu.memory_space<vmem_shared>>)
    %add3A_230 = arith.constant 1408 : i32
    %add3A_231 = arith.addi %mul3A_0, %add3A_230 : i32
    %dma_start3A_232 = arith.constant 0 : i32
    %dma_start3A_233 = tpu.memref_slice %arg2[%add3A_231, %dma_start3A_232] : memref<32768x128xf32, #tpu.memory_space<hbm>> -> memref<128x128xf32, #tpu.memory_space<hbm>>
    %dma_start3A_234 = arith.constant 0 : i32
    %dma_start3A_235 = tpu.memref_slice %arg2[%add3A_231, %dma_start3A_234] : memref<32768x128xf32, #tpu.memory_space<hbm>> -> memref<128x128xf32, #tpu.memory_space<hbm>>
    tpu.enqueue_dma source(%dma_start3A_235 : memref<128x128xf32, #tpu.memory_space<hbm>>) target(%arg10 : memref<128x128xf32, #tpu.memory_space<vmem>>) target_semaphore(%arg11 : memref<!tpu.dma_semaphore, #tpu.memory_space<semaphore_mem>>)
    %dma_wait3A_236 = arith.constant 0 : i32
    %dma_wait3A_237 = tpu.memref_slice %arg2[%add3A_183, %dma_wait3A_236] : memref<32768x128xf32, #tpu.memory_space<hbm>> -> memref<128x128xf32, #tpu.memory_space<hbm>>
    %dma_wait3A_238 = arith.constant 0 : i32
    %dma_wait3A_239 = tpu.memref_slice %arg2[%add3A_183, %dma_wait3A_238] : memref<32768x128xf32, #tpu.memory_space<hbm>> -> memref<128x128xf32, #tpu.memory_space<hbm>>
    tpu.wait_dma2 semaphore(%arg11 : memref<!tpu.dma_semaphore, #tpu.memory_space<semaphore_mem>>) src(%dma_wait3A_239 : memref<128x128xf32, #tpu.memory_space<hbm>>) dst(%arg8 : memref<128x128xf32, #tpu.memory_space<vmem>>)
    %dma_start3A_240 = arith.constant 9 : i32
    %dma_start3A_241 = arith.constant 0 : i32
    %dma_start3A_242 = tpu.memref_slice %arg6[%dma_start3A_240, %dma_start3A_241] : memref<16x128xi32, #tpu.memory_space<vmem>> -> memref<1x128xi32, #tpu.memory_space<vmem>>
    %dma_start3A_243 = tpu.memref_squeeze %dma_start3A_242 : memref<1x128xi32, #tpu.memory_space<vmem>> -> memref<128xi32, #tpu.memory_space<vmem>>
    %dma_start3A_244 = arith.constant 0 : i32
    %dma_start3A_245 = arith.constant 0 : i32
    %dma_start3A_246 = tpu.memref_slice %arg13[%dma_start3A_244, %dma_start3A_245] : memref<4112x128xf32, #tpu.memory_space<vmem_shared>> -> memref<4112x128xf32, #tpu.memory_space<vmem_shared>>
    tpu.enqueue_indirect_dma source(%arg8 : memref<128x128xf32, #tpu.memory_space<vmem>>) target(%dma_start3A_246 : memref<4112x128xf32, #tpu.memory_space<vmem_shared>>) offsets(%dma_start3A_243 : memref<128xi32, #tpu.memory_space<vmem>>) semaphore(%arg12 : memref<!tpu.dma_semaphore, #tpu.memory_space<semaphore_mem>>) {add = true}
    %dma_wait3A_247 = arith.constant 8 : i32
    %dma_wait3A_248 = arith.constant 0 : i32
    %dma_wait3A_249 = tpu.memref_slice %arg6[%dma_wait3A_247, %dma_wait3A_248] : memref<16x128xi32, #tpu.memory_space<vmem>> -> memref<1x128xi32, #tpu.memory_space<vmem>>
    %dma_wait3A_250 = tpu.memref_squeeze %dma_wait3A_249 : memref<1x128xi32, #tpu.memory_space<vmem>> -> memref<128xi32, #tpu.memory_space<vmem>>
    %dma_wait3A_251 = arith.constant 0 : i32
    %dma_wait3A_252 = arith.constant 0 : i32
    %dma_wait3A_253 = tpu.memref_slice %arg13[%dma_wait3A_251, %dma_wait3A_252] : memref<4112x128xf32, #tpu.memory_space<vmem_shared>> -> memref<4112x128xf32, #tpu.memory_space<vmem_shared>>
    tpu.wait_indirect_dma semaphore(%arg12 : memref<!tpu.dma_semaphore, #tpu.memory_space<semaphore_mem>>) src(%arg7 : memref<128x128xf32, #tpu.memory_space<vmem>>) dst(%dma_wait3A_253 : memref<4112x128xf32, #tpu.memory_space<vmem_shared>>)
    %add3A_254 = arith.constant 1536 : i32
    %add3A_255 = arith.addi %mul3A_0, %add3A_254 : i32
    %dma_start3A_256 = arith.constant 0 : i32
    %dma_start3A_257 = tpu.memref_slice %arg2[%add3A_255, %dma_start3A_256] : memref<32768x128xf32, #tpu.memory_space<hbm>> -> memref<128x128xf32, #tpu.memory_space<hbm>>
    %dma_start3A_258 = arith.constant 0 : i32
    %dma_start3A_259 = tpu.memref_slice %arg2[%add3A_255, %dma_start3A_258] : memref<32768x128xf32, #tpu.memory_space<hbm>> -> memref<128x128xf32, #tpu.memory_space<hbm>>
    tpu.enqueue_dma source(%dma_start3A_259 : memref<128x128xf32, #tpu.memory_space<hbm>>) target(%arg7 : memref<128x128xf32, #tpu.memory_space<vmem>>) target_semaphore(%arg11 : memref<!tpu.dma_semaphore, #tpu.memory_space<semaphore_mem>>)
    %dma_wait3A_260 = arith.constant 0 : i32
    %dma_wait3A_261 = tpu.memref_slice %arg2[%add3A_207, %dma_wait3A_260] : memref<32768x128xf32, #tpu.memory_space<hbm>> -> memref<128x128xf32, #tpu.memory_space<hbm>>
    %dma_wait3A_262 = arith.constant 0 : i32
    %dma_wait3A_263 = tpu.memref_slice %arg2[%add3A_207, %dma_wait3A_262] : memref<32768x128xf32, #tpu.memory_space<hbm>> -> memref<128x128xf32, #tpu.memory_space<hbm>>
    tpu.wait_dma2 semaphore(%arg11 : memref<!tpu.dma_semaphore, #tpu.memory_space<semaphore_mem>>) src(%dma_wait3A_263 : memref<128x128xf32, #tpu.memory_space<hbm>>) dst(%arg9 : memref<128x128xf32, #tpu.memory_space<vmem>>)
    %dma_start3A_264 = arith.constant 10 : i32
    %dma_start3A_265 = arith.constant 0 : i32
    %dma_start3A_266 = tpu.memref_slice %arg6[%dma_start3A_264, %dma_start3A_265] : memref<16x128xi32, #tpu.memory_space<vmem>> -> memref<1x128xi32, #tpu.memory_space<vmem>>
    %dma_start3A_267 = tpu.memref_squeeze %dma_start3A_266 : memref<1x128xi32, #tpu.memory_space<vmem>> -> memref<128xi32, #tpu.memory_space<vmem>>
    %dma_start3A_268 = arith.constant 0 : i32
    %dma_start3A_269 = arith.constant 0 : i32
    %dma_start3A_270 = tpu.memref_slice %arg13[%dma_start3A_268, %dma_start3A_269] : memref<4112x128xf32, #tpu.memory_space<vmem_shared>> -> memref<4112x128xf32, #tpu.memory_space<vmem_shared>>
    tpu.enqueue_indirect_dma source(%arg9 : memref<128x128xf32, #tpu.memory_space<vmem>>) target(%dma_start3A_270 : memref<4112x128xf32, #tpu.memory_space<vmem_shared>>) offsets(%dma_start3A_267 : memref<128xi32, #tpu.memory_space<vmem>>) semaphore(%arg12 : memref<!tpu.dma_semaphore, #tpu.memory_space<semaphore_mem>>) {add = true}
    %dma_wait3A_271 = arith.constant 9 : i32
    %dma_wait3A_272 = arith.constant 0 : i32
    %dma_wait3A_273 = tpu.memref_slice %arg6[%dma_wait3A_271, %dma_wait3A_272] : memref<16x128xi32, #tpu.memory_space<vmem>> -> memref<1x128xi32, #tpu.memory_space<vmem>>
    %dma_wait3A_274 = tpu.memref_squeeze %dma_wait3A_273 : memref<1x128xi32, #tpu.memory_space<vmem>> -> memref<128xi32, #tpu.memory_space<vmem>>
    %dma_wait3A_275 = arith.constant 0 : i32
    %dma_wait3A_276 = arith.constant 0 : i32
    %dma_wait3A_277 = tpu.memref_slice %arg13[%dma_wait3A_275, %dma_wait3A_276] : memref<4112x128xf32, #tpu.memory_space<vmem_shared>> -> memref<4112x128xf32, #tpu.memory_space<vmem_shared>>
    tpu.wait_indirect_dma semaphore(%arg12 : memref<!tpu.dma_semaphore, #tpu.memory_space<semaphore_mem>>) src(%arg8 : memref<128x128xf32, #tpu.memory_space<vmem>>) dst(%dma_wait3A_277 : memref<4112x128xf32, #tpu.memory_space<vmem_shared>>)
    %add3A_278 = arith.constant 1664 : i32
    %add3A_279 = arith.addi %mul3A_0, %add3A_278 : i32
    %dma_start3A_280 = arith.constant 0 : i32
    %dma_start3A_281 = tpu.memref_slice %arg2[%add3A_279, %dma_start3A_280] : memref<32768x128xf32, #tpu.memory_space<hbm>> -> memref<128x128xf32, #tpu.memory_space<hbm>>
    %dma_start3A_282 = arith.constant 0 : i32
    %dma_start3A_283 = tpu.memref_slice %arg2[%add3A_279, %dma_start3A_282] : memref<32768x128xf32, #tpu.memory_space<hbm>> -> memref<128x128xf32, #tpu.memory_space<hbm>>
    tpu.enqueue_dma source(%dma_start3A_283 : memref<128x128xf32, #tpu.memory_space<hbm>>) target(%arg8 : memref<128x128xf32, #tpu.memory_space<vmem>>) target_semaphore(%arg11 : memref<!tpu.dma_semaphore, #tpu.memory_space<semaphore_mem>>)
    %dma_wait3A_284 = arith.constant 0 : i32
    %dma_wait3A_285 = tpu.memref_slice %arg2[%add3A_231, %dma_wait3A_284] : memref<32768x128xf32, #tpu.memory_space<hbm>> -> memref<128x128xf32, #tpu.memory_space<hbm>>
    %dma_wait3A_286 = arith.constant 0 : i32
    %dma_wait3A_287 = tpu.memref_slice %arg2[%add3A_231, %dma_wait3A_286] : memref<32768x128xf32, #tpu.memory_space<hbm>> -> memref<128x128xf32, #tpu.memory_space<hbm>>
    tpu.wait_dma2 semaphore(%arg11 : memref<!tpu.dma_semaphore, #tpu.memory_space<semaphore_mem>>) src(%dma_wait3A_287 : memref<128x128xf32, #tpu.memory_space<hbm>>) dst(%arg10 : memref<128x128xf32, #tpu.memory_space<vmem>>)
    %dma_start3A_288 = arith.constant 11 : i32
    %dma_start3A_289 = arith.constant 0 : i32
    %dma_start3A_290 = tpu.memref_slice %arg6[%dma_start3A_288, %dma_start3A_289] : memref<16x128xi32, #tpu.memory_space<vmem>> -> memref<1x128xi32, #tpu.memory_space<vmem>>
    %dma_start3A_291 = tpu.memref_squeeze %dma_start3A_290 : memref<1x128xi32, #tpu.memory_space<vmem>> -> memref<128xi32, #tpu.memory_space<vmem>>
    %dma_start3A_292 = arith.constant 0 : i32
    %dma_start3A_293 = arith.constant 0 : i32
    %dma_start3A_294 = tpu.memref_slice %arg13[%dma_start3A_292, %dma_start3A_293] : memref<4112x128xf32, #tpu.memory_space<vmem_shared>> -> memref<4112x128xf32, #tpu.memory_space<vmem_shared>>
    tpu.enqueue_indirect_dma source(%arg10 : memref<128x128xf32, #tpu.memory_space<vmem>>) target(%dma_start3A_294 : memref<4112x128xf32, #tpu.memory_space<vmem_shared>>) offsets(%dma_start3A_291 : memref<128xi32, #tpu.memory_space<vmem>>) semaphore(%arg12 : memref<!tpu.dma_semaphore, #tpu.memory_space<semaphore_mem>>) {add = true}
    %dma_wait3A_295 = arith.constant 10 : i32
    %dma_wait3A_296 = arith.constant 0 : i32
    %dma_wait3A_297 = tpu.memref_slice %arg6[%dma_wait3A_295, %dma_wait3A_296] : memref<16x128xi32, #tpu.memory_space<vmem>> -> memref<1x128xi32, #tpu.memory_space<vmem>>
    %dma_wait3A_298 = tpu.memref_squeeze %dma_wait3A_297 : memref<1x128xi32, #tpu.memory_space<vmem>> -> memref<128xi32, #tpu.memory_space<vmem>>
    %dma_wait3A_299 = arith.constant 0 : i32
    %dma_wait3A_300 = arith.constant 0 : i32
    %dma_wait3A_301 = tpu.memref_slice %arg13[%dma_wait3A_299, %dma_wait3A_300] : memref<4112x128xf32, #tpu.memory_space<vmem_shared>> -> memref<4112x128xf32, #tpu.memory_space<vmem_shared>>
    tpu.wait_indirect_dma semaphore(%arg12 : memref<!tpu.dma_semaphore, #tpu.memory_space<semaphore_mem>>) src(%arg9 : memref<128x128xf32, #tpu.memory_space<vmem>>) dst(%dma_wait3A_301 : memref<4112x128xf32, #tpu.memory_space<vmem_shared>>)
    %add3A_302 = arith.constant 1792 : i32
    %add3A_303 = arith.addi %mul3A_0, %add3A_302 : i32
    %dma_start3A_304 = arith.constant 0 : i32
    %dma_start3A_305 = tpu.memref_slice %arg2[%add3A_303, %dma_start3A_304] : memref<32768x128xf32, #tpu.memory_space<hbm>> -> memref<128x128xf32, #tpu.memory_space<hbm>>
    %dma_start3A_306 = arith.constant 0 : i32
    %dma_start3A_307 = tpu.memref_slice %arg2[%add3A_303, %dma_start3A_306] : memref<32768x128xf32, #tpu.memory_space<hbm>> -> memref<128x128xf32, #tpu.memory_space<hbm>>
    tpu.enqueue_dma source(%dma_start3A_307 : memref<128x128xf32, #tpu.memory_space<hbm>>) target(%arg9 : memref<128x128xf32, #tpu.memory_space<vmem>>) target_semaphore(%arg11 : memref<!tpu.dma_semaphore, #tpu.memory_space<semaphore_mem>>)
    %dma_wait3A_308 = arith.constant 0 : i32
    %dma_wait3A_309 = tpu.memref_slice %arg2[%add3A_255, %dma_wait3A_308] : memref<32768x128xf32, #tpu.memory_space<hbm>> -> memref<128x128xf32, #tpu.memory_space<hbm>>
    %dma_wait3A_310 = arith.constant 0 : i32
    %dma_wait3A_311 = tpu.memref_slice %arg2[%add3A_255, %dma_wait3A_310] : memref<32768x128xf32, #tpu.memory_space<hbm>> -> memref<128x128xf32, #tpu.memory_space<hbm>>
    tpu.wait_dma2 semaphore(%arg11 : memref<!tpu.dma_semaphore, #tpu.memory_space<semaphore_mem>>) src(%dma_wait3A_311 : memref<128x128xf32, #tpu.memory_space<hbm>>) dst(%arg7 : memref<128x128xf32, #tpu.memory_space<vmem>>)
    %dma_start3A_312 = arith.constant 12 : i32
    %dma_start3A_313 = arith.constant 0 : i32
    %dma_start3A_314 = tpu.memref_slice %arg6[%dma_start3A_312, %dma_start3A_313] : memref<16x128xi32, #tpu.memory_space<vmem>> -> memref<1x128xi32, #tpu.memory_space<vmem>>
    %dma_start3A_315 = tpu.memref_squeeze %dma_start3A_314 : memref<1x128xi32, #tpu.memory_space<vmem>> -> memref<128xi32, #tpu.memory_space<vmem>>
    %dma_start3A_316 = arith.constant 0 : i32
    %dma_start3A_317 = arith.constant 0 : i32
    %dma_start3A_318 = tpu.memref_slice %arg13[%dma_start3A_316, %dma_start3A_317] : memref<4112x128xf32, #tpu.memory_space<vmem_shared>> -> memref<4112x128xf32, #tpu.memory_space<vmem_shared>>
    tpu.enqueue_indirect_dma source(%arg7 : memref<128x128xf32, #tpu.memory_space<vmem>>) target(%dma_start3A_318 : memref<4112x128xf32, #tpu.memory_space<vmem_shared>>) offsets(%dma_start3A_315 : memref<128xi32, #tpu.memory_space<vmem>>) semaphore(%arg12 : memref<!tpu.dma_semaphore, #tpu.memory_space<semaphore_mem>>) {add = true}
    %dma_wait3A_319 = arith.constant 11 : i32
    %dma_wait3A_320 = arith.constant 0 : i32
    %dma_wait3A_321 = tpu.memref_slice %arg6[%dma_wait3A_319, %dma_wait3A_320] : memref<16x128xi32, #tpu.memory_space<vmem>> -> memref<1x128xi32, #tpu.memory_space<vmem>>
    %dma_wait3A_322 = tpu.memref_squeeze %dma_wait3A_321 : memref<1x128xi32, #tpu.memory_space<vmem>> -> memref<128xi32, #tpu.memory_space<vmem>>
    %dma_wait3A_323 = arith.constant 0 : i32
    %dma_wait3A_324 = arith.constant 0 : i32
    %dma_wait3A_325 = tpu.memref_slice %arg13[%dma_wait3A_323, %dma_wait3A_324] : memref<4112x128xf32, #tpu.memory_space<vmem_shared>> -> memref<4112x128xf32, #tpu.memory_space<vmem_shared>>
    tpu.wait_indirect_dma semaphore(%arg12 : memref<!tpu.dma_semaphore, #tpu.memory_space<semaphore_mem>>) src(%arg10 : memref<128x128xf32, #tpu.memory_space<vmem>>) dst(%dma_wait3A_325 : memref<4112x128xf32, #tpu.memory_space<vmem_shared>>)
    %add3A_326 = arith.constant 1920 : i32
    %add3A_327 = arith.addi %mul3A_0, %add3A_326 : i32
    %dma_start3A_328 = arith.constant 0 : i32
    %dma_start3A_329 = tpu.memref_slice %arg2[%add3A_327, %dma_start3A_328] : memref<32768x128xf32, #tpu.memory_space<hbm>> -> memref<128x128xf32, #tpu.memory_space<hbm>>
    %dma_start3A_330 = arith.constant 0 : i32
    %dma_start3A_331 = tpu.memref_slice %arg2[%add3A_327, %dma_start3A_330] : memref<32768x128xf32, #tpu.memory_space<hbm>> -> memref<128x128xf32, #tpu.memory_space<hbm>>
    tpu.enqueue_dma source(%dma_start3A_331 : memref<128x128xf32, #tpu.memory_space<hbm>>) target(%arg10 : memref<128x128xf32, #tpu.memory_space<vmem>>) target_semaphore(%arg11 : memref<!tpu.dma_semaphore, #tpu.memory_space<semaphore_mem>>)
    %dma_wait3A_332 = arith.constant 0 : i32
    %dma_wait3A_333 = tpu.memref_slice %arg2[%add3A_279, %dma_wait3A_332] : memref<32768x128xf32, #tpu.memory_space<hbm>> -> memref<128x128xf32, #tpu.memory_space<hbm>>
    %dma_wait3A_334 = arith.constant 0 : i32
    %dma_wait3A_335 = tpu.memref_slice %arg2[%add3A_279, %dma_wait3A_334] : memref<32768x128xf32, #tpu.memory_space<hbm>> -> memref<128x128xf32, #tpu.memory_space<hbm>>
    tpu.wait_dma2 semaphore(%arg11 : memref<!tpu.dma_semaphore, #tpu.memory_space<semaphore_mem>>) src(%dma_wait3A_335 : memref<128x128xf32, #tpu.memory_space<hbm>>) dst(%arg8 : memref<128x128xf32, #tpu.memory_space<vmem>>)
    %dma_start3A_336 = arith.constant 13 : i32
    %dma_start3A_337 = arith.constant 0 : i32
    %dma_start3A_338 = tpu.memref_slice %arg6[%dma_start3A_336, %dma_start3A_337] : memref<16x128xi32, #tpu.memory_space<vmem>> -> memref<1x128xi32, #tpu.memory_space<vmem>>
    %dma_start3A_339 = tpu.memref_squeeze %dma_start3A_338 : memref<1x128xi32, #tpu.memory_space<vmem>> -> memref<128xi32, #tpu.memory_space<vmem>>
    %dma_start3A_340 = arith.constant 0 : i32
    %dma_start3A_341 = arith.constant 0 : i32
    %dma_start3A_342 = tpu.memref_slice %arg13[%dma_start3A_340, %dma_start3A_341] : memref<4112x128xf32, #tpu.memory_space<vmem_shared>> -> memref<4112x128xf32, #tpu.memory_space<vmem_shared>>
    tpu.enqueue_indirect_dma source(%arg8 : memref<128x128xf32, #tpu.memory_space<vmem>>) target(%dma_start3A_342 : memref<4112x128xf32, #tpu.memory_space<vmem_shared>>) offsets(%dma_start3A_339 : memref<128xi32, #tpu.memory_space<vmem>>) semaphore(%arg12 : memref<!tpu.dma_semaphore, #tpu.memory_space<semaphore_mem>>) {add = true}
    %dma_wait3A_343 = arith.constant 0 : i32
    %dma_wait3A_344 = tpu.memref_slice %arg2[%add3A_303, %dma_wait3A_343] : memref<32768x128xf32, #tpu.memory_space<hbm>> -> memref<128x128xf32, #tpu.memory_space<hbm>>
    %dma_wait3A_345 = arith.constant 0 : i32
    %dma_wait3A_346 = tpu.memref_slice %arg2[%add3A_303, %dma_wait3A_345] : memref<32768x128xf32, #tpu.memory_space<hbm>> -> memref<128x128xf32, #tpu.memory_space<hbm>>
    tpu.wait_dma2 semaphore(%arg11 : memref<!tpu.dma_semaphore, #tpu.memory_space<semaphore_mem>>) src(%dma_wait3A_346 : memref<128x128xf32, #tpu.memory_space<hbm>>) dst(%arg9 : memref<128x128xf32, #tpu.memory_space<vmem>>)
    %dma_start3A_347 = arith.constant 14 : i32
    %dma_start3A_348 = arith.constant 0 : i32
    %dma_start3A_349 = tpu.memref_slice %arg6[%dma_start3A_347, %dma_start3A_348] : memref<16x128xi32, #tpu.memory_space<vmem>> -> memref<1x128xi32, #tpu.memory_space<vmem>>
    %dma_start3A_350 = tpu.memref_squeeze %dma_start3A_349 : memref<1x128xi32, #tpu.memory_space<vmem>> -> memref<128xi32, #tpu.memory_space<vmem>>
    %dma_start3A_351 = arith.constant 0 : i32
    %dma_start3A_352 = arith.constant 0 : i32
    %dma_start3A_353 = tpu.memref_slice %arg13[%dma_start3A_351, %dma_start3A_352] : memref<4112x128xf32, #tpu.memory_space<vmem_shared>> -> memref<4112x128xf32, #tpu.memory_space<vmem_shared>>
    tpu.enqueue_indirect_dma source(%arg9 : memref<128x128xf32, #tpu.memory_space<vmem>>) target(%dma_start3A_353 : memref<4112x128xf32, #tpu.memory_space<vmem_shared>>) offsets(%dma_start3A_350 : memref<128xi32, #tpu.memory_space<vmem>>) semaphore(%arg12 : memref<!tpu.dma_semaphore, #tpu.memory_space<semaphore_mem>>) {add = true}
    %dma_wait3A_354 = arith.constant 0 : i32
    %dma_wait3A_355 = tpu.memref_slice %arg2[%add3A_327, %dma_wait3A_354] : memref<32768x128xf32, #tpu.memory_space<hbm>> -> memref<128x128xf32, #tpu.memory_space<hbm>>
    %dma_wait3A_356 = arith.constant 0 : i32
    %dma_wait3A_357 = tpu.memref_slice %arg2[%add3A_327, %dma_wait3A_356] : memref<32768x128xf32, #tpu.memory_space<hbm>> -> memref<128x128xf32, #tpu.memory_space<hbm>>
    tpu.wait_dma2 semaphore(%arg11 : memref<!tpu.dma_semaphore, #tpu.memory_space<semaphore_mem>>) src(%dma_wait3A_357 : memref<128x128xf32, #tpu.memory_space<hbm>>) dst(%arg10 : memref<128x128xf32, #tpu.memory_space<vmem>>)
    %dma_start3A_358 = arith.constant 15 : i32
    %dma_start3A_359 = arith.constant 0 : i32
    %dma_start3A_360 = tpu.memref_slice %arg6[%dma_start3A_358, %dma_start3A_359] : memref<16x128xi32, #tpu.memory_space<vmem>> -> memref<1x128xi32, #tpu.memory_space<vmem>>
    %dma_start3A_361 = tpu.memref_squeeze %dma_start3A_360 : memref<1x128xi32, #tpu.memory_space<vmem>> -> memref<128xi32, #tpu.memory_space<vmem>>
    %dma_start3A_362 = arith.constant 0 : i32
    %dma_start3A_363 = arith.constant 0 : i32
    %dma_start3A_364 = tpu.memref_slice %arg13[%dma_start3A_362, %dma_start3A_363] : memref<4112x128xf32, #tpu.memory_space<vmem_shared>> -> memref<4112x128xf32, #tpu.memory_space<vmem_shared>>
    tpu.enqueue_indirect_dma source(%arg10 : memref<128x128xf32, #tpu.memory_space<vmem>>) target(%dma_start3A_364 : memref<4112x128xf32, #tpu.memory_space<vmem_shared>>) offsets(%dma_start3A_361 : memref<128xi32, #tpu.memory_space<vmem>>) semaphore(%arg12 : memref<!tpu.dma_semaphore, #tpu.memory_space<semaphore_mem>>) {add = true}
    %dma_wait3A_365 = arith.constant 12 : i32
    %dma_wait3A_366 = arith.constant 0 : i32
    %dma_wait3A_367 = tpu.memref_slice %arg6[%dma_wait3A_365, %dma_wait3A_366] : memref<16x128xi32, #tpu.memory_space<vmem>> -> memref<1x128xi32, #tpu.memory_space<vmem>>
    %dma_wait3A_368 = tpu.memref_squeeze %dma_wait3A_367 : memref<1x128xi32, #tpu.memory_space<vmem>> -> memref<128xi32, #tpu.memory_space<vmem>>
    %dma_wait3A_369 = arith.constant 0 : i32
    %dma_wait3A_370 = arith.constant 0 : i32
    %dma_wait3A_371 = tpu.memref_slice %arg13[%dma_wait3A_369, %dma_wait3A_370] : memref<4112x128xf32, #tpu.memory_space<vmem_shared>> -> memref<4112x128xf32, #tpu.memory_space<vmem_shared>>
    tpu.wait_indirect_dma semaphore(%arg12 : memref<!tpu.dma_semaphore, #tpu.memory_space<semaphore_mem>>) src(%arg7 : memref<128x128xf32, #tpu.memory_space<vmem>>) dst(%dma_wait3A_371 : memref<4112x128xf32, #tpu.memory_space<vmem_shared>>)
    %dma_wait3A_372 = arith.constant 13 : i32
    %dma_wait3A_373 = arith.constant 0 : i32
    %dma_wait3A_374 = tpu.memref_slice %arg6[%dma_wait3A_372, %dma_wait3A_373] : memref<16x128xi32, #tpu.memory_space<vmem>> -> memref<1x128xi32, #tpu.memory_space<vmem>>
    %dma_wait3A_375 = tpu.memref_squeeze %dma_wait3A_374 : memref<1x128xi32, #tpu.memory_space<vmem>> -> memref<128xi32, #tpu.memory_space<vmem>>
    %dma_wait3A_376 = arith.constant 0 : i32
    %dma_wait3A_377 = arith.constant 0 : i32
    %dma_wait3A_378 = tpu.memref_slice %arg13[%dma_wait3A_376, %dma_wait3A_377] : memref<4112x128xf32, #tpu.memory_space<vmem_shared>> -> memref<4112x128xf32, #tpu.memory_space<vmem_shared>>
    tpu.wait_indirect_dma semaphore(%arg12 : memref<!tpu.dma_semaphore, #tpu.memory_space<semaphore_mem>>) src(%arg8 : memref<128x128xf32, #tpu.memory_space<vmem>>) dst(%dma_wait3A_378 : memref<4112x128xf32, #tpu.memory_space<vmem_shared>>)
    %dma_wait3A_379 = arith.constant 14 : i32
    %dma_wait3A_380 = arith.constant 0 : i32
    %dma_wait3A_381 = tpu.memref_slice %arg6[%dma_wait3A_379, %dma_wait3A_380] : memref<16x128xi32, #tpu.memory_space<vmem>> -> memref<1x128xi32, #tpu.memory_space<vmem>>
    %dma_wait3A_382 = tpu.memref_squeeze %dma_wait3A_381 : memref<1x128xi32, #tpu.memory_space<vmem>> -> memref<128xi32, #tpu.memory_space<vmem>>
    %dma_wait3A_383 = arith.constant 0 : i32
    %dma_wait3A_384 = arith.constant 0 : i32
    %dma_wait3A_385 = tpu.memref_slice %arg13[%dma_wait3A_383, %dma_wait3A_384] : memref<4112x128xf32, #tpu.memory_space<vmem_shared>> -> memref<4112x128xf32, #tpu.memory_space<vmem_shared>>
    tpu.wait_indirect_dma semaphore(%arg12 : memref<!tpu.dma_semaphore, #tpu.memory_space<semaphore_mem>>) src(%arg9 : memref<128x128xf32, #tpu.memory_space<vmem>>) dst(%dma_wait3A_385 : memref<4112x128xf32, #tpu.memory_space<vmem_shared>>)
    %dma_wait3A_386 = arith.constant 15 : i32
    %dma_wait3A_387 = arith.constant 0 : i32
    %dma_wait3A_388 = tpu.memref_slice %arg6[%dma_wait3A_386, %dma_wait3A_387] : memref<16x128xi32, #tpu.memory_space<vmem>> -> memref<1x128xi32, #tpu.memory_space<vmem>>
    %dma_wait3A_389 = tpu.memref_squeeze %dma_wait3A_388 : memref<1x128xi32, #tpu.memory_space<vmem>> -> memref<128xi32, #tpu.memory_space<vmem>>
    %dma_wait3A_390 = arith.constant 0 : i32
    %dma_wait3A_391 = arith.constant 0 : i32
    %dma_wait3A_392 = tpu.memref_slice %arg13[%dma_wait3A_390, %dma_wait3A_391] : memref<4112x128xf32, #tpu.memory_space<vmem_shared>> -> memref<4112x128xf32, #tpu.memory_space<vmem_shared>>
    tpu.wait_indirect_dma semaphore(%arg12 : memref<!tpu.dma_semaphore, #tpu.memory_space<semaphore_mem>>) src(%arg10 : memref<128x128xf32, #tpu.memory_space<vmem>>) dst(%dma_wait3A_392 : memref<4112x128xf32, #tpu.memory_space<vmem_shared>>)
    %barrier3A_393 = arith.constant 0 : index
    tpu.barrier barrier_id(%barrier3A_393)
    %mul3A_394 = arith.constant 256 : i32
    %mul3A_395 = arith.muli %arg1, %mul3A_394 : i32
    %mul3A_396 = arith.constant 4096 : i32
    %mul3A_397 = arith.muli %add3A_3, %mul3A_396 : i32
    %mul3A_398 = arith.constant 256 : i32
    %mul3A_399 = arith.muli %arg1, %mul3A_398 : i32
    %add3A_400 = arith.addi %mul3A_397, %mul3A_399 : i32
    "tpu.region"() ({
      %run_scoped3A = tpu.sem_alloc : memref<!tpu.dma_semaphore, #tpu.memory_space<semaphore_mem>>
      %dma_start3A_807 = arith.constant 0 : i32
      %dma_start3A_808 = tpu.memref_slice %arg5[%add3A_400, %dma_start3A_807] : memref<16384x128xf32, #tpu.memory_space<hbm>> -> memref<256x128xf32, #tpu.memory_space<hbm>>
      %dma_start3A_809 = arith.constant 0 : i32
      %dma_start3A_810 = tpu.memref_slice %arg13[%mul3A_395, %dma_start3A_809] : memref<4112x128xf32, #tpu.memory_space<vmem_shared>> -> memref<256x128xf32, #tpu.memory_space<vmem_shared>>
      tpu.enqueue_dma source(%dma_start3A_810 : memref<256x128xf32, #tpu.memory_space<vmem_shared>>) target(%dma_start3A_808 : memref<256x128xf32, #tpu.memory_space<hbm>>) target_semaphore(%run_scoped3A : memref<!tpu.dma_semaphore, #tpu.memory_space<semaphore_mem>>)
      %dma_wait3A_811 = arith.constant 0 : i32
      %dma_wait3A_812 = tpu.memref_slice %arg5[%add3A_400, %dma_wait3A_811] : memref<16384x128xf32, #tpu.memory_space<hbm>> -> memref<256x128xf32, #tpu.memory_space<hbm>>
      %dma_wait3A_813 = arith.constant 0 : i32
      %dma_wait3A_814 = tpu.memref_slice %arg13[%mul3A_395, %dma_wait3A_813] : memref<4112x128xf32, #tpu.memory_space<vmem_shared>> -> memref<256x128xf32, #tpu.memory_space<vmem_shared>>
      tpu.wait_dma2 semaphore(%run_scoped3A : memref<!tpu.dma_semaphore, #tpu.memory_space<semaphore_mem>>) src(%dma_wait3A_814 : memref<256x128xf32, #tpu.memory_space<vmem_shared>>) dst(%dma_wait3A_812 : memref<256x128xf32, #tpu.memory_space<hbm>>)
      tpu.yield
    }) : () -> ()
    %barrier3A_401 = arith.constant 0 : index
    tpu.barrier barrier_id(%barrier3A_401)
    %mul3A_402 = arith.constant 2 : i32
    %mul3A_403 = arith.muli %arg0, %mul3A_402 : i32
    %add3A_404 = arith.constant 1 : i32
    %add3A_405 = arith.addi %mul3A_403, %add3A_404 : i32
    %mul3A_406 = arith.constant 257 : i32
    %mul3A_407 = arith.muli %arg1, %mul3A_406 : i32
    "tpu.region"() ({
      %run_scoped3A = tpu.sem_alloc : memref<!tpu.dma_semaphore, #tpu.memory_space<semaphore_mem>>
      %dma_start3A_807 = arith.constant 0 : i32
      %dma_start3A_808 = tpu.memref_slice %arg13[%mul3A_407, %dma_start3A_807] : memref<4112x128xf32, #tpu.memory_space<vmem_shared>> -> memref<257x128xf32, #tpu.memory_space<vmem_shared>>
      tpu.enqueue_dma source(%arg4 : memref<257x128xf32, #tpu.memory_space<hbm>>) target(%dma_start3A_808 : memref<257x128xf32, #tpu.memory_space<vmem_shared>>) target_semaphore(%run_scoped3A : memref<!tpu.dma_semaphore, #tpu.memory_space<semaphore_mem>>)
      %dma_wait3A_809 = arith.constant 0 : i32
      %dma_wait3A_810 = tpu.memref_slice %arg13[%mul3A_407, %dma_wait3A_809] : memref<4112x128xf32, #tpu.memory_space<vmem_shared>> -> memref<257x128xf32, #tpu.memory_space<vmem_shared>>
      tpu.wait_dma2 semaphore(%run_scoped3A : memref<!tpu.dma_semaphore, #tpu.memory_space<semaphore_mem>>) src(%arg4 : memref<257x128xf32, #tpu.memory_space<hbm>>) dst(%dma_wait3A_810 : memref<257x128xf32, #tpu.memory_space<vmem_shared>>)
      tpu.yield
    }) : () -> ()
    %barrier3A_408 = arith.constant 0 : index
    tpu.barrier barrier_id(%barrier3A_408)
    %mul3A_409 = arith.constant 256 : i32
    %mul3A_410 = arith.muli %add3A_405, %mul3A_409 : i32
    %mul3A_411 = arith.constant 16 : i32
    %mul3A_412 = arith.muli %arg1, %mul3A_411 : i32
    %add3A_413 = arith.addi %mul3A_410, %mul3A_412 : i32
    "tpu.region"() ({
      %run_scoped3A = tpu.sem_alloc : memref<!tpu.dma_semaphore, #tpu.memory_space<semaphore_mem>>
      %dma_start3A_807 = arith.constant 0 : i32
      %dma_start3A_808 = tpu.memref_slice %arg3[%add3A_413, %dma_start3A_807] : memref<1024x128xi32, #tpu.memory_space<hbm>> -> memref<16x128xi32, #tpu.memory_space<hbm>>
      %dma_start3A_809 = arith.constant 0 : i32
      %dma_start3A_810 = tpu.memref_slice %arg3[%add3A_413, %dma_start3A_809] : memref<1024x128xi32, #tpu.memory_space<hbm>> -> memref<16x128xi32, #tpu.memory_space<hbm>>
      tpu.enqueue_dma source(%dma_start3A_810 : memref<16x128xi32, #tpu.memory_space<hbm>>) target(%arg6 : memref<16x128xi32, #tpu.memory_space<vmem>>) target_semaphore(%run_scoped3A : memref<!tpu.dma_semaphore, #tpu.memory_space<semaphore_mem>>)
      %dma_wait3A_811 = arith.constant 0 : i32
      %dma_wait3A_812 = tpu.memref_slice %arg3[%add3A_413, %dma_wait3A_811] : memref<1024x128xi32, #tpu.memory_space<hbm>> -> memref<16x128xi32, #tpu.memory_space<hbm>>
      %dma_wait3A_813 = arith.constant 0 : i32
      %dma_wait3A_814 = tpu.memref_slice %arg3[%add3A_413, %dma_wait3A_813] : memref<1024x128xi32, #tpu.memory_space<hbm>> -> memref<16x128xi32, #tpu.memory_space<hbm>>
      tpu.wait_dma2 semaphore(%run_scoped3A : memref<!tpu.dma_semaphore, #tpu.memory_space<semaphore_mem>>) src(%dma_wait3A_814 : memref<16x128xi32, #tpu.memory_space<hbm>>) dst(%arg6 : memref<16x128xi32, #tpu.memory_space<vmem>>)
      tpu.yield
    }) : () -> ()
    %add3A_414 = arith.constant 0 : i32
    %add3A_415 = arith.addi %mul3A_0, %add3A_414 : i32
    %dma_start3A_416 = arith.constant 0 : i32
    %dma_start3A_417 = tpu.memref_slice %arg2[%add3A_415, %dma_start3A_416] : memref<32768x128xf32, #tpu.memory_space<hbm>> -> memref<128x128xf32, #tpu.memory_space<hbm>>
    %dma_start3A_418 = arith.constant 0 : i32
    %dma_start3A_419 = tpu.memref_slice %arg2[%add3A_415, %dma_start3A_418] : memref<32768x128xf32, #tpu.memory_space<hbm>> -> memref<128x128xf32, #tpu.memory_space<hbm>>
    tpu.enqueue_dma source(%dma_start3A_419 : memref<128x128xf32, #tpu.memory_space<hbm>>) target(%arg7 : memref<128x128xf32, #tpu.memory_space<vmem>>) target_semaphore(%arg11 : memref<!tpu.dma_semaphore, #tpu.memory_space<semaphore_mem>>)
    %add3A_420 = arith.constant 128 : i32
    %add3A_421 = arith.addi %mul3A_0, %add3A_420 : i32
    %dma_start3A_422 = arith.constant 0 : i32
    %dma_start3A_423 = tpu.memref_slice %arg2[%add3A_421, %dma_start3A_422] : memref<32768x128xf32, #tpu.memory_space<hbm>> -> memref<128x128xf32, #tpu.memory_space<hbm>>
    %dma_start3A_424 = arith.constant 0 : i32
    %dma_start3A_425 = tpu.memref_slice %arg2[%add3A_421, %dma_start3A_424] : memref<32768x128xf32, #tpu.memory_space<hbm>> -> memref<128x128xf32, #tpu.memory_space<hbm>>
    tpu.enqueue_dma source(%dma_start3A_425 : memref<128x128xf32, #tpu.memory_space<hbm>>) target(%arg8 : memref<128x128xf32, #tpu.memory_space<vmem>>) target_semaphore(%arg11 : memref<!tpu.dma_semaphore, #tpu.memory_space<semaphore_mem>>)
    %add3A_426 = arith.constant 256 : i32
    %add3A_427 = arith.addi %mul3A_0, %add3A_426 : i32
    %dma_start3A_428 = arith.constant 0 : i32
    %dma_start3A_429 = tpu.memref_slice %arg2[%add3A_427, %dma_start3A_428] : memref<32768x128xf32, #tpu.memory_space<hbm>> -> memref<128x128xf32, #tpu.memory_space<hbm>>
    %dma_start3A_430 = arith.constant 0 : i32
    %dma_start3A_431 = tpu.memref_slice %arg2[%add3A_427, %dma_start3A_430] : memref<32768x128xf32, #tpu.memory_space<hbm>> -> memref<128x128xf32, #tpu.memory_space<hbm>>
    tpu.enqueue_dma source(%dma_start3A_431 : memref<128x128xf32, #tpu.memory_space<hbm>>) target(%arg9 : memref<128x128xf32, #tpu.memory_space<vmem>>) target_semaphore(%arg11 : memref<!tpu.dma_semaphore, #tpu.memory_space<semaphore_mem>>)
    %dma_wait3A_432 = arith.constant 0 : i32
    %dma_wait3A_433 = tpu.memref_slice %arg2[%add3A_415, %dma_wait3A_432] : memref<32768x128xf32, #tpu.memory_space<hbm>> -> memref<128x128xf32, #tpu.memory_space<hbm>>
    %dma_wait3A_434 = arith.constant 0 : i32
    %dma_wait3A_435 = tpu.memref_slice %arg2[%add3A_415, %dma_wait3A_434] : memref<32768x128xf32, #tpu.memory_space<hbm>> -> memref<128x128xf32, #tpu.memory_space<hbm>>
    tpu.wait_dma2 semaphore(%arg11 : memref<!tpu.dma_semaphore, #tpu.memory_space<semaphore_mem>>) src(%dma_wait3A_435 : memref<128x128xf32, #tpu.memory_space<hbm>>) dst(%arg7 : memref<128x128xf32, #tpu.memory_space<vmem>>)
    %dma_start3A_436 = arith.constant 0 : i32
    %dma_start3A_437 = arith.constant 0 : i32
    %dma_start3A_438 = tpu.memref_slice %arg6[%dma_start3A_436, %dma_start3A_437] : memref<16x128xi32, #tpu.memory_space<vmem>> -> memref<1x128xi32, #tpu.memory_space<vmem>>
    %dma_start3A_439 = tpu.memref_squeeze %dma_start3A_438 : memref<1x128xi32, #tpu.memory_space<vmem>> -> memref<128xi32, #tpu.memory_space<vmem>>
    %dma_start3A_440 = arith.constant 0 : i32
    %dma_start3A_441 = arith.constant 0 : i32
    %dma_start3A_442 = tpu.memref_slice %arg13[%dma_start3A_440, %dma_start3A_441] : memref<4112x128xf32, #tpu.memory_space<vmem_shared>> -> memref<4112x128xf32, #tpu.memory_space<vmem_shared>>
    tpu.enqueue_indirect_dma source(%arg7 : memref<128x128xf32, #tpu.memory_space<vmem>>) target(%dma_start3A_442 : memref<4112x128xf32, #tpu.memory_space<vmem_shared>>) offsets(%dma_start3A_439 : memref<128xi32, #tpu.memory_space<vmem>>) semaphore(%arg12 : memref<!tpu.dma_semaphore, #tpu.memory_space<semaphore_mem>>) {add = true}
    %add3A_443 = arith.constant 384 : i32
    %add3A_444 = arith.addi %mul3A_0, %add3A_443 : i32
    %dma_start3A_445 = arith.constant 0 : i32
    %dma_start3A_446 = tpu.memref_slice %arg2[%add3A_444, %dma_start3A_445] : memref<32768x128xf32, #tpu.memory_space<hbm>> -> memref<128x128xf32, #tpu.memory_space<hbm>>
    %dma_start3A_447 = arith.constant 0 : i32
    %dma_start3A_448 = tpu.memref_slice %arg2[%add3A_444, %dma_start3A_447] : memref<32768x128xf32, #tpu.memory_space<hbm>> -> memref<128x128xf32, #tpu.memory_space<hbm>>
    tpu.enqueue_dma source(%dma_start3A_448 : memref<128x128xf32, #tpu.memory_space<hbm>>) target(%arg10 : memref<128x128xf32, #tpu.memory_space<vmem>>) target_semaphore(%arg11 : memref<!tpu.dma_semaphore, #tpu.memory_space<semaphore_mem>>)
    %dma_wait3A_449 = arith.constant 0 : i32
    %dma_wait3A_450 = tpu.memref_slice %arg2[%add3A_421, %dma_wait3A_449] : memref<32768x128xf32, #tpu.memory_space<hbm>> -> memref<128x128xf32, #tpu.memory_space<hbm>>
    %dma_wait3A_451 = arith.constant 0 : i32
    %dma_wait3A_452 = tpu.memref_slice %arg2[%add3A_421, %dma_wait3A_451] : memref<32768x128xf32, #tpu.memory_space<hbm>> -> memref<128x128xf32, #tpu.memory_space<hbm>>
    tpu.wait_dma2 semaphore(%arg11 : memref<!tpu.dma_semaphore, #tpu.memory_space<semaphore_mem>>) src(%dma_wait3A_452 : memref<128x128xf32, #tpu.memory_space<hbm>>) dst(%arg8 : memref<128x128xf32, #tpu.memory_space<vmem>>)
    %dma_start3A_453 = arith.constant 1 : i32
    %dma_start3A_454 = arith.constant 0 : i32
    %dma_start3A_455 = tpu.memref_slice %arg6[%dma_start3A_453, %dma_start3A_454] : memref<16x128xi32, #tpu.memory_space<vmem>> -> memref<1x128xi32, #tpu.memory_space<vmem>>
    %dma_start3A_456 = tpu.memref_squeeze %dma_start3A_455 : memref<1x128xi32, #tpu.memory_space<vmem>> -> memref<128xi32, #tpu.memory_space<vmem>>
    %dma_start3A_457 = arith.constant 0 : i32
    %dma_start3A_458 = arith.constant 0 : i32
    %dma_start3A_459 = tpu.memref_slice %arg13[%dma_start3A_457, %dma_start3A_458] : memref<4112x128xf32, #tpu.memory_space<vmem_shared>> -> memref<4112x128xf32, #tpu.memory_space<vmem_shared>>
    tpu.enqueue_indirect_dma source(%arg8 : memref<128x128xf32, #tpu.memory_space<vmem>>) target(%dma_start3A_459 : memref<4112x128xf32, #tpu.memory_space<vmem_shared>>) offsets(%dma_start3A_456 : memref<128xi32, #tpu.memory_space<vmem>>) semaphore(%arg12 : memref<!tpu.dma_semaphore, #tpu.memory_space<semaphore_mem>>) {add = true}
    %dma_wait3A_460 = arith.constant 0 : i32
    %dma_wait3A_461 = arith.constant 0 : i32
    %dma_wait3A_462 = tpu.memref_slice %arg6[%dma_wait3A_460, %dma_wait3A_461] : memref<16x128xi32, #tpu.memory_space<vmem>> -> memref<1x128xi32, #tpu.memory_space<vmem>>
    %dma_wait3A_463 = tpu.memref_squeeze %dma_wait3A_462 : memref<1x128xi32, #tpu.memory_space<vmem>> -> memref<128xi32, #tpu.memory_space<vmem>>
    %dma_wait3A_464 = arith.constant 0 : i32
    %dma_wait3A_465 = arith.constant 0 : i32
    %dma_wait3A_466 = tpu.memref_slice %arg13[%dma_wait3A_464, %dma_wait3A_465] : memref<4112x128xf32, #tpu.memory_space<vmem_shared>> -> memref<4112x128xf32, #tpu.memory_space<vmem_shared>>
    tpu.wait_indirect_dma semaphore(%arg12 : memref<!tpu.dma_semaphore, #tpu.memory_space<semaphore_mem>>) src(%arg7 : memref<128x128xf32, #tpu.memory_space<vmem>>) dst(%dma_wait3A_466 : memref<4112x128xf32, #tpu.memory_space<vmem_shared>>)
    %add3A_467 = arith.constant 512 : i32
    %add3A_468 = arith.addi %mul3A_0, %add3A_467 : i32
    %dma_start3A_469 = arith.constant 0 : i32
    %dma_start3A_470 = tpu.memref_slice %arg2[%add3A_468, %dma_start3A_469] : memref<32768x128xf32, #tpu.memory_space<hbm>> -> memref<128x128xf32, #tpu.memory_space<hbm>>
    %dma_start3A_471 = arith.constant 0 : i32
    %dma_start3A_472 = tpu.memref_slice %arg2[%add3A_468, %dma_start3A_471] : memref<32768x128xf32, #tpu.memory_space<hbm>> -> memref<128x128xf32, #tpu.memory_space<hbm>>
    tpu.enqueue_dma source(%dma_start3A_472 : memref<128x128xf32, #tpu.memory_space<hbm>>) target(%arg7 : memref<128x128xf32, #tpu.memory_space<vmem>>) target_semaphore(%arg11 : memref<!tpu.dma_semaphore, #tpu.memory_space<semaphore_mem>>)
    %dma_wait3A_473 = arith.constant 0 : i32
    %dma_wait3A_474 = tpu.memref_slice %arg2[%add3A_427, %dma_wait3A_473] : memref<32768x128xf32, #tpu.memory_space<hbm>> -> memref<128x128xf32, #tpu.memory_space<hbm>>
    %dma_wait3A_475 = arith.constant 0 : i32
    %dma_wait3A_476 = tpu.memref_slice %arg2[%add3A_427, %dma_wait3A_475] : memref<32768x128xf32, #tpu.memory_space<hbm>> -> memref<128x128xf32, #tpu.memory_space<hbm>>
    tpu.wait_dma2 semaphore(%arg11 : memref<!tpu.dma_semaphore, #tpu.memory_space<semaphore_mem>>) src(%dma_wait3A_476 : memref<128x128xf32, #tpu.memory_space<hbm>>) dst(%arg9 : memref<128x128xf32, #tpu.memory_space<vmem>>)
    %dma_start3A_477 = arith.constant 2 : i32
    %dma_start3A_478 = arith.constant 0 : i32
    %dma_start3A_479 = tpu.memref_slice %arg6[%dma_start3A_477, %dma_start3A_478] : memref<16x128xi32, #tpu.memory_space<vmem>> -> memref<1x128xi32, #tpu.memory_space<vmem>>
    %dma_start3A_480 = tpu.memref_squeeze %dma_start3A_479 : memref<1x128xi32, #tpu.memory_space<vmem>> -> memref<128xi32, #tpu.memory_space<vmem>>
    %dma_start3A_481 = arith.constant 0 : i32
    %dma_start3A_482 = arith.constant 0 : i32
    %dma_start3A_483 = tpu.memref_slice %arg13[%dma_start3A_481, %dma_start3A_482] : memref<4112x128xf32, #tpu.memory_space<vmem_shared>> -> memref<4112x128xf32, #tpu.memory_space<vmem_shared>>
    tpu.enqueue_indirect_dma source(%arg9 : memref<128x128xf32, #tpu.memory_space<vmem>>) target(%dma_start3A_483 : memref<4112x128xf32, #tpu.memory_space<vmem_shared>>) offsets(%dma_start3A_480 : memref<128xi32, #tpu.memory_space<vmem>>) semaphore(%arg12 : memref<!tpu.dma_semaphore, #tpu.memory_space<semaphore_mem>>) {add = true}
    %dma_wait3A_484 = arith.constant 1 : i32
    %dma_wait3A_485 = arith.constant 0 : i32
    %dma_wait3A_486 = tpu.memref_slice %arg6[%dma_wait3A_484, %dma_wait3A_485] : memref<16x128xi32, #tpu.memory_space<vmem>> -> memref<1x128xi32, #tpu.memory_space<vmem>>
    %dma_wait3A_487 = tpu.memref_squeeze %dma_wait3A_486 : memref<1x128xi32, #tpu.memory_space<vmem>> -> memref<128xi32, #tpu.memory_space<vmem>>
    %dma_wait3A_488 = arith.constant 0 : i32
    %dma_wait3A_489 = arith.constant 0 : i32
    %dma_wait3A_490 = tpu.memref_slice %arg13[%dma_wait3A_488, %dma_wait3A_489] : memref<4112x128xf32, #tpu.memory_space<vmem_shared>> -> memref<4112x128xf32, #tpu.memory_space<vmem_shared>>
    tpu.wait_indirect_dma semaphore(%arg12 : memref<!tpu.dma_semaphore, #tpu.memory_space<semaphore_mem>>) src(%arg8 : memref<128x128xf32, #tpu.memory_space<vmem>>) dst(%dma_wait3A_490 : memref<4112x128xf32, #tpu.memory_space<vmem_shared>>)
    %add3A_491 = arith.constant 640 : i32
    %add3A_492 = arith.addi %mul3A_0, %add3A_491 : i32
    %dma_start3A_493 = arith.constant 0 : i32
    %dma_start3A_494 = tpu.memref_slice %arg2[%add3A_492, %dma_start3A_493] : memref<32768x128xf32, #tpu.memory_space<hbm>> -> memref<128x128xf32, #tpu.memory_space<hbm>>
    %dma_start3A_495 = arith.constant 0 : i32
    %dma_start3A_496 = tpu.memref_slice %arg2[%add3A_492, %dma_start3A_495] : memref<32768x128xf32, #tpu.memory_space<hbm>> -> memref<128x128xf32, #tpu.memory_space<hbm>>
    tpu.enqueue_dma source(%dma_start3A_496 : memref<128x128xf32, #tpu.memory_space<hbm>>) target(%arg8 : memref<128x128xf32, #tpu.memory_space<vmem>>) target_semaphore(%arg11 : memref<!tpu.dma_semaphore, #tpu.memory_space<semaphore_mem>>)
    %dma_wait3A_497 = arith.constant 0 : i32
    %dma_wait3A_498 = tpu.memref_slice %arg2[%add3A_444, %dma_wait3A_497] : memref<32768x128xf32, #tpu.memory_space<hbm>> -> memref<128x128xf32, #tpu.memory_space<hbm>>
    %dma_wait3A_499 = arith.constant 0 : i32
    %dma_wait3A_500 = tpu.memref_slice %arg2[%add3A_444, %dma_wait3A_499] : memref<32768x128xf32, #tpu.memory_space<hbm>> -> memref<128x128xf32, #tpu.memory_space<hbm>>
    tpu.wait_dma2 semaphore(%arg11 : memref<!tpu.dma_semaphore, #tpu.memory_space<semaphore_mem>>) src(%dma_wait3A_500 : memref<128x128xf32, #tpu.memory_space<hbm>>) dst(%arg10 : memref<128x128xf32, #tpu.memory_space<vmem>>)
    %dma_start3A_501 = arith.constant 3 : i32
    %dma_start3A_502 = arith.constant 0 : i32
    %dma_start3A_503 = tpu.memref_slice %arg6[%dma_start3A_501, %dma_start3A_502] : memref<16x128xi32, #tpu.memory_space<vmem>> -> memref<1x128xi32, #tpu.memory_space<vmem>>
    %dma_start3A_504 = tpu.memref_squeeze %dma_start3A_503 : memref<1x128xi32, #tpu.memory_space<vmem>> -> memref<128xi32, #tpu.memory_space<vmem>>
    %dma_start3A_505 = arith.constant 0 : i32
    %dma_start3A_506 = arith.constant 0 : i32
    %dma_start3A_507 = tpu.memref_slice %arg13[%dma_start3A_505, %dma_start3A_506] : memref<4112x128xf32, #tpu.memory_space<vmem_shared>> -> memref<4112x128xf32, #tpu.memory_space<vmem_shared>>
    tpu.enqueue_indirect_dma source(%arg10 : memref<128x128xf32, #tpu.memory_space<vmem>>) target(%dma_start3A_507 : memref<4112x128xf32, #tpu.memory_space<vmem_shared>>) offsets(%dma_start3A_504 : memref<128xi32, #tpu.memory_space<vmem>>) semaphore(%arg12 : memref<!tpu.dma_semaphore, #tpu.memory_space<semaphore_mem>>) {add = true}
    %dma_wait3A_508 = arith.constant 2 : i32
    %dma_wait3A_509 = arith.constant 0 : i32
    %dma_wait3A_510 = tpu.memref_slice %arg6[%dma_wait3A_508, %dma_wait3A_509] : memref<16x128xi32, #tpu.memory_space<vmem>> -> memref<1x128xi32, #tpu.memory_space<vmem>>
    %dma_wait3A_511 = tpu.memref_squeeze %dma_wait3A_510 : memref<1x128xi32, #tpu.memory_space<vmem>> -> memref<128xi32, #tpu.memory_space<vmem>>
    %dma_wait3A_512 = arith.constant 0 : i32
    %dma_wait3A_513 = arith.constant 0 : i32
    %dma_wait3A_514 = tpu.memref_slice %arg13[%dma_wait3A_512, %dma_wait3A_513] : memref<4112x128xf32, #tpu.memory_space<vmem_shared>> -> memref<4112x128xf32, #tpu.memory_space<vmem_shared>>
    tpu.wait_indirect_dma semaphore(%arg12 : memref<!tpu.dma_semaphore, #tpu.memory_space<semaphore_mem>>) src(%arg9 : memref<128x128xf32, #tpu.memory_space<vmem>>) dst(%dma_wait3A_514 : memref<4112x128xf32, #tpu.memory_space<vmem_shared>>)
    %add3A_515 = arith.constant 768 : i32
    %add3A_516 = arith.addi %mul3A_0, %add3A_515 : i32
    %dma_start3A_517 = arith.constant 0 : i32
    %dma_start3A_518 = tpu.memref_slice %arg2[%add3A_516, %dma_start3A_517] : memref<32768x128xf32, #tpu.memory_space<hbm>> -> memref<128x128xf32, #tpu.memory_space<hbm>>
    %dma_start3A_519 = arith.constant 0 : i32
    %dma_start3A_520 = tpu.memref_slice %arg2[%add3A_516, %dma_start3A_519] : memref<32768x128xf32, #tpu.memory_space<hbm>> -> memref<128x128xf32, #tpu.memory_space<hbm>>
    tpu.enqueue_dma source(%dma_start3A_520 : memref<128x128xf32, #tpu.memory_space<hbm>>) target(%arg9 : memref<128x128xf32, #tpu.memory_space<vmem>>) target_semaphore(%arg11 : memref<!tpu.dma_semaphore, #tpu.memory_space<semaphore_mem>>)
    %dma_wait3A_521 = arith.constant 0 : i32
    %dma_wait3A_522 = tpu.memref_slice %arg2[%add3A_468, %dma_wait3A_521] : memref<32768x128xf32, #tpu.memory_space<hbm>> -> memref<128x128xf32, #tpu.memory_space<hbm>>
    %dma_wait3A_523 = arith.constant 0 : i32
    %dma_wait3A_524 = tpu.memref_slice %arg2[%add3A_468, %dma_wait3A_523] : memref<32768x128xf32, #tpu.memory_space<hbm>> -> memref<128x128xf32, #tpu.memory_space<hbm>>
    tpu.wait_dma2 semaphore(%arg11 : memref<!tpu.dma_semaphore, #tpu.memory_space<semaphore_mem>>) src(%dma_wait3A_524 : memref<128x128xf32, #tpu.memory_space<hbm>>) dst(%arg7 : memref<128x128xf32, #tpu.memory_space<vmem>>)
    %dma_start3A_525 = arith.constant 4 : i32
    %dma_start3A_526 = arith.constant 0 : i32
    %dma_start3A_527 = tpu.memref_slice %arg6[%dma_start3A_525, %dma_start3A_526] : memref<16x128xi32, #tpu.memory_space<vmem>> -> memref<1x128xi32, #tpu.memory_space<vmem>>
    %dma_start3A_528 = tpu.memref_squeeze %dma_start3A_527 : memref<1x128xi32, #tpu.memory_space<vmem>> -> memref<128xi32, #tpu.memory_space<vmem>>
    %dma_start3A_529 = arith.constant 0 : i32
    %dma_start3A_530 = arith.constant 0 : i32
    %dma_start3A_531 = tpu.memref_slice %arg13[%dma_start3A_529, %dma_start3A_530] : memref<4112x128xf32, #tpu.memory_space<vmem_shared>> -> memref<4112x128xf32, #tpu.memory_space<vmem_shared>>
    tpu.enqueue_indirect_dma source(%arg7 : memref<128x128xf32, #tpu.memory_space<vmem>>) target(%dma_start3A_531 : memref<4112x128xf32, #tpu.memory_space<vmem_shared>>) offsets(%dma_start3A_528 : memref<128xi32, #tpu.memory_space<vmem>>) semaphore(%arg12 : memref<!tpu.dma_semaphore, #tpu.memory_space<semaphore_mem>>) {add = true}
    %dma_wait3A_532 = arith.constant 3 : i32
    %dma_wait3A_533 = arith.constant 0 : i32
    %dma_wait3A_534 = tpu.memref_slice %arg6[%dma_wait3A_532, %dma_wait3A_533] : memref<16x128xi32, #tpu.memory_space<vmem>> -> memref<1x128xi32, #tpu.memory_space<vmem>>
    %dma_wait3A_535 = tpu.memref_squeeze %dma_wait3A_534 : memref<1x128xi32, #tpu.memory_space<vmem>> -> memref<128xi32, #tpu.memory_space<vmem>>
    %dma_wait3A_536 = arith.constant 0 : i32
    %dma_wait3A_537 = arith.constant 0 : i32
    %dma_wait3A_538 = tpu.memref_slice %arg13[%dma_wait3A_536, %dma_wait3A_537] : memref<4112x128xf32, #tpu.memory_space<vmem_shared>> -> memref<4112x128xf32, #tpu.memory_space<vmem_shared>>
    tpu.wait_indirect_dma semaphore(%arg12 : memref<!tpu.dma_semaphore, #tpu.memory_space<semaphore_mem>>) src(%arg10 : memref<128x128xf32, #tpu.memory_space<vmem>>) dst(%dma_wait3A_538 : memref<4112x128xf32, #tpu.memory_space<vmem_shared>>)
    %add3A_539 = arith.constant 896 : i32
    %add3A_540 = arith.addi %mul3A_0, %add3A_539 : i32
    %dma_start3A_541 = arith.constant 0 : i32
    %dma_start3A_542 = tpu.memref_slice %arg2[%add3A_540, %dma_start3A_541] : memref<32768x128xf32, #tpu.memory_space<hbm>> -> memref<128x128xf32, #tpu.memory_space<hbm>>
    %dma_start3A_543 = arith.constant 0 : i32
    %dma_start3A_544 = tpu.memref_slice %arg2[%add3A_540, %dma_start3A_543] : memref<32768x128xf32, #tpu.memory_space<hbm>> -> memref<128x128xf32, #tpu.memory_space<hbm>>
    tpu.enqueue_dma source(%dma_start3A_544 : memref<128x128xf32, #tpu.memory_space<hbm>>) target(%arg10 : memref<128x128xf32, #tpu.memory_space<vmem>>) target_semaphore(%arg11 : memref<!tpu.dma_semaphore, #tpu.memory_space<semaphore_mem>>)
    %dma_wait3A_545 = arith.constant 0 : i32
    %dma_wait3A_546 = tpu.memref_slice %arg2[%add3A_492, %dma_wait3A_545] : memref<32768x128xf32, #tpu.memory_space<hbm>> -> memref<128x128xf32, #tpu.memory_space<hbm>>
    %dma_wait3A_547 = arith.constant 0 : i32
    %dma_wait3A_548 = tpu.memref_slice %arg2[%add3A_492, %dma_wait3A_547] : memref<32768x128xf32, #tpu.memory_space<hbm>> -> memref<128x128xf32, #tpu.memory_space<hbm>>
    tpu.wait_dma2 semaphore(%arg11 : memref<!tpu.dma_semaphore, #tpu.memory_space<semaphore_mem>>) src(%dma_wait3A_548 : memref<128x128xf32, #tpu.memory_space<hbm>>) dst(%arg8 : memref<128x128xf32, #tpu.memory_space<vmem>>)
    %dma_start3A_549 = arith.constant 5 : i32
    %dma_start3A_550 = arith.constant 0 : i32
    %dma_start3A_551 = tpu.memref_slice %arg6[%dma_start3A_549, %dma_start3A_550] : memref<16x128xi32, #tpu.memory_space<vmem>> -> memref<1x128xi32, #tpu.memory_space<vmem>>
    %dma_start3A_552 = tpu.memref_squeeze %dma_start3A_551 : memref<1x128xi32, #tpu.memory_space<vmem>> -> memref<128xi32, #tpu.memory_space<vmem>>
    %dma_start3A_553 = arith.constant 0 : i32
    %dma_start3A_554 = arith.constant 0 : i32
    %dma_start3A_555 = tpu.memref_slice %arg13[%dma_start3A_553, %dma_start3A_554] : memref<4112x128xf32, #tpu.memory_space<vmem_shared>> -> memref<4112x128xf32, #tpu.memory_space<vmem_shared>>
    tpu.enqueue_indirect_dma source(%arg8 : memref<128x128xf32, #tpu.memory_space<vmem>>) target(%dma_start3A_555 : memref<4112x128xf32, #tpu.memory_space<vmem_shared>>) offsets(%dma_start3A_552 : memref<128xi32, #tpu.memory_space<vmem>>) semaphore(%arg12 : memref<!tpu.dma_semaphore, #tpu.memory_space<semaphore_mem>>) {add = true}
    %dma_wait3A_556 = arith.constant 4 : i32
    %dma_wait3A_557 = arith.constant 0 : i32
    %dma_wait3A_558 = tpu.memref_slice %arg6[%dma_wait3A_556, %dma_wait3A_557] : memref<16x128xi32, #tpu.memory_space<vmem>> -> memref<1x128xi32, #tpu.memory_space<vmem>>
    %dma_wait3A_559 = tpu.memref_squeeze %dma_wait3A_558 : memref<1x128xi32, #tpu.memory_space<vmem>> -> memref<128xi32, #tpu.memory_space<vmem>>
    %dma_wait3A_560 = arith.constant 0 : i32
    %dma_wait3A_561 = arith.constant 0 : i32
    %dma_wait3A_562 = tpu.memref_slice %arg13[%dma_wait3A_560, %dma_wait3A_561] : memref<4112x128xf32, #tpu.memory_space<vmem_shared>> -> memref<4112x128xf32, #tpu.memory_space<vmem_shared>>
    tpu.wait_indirect_dma semaphore(%arg12 : memref<!tpu.dma_semaphore, #tpu.memory_space<semaphore_mem>>) src(%arg7 : memref<128x128xf32, #tpu.memory_space<vmem>>) dst(%dma_wait3A_562 : memref<4112x128xf32, #tpu.memory_space<vmem_shared>>)
    %add3A_563 = arith.constant 1024 : i32
    %add3A_564 = arith.addi %mul3A_0, %add3A_563 : i32
    %dma_start3A_565 = arith.constant 0 : i32
    %dma_start3A_566 = tpu.memref_slice %arg2[%add3A_564, %dma_start3A_565] : memref<32768x128xf32, #tpu.memory_space<hbm>> -> memref<128x128xf32, #tpu.memory_space<hbm>>
    %dma_start3A_567 = arith.constant 0 : i32
    %dma_start3A_568 = tpu.memref_slice %arg2[%add3A_564, %dma_start3A_567] : memref<32768x128xf32, #tpu.memory_space<hbm>> -> memref<128x128xf32, #tpu.memory_space<hbm>>
    tpu.enqueue_dma source(%dma_start3A_568 : memref<128x128xf32, #tpu.memory_space<hbm>>) target(%arg7 : memref<128x128xf32, #tpu.memory_space<vmem>>) target_semaphore(%arg11 : memref<!tpu.dma_semaphore, #tpu.memory_space<semaphore_mem>>)
    %dma_wait3A_569 = arith.constant 0 : i32
    %dma_wait3A_570 = tpu.memref_slice %arg2[%add3A_516, %dma_wait3A_569] : memref<32768x128xf32, #tpu.memory_space<hbm>> -> memref<128x128xf32, #tpu.memory_space<hbm>>
    %dma_wait3A_571 = arith.constant 0 : i32
    %dma_wait3A_572 = tpu.memref_slice %arg2[%add3A_516, %dma_wait3A_571] : memref<32768x128xf32, #tpu.memory_space<hbm>> -> memref<128x128xf32, #tpu.memory_space<hbm>>
    tpu.wait_dma2 semaphore(%arg11 : memref<!tpu.dma_semaphore, #tpu.memory_space<semaphore_mem>>) src(%dma_wait3A_572 : memref<128x128xf32, #tpu.memory_space<hbm>>) dst(%arg9 : memref<128x128xf32, #tpu.memory_space<vmem>>)
    %dma_start3A_573 = arith.constant 6 : i32
    %dma_start3A_574 = arith.constant 0 : i32
    %dma_start3A_575 = tpu.memref_slice %arg6[%dma_start3A_573, %dma_start3A_574] : memref<16x128xi32, #tpu.memory_space<vmem>> -> memref<1x128xi32, #tpu.memory_space<vmem>>
    %dma_start3A_576 = tpu.memref_squeeze %dma_start3A_575 : memref<1x128xi32, #tpu.memory_space<vmem>> -> memref<128xi32, #tpu.memory_space<vmem>>
    %dma_start3A_577 = arith.constant 0 : i32
    %dma_start3A_578 = arith.constant 0 : i32
    %dma_start3A_579 = tpu.memref_slice %arg13[%dma_start3A_577, %dma_start3A_578] : memref<4112x128xf32, #tpu.memory_space<vmem_shared>> -> memref<4112x128xf32, #tpu.memory_space<vmem_shared>>
    tpu.enqueue_indirect_dma source(%arg9 : memref<128x128xf32, #tpu.memory_space<vmem>>) target(%dma_start3A_579 : memref<4112x128xf32, #tpu.memory_space<vmem_shared>>) offsets(%dma_start3A_576 : memref<128xi32, #tpu.memory_space<vmem>>) semaphore(%arg12 : memref<!tpu.dma_semaphore, #tpu.memory_space<semaphore_mem>>) {add = true}
    %dma_wait3A_580 = arith.constant 5 : i32
    %dma_wait3A_581 = arith.constant 0 : i32
    %dma_wait3A_582 = tpu.memref_slice %arg6[%dma_wait3A_580, %dma_wait3A_581] : memref<16x128xi32, #tpu.memory_space<vmem>> -> memref<1x128xi32, #tpu.memory_space<vmem>>
    %dma_wait3A_583 = tpu.memref_squeeze %dma_wait3A_582 : memref<1x128xi32, #tpu.memory_space<vmem>> -> memref<128xi32, #tpu.memory_space<vmem>>
    %dma_wait3A_584 = arith.constant 0 : i32
    %dma_wait3A_585 = arith.constant 0 : i32
    %dma_wait3A_586 = tpu.memref_slice %arg13[%dma_wait3A_584, %dma_wait3A_585] : memref<4112x128xf32, #tpu.memory_space<vmem_shared>> -> memref<4112x128xf32, #tpu.memory_space<vmem_shared>>
    tpu.wait_indirect_dma semaphore(%arg12 : memref<!tpu.dma_semaphore, #tpu.memory_space<semaphore_mem>>) src(%arg8 : memref<128x128xf32, #tpu.memory_space<vmem>>) dst(%dma_wait3A_586 : memref<4112x128xf32, #tpu.memory_space<vmem_shared>>)
    %add3A_587 = arith.constant 1152 : i32
    %add3A_588 = arith.addi %mul3A_0, %add3A_587 : i32
    %dma_start3A_589 = arith.constant 0 : i32
    %dma_start3A_590 = tpu.memref_slice %arg2[%add3A_588, %dma_start3A_589] : memref<32768x128xf32, #tpu.memory_space<hbm>> -> memref<128x128xf32, #tpu.memory_space<hbm>>
    %dma_start3A_591 = arith.constant 0 : i32
    %dma_start3A_592 = tpu.memref_slice %arg2[%add3A_588, %dma_start3A_591] : memref<32768x128xf32, #tpu.memory_space<hbm>> -> memref<128x128xf32, #tpu.memory_space<hbm>>
    tpu.enqueue_dma source(%dma_start3A_592 : memref<128x128xf32, #tpu.memory_space<hbm>>) target(%arg8 : memref<128x128xf32, #tpu.memory_space<vmem>>) target_semaphore(%arg11 : memref<!tpu.dma_semaphore, #tpu.memory_space<semaphore_mem>>)
    %dma_wait3A_593 = arith.constant 0 : i32
    %dma_wait3A_594 = tpu.memref_slice %arg2[%add3A_540, %dma_wait3A_593] : memref<32768x128xf32, #tpu.memory_space<hbm>> -> memref<128x128xf32, #tpu.memory_space<hbm>>
    %dma_wait3A_595 = arith.constant 0 : i32
    %dma_wait3A_596 = tpu.memref_slice %arg2[%add3A_540, %dma_wait3A_595] : memref<32768x128xf32, #tpu.memory_space<hbm>> -> memref<128x128xf32, #tpu.memory_space<hbm>>
    tpu.wait_dma2 semaphore(%arg11 : memref<!tpu.dma_semaphore, #tpu.memory_space<semaphore_mem>>) src(%dma_wait3A_596 : memref<128x128xf32, #tpu.memory_space<hbm>>) dst(%arg10 : memref<128x128xf32, #tpu.memory_space<vmem>>)
    %dma_start3A_597 = arith.constant 7 : i32
    %dma_start3A_598 = arith.constant 0 : i32
    %dma_start3A_599 = tpu.memref_slice %arg6[%dma_start3A_597, %dma_start3A_598] : memref<16x128xi32, #tpu.memory_space<vmem>> -> memref<1x128xi32, #tpu.memory_space<vmem>>
    %dma_start3A_600 = tpu.memref_squeeze %dma_start3A_599 : memref<1x128xi32, #tpu.memory_space<vmem>> -> memref<128xi32, #tpu.memory_space<vmem>>
    %dma_start3A_601 = arith.constant 0 : i32
    %dma_start3A_602 = arith.constant 0 : i32
    %dma_start3A_603 = tpu.memref_slice %arg13[%dma_start3A_601, %dma_start3A_602] : memref<4112x128xf32, #tpu.memory_space<vmem_shared>> -> memref<4112x128xf32, #tpu.memory_space<vmem_shared>>
    tpu.enqueue_indirect_dma source(%arg10 : memref<128x128xf32, #tpu.memory_space<vmem>>) target(%dma_start3A_603 : memref<4112x128xf32, #tpu.memory_space<vmem_shared>>) offsets(%dma_start3A_600 : memref<128xi32, #tpu.memory_space<vmem>>) semaphore(%arg12 : memref<!tpu.dma_semaphore, #tpu.memory_space<semaphore_mem>>) {add = true}
    %dma_wait3A_604 = arith.constant 6 : i32
    %dma_wait3A_605 = arith.constant 0 : i32
    %dma_wait3A_606 = tpu.memref_slice %arg6[%dma_wait3A_604, %dma_wait3A_605] : memref<16x128xi32, #tpu.memory_space<vmem>> -> memref<1x128xi32, #tpu.memory_space<vmem>>
    %dma_wait3A_607 = tpu.memref_squeeze %dma_wait3A_606 : memref<1x128xi32, #tpu.memory_space<vmem>> -> memref<128xi32, #tpu.memory_space<vmem>>
    %dma_wait3A_608 = arith.constant 0 : i32
    %dma_wait3A_609 = arith.constant 0 : i32
    %dma_wait3A_610 = tpu.memref_slice %arg13[%dma_wait3A_608, %dma_wait3A_609] : memref<4112x128xf32, #tpu.memory_space<vmem_shared>> -> memref<4112x128xf32, #tpu.memory_space<vmem_shared>>
    tpu.wait_indirect_dma semaphore(%arg12 : memref<!tpu.dma_semaphore, #tpu.memory_space<semaphore_mem>>) src(%arg9 : memref<128x128xf32, #tpu.memory_space<vmem>>) dst(%dma_wait3A_610 : memref<4112x128xf32, #tpu.memory_space<vmem_shared>>)
    %add3A_611 = arith.constant 1280 : i32
    %add3A_612 = arith.addi %mul3A_0, %add3A_611 : i32
    %dma_start3A_613 = arith.constant 0 : i32
    %dma_start3A_614 = tpu.memref_slice %arg2[%add3A_612, %dma_start3A_613] : memref<32768x128xf32, #tpu.memory_space<hbm>> -> memref<128x128xf32, #tpu.memory_space<hbm>>
    %dma_start3A_615 = arith.constant 0 : i32
    %dma_start3A_616 = tpu.memref_slice %arg2[%add3A_612, %dma_start3A_615] : memref<32768x128xf32, #tpu.memory_space<hbm>> -> memref<128x128xf32, #tpu.memory_space<hbm>>
    tpu.enqueue_dma source(%dma_start3A_616 : memref<128x128xf32, #tpu.memory_space<hbm>>) target(%arg9 : memref<128x128xf32, #tpu.memory_space<vmem>>) target_semaphore(%arg11 : memref<!tpu.dma_semaphore, #tpu.memory_space<semaphore_mem>>)
    %dma_wait3A_617 = arith.constant 0 : i32
    %dma_wait3A_618 = tpu.memref_slice %arg2[%add3A_564, %dma_wait3A_617] : memref<32768x128xf32, #tpu.memory_space<hbm>> -> memref<128x128xf32, #tpu.memory_space<hbm>>
    %dma_wait3A_619 = arith.constant 0 : i32
    %dma_wait3A_620 = tpu.memref_slice %arg2[%add3A_564, %dma_wait3A_619] : memref<32768x128xf32, #tpu.memory_space<hbm>> -> memref<128x128xf32, #tpu.memory_space<hbm>>
    tpu.wait_dma2 semaphore(%arg11 : memref<!tpu.dma_semaphore, #tpu.memory_space<semaphore_mem>>) src(%dma_wait3A_620 : memref<128x128xf32, #tpu.memory_space<hbm>>) dst(%arg7 : memref<128x128xf32, #tpu.memory_space<vmem>>)
    %dma_start3A_621 = arith.constant 8 : i32
    %dma_start3A_622 = arith.constant 0 : i32
    %dma_start3A_623 = tpu.memref_slice %arg6[%dma_start3A_621, %dma_start3A_622] : memref<16x128xi32, #tpu.memory_space<vmem>> -> memref<1x128xi32, #tpu.memory_space<vmem>>
    %dma_start3A_624 = tpu.memref_squeeze %dma_start3A_623 : memref<1x128xi32, #tpu.memory_space<vmem>> -> memref<128xi32, #tpu.memory_space<vmem>>
    %dma_start3A_625 = arith.constant 0 : i32
    %dma_start3A_626 = arith.constant 0 : i32
    %dma_start3A_627 = tpu.memref_slice %arg13[%dma_start3A_625, %dma_start3A_626] : memref<4112x128xf32, #tpu.memory_space<vmem_shared>> -> memref<4112x128xf32, #tpu.memory_space<vmem_shared>>
    tpu.enqueue_indirect_dma source(%arg7 : memref<128x128xf32, #tpu.memory_space<vmem>>) target(%dma_start3A_627 : memref<4112x128xf32, #tpu.memory_space<vmem_shared>>) offsets(%dma_start3A_624 : memref<128xi32, #tpu.memory_space<vmem>>) semaphore(%arg12 : memref<!tpu.dma_semaphore, #tpu.memory_space<semaphore_mem>>) {add = true}
    %dma_wait3A_628 = arith.constant 7 : i32
    %dma_wait3A_629 = arith.constant 0 : i32
    %dma_wait3A_630 = tpu.memref_slice %arg6[%dma_wait3A_628, %dma_wait3A_629] : memref<16x128xi32, #tpu.memory_space<vmem>> -> memref<1x128xi32, #tpu.memory_space<vmem>>
    %dma_wait3A_631 = tpu.memref_squeeze %dma_wait3A_630 : memref<1x128xi32, #tpu.memory_space<vmem>> -> memref<128xi32, #tpu.memory_space<vmem>>
    %dma_wait3A_632 = arith.constant 0 : i32
    %dma_wait3A_633 = arith.constant 0 : i32
    %dma_wait3A_634 = tpu.memref_slice %arg13[%dma_wait3A_632, %dma_wait3A_633] : memref<4112x128xf32, #tpu.memory_space<vmem_shared>> -> memref<4112x128xf32, #tpu.memory_space<vmem_shared>>
    tpu.wait_indirect_dma semaphore(%arg12 : memref<!tpu.dma_semaphore, #tpu.memory_space<semaphore_mem>>) src(%arg10 : memref<128x128xf32, #tpu.memory_space<vmem>>) dst(%dma_wait3A_634 : memref<4112x128xf32, #tpu.memory_space<vmem_shared>>)
    %add3A_635 = arith.constant 1408 : i32
    %add3A_636 = arith.addi %mul3A_0, %add3A_635 : i32
    %dma_start3A_637 = arith.constant 0 : i32
    %dma_start3A_638 = tpu.memref_slice %arg2[%add3A_636, %dma_start3A_637] : memref<32768x128xf32, #tpu.memory_space<hbm>> -> memref<128x128xf32, #tpu.memory_space<hbm>>
    %dma_start3A_639 = arith.constant 0 : i32
    %dma_start3A_640 = tpu.memref_slice %arg2[%add3A_636, %dma_start3A_639] : memref<32768x128xf32, #tpu.memory_space<hbm>> -> memref<128x128xf32, #tpu.memory_space<hbm>>
    tpu.enqueue_dma source(%dma_start3A_640 : memref<128x128xf32, #tpu.memory_space<hbm>>) target(%arg10 : memref<128x128xf32, #tpu.memory_space<vmem>>) target_semaphore(%arg11 : memref<!tpu.dma_semaphore, #tpu.memory_space<semaphore_mem>>)
    %dma_wait3A_641 = arith.constant 0 : i32
    %dma_wait3A_642 = tpu.memref_slice %arg2[%add3A_588, %dma_wait3A_641] : memref<32768x128xf32, #tpu.memory_space<hbm>> -> memref<128x128xf32, #tpu.memory_space<hbm>>
    %dma_wait3A_643 = arith.constant 0 : i32
    %dma_wait3A_644 = tpu.memref_slice %arg2[%add3A_588, %dma_wait3A_643] : memref<32768x128xf32, #tpu.memory_space<hbm>> -> memref<128x128xf32, #tpu.memory_space<hbm>>
    tpu.wait_dma2 semaphore(%arg11 : memref<!tpu.dma_semaphore, #tpu.memory_space<semaphore_mem>>) src(%dma_wait3A_644 : memref<128x128xf32, #tpu.memory_space<hbm>>) dst(%arg8 : memref<128x128xf32, #tpu.memory_space<vmem>>)
    %dma_start3A_645 = arith.constant 9 : i32
    %dma_start3A_646 = arith.constant 0 : i32
    %dma_start3A_647 = tpu.memref_slice %arg6[%dma_start3A_645, %dma_start3A_646] : memref<16x128xi32, #tpu.memory_space<vmem>> -> memref<1x128xi32, #tpu.memory_space<vmem>>
    %dma_start3A_648 = tpu.memref_squeeze %dma_start3A_647 : memref<1x128xi32, #tpu.memory_space<vmem>> -> memref<128xi32, #tpu.memory_space<vmem>>
    %dma_start3A_649 = arith.constant 0 : i32
    %dma_start3A_650 = arith.constant 0 : i32
    %dma_start3A_651 = tpu.memref_slice %arg13[%dma_start3A_649, %dma_start3A_650] : memref<4112x128xf32, #tpu.memory_space<vmem_shared>> -> memref<4112x128xf32, #tpu.memory_space<vmem_shared>>
    tpu.enqueue_indirect_dma source(%arg8 : memref<128x128xf32, #tpu.memory_space<vmem>>) target(%dma_start3A_651 : memref<4112x128xf32, #tpu.memory_space<vmem_shared>>) offsets(%dma_start3A_648 : memref<128xi32, #tpu.memory_space<vmem>>) semaphore(%arg12 : memref<!tpu.dma_semaphore, #tpu.memory_space<semaphore_mem>>) {add = true}
    %dma_wait3A_652 = arith.constant 8 : i32
    %dma_wait3A_653 = arith.constant 0 : i32
    %dma_wait3A_654 = tpu.memref_slice %arg6[%dma_wait3A_652, %dma_wait3A_653] : memref<16x128xi32, #tpu.memory_space<vmem>> -> memref<1x128xi32, #tpu.memory_space<vmem>>
    %dma_wait3A_655 = tpu.memref_squeeze %dma_wait3A_654 : memref<1x128xi32, #tpu.memory_space<vmem>> -> memref<128xi32, #tpu.memory_space<vmem>>
    %dma_wait3A_656 = arith.constant 0 : i32
    %dma_wait3A_657 = arith.constant 0 : i32
    %dma_wait3A_658 = tpu.memref_slice %arg13[%dma_wait3A_656, %dma_wait3A_657] : memref<4112x128xf32, #tpu.memory_space<vmem_shared>> -> memref<4112x128xf32, #tpu.memory_space<vmem_shared>>
    tpu.wait_indirect_dma semaphore(%arg12 : memref<!tpu.dma_semaphore, #tpu.memory_space<semaphore_mem>>) src(%arg7 : memref<128x128xf32, #tpu.memory_space<vmem>>) dst(%dma_wait3A_658 : memref<4112x128xf32, #tpu.memory_space<vmem_shared>>)
    %add3A_659 = arith.constant 1536 : i32
    %add3A_660 = arith.addi %mul3A_0, %add3A_659 : i32
    %dma_start3A_661 = arith.constant 0 : i32
    %dma_start3A_662 = tpu.memref_slice %arg2[%add3A_660, %dma_start3A_661] : memref<32768x128xf32, #tpu.memory_space<hbm>> -> memref<128x128xf32, #tpu.memory_space<hbm>>
    %dma_start3A_663 = arith.constant 0 : i32
    %dma_start3A_664 = tpu.memref_slice %arg2[%add3A_660, %dma_start3A_663] : memref<32768x128xf32, #tpu.memory_space<hbm>> -> memref<128x128xf32, #tpu.memory_space<hbm>>
    tpu.enqueue_dma source(%dma_start3A_664 : memref<128x128xf32, #tpu.memory_space<hbm>>) target(%arg7 : memref<128x128xf32, #tpu.memory_space<vmem>>) target_semaphore(%arg11 : memref<!tpu.dma_semaphore, #tpu.memory_space<semaphore_mem>>)
    %dma_wait3A_665 = arith.constant 0 : i32
    %dma_wait3A_666 = tpu.memref_slice %arg2[%add3A_612, %dma_wait3A_665] : memref<32768x128xf32, #tpu.memory_space<hbm>> -> memref<128x128xf32, #tpu.memory_space<hbm>>
    %dma_wait3A_667 = arith.constant 0 : i32
    %dma_wait3A_668 = tpu.memref_slice %arg2[%add3A_612, %dma_wait3A_667] : memref<32768x128xf32, #tpu.memory_space<hbm>> -> memref<128x128xf32, #tpu.memory_space<hbm>>
    tpu.wait_dma2 semaphore(%arg11 : memref<!tpu.dma_semaphore, #tpu.memory_space<semaphore_mem>>) src(%dma_wait3A_668 : memref<128x128xf32, #tpu.memory_space<hbm>>) dst(%arg9 : memref<128x128xf32, #tpu.memory_space<vmem>>)
    %dma_start3A_669 = arith.constant 10 : i32
    %dma_start3A_670 = arith.constant 0 : i32
    %dma_start3A_671 = tpu.memref_slice %arg6[%dma_start3A_669, %dma_start3A_670] : memref<16x128xi32, #tpu.memory_space<vmem>> -> memref<1x128xi32, #tpu.memory_space<vmem>>
    %dma_start3A_672 = tpu.memref_squeeze %dma_start3A_671 : memref<1x128xi32, #tpu.memory_space<vmem>> -> memref<128xi32, #tpu.memory_space<vmem>>
    %dma_start3A_673 = arith.constant 0 : i32
    %dma_start3A_674 = arith.constant 0 : i32
    %dma_start3A_675 = tpu.memref_slice %arg13[%dma_start3A_673, %dma_start3A_674] : memref<4112x128xf32, #tpu.memory_space<vmem_shared>> -> memref<4112x128xf32, #tpu.memory_space<vmem_shared>>
    tpu.enqueue_indirect_dma source(%arg9 : memref<128x128xf32, #tpu.memory_space<vmem>>) target(%dma_start3A_675 : memref<4112x128xf32, #tpu.memory_space<vmem_shared>>) offsets(%dma_start3A_672 : memref<128xi32, #tpu.memory_space<vmem>>) semaphore(%arg12 : memref<!tpu.dma_semaphore, #tpu.memory_space<semaphore_mem>>) {add = true}
    %dma_wait3A_676 = arith.constant 9 : i32
    %dma_wait3A_677 = arith.constant 0 : i32
    %dma_wait3A_678 = tpu.memref_slice %arg6[%dma_wait3A_676, %dma_wait3A_677] : memref<16x128xi32, #tpu.memory_space<vmem>> -> memref<1x128xi32, #tpu.memory_space<vmem>>
    %dma_wait3A_679 = tpu.memref_squeeze %dma_wait3A_678 : memref<1x128xi32, #tpu.memory_space<vmem>> -> memref<128xi32, #tpu.memory_space<vmem>>
    %dma_wait3A_680 = arith.constant 0 : i32
    %dma_wait3A_681 = arith.constant 0 : i32
    %dma_wait3A_682 = tpu.memref_slice %arg13[%dma_wait3A_680, %dma_wait3A_681] : memref<4112x128xf32, #tpu.memory_space<vmem_shared>> -> memref<4112x128xf32, #tpu.memory_space<vmem_shared>>
    tpu.wait_indirect_dma semaphore(%arg12 : memref<!tpu.dma_semaphore, #tpu.memory_space<semaphore_mem>>) src(%arg8 : memref<128x128xf32, #tpu.memory_space<vmem>>) dst(%dma_wait3A_682 : memref<4112x128xf32, #tpu.memory_space<vmem_shared>>)
    %add3A_683 = arith.constant 1664 : i32
    %add3A_684 = arith.addi %mul3A_0, %add3A_683 : i32
    %dma_start3A_685 = arith.constant 0 : i32
    %dma_start3A_686 = tpu.memref_slice %arg2[%add3A_684, %dma_start3A_685] : memref<32768x128xf32, #tpu.memory_space<hbm>> -> memref<128x128xf32, #tpu.memory_space<hbm>>
    %dma_start3A_687 = arith.constant 0 : i32
    %dma_start3A_688 = tpu.memref_slice %arg2[%add3A_684, %dma_start3A_687] : memref<32768x128xf32, #tpu.memory_space<hbm>> -> memref<128x128xf32, #tpu.memory_space<hbm>>
    tpu.enqueue_dma source(%dma_start3A_688 : memref<128x128xf32, #tpu.memory_space<hbm>>) target(%arg8 : memref<128x128xf32, #tpu.memory_space<vmem>>) target_semaphore(%arg11 : memref<!tpu.dma_semaphore, #tpu.memory_space<semaphore_mem>>)
    %dma_wait3A_689 = arith.constant 0 : i32
    %dma_wait3A_690 = tpu.memref_slice %arg2[%add3A_636, %dma_wait3A_689] : memref<32768x128xf32, #tpu.memory_space<hbm>> -> memref<128x128xf32, #tpu.memory_space<hbm>>
    %dma_wait3A_691 = arith.constant 0 : i32
    %dma_wait3A_692 = tpu.memref_slice %arg2[%add3A_636, %dma_wait3A_691] : memref<32768x128xf32, #tpu.memory_space<hbm>> -> memref<128x128xf32, #tpu.memory_space<hbm>>
    tpu.wait_dma2 semaphore(%arg11 : memref<!tpu.dma_semaphore, #tpu.memory_space<semaphore_mem>>) src(%dma_wait3A_692 : memref<128x128xf32, #tpu.memory_space<hbm>>) dst(%arg10 : memref<128x128xf32, #tpu.memory_space<vmem>>)
    %dma_start3A_693 = arith.constant 11 : i32
    %dma_start3A_694 = arith.constant 0 : i32
    %dma_start3A_695 = tpu.memref_slice %arg6[%dma_start3A_693, %dma_start3A_694] : memref<16x128xi32, #tpu.memory_space<vmem>> -> memref<1x128xi32, #tpu.memory_space<vmem>>
    %dma_start3A_696 = tpu.memref_squeeze %dma_start3A_695 : memref<1x128xi32, #tpu.memory_space<vmem>> -> memref<128xi32, #tpu.memory_space<vmem>>
    %dma_start3A_697 = arith.constant 0 : i32
    %dma_start3A_698 = arith.constant 0 : i32
    %dma_start3A_699 = tpu.memref_slice %arg13[%dma_start3A_697, %dma_start3A_698] : memref<4112x128xf32, #tpu.memory_space<vmem_shared>> -> memref<4112x128xf32, #tpu.memory_space<vmem_shared>>
    tpu.enqueue_indirect_dma source(%arg10 : memref<128x128xf32, #tpu.memory_space<vmem>>) target(%dma_start3A_699 : memref<4112x128xf32, #tpu.memory_space<vmem_shared>>) offsets(%dma_start3A_696 : memref<128xi32, #tpu.memory_space<vmem>>) semaphore(%arg12 : memref<!tpu.dma_semaphore, #tpu.memory_space<semaphore_mem>>) {add = true}
    %dma_wait3A_700 = arith.constant 10 : i32
    %dma_wait3A_701 = arith.constant 0 : i32
    %dma_wait3A_702 = tpu.memref_slice %arg6[%dma_wait3A_700, %dma_wait3A_701] : memref<16x128xi32, #tpu.memory_space<vmem>> -> memref<1x128xi32, #tpu.memory_space<vmem>>
    %dma_wait3A_703 = tpu.memref_squeeze %dma_wait3A_702 : memref<1x128xi32, #tpu.memory_space<vmem>> -> memref<128xi32, #tpu.memory_space<vmem>>
    %dma_wait3A_704 = arith.constant 0 : i32
    %dma_wait3A_705 = arith.constant 0 : i32
    %dma_wait3A_706 = tpu.memref_slice %arg13[%dma_wait3A_704, %dma_wait3A_705] : memref<4112x128xf32, #tpu.memory_space<vmem_shared>> -> memref<4112x128xf32, #tpu.memory_space<vmem_shared>>
    tpu.wait_indirect_dma semaphore(%arg12 : memref<!tpu.dma_semaphore, #tpu.memory_space<semaphore_mem>>) src(%arg9 : memref<128x128xf32, #tpu.memory_space<vmem>>) dst(%dma_wait3A_706 : memref<4112x128xf32, #tpu.memory_space<vmem_shared>>)
    %add3A_707 = arith.constant 1792 : i32
    %add3A_708 = arith.addi %mul3A_0, %add3A_707 : i32
    %dma_start3A_709 = arith.constant 0 : i32
    %dma_start3A_710 = tpu.memref_slice %arg2[%add3A_708, %dma_start3A_709] : memref<32768x128xf32, #tpu.memory_space<hbm>> -> memref<128x128xf32, #tpu.memory_space<hbm>>
    %dma_start3A_711 = arith.constant 0 : i32
    %dma_start3A_712 = tpu.memref_slice %arg2[%add3A_708, %dma_start3A_711] : memref<32768x128xf32, #tpu.memory_space<hbm>> -> memref<128x128xf32, #tpu.memory_space<hbm>>
    tpu.enqueue_dma source(%dma_start3A_712 : memref<128x128xf32, #tpu.memory_space<hbm>>) target(%arg9 : memref<128x128xf32, #tpu.memory_space<vmem>>) target_semaphore(%arg11 : memref<!tpu.dma_semaphore, #tpu.memory_space<semaphore_mem>>)
    %dma_wait3A_713 = arith.constant 0 : i32
    %dma_wait3A_714 = tpu.memref_slice %arg2[%add3A_660, %dma_wait3A_713] : memref<32768x128xf32, #tpu.memory_space<hbm>> -> memref<128x128xf32, #tpu.memory_space<hbm>>
    %dma_wait3A_715 = arith.constant 0 : i32
    %dma_wait3A_716 = tpu.memref_slice %arg2[%add3A_660, %dma_wait3A_715] : memref<32768x128xf32, #tpu.memory_space<hbm>> -> memref<128x128xf32, #tpu.memory_space<hbm>>
    tpu.wait_dma2 semaphore(%arg11 : memref<!tpu.dma_semaphore, #tpu.memory_space<semaphore_mem>>) src(%dma_wait3A_716 : memref<128x128xf32, #tpu.memory_space<hbm>>) dst(%arg7 : memref<128x128xf32, #tpu.memory_space<vmem>>)
    %dma_start3A_717 = arith.constant 12 : i32
    %dma_start3A_718 = arith.constant 0 : i32
    %dma_start3A_719 = tpu.memref_slice %arg6[%dma_start3A_717, %dma_start3A_718] : memref<16x128xi32, #tpu.memory_space<vmem>> -> memref<1x128xi32, #tpu.memory_space<vmem>>
    %dma_start3A_720 = tpu.memref_squeeze %dma_start3A_719 : memref<1x128xi32, #tpu.memory_space<vmem>> -> memref<128xi32, #tpu.memory_space<vmem>>
    %dma_start3A_721 = arith.constant 0 : i32
    %dma_start3A_722 = arith.constant 0 : i32
    %dma_start3A_723 = tpu.memref_slice %arg13[%dma_start3A_721, %dma_start3A_722] : memref<4112x128xf32, #tpu.memory_space<vmem_shared>> -> memref<4112x128xf32, #tpu.memory_space<vmem_shared>>
    tpu.enqueue_indirect_dma source(%arg7 : memref<128x128xf32, #tpu.memory_space<vmem>>) target(%dma_start3A_723 : memref<4112x128xf32, #tpu.memory_space<vmem_shared>>) offsets(%dma_start3A_720 : memref<128xi32, #tpu.memory_space<vmem>>) semaphore(%arg12 : memref<!tpu.dma_semaphore, #tpu.memory_space<semaphore_mem>>) {add = true}
    %dma_wait3A_724 = arith.constant 11 : i32
    %dma_wait3A_725 = arith.constant 0 : i32
    %dma_wait3A_726 = tpu.memref_slice %arg6[%dma_wait3A_724, %dma_wait3A_725] : memref<16x128xi32, #tpu.memory_space<vmem>> -> memref<1x128xi32, #tpu.memory_space<vmem>>
    %dma_wait3A_727 = tpu.memref_squeeze %dma_wait3A_726 : memref<1x128xi32, #tpu.memory_space<vmem>> -> memref<128xi32, #tpu.memory_space<vmem>>
    %dma_wait3A_728 = arith.constant 0 : i32
    %dma_wait3A_729 = arith.constant 0 : i32
    %dma_wait3A_730 = tpu.memref_slice %arg13[%dma_wait3A_728, %dma_wait3A_729] : memref<4112x128xf32, #tpu.memory_space<vmem_shared>> -> memref<4112x128xf32, #tpu.memory_space<vmem_shared>>
    tpu.wait_indirect_dma semaphore(%arg12 : memref<!tpu.dma_semaphore, #tpu.memory_space<semaphore_mem>>) src(%arg10 : memref<128x128xf32, #tpu.memory_space<vmem>>) dst(%dma_wait3A_730 : memref<4112x128xf32, #tpu.memory_space<vmem_shared>>)
    %add3A_731 = arith.constant 1920 : i32
    %add3A_732 = arith.addi %mul3A_0, %add3A_731 : i32
    %dma_start3A_733 = arith.constant 0 : i32
    %dma_start3A_734 = tpu.memref_slice %arg2[%add3A_732, %dma_start3A_733] : memref<32768x128xf32, #tpu.memory_space<hbm>> -> memref<128x128xf32, #tpu.memory_space<hbm>>
    %dma_start3A_735 = arith.constant 0 : i32
    %dma_start3A_736 = tpu.memref_slice %arg2[%add3A_732, %dma_start3A_735] : memref<32768x128xf32, #tpu.memory_space<hbm>> -> memref<128x128xf32, #tpu.memory_space<hbm>>
    tpu.enqueue_dma source(%dma_start3A_736 : memref<128x128xf32, #tpu.memory_space<hbm>>) target(%arg10 : memref<128x128xf32, #tpu.memory_space<vmem>>) target_semaphore(%arg11 : memref<!tpu.dma_semaphore, #tpu.memory_space<semaphore_mem>>)
    %dma_wait3A_737 = arith.constant 0 : i32
    %dma_wait3A_738 = tpu.memref_slice %arg2[%add3A_684, %dma_wait3A_737] : memref<32768x128xf32, #tpu.memory_space<hbm>> -> memref<128x128xf32, #tpu.memory_space<hbm>>
    %dma_wait3A_739 = arith.constant 0 : i32
    %dma_wait3A_740 = tpu.memref_slice %arg2[%add3A_684, %dma_wait3A_739] : memref<32768x128xf32, #tpu.memory_space<hbm>> -> memref<128x128xf32, #tpu.memory_space<hbm>>
    tpu.wait_dma2 semaphore(%arg11 : memref<!tpu.dma_semaphore, #tpu.memory_space<semaphore_mem>>) src(%dma_wait3A_740 : memref<128x128xf32, #tpu.memory_space<hbm>>) dst(%arg8 : memref<128x128xf32, #tpu.memory_space<vmem>>)
    %dma_start3A_741 = arith.constant 13 : i32
    %dma_start3A_742 = arith.constant 0 : i32
    %dma_start3A_743 = tpu.memref_slice %arg6[%dma_start3A_741, %dma_start3A_742] : memref<16x128xi32, #tpu.memory_space<vmem>> -> memref<1x128xi32, #tpu.memory_space<vmem>>
    %dma_start3A_744 = tpu.memref_squeeze %dma_start3A_743 : memref<1x128xi32, #tpu.memory_space<vmem>> -> memref<128xi32, #tpu.memory_space<vmem>>
    %dma_start3A_745 = arith.constant 0 : i32
    %dma_start3A_746 = arith.constant 0 : i32
    %dma_start3A_747 = tpu.memref_slice %arg13[%dma_start3A_745, %dma_start3A_746] : memref<4112x128xf32, #tpu.memory_space<vmem_shared>> -> memref<4112x128xf32, #tpu.memory_space<vmem_shared>>
    tpu.enqueue_indirect_dma source(%arg8 : memref<128x128xf32, #tpu.memory_space<vmem>>) target(%dma_start3A_747 : memref<4112x128xf32, #tpu.memory_space<vmem_shared>>) offsets(%dma_start3A_744 : memref<128xi32, #tpu.memory_space<vmem>>) semaphore(%arg12 : memref<!tpu.dma_semaphore, #tpu.memory_space<semaphore_mem>>) {add = true}
    %dma_wait3A_748 = arith.constant 0 : i32
    %dma_wait3A_749 = tpu.memref_slice %arg2[%add3A_708, %dma_wait3A_748] : memref<32768x128xf32, #tpu.memory_space<hbm>> -> memref<128x128xf32, #tpu.memory_space<hbm>>
    %dma_wait3A_750 = arith.constant 0 : i32
    %dma_wait3A_751 = tpu.memref_slice %arg2[%add3A_708, %dma_wait3A_750] : memref<32768x128xf32, #tpu.memory_space<hbm>> -> memref<128x128xf32, #tpu.memory_space<hbm>>
    tpu.wait_dma2 semaphore(%arg11 : memref<!tpu.dma_semaphore, #tpu.memory_space<semaphore_mem>>) src(%dma_wait3A_751 : memref<128x128xf32, #tpu.memory_space<hbm>>) dst(%arg9 : memref<128x128xf32, #tpu.memory_space<vmem>>)
    %dma_start3A_752 = arith.constant 14 : i32
    %dma_start3A_753 = arith.constant 0 : i32
    %dma_start3A_754 = tpu.memref_slice %arg6[%dma_start3A_752, %dma_start3A_753] : memref<16x128xi32, #tpu.memory_space<vmem>> -> memref<1x128xi32, #tpu.memory_space<vmem>>
    %dma_start3A_755 = tpu.memref_squeeze %dma_start3A_754 : memref<1x128xi32, #tpu.memory_space<vmem>> -> memref<128xi32, #tpu.memory_space<vmem>>
    %dma_start3A_756 = arith.constant 0 : i32
    %dma_start3A_757 = arith.constant 0 : i32
    %dma_start3A_758 = tpu.memref_slice %arg13[%dma_start3A_756, %dma_start3A_757] : memref<4112x128xf32, #tpu.memory_space<vmem_shared>> -> memref<4112x128xf32, #tpu.memory_space<vmem_shared>>
    tpu.enqueue_indirect_dma source(%arg9 : memref<128x128xf32, #tpu.memory_space<vmem>>) target(%dma_start3A_758 : memref<4112x128xf32, #tpu.memory_space<vmem_shared>>) offsets(%dma_start3A_755 : memref<128xi32, #tpu.memory_space<vmem>>) semaphore(%arg12 : memref<!tpu.dma_semaphore, #tpu.memory_space<semaphore_mem>>) {add = true}
    %dma_wait3A_759 = arith.constant 0 : i32
    %dma_wait3A_760 = tpu.memref_slice %arg2[%add3A_732, %dma_wait3A_759] : memref<32768x128xf32, #tpu.memory_space<hbm>> -> memref<128x128xf32, #tpu.memory_space<hbm>>
    %dma_wait3A_761 = arith.constant 0 : i32
    %dma_wait3A_762 = tpu.memref_slice %arg2[%add3A_732, %dma_wait3A_761] : memref<32768x128xf32, #tpu.memory_space<hbm>> -> memref<128x128xf32, #tpu.memory_space<hbm>>
    tpu.wait_dma2 semaphore(%arg11 : memref<!tpu.dma_semaphore, #tpu.memory_space<semaphore_mem>>) src(%dma_wait3A_762 : memref<128x128xf32, #tpu.memory_space<hbm>>) dst(%arg10 : memref<128x128xf32, #tpu.memory_space<vmem>>)
    %dma_start3A_763 = arith.constant 15 : i32
    %dma_start3A_764 = arith.constant 0 : i32
    %dma_start3A_765 = tpu.memref_slice %arg6[%dma_start3A_763, %dma_start3A_764] : memref<16x128xi32, #tpu.memory_space<vmem>> -> memref<1x128xi32, #tpu.memory_space<vmem>>
    %dma_start3A_766 = tpu.memref_squeeze %dma_start3A_765 : memref<1x128xi32, #tpu.memory_space<vmem>> -> memref<128xi32, #tpu.memory_space<vmem>>
    %dma_start3A_767 = arith.constant 0 : i32
    %dma_start3A_768 = arith.constant 0 : i32
    %dma_start3A_769 = tpu.memref_slice %arg13[%dma_start3A_767, %dma_start3A_768] : memref<4112x128xf32, #tpu.memory_space<vmem_shared>> -> memref<4112x128xf32, #tpu.memory_space<vmem_shared>>
    tpu.enqueue_indirect_dma source(%arg10 : memref<128x128xf32, #tpu.memory_space<vmem>>) target(%dma_start3A_769 : memref<4112x128xf32, #tpu.memory_space<vmem_shared>>) offsets(%dma_start3A_766 : memref<128xi32, #tpu.memory_space<vmem>>) semaphore(%arg12 : memref<!tpu.dma_semaphore, #tpu.memory_space<semaphore_mem>>) {add = true}
    %dma_wait3A_770 = arith.constant 12 : i32
    %dma_wait3A_771 = arith.constant 0 : i32
    %dma_wait3A_772 = tpu.memref_slice %arg6[%dma_wait3A_770, %dma_wait3A_771] : memref<16x128xi32, #tpu.memory_space<vmem>> -> memref<1x128xi32, #tpu.memory_space<vmem>>
    %dma_wait3A_773 = tpu.memref_squeeze %dma_wait3A_772 : memref<1x128xi32, #tpu.memory_space<vmem>> -> memref<128xi32, #tpu.memory_space<vmem>>
    %dma_wait3A_774 = arith.constant 0 : i32
    %dma_wait3A_775 = arith.constant 0 : i32
    %dma_wait3A_776 = tpu.memref_slice %arg13[%dma_wait3A_774, %dma_wait3A_775] : memref<4112x128xf32, #tpu.memory_space<vmem_shared>> -> memref<4112x128xf32, #tpu.memory_space<vmem_shared>>
    tpu.wait_indirect_dma semaphore(%arg12 : memref<!tpu.dma_semaphore, #tpu.memory_space<semaphore_mem>>) src(%arg7 : memref<128x128xf32, #tpu.memory_space<vmem>>) dst(%dma_wait3A_776 : memref<4112x128xf32, #tpu.memory_space<vmem_shared>>)
    %dma_wait3A_777 = arith.constant 13 : i32
    %dma_wait3A_778 = arith.constant 0 : i32
    %dma_wait3A_779 = tpu.memref_slice %arg6[%dma_wait3A_777, %dma_wait3A_778] : memref<16x128xi32, #tpu.memory_space<vmem>> -> memref<1x128xi32, #tpu.memory_space<vmem>>
    %dma_wait3A_780 = tpu.memref_squeeze %dma_wait3A_779 : memref<1x128xi32, #tpu.memory_space<vmem>> -> memref<128xi32, #tpu.memory_space<vmem>>
    %dma_wait3A_781 = arith.constant 0 : i32
    %dma_wait3A_782 = arith.constant 0 : i32
    %dma_wait3A_783 = tpu.memref_slice %arg13[%dma_wait3A_781, %dma_wait3A_782] : memref<4112x128xf32, #tpu.memory_space<vmem_shared>> -> memref<4112x128xf32, #tpu.memory_space<vmem_shared>>
    tpu.wait_indirect_dma semaphore(%arg12 : memref<!tpu.dma_semaphore, #tpu.memory_space<semaphore_mem>>) src(%arg8 : memref<128x128xf32, #tpu.memory_space<vmem>>) dst(%dma_wait3A_783 : memref<4112x128xf32, #tpu.memory_space<vmem_shared>>)
    %dma_wait3A_784 = arith.constant 14 : i32
    %dma_wait3A_785 = arith.constant 0 : i32
    %dma_wait3A_786 = tpu.memref_slice %arg6[%dma_wait3A_784, %dma_wait3A_785] : memref<16x128xi32, #tpu.memory_space<vmem>> -> memref<1x128xi32, #tpu.memory_space<vmem>>
    %dma_wait3A_787 = tpu.memref_squeeze %dma_wait3A_786 : memref<1x128xi32, #tpu.memory_space<vmem>> -> memref<128xi32, #tpu.memory_space<vmem>>
    %dma_wait3A_788 = arith.constant 0 : i32
    %dma_wait3A_789 = arith.constant 0 : i32
    %dma_wait3A_790 = tpu.memref_slice %arg13[%dma_wait3A_788, %dma_wait3A_789] : memref<4112x128xf32, #tpu.memory_space<vmem_shared>> -> memref<4112x128xf32, #tpu.memory_space<vmem_shared>>
    tpu.wait_indirect_dma semaphore(%arg12 : memref<!tpu.dma_semaphore, #tpu.memory_space<semaphore_mem>>) src(%arg9 : memref<128x128xf32, #tpu.memory_space<vmem>>) dst(%dma_wait3A_790 : memref<4112x128xf32, #tpu.memory_space<vmem_shared>>)
    %dma_wait3A_791 = arith.constant 15 : i32
    %dma_wait3A_792 = arith.constant 0 : i32
    %dma_wait3A_793 = tpu.memref_slice %arg6[%dma_wait3A_791, %dma_wait3A_792] : memref<16x128xi32, #tpu.memory_space<vmem>> -> memref<1x128xi32, #tpu.memory_space<vmem>>
    %dma_wait3A_794 = tpu.memref_squeeze %dma_wait3A_793 : memref<1x128xi32, #tpu.memory_space<vmem>> -> memref<128xi32, #tpu.memory_space<vmem>>
    %dma_wait3A_795 = arith.constant 0 : i32
    %dma_wait3A_796 = arith.constant 0 : i32
    %dma_wait3A_797 = tpu.memref_slice %arg13[%dma_wait3A_795, %dma_wait3A_796] : memref<4112x128xf32, #tpu.memory_space<vmem_shared>> -> memref<4112x128xf32, #tpu.memory_space<vmem_shared>>
    tpu.wait_indirect_dma semaphore(%arg12 : memref<!tpu.dma_semaphore, #tpu.memory_space<semaphore_mem>>) src(%arg10 : memref<128x128xf32, #tpu.memory_space<vmem>>) dst(%dma_wait3A_797 : memref<4112x128xf32, #tpu.memory_space<vmem_shared>>)
    %barrier3A_798 = arith.constant 0 : index
    tpu.barrier barrier_id(%barrier3A_798)
    %mul3A_799 = arith.constant 256 : i32
    %mul3A_800 = arith.muli %arg1, %mul3A_799 : i32
    %mul3A_801 = arith.constant 4096 : i32
    %mul3A_802 = arith.muli %add3A_405, %mul3A_801 : i32
    %mul3A_803 = arith.constant 256 : i32
    %mul3A_804 = arith.muli %arg1, %mul3A_803 : i32
    %add3A_805 = arith.addi %mul3A_802, %mul3A_804 : i32
    "tpu.region"() ({
      %run_scoped3A = tpu.sem_alloc : memref<!tpu.dma_semaphore, #tpu.memory_space<semaphore_mem>>
      %dma_start3A_807 = arith.constant 0 : i32
      %dma_start3A_808 = tpu.memref_slice %arg5[%add3A_805, %dma_start3A_807] : memref<16384x128xf32, #tpu.memory_space<hbm>> -> memref<256x128xf32, #tpu.memory_space<hbm>>
      %dma_start3A_809 = arith.constant 0 : i32
      %dma_start3A_810 = tpu.memref_slice %arg13[%mul3A_800, %dma_start3A_809] : memref<4112x128xf32, #tpu.memory_space<vmem_shared>> -> memref<256x128xf32, #tpu.memory_space<vmem_shared>>
      tpu.enqueue_dma source(%dma_start3A_810 : memref<256x128xf32, #tpu.memory_space<vmem_shared>>) target(%dma_start3A_808 : memref<256x128xf32, #tpu.memory_space<hbm>>) target_semaphore(%run_scoped3A : memref<!tpu.dma_semaphore, #tpu.memory_space<semaphore_mem>>)
      %dma_wait3A_811 = arith.constant 0 : i32
      %dma_wait3A_812 = tpu.memref_slice %arg5[%add3A_805, %dma_wait3A_811] : memref<16384x128xf32, #tpu.memory_space<hbm>> -> memref<256x128xf32, #tpu.memory_space<hbm>>
      %dma_wait3A_813 = arith.constant 0 : i32
      %dma_wait3A_814 = tpu.memref_slice %arg13[%mul3A_800, %dma_wait3A_813] : memref<4112x128xf32, #tpu.memory_space<vmem_shared>> -> memref<256x128xf32, #tpu.memory_space<vmem_shared>>
      tpu.wait_dma2 semaphore(%run_scoped3A : memref<!tpu.dma_semaphore, #tpu.memory_space<semaphore_mem>>) src(%dma_wait3A_814 : memref<256x128xf32, #tpu.memory_space<vmem_shared>>) dst(%dma_wait3A_812 : memref<256x128xf32, #tpu.memory_space<hbm>>)
      tpu.yield
    }) : () -> ()
    %barrier3A_806 = arith.constant 0 : index
    tpu.barrier barrier_id(%barrier3A_806)
    return
  }
}

#map = affine_map<(d0, d1) -> (0, 0)>
module attributes {stable_mosaic.version = 14 : i64} {
  func.func @k(%arg0: i32, %arg1: i32, %arg2: memref<16384x128xf32, #tpu.memory_space<hbm>>, %arg3: memref<256x128xi32, #tpu.memory_space<hbm>>, %arg4: memref<32768x128xf32, #tpu.memory_space<hbm>>, %arg5: memref<8x128xi32, #tpu.memory_space<vmem>>, %arg6: memref<512x128xf32, #tpu.memory_space<vmem>>, %arg7: memref<!tpu.dma_semaphore, #tpu.memory_space<semaphore_mem>>) attributes {dimension_semantics = [#tpu.dimension_semantics<core_parallel>, #tpu.dimension_semantics<subcore_parallel>], iteration_bounds = array<i64: 2, 16>, scalar_prefetch = 0 : i64, scratch_operands = 3 : i64, tpu.core_type = #tpu.core_type<sc_vector_subcore>, window_params = [{transform_indices = #map}, {transform_indices = #map}, {transform_indices = #map}]} {
    %mul3A = arith.constant 2 : i32
    %mul3A_0 = arith.muli %arg1, %mul3A : i32
    %add3A = arith.addi %mul3A_0, %arg0 : i32
    %mul3A_1 = arith.constant 8 : i32
    %mul3A_2 = arith.muli %add3A, %mul3A_1 : i32
    "tpu.region"() ({
      %run_scoped3A = tpu.sem_alloc : memref<!tpu.dma_semaphore, #tpu.memory_space<semaphore_mem>>
      %dma_start3A_169 = arith.constant 0 : i32
      %dma_start3A_170 = tpu.memref_slice %arg3[%mul3A_2, %dma_start3A_169] : memref<256x128xi32, #tpu.memory_space<hbm>> -> memref<8x128xi32, #tpu.memory_space<hbm>>
      %dma_start3A_171 = arith.constant 0 : i32
      %dma_start3A_172 = tpu.memref_slice %arg3[%mul3A_2, %dma_start3A_171] : memref<256x128xi32, #tpu.memory_space<hbm>> -> memref<8x128xi32, #tpu.memory_space<hbm>>
      tpu.enqueue_dma source(%dma_start3A_172 : memref<8x128xi32, #tpu.memory_space<hbm>>) target(%arg5 : memref<8x128xi32, #tpu.memory_space<vmem>>) target_semaphore(%run_scoped3A : memref<!tpu.dma_semaphore, #tpu.memory_space<semaphore_mem>>)
      %dma_wait3A_173 = arith.constant 0 : i32
      %dma_wait3A_174 = tpu.memref_slice %arg3[%mul3A_2, %dma_wait3A_173] : memref<256x128xi32, #tpu.memory_space<hbm>> -> memref<8x128xi32, #tpu.memory_space<hbm>>
      %dma_wait3A_175 = arith.constant 0 : i32
      %dma_wait3A_176 = tpu.memref_slice %arg3[%mul3A_2, %dma_wait3A_175] : memref<256x128xi32, #tpu.memory_space<hbm>> -> memref<8x128xi32, #tpu.memory_space<hbm>>
      tpu.wait_dma2 semaphore(%run_scoped3A : memref<!tpu.dma_semaphore, #tpu.memory_space<semaphore_mem>>) src(%dma_wait3A_176 : memref<8x128xi32, #tpu.memory_space<hbm>>) dst(%arg5 : memref<8x128xi32, #tpu.memory_space<vmem>>)
      tpu.yield
    }) : () -> ()
    %dma_start3A = arith.constant 0 : i32
    %dma_start3A_3 = arith.constant 0 : i32
    %dma_start3A_4 = arith.constant 0 : i32
    %dma_start3A_5 = tpu.memref_slice %arg6[%dma_start3A_3, %dma_start3A_4] : memref<512x128xf32, #tpu.memory_space<vmem>> -> memref<128x128xf32, #tpu.memory_space<vmem>>
    %dma_start3A_6 = arith.constant 0 : i32
    %dma_start3A_7 = tpu.memref_slice %arg5[%dma_start3A, %dma_start3A_6] : memref<8x128xi32, #tpu.memory_space<vmem>> -> memref<1x128xi32, #tpu.memory_space<vmem>>
    %dma_start3A_8 = tpu.memref_squeeze %dma_start3A_7 : memref<1x128xi32, #tpu.memory_space<vmem>> -> memref<128xi32, #tpu.memory_space<vmem>>
    %dma_start3A_9 = arith.constant 0 : i32
    %dma_start3A_10 = arith.constant 0 : i32
    %dma_start3A_11 = tpu.memref_slice %arg2[%dma_start3A_9, %dma_start3A_10] : memref<16384x128xf32, #tpu.memory_space<hbm>> -> memref<16384x128xf32, #tpu.memory_space<hbm>>
    tpu.enqueue_indirect_dma source(%dma_start3A_11 : memref<16384x128xf32, #tpu.memory_space<hbm>>) target(%dma_start3A_5 : memref<128x128xf32, #tpu.memory_space<vmem>>) offsets(%dma_start3A_8 : memref<128xi32, #tpu.memory_space<vmem>>) semaphore(%arg7 : memref<!tpu.dma_semaphore, #tpu.memory_space<semaphore_mem>>)
    %dma_start3A_12 = arith.constant 1 : i32
    %dma_start3A_13 = arith.constant 128 : i32
    %dma_start3A_14 = arith.constant 0 : i32
    %dma_start3A_15 = tpu.memref_slice %arg6[%dma_start3A_13, %dma_start3A_14] : memref<512x128xf32, #tpu.memory_space<vmem>> -> memref<128x128xf32, #tpu.memory_space<vmem>>
    %dma_start3A_16 = arith.constant 0 : i32
    %dma_start3A_17 = tpu.memref_slice %arg5[%dma_start3A_12, %dma_start3A_16] : memref<8x128xi32, #tpu.memory_space<vmem>> -> memref<1x128xi32, #tpu.memory_space<vmem>>
    %dma_start3A_18 = tpu.memref_squeeze %dma_start3A_17 : memref<1x128xi32, #tpu.memory_space<vmem>> -> memref<128xi32, #tpu.memory_space<vmem>>
    %dma_start3A_19 = arith.constant 0 : i32
    %dma_start3A_20 = arith.constant 0 : i32
    %dma_start3A_21 = tpu.memref_slice %arg2[%dma_start3A_19, %dma_start3A_20] : memref<16384x128xf32, #tpu.memory_space<hbm>> -> memref<16384x128xf32, #tpu.memory_space<hbm>>
    tpu.enqueue_indirect_dma source(%dma_start3A_21 : memref<16384x128xf32, #tpu.memory_space<hbm>>) target(%dma_start3A_15 : memref<128x128xf32, #tpu.memory_space<vmem>>) offsets(%dma_start3A_18 : memref<128xi32, #tpu.memory_space<vmem>>) semaphore(%arg7 : memref<!tpu.dma_semaphore, #tpu.memory_space<semaphore_mem>>)
    %dma_start3A_22 = arith.constant 2 : i32
    %dma_start3A_23 = arith.constant 256 : i32
    %dma_start3A_24 = arith.constant 0 : i32
    %dma_start3A_25 = tpu.memref_slice %arg6[%dma_start3A_23, %dma_start3A_24] : memref<512x128xf32, #tpu.memory_space<vmem>> -> memref<128x128xf32, #tpu.memory_space<vmem>>
    %dma_start3A_26 = arith.constant 0 : i32
    %dma_start3A_27 = tpu.memref_slice %arg5[%dma_start3A_22, %dma_start3A_26] : memref<8x128xi32, #tpu.memory_space<vmem>> -> memref<1x128xi32, #tpu.memory_space<vmem>>
    %dma_start3A_28 = tpu.memref_squeeze %dma_start3A_27 : memref<1x128xi32, #tpu.memory_space<vmem>> -> memref<128xi32, #tpu.memory_space<vmem>>
    %dma_start3A_29 = arith.constant 0 : i32
    %dma_start3A_30 = arith.constant 0 : i32
    %dma_start3A_31 = tpu.memref_slice %arg2[%dma_start3A_29, %dma_start3A_30] : memref<16384x128xf32, #tpu.memory_space<hbm>> -> memref<16384x128xf32, #tpu.memory_space<hbm>>
    tpu.enqueue_indirect_dma source(%dma_start3A_31 : memref<16384x128xf32, #tpu.memory_space<hbm>>) target(%dma_start3A_25 : memref<128x128xf32, #tpu.memory_space<vmem>>) offsets(%dma_start3A_28 : memref<128xi32, #tpu.memory_space<vmem>>) semaphore(%arg7 : memref<!tpu.dma_semaphore, #tpu.memory_space<semaphore_mem>>)
    %dma_start3A_32 = arith.constant 3 : i32
    %dma_start3A_33 = arith.constant 384 : i32
    %dma_start3A_34 = arith.constant 0 : i32
    %dma_start3A_35 = tpu.memref_slice %arg6[%dma_start3A_33, %dma_start3A_34] : memref<512x128xf32, #tpu.memory_space<vmem>> -> memref<128x128xf32, #tpu.memory_space<vmem>>
    %dma_start3A_36 = arith.constant 0 : i32
    %dma_start3A_37 = tpu.memref_slice %arg5[%dma_start3A_32, %dma_start3A_36] : memref<8x128xi32, #tpu.memory_space<vmem>> -> memref<1x128xi32, #tpu.memory_space<vmem>>
    %dma_start3A_38 = tpu.memref_squeeze %dma_start3A_37 : memref<1x128xi32, #tpu.memory_space<vmem>> -> memref<128xi32, #tpu.memory_space<vmem>>
    %dma_start3A_39 = arith.constant 0 : i32
    %dma_start3A_40 = arith.constant 0 : i32
    %dma_start3A_41 = tpu.memref_slice %arg2[%dma_start3A_39, %dma_start3A_40] : memref<16384x128xf32, #tpu.memory_space<hbm>> -> memref<16384x128xf32, #tpu.memory_space<hbm>>
    tpu.enqueue_indirect_dma source(%dma_start3A_41 : memref<16384x128xf32, #tpu.memory_space<hbm>>) target(%dma_start3A_35 : memref<128x128xf32, #tpu.memory_space<vmem>>) offsets(%dma_start3A_38 : memref<128xi32, #tpu.memory_space<vmem>>) semaphore(%arg7 : memref<!tpu.dma_semaphore, #tpu.memory_space<semaphore_mem>>)
    %dma_wait3A = arith.constant 0 : i32
    %dma_wait3A_42 = arith.constant 0 : i32
    %dma_wait3A_43 = arith.constant 0 : i32
    %dma_wait3A_44 = tpu.memref_slice %arg6[%dma_wait3A_42, %dma_wait3A_43] : memref<512x128xf32, #tpu.memory_space<vmem>> -> memref<128x128xf32, #tpu.memory_space<vmem>>
    %dma_wait3A_45 = arith.constant 0 : i32
    %dma_wait3A_46 = tpu.memref_slice %arg5[%dma_wait3A, %dma_wait3A_45] : memref<8x128xi32, #tpu.memory_space<vmem>> -> memref<1x128xi32, #tpu.memory_space<vmem>>
    %dma_wait3A_47 = tpu.memref_squeeze %dma_wait3A_46 : memref<1x128xi32, #tpu.memory_space<vmem>> -> memref<128xi32, #tpu.memory_space<vmem>>
    %dma_wait3A_48 = arith.constant 0 : i32
    %dma_wait3A_49 = arith.constant 0 : i32
    %dma_wait3A_50 = tpu.memref_slice %arg2[%dma_wait3A_48, %dma_wait3A_49] : memref<16384x128xf32, #tpu.memory_space<hbm>> -> memref<16384x128xf32, #tpu.memory_space<hbm>>
    tpu.wait_indirect_dma semaphore(%arg7 : memref<!tpu.dma_semaphore, #tpu.memory_space<semaphore_mem>>) src(%dma_wait3A_50 : memref<16384x128xf32, #tpu.memory_space<hbm>>) dst(%dma_wait3A_44 : memref<128x128xf32, #tpu.memory_space<vmem>>)
    %dma_wait3A_51 = arith.constant 1 : i32
    %dma_wait3A_52 = arith.constant 128 : i32
    %dma_wait3A_53 = arith.constant 0 : i32
    %dma_wait3A_54 = tpu.memref_slice %arg6[%dma_wait3A_52, %dma_wait3A_53] : memref<512x128xf32, #tpu.memory_space<vmem>> -> memref<128x128xf32, #tpu.memory_space<vmem>>
    %dma_wait3A_55 = arith.constant 0 : i32
    %dma_wait3A_56 = tpu.memref_slice %arg5[%dma_wait3A_51, %dma_wait3A_55] : memref<8x128xi32, #tpu.memory_space<vmem>> -> memref<1x128xi32, #tpu.memory_space<vmem>>
    %dma_wait3A_57 = tpu.memref_squeeze %dma_wait3A_56 : memref<1x128xi32, #tpu.memory_space<vmem>> -> memref<128xi32, #tpu.memory_space<vmem>>
    %dma_wait3A_58 = arith.constant 0 : i32
    %dma_wait3A_59 = arith.constant 0 : i32
    %dma_wait3A_60 = tpu.memref_slice %arg2[%dma_wait3A_58, %dma_wait3A_59] : memref<16384x128xf32, #tpu.memory_space<hbm>> -> memref<16384x128xf32, #tpu.memory_space<hbm>>
    tpu.wait_indirect_dma semaphore(%arg7 : memref<!tpu.dma_semaphore, #tpu.memory_space<semaphore_mem>>) src(%dma_wait3A_60 : memref<16384x128xf32, #tpu.memory_space<hbm>>) dst(%dma_wait3A_54 : memref<128x128xf32, #tpu.memory_space<vmem>>)
    %dma_wait3A_61 = arith.constant 2 : i32
    %dma_wait3A_62 = arith.constant 256 : i32
    %dma_wait3A_63 = arith.constant 0 : i32
    %dma_wait3A_64 = tpu.memref_slice %arg6[%dma_wait3A_62, %dma_wait3A_63] : memref<512x128xf32, #tpu.memory_space<vmem>> -> memref<128x128xf32, #tpu.memory_space<vmem>>
    %dma_wait3A_65 = arith.constant 0 : i32
    %dma_wait3A_66 = tpu.memref_slice %arg5[%dma_wait3A_61, %dma_wait3A_65] : memref<8x128xi32, #tpu.memory_space<vmem>> -> memref<1x128xi32, #tpu.memory_space<vmem>>
    %dma_wait3A_67 = tpu.memref_squeeze %dma_wait3A_66 : memref<1x128xi32, #tpu.memory_space<vmem>> -> memref<128xi32, #tpu.memory_space<vmem>>
    %dma_wait3A_68 = arith.constant 0 : i32
    %dma_wait3A_69 = arith.constant 0 : i32
    %dma_wait3A_70 = tpu.memref_slice %arg2[%dma_wait3A_68, %dma_wait3A_69] : memref<16384x128xf32, #tpu.memory_space<hbm>> -> memref<16384x128xf32, #tpu.memory_space<hbm>>
    tpu.wait_indirect_dma semaphore(%arg7 : memref<!tpu.dma_semaphore, #tpu.memory_space<semaphore_mem>>) src(%dma_wait3A_70 : memref<16384x128xf32, #tpu.memory_space<hbm>>) dst(%dma_wait3A_64 : memref<128x128xf32, #tpu.memory_space<vmem>>)
    %dma_wait3A_71 = arith.constant 3 : i32
    %dma_wait3A_72 = arith.constant 384 : i32
    %dma_wait3A_73 = arith.constant 0 : i32
    %dma_wait3A_74 = tpu.memref_slice %arg6[%dma_wait3A_72, %dma_wait3A_73] : memref<512x128xf32, #tpu.memory_space<vmem>> -> memref<128x128xf32, #tpu.memory_space<vmem>>
    %dma_wait3A_75 = arith.constant 0 : i32
    %dma_wait3A_76 = tpu.memref_slice %arg5[%dma_wait3A_71, %dma_wait3A_75] : memref<8x128xi32, #tpu.memory_space<vmem>> -> memref<1x128xi32, #tpu.memory_space<vmem>>
    %dma_wait3A_77 = tpu.memref_squeeze %dma_wait3A_76 : memref<1x128xi32, #tpu.memory_space<vmem>> -> memref<128xi32, #tpu.memory_space<vmem>>
    %dma_wait3A_78 = arith.constant 0 : i32
    %dma_wait3A_79 = arith.constant 0 : i32
    %dma_wait3A_80 = tpu.memref_slice %arg2[%dma_wait3A_78, %dma_wait3A_79] : memref<16384x128xf32, #tpu.memory_space<hbm>> -> memref<16384x128xf32, #tpu.memory_space<hbm>>
    tpu.wait_indirect_dma semaphore(%arg7 : memref<!tpu.dma_semaphore, #tpu.memory_space<semaphore_mem>>) src(%dma_wait3A_80 : memref<16384x128xf32, #tpu.memory_space<hbm>>) dst(%dma_wait3A_74 : memref<128x128xf32, #tpu.memory_space<vmem>>)
    %mul3A_81 = arith.constant 1024 : i32
    %mul3A_82 = arith.muli %add3A, %mul3A_81 : i32
    %add3A_83 = arith.constant 0 : i32
    %add3A_84 = arith.addi %mul3A_82, %add3A_83 : i32
    "tpu.region"() ({
      %run_scoped3A = tpu.sem_alloc : memref<!tpu.dma_semaphore, #tpu.memory_space<semaphore_mem>>
      %dma_start3A_169 = arith.constant 0 : i32
      %dma_start3A_170 = tpu.memref_slice %arg4[%add3A_84, %dma_start3A_169] : memref<32768x128xf32, #tpu.memory_space<hbm>> -> memref<512x128xf32, #tpu.memory_space<hbm>>
      %dma_start3A_171 = arith.constant 0 : i32
      %dma_start3A_172 = tpu.memref_slice %arg4[%add3A_84, %dma_start3A_171] : memref<32768x128xf32, #tpu.memory_space<hbm>> -> memref<512x128xf32, #tpu.memory_space<hbm>>
      tpu.enqueue_dma source(%arg6 : memref<512x128xf32, #tpu.memory_space<vmem>>) target(%dma_start3A_172 : memref<512x128xf32, #tpu.memory_space<hbm>>) target_semaphore(%run_scoped3A : memref<!tpu.dma_semaphore, #tpu.memory_space<semaphore_mem>>)
      %dma_wait3A_173 = arith.constant 0 : i32
      %dma_wait3A_174 = tpu.memref_slice %arg4[%add3A_84, %dma_wait3A_173] : memref<32768x128xf32, #tpu.memory_space<hbm>> -> memref<512x128xf32, #tpu.memory_space<hbm>>
      %dma_wait3A_175 = arith.constant 0 : i32
      %dma_wait3A_176 = tpu.memref_slice %arg4[%add3A_84, %dma_wait3A_175] : memref<32768x128xf32, #tpu.memory_space<hbm>> -> memref<512x128xf32, #tpu.memory_space<hbm>>
      tpu.wait_dma2 semaphore(%run_scoped3A : memref<!tpu.dma_semaphore, #tpu.memory_space<semaphore_mem>>) src(%arg6 : memref<512x128xf32, #tpu.memory_space<vmem>>) dst(%dma_wait3A_176 : memref<512x128xf32, #tpu.memory_space<hbm>>)
      tpu.yield
    }) : () -> ()
    %dma_start3A_85 = arith.constant 4 : i32
    %dma_start3A_86 = arith.constant 0 : i32
    %dma_start3A_87 = arith.constant 0 : i32
    %dma_start3A_88 = tpu.memref_slice %arg6[%dma_start3A_86, %dma_start3A_87] : memref<512x128xf32, #tpu.memory_space<vmem>> -> memref<128x128xf32, #tpu.memory_space<vmem>>
    %dma_start3A_89 = arith.constant 0 : i32
    %dma_start3A_90 = tpu.memref_slice %arg5[%dma_start3A_85, %dma_start3A_89] : memref<8x128xi32, #tpu.memory_space<vmem>> -> memref<1x128xi32, #tpu.memory_space<vmem>>
    %dma_start3A_91 = tpu.memref_squeeze %dma_start3A_90 : memref<1x128xi32, #tpu.memory_space<vmem>> -> memref<128xi32, #tpu.memory_space<vmem>>
    %dma_start3A_92 = arith.constant 0 : i32
    %dma_start3A_93 = arith.constant 0 : i32
    %dma_start3A_94 = tpu.memref_slice %arg2[%dma_start3A_92, %dma_start3A_93] : memref<16384x128xf32, #tpu.memory_space<hbm>> -> memref<16384x128xf32, #tpu.memory_space<hbm>>
    tpu.enqueue_indirect_dma source(%dma_start3A_94 : memref<16384x128xf32, #tpu.memory_space<hbm>>) target(%dma_start3A_88 : memref<128x128xf32, #tpu.memory_space<vmem>>) offsets(%dma_start3A_91 : memref<128xi32, #tpu.memory_space<vmem>>) semaphore(%arg7 : memref<!tpu.dma_semaphore, #tpu.memory_space<semaphore_mem>>)
    %dma_start3A_95 = arith.constant 5 : i32
    %dma_start3A_96 = arith.constant 128 : i32
    %dma_start3A_97 = arith.constant 0 : i32
    %dma_start3A_98 = tpu.memref_slice %arg6[%dma_start3A_96, %dma_start3A_97] : memref<512x128xf32, #tpu.memory_space<vmem>> -> memref<128x128xf32, #tpu.memory_space<vmem>>
    %dma_start3A_99 = arith.constant 0 : i32
    %dma_start3A_100 = tpu.memref_slice %arg5[%dma_start3A_95, %dma_start3A_99] : memref<8x128xi32, #tpu.memory_space<vmem>> -> memref<1x128xi32, #tpu.memory_space<vmem>>
    %dma_start3A_101 = tpu.memref_squeeze %dma_start3A_100 : memref<1x128xi32, #tpu.memory_space<vmem>> -> memref<128xi32, #tpu.memory_space<vmem>>
    %dma_start3A_102 = arith.constant 0 : i32
    %dma_start3A_103 = arith.constant 0 : i32
    %dma_start3A_104 = tpu.memref_slice %arg2[%dma_start3A_102, %dma_start3A_103] : memref<16384x128xf32, #tpu.memory_space<hbm>> -> memref<16384x128xf32, #tpu.memory_space<hbm>>
    tpu.enqueue_indirect_dma source(%dma_start3A_104 : memref<16384x128xf32, #tpu.memory_space<hbm>>) target(%dma_start3A_98 : memref<128x128xf32, #tpu.memory_space<vmem>>) offsets(%dma_start3A_101 : memref<128xi32, #tpu.memory_space<vmem>>) semaphore(%arg7 : memref<!tpu.dma_semaphore, #tpu.memory_space<semaphore_mem>>)
    %dma_start3A_105 = arith.constant 6 : i32
    %dma_start3A_106 = arith.constant 256 : i32
    %dma_start3A_107 = arith.constant 0 : i32
    %dma_start3A_108 = tpu.memref_slice %arg6[%dma_start3A_106, %dma_start3A_107] : memref<512x128xf32, #tpu.memory_space<vmem>> -> memref<128x128xf32, #tpu.memory_space<vmem>>
    %dma_start3A_109 = arith.constant 0 : i32
    %dma_start3A_110 = tpu.memref_slice %arg5[%dma_start3A_105, %dma_start3A_109] : memref<8x128xi32, #tpu.memory_space<vmem>> -> memref<1x128xi32, #tpu.memory_space<vmem>>
    %dma_start3A_111 = tpu.memref_squeeze %dma_start3A_110 : memref<1x128xi32, #tpu.memory_space<vmem>> -> memref<128xi32, #tpu.memory_space<vmem>>
    %dma_start3A_112 = arith.constant 0 : i32
    %dma_start3A_113 = arith.constant 0 : i32
    %dma_start3A_114 = tpu.memref_slice %arg2[%dma_start3A_112, %dma_start3A_113] : memref<16384x128xf32, #tpu.memory_space<hbm>> -> memref<16384x128xf32, #tpu.memory_space<hbm>>
    tpu.enqueue_indirect_dma source(%dma_start3A_114 : memref<16384x128xf32, #tpu.memory_space<hbm>>) target(%dma_start3A_108 : memref<128x128xf32, #tpu.memory_space<vmem>>) offsets(%dma_start3A_111 : memref<128xi32, #tpu.memory_space<vmem>>) semaphore(%arg7 : memref<!tpu.dma_semaphore, #tpu.memory_space<semaphore_mem>>)
    %dma_start3A_115 = arith.constant 7 : i32
    %dma_start3A_116 = arith.constant 384 : i32
    %dma_start3A_117 = arith.constant 0 : i32
    %dma_start3A_118 = tpu.memref_slice %arg6[%dma_start3A_116, %dma_start3A_117] : memref<512x128xf32, #tpu.memory_space<vmem>> -> memref<128x128xf32, #tpu.memory_space<vmem>>
    %dma_start3A_119 = arith.constant 0 : i32
    %dma_start3A_120 = tpu.memref_slice %arg5[%dma_start3A_115, %dma_start3A_119] : memref<8x128xi32, #tpu.memory_space<vmem>> -> memref<1x128xi32, #tpu.memory_space<vmem>>
    %dma_start3A_121 = tpu.memref_squeeze %dma_start3A_120 : memref<1x128xi32, #tpu.memory_space<vmem>> -> memref<128xi32, #tpu.memory_space<vmem>>
    %dma_start3A_122 = arith.constant 0 : i32
    %dma_start3A_123 = arith.constant 0 : i32
    %dma_start3A_124 = tpu.memref_slice %arg2[%dma_start3A_122, %dma_start3A_123] : memref<16384x128xf32, #tpu.memory_space<hbm>> -> memref<16384x128xf32, #tpu.memory_space<hbm>>
    tpu.enqueue_indirect_dma source(%dma_start3A_124 : memref<16384x128xf32, #tpu.memory_space<hbm>>) target(%dma_start3A_118 : memref<128x128xf32, #tpu.memory_space<vmem>>) offsets(%dma_start3A_121 : memref<128xi32, #tpu.memory_space<vmem>>) semaphore(%arg7 : memref<!tpu.dma_semaphore, #tpu.memory_space<semaphore_mem>>)
    %dma_wait3A_125 = arith.constant 4 : i32
    %dma_wait3A_126 = arith.constant 0 : i32
    %dma_wait3A_127 = arith.constant 0 : i32
    %dma_wait3A_128 = tpu.memref_slice %arg6[%dma_wait3A_126, %dma_wait3A_127] : memref<512x128xf32, #tpu.memory_space<vmem>> -> memref<128x128xf32, #tpu.memory_space<vmem>>
    %dma_wait3A_129 = arith.constant 0 : i32
    %dma_wait3A_130 = tpu.memref_slice %arg5[%dma_wait3A_125, %dma_wait3A_129] : memref<8x128xi32, #tpu.memory_space<vmem>> -> memref<1x128xi32, #tpu.memory_space<vmem>>
    %dma_wait3A_131 = tpu.memref_squeeze %dma_wait3A_130 : memref<1x128xi32, #tpu.memory_space<vmem>> -> memref<128xi32, #tpu.memory_space<vmem>>
    %dma_wait3A_132 = arith.constant 0 : i32
    %dma_wait3A_133 = arith.constant 0 : i32
    %dma_wait3A_134 = tpu.memref_slice %arg2[%dma_wait3A_132, %dma_wait3A_133] : memref<16384x128xf32, #tpu.memory_space<hbm>> -> memref<16384x128xf32, #tpu.memory_space<hbm>>
    tpu.wait_indirect_dma semaphore(%arg7 : memref<!tpu.dma_semaphore, #tpu.memory_space<semaphore_mem>>) src(%dma_wait3A_134 : memref<16384x128xf32, #tpu.memory_space<hbm>>) dst(%dma_wait3A_128 : memref<128x128xf32, #tpu.memory_space<vmem>>)
    %dma_wait3A_135 = arith.constant 5 : i32
    %dma_wait3A_136 = arith.constant 128 : i32
    %dma_wait3A_137 = arith.constant 0 : i32
    %dma_wait3A_138 = tpu.memref_slice %arg6[%dma_wait3A_136, %dma_wait3A_137] : memref<512x128xf32, #tpu.memory_space<vmem>> -> memref<128x128xf32, #tpu.memory_space<vmem>>
    %dma_wait3A_139 = arith.constant 0 : i32
    %dma_wait3A_140 = tpu.memref_slice %arg5[%dma_wait3A_135, %dma_wait3A_139] : memref<8x128xi32, #tpu.memory_space<vmem>> -> memref<1x128xi32, #tpu.memory_space<vmem>>
    %dma_wait3A_141 = tpu.memref_squeeze %dma_wait3A_140 : memref<1x128xi32, #tpu.memory_space<vmem>> -> memref<128xi32, #tpu.memory_space<vmem>>
    %dma_wait3A_142 = arith.constant 0 : i32
    %dma_wait3A_143 = arith.constant 0 : i32
    %dma_wait3A_144 = tpu.memref_slice %arg2[%dma_wait3A_142, %dma_wait3A_143] : memref<16384x128xf32, #tpu.memory_space<hbm>> -> memref<16384x128xf32, #tpu.memory_space<hbm>>
    tpu.wait_indirect_dma semaphore(%arg7 : memref<!tpu.dma_semaphore, #tpu.memory_space<semaphore_mem>>) src(%dma_wait3A_144 : memref<16384x128xf32, #tpu.memory_space<hbm>>) dst(%dma_wait3A_138 : memref<128x128xf32, #tpu.memory_space<vmem>>)
    %dma_wait3A_145 = arith.constant 6 : i32
    %dma_wait3A_146 = arith.constant 256 : i32
    %dma_wait3A_147 = arith.constant 0 : i32
    %dma_wait3A_148 = tpu.memref_slice %arg6[%dma_wait3A_146, %dma_wait3A_147] : memref<512x128xf32, #tpu.memory_space<vmem>> -> memref<128x128xf32, #tpu.memory_space<vmem>>
    %dma_wait3A_149 = arith.constant 0 : i32
    %dma_wait3A_150 = tpu.memref_slice %arg5[%dma_wait3A_145, %dma_wait3A_149] : memref<8x128xi32, #tpu.memory_space<vmem>> -> memref<1x128xi32, #tpu.memory_space<vmem>>
    %dma_wait3A_151 = tpu.memref_squeeze %dma_wait3A_150 : memref<1x128xi32, #tpu.memory_space<vmem>> -> memref<128xi32, #tpu.memory_space<vmem>>
    %dma_wait3A_152 = arith.constant 0 : i32
    %dma_wait3A_153 = arith.constant 0 : i32
    %dma_wait3A_154 = tpu.memref_slice %arg2[%dma_wait3A_152, %dma_wait3A_153] : memref<16384x128xf32, #tpu.memory_space<hbm>> -> memref<16384x128xf32, #tpu.memory_space<hbm>>
    tpu.wait_indirect_dma semaphore(%arg7 : memref<!tpu.dma_semaphore, #tpu.memory_space<semaphore_mem>>) src(%dma_wait3A_154 : memref<16384x128xf32, #tpu.memory_space<hbm>>) dst(%dma_wait3A_148 : memref<128x128xf32, #tpu.memory_space<vmem>>)
    %dma_wait3A_155 = arith.constant 7 : i32
    %dma_wait3A_156 = arith.constant 384 : i32
    %dma_wait3A_157 = arith.constant 0 : i32
    %dma_wait3A_158 = tpu.memref_slice %arg6[%dma_wait3A_156, %dma_wait3A_157] : memref<512x128xf32, #tpu.memory_space<vmem>> -> memref<128x128xf32, #tpu.memory_space<vmem>>
    %dma_wait3A_159 = arith.constant 0 : i32
    %dma_wait3A_160 = tpu.memref_slice %arg5[%dma_wait3A_155, %dma_wait3A_159] : memref<8x128xi32, #tpu.memory_space<vmem>> -> memref<1x128xi32, #tpu.memory_space<vmem>>
    %dma_wait3A_161 = tpu.memref_squeeze %dma_wait3A_160 : memref<1x128xi32, #tpu.memory_space<vmem>> -> memref<128xi32, #tpu.memory_space<vmem>>
    %dma_wait3A_162 = arith.constant 0 : i32
    %dma_wait3A_163 = arith.constant 0 : i32
    %dma_wait3A_164 = tpu.memref_slice %arg2[%dma_wait3A_162, %dma_wait3A_163] : memref<16384x128xf32, #tpu.memory_space<hbm>> -> memref<16384x128xf32, #tpu.memory_space<hbm>>
    tpu.wait_indirect_dma semaphore(%arg7 : memref<!tpu.dma_semaphore, #tpu.memory_space<semaphore_mem>>) src(%dma_wait3A_164 : memref<16384x128xf32, #tpu.memory_space<hbm>>) dst(%dma_wait3A_158 : memref<128x128xf32, #tpu.memory_space<vmem>>)
    %mul3A_165 = arith.constant 1024 : i32
    %mul3A_166 = arith.muli %add3A, %mul3A_165 : i32
    %add3A_167 = arith.constant 512 : i32
    %add3A_168 = arith.addi %mul3A_166, %add3A_167 : i32
    "tpu.region"() ({
      %run_scoped3A = tpu.sem_alloc : memref<!tpu.dma_semaphore, #tpu.memory_space<semaphore_mem>>
      %dma_start3A_169 = arith.constant 0 : i32
      %dma_start3A_170 = tpu.memref_slice %arg4[%add3A_168, %dma_start3A_169] : memref<32768x128xf32, #tpu.memory_space<hbm>> -> memref<512x128xf32, #tpu.memory_space<hbm>>
      %dma_start3A_171 = arith.constant 0 : i32
      %dma_start3A_172 = tpu.memref_slice %arg4[%add3A_168, %dma_start3A_171] : memref<32768x128xf32, #tpu.memory_space<hbm>> -> memref<512x128xf32, #tpu.memory_space<hbm>>
      tpu.enqueue_dma source(%arg6 : memref<512x128xf32, #tpu.memory_space<vmem>>) target(%dma_start3A_172 : memref<512x128xf32, #tpu.memory_space<hbm>>) target_semaphore(%run_scoped3A : memref<!tpu.dma_semaphore, #tpu.memory_space<semaphore_mem>>)
      %dma_wait3A_173 = arith.constant 0 : i32
      %dma_wait3A_174 = tpu.memref_slice %arg4[%add3A_168, %dma_wait3A_173] : memref<32768x128xf32, #tpu.memory_space<hbm>> -> memref<512x128xf32, #tpu.memory_space<hbm>>
      %dma_wait3A_175 = arith.constant 0 : i32
      %dma_wait3A_176 = tpu.memref_slice %arg4[%add3A_168, %dma_wait3A_175] : memref<32768x128xf32, #tpu.memory_space<hbm>> -> memref<512x128xf32, #tpu.memory_space<hbm>>
      tpu.wait_dma2 semaphore(%run_scoped3A : memref<!tpu.dma_semaphore, #tpu.memory_space<semaphore_mem>>) src(%arg6 : memref<512x128xf32, #tpu.memory_space<vmem>>) dst(%dma_wait3A_176 : memref<512x128xf32, #tpu.memory_space<hbm>>)
      tpu.yield
    }) : () -> ()
    return
  }
}

#map = affine_map<(d0, d1) -> (0, 0)>
module attributes {stable_mosaic.version = 14 : i64} {
  func.func @k(%arg0: i32, %arg1: i32, %arg2: memref<16384x128xf32, #tpu.memory_space<hbm>>, %arg3: memref<256x128xi32, #tpu.memory_space<hbm>>, %arg4: memref<32768x128xf32, #tpu.memory_space<hbm>>, %arg5: memref<8x128xi32, #tpu.memory_space<vmem>>, %arg6: memref<512x128xf32, #tpu.memory_space<vmem>>, %arg7: memref<!tpu.dma_semaphore, #tpu.memory_space<semaphore_mem>>) attributes {dimension_semantics = [#tpu.dimension_semantics<core_parallel>, #tpu.dimension_semantics<subcore_parallel>], iteration_bounds = array<i64: 2, 16>, scalar_prefetch = 0 : i64, scratch_operands = 3 : i64, tpu.core_type = #tpu.core_type<sc_vector_subcore>, window_params = [{transform_indices = #map}, {transform_indices = #map}, {transform_indices = #map}]} {
    %mul3A = arith.constant 2 : i32
    %mul3A_0 = arith.muli %arg1, %mul3A : i32
    %add3A = arith.addi %mul3A_0, %arg0 : i32
    %mul3A_1 = arith.constant 8 : i32
    %mul3A_2 = arith.muli %add3A, %mul3A_1 : i32
    "tpu.region"() ({
      %run_scoped3A = tpu.sem_alloc : memref<!tpu.dma_semaphore, #tpu.memory_space<semaphore_mem>>
      %dma_start3A_169 = arith.constant 0 : i32
      %dma_start3A_170 = tpu.memref_slice %arg3[%mul3A_2, %dma_start3A_169] : memref<256x128xi32, #tpu.memory_space<hbm>> -> memref<8x128xi32, #tpu.memory_space<hbm>>
      %dma_start3A_171 = arith.constant 0 : i32
      %dma_start3A_172 = tpu.memref_slice %arg3[%mul3A_2, %dma_start3A_171] : memref<256x128xi32, #tpu.memory_space<hbm>> -> memref<8x128xi32, #tpu.memory_space<hbm>>
      tpu.enqueue_dma source(%dma_start3A_172 : memref<8x128xi32, #tpu.memory_space<hbm>>) target(%arg5 : memref<8x128xi32, #tpu.memory_space<vmem>>) target_semaphore(%run_scoped3A : memref<!tpu.dma_semaphore, #tpu.memory_space<semaphore_mem>>)
      %dma_wait3A_173 = arith.constant 0 : i32
      %dma_wait3A_174 = tpu.memref_slice %arg3[%mul3A_2, %dma_wait3A_173] : memref<256x128xi32, #tpu.memory_space<hbm>> -> memref<8x128xi32, #tpu.memory_space<hbm>>
      %dma_wait3A_175 = arith.constant 0 : i32
      %dma_wait3A_176 = tpu.memref_slice %arg3[%mul3A_2, %dma_wait3A_175] : memref<256x128xi32, #tpu.memory_space<hbm>> -> memref<8x128xi32, #tpu.memory_space<hbm>>
      tpu.wait_dma2 semaphore(%run_scoped3A : memref<!tpu.dma_semaphore, #tpu.memory_space<semaphore_mem>>) src(%dma_wait3A_176 : memref<8x128xi32, #tpu.memory_space<hbm>>) dst(%arg5 : memref<8x128xi32, #tpu.memory_space<vmem>>)
      tpu.yield
    }) : () -> ()
    %dma_start3A = arith.constant 0 : i32
    %dma_start3A_3 = arith.constant 0 : i32
    %dma_start3A_4 = arith.constant 0 : i32
    %dma_start3A_5 = tpu.memref_slice %arg6[%dma_start3A_3, %dma_start3A_4] : memref<512x128xf32, #tpu.memory_space<vmem>> -> memref<128x128xf32, #tpu.memory_space<vmem>>
    %dma_start3A_6 = arith.constant 0 : i32
    %dma_start3A_7 = tpu.memref_slice %arg5[%dma_start3A, %dma_start3A_6] : memref<8x128xi32, #tpu.memory_space<vmem>> -> memref<1x128xi32, #tpu.memory_space<vmem>>
    %dma_start3A_8 = tpu.memref_squeeze %dma_start3A_7 : memref<1x128xi32, #tpu.memory_space<vmem>> -> memref<128xi32, #tpu.memory_space<vmem>>
    %dma_start3A_9 = arith.constant 0 : i32
    %dma_start3A_10 = arith.constant 0 : i32
    %dma_start3A_11 = tpu.memref_slice %arg2[%dma_start3A_9, %dma_start3A_10] : memref<16384x128xf32, #tpu.memory_space<hbm>> -> memref<16384x128xf32, #tpu.memory_space<hbm>>
    tpu.enqueue_indirect_dma source(%dma_start3A_11 : memref<16384x128xf32, #tpu.memory_space<hbm>>) target(%dma_start3A_5 : memref<128x128xf32, #tpu.memory_space<vmem>>) offsets(%dma_start3A_8 : memref<128xi32, #tpu.memory_space<vmem>>) semaphore(%arg7 : memref<!tpu.dma_semaphore, #tpu.memory_space<semaphore_mem>>)
    %dma_start3A_12 = arith.constant 1 : i32
    %dma_start3A_13 = arith.constant 128 : i32
    %dma_start3A_14 = arith.constant 0 : i32
    %dma_start3A_15 = tpu.memref_slice %arg6[%dma_start3A_13, %dma_start3A_14] : memref<512x128xf32, #tpu.memory_space<vmem>> -> memref<128x128xf32, #tpu.memory_space<vmem>>
    %dma_start3A_16 = arith.constant 0 : i32
    %dma_start3A_17 = tpu.memref_slice %arg5[%dma_start3A_12, %dma_start3A_16] : memref<8x128xi32, #tpu.memory_space<vmem>> -> memref<1x128xi32, #tpu.memory_space<vmem>>
    %dma_start3A_18 = tpu.memref_squeeze %dma_start3A_17 : memref<1x128xi32, #tpu.memory_space<vmem>> -> memref<128xi32, #tpu.memory_space<vmem>>
    %dma_start3A_19 = arith.constant 0 : i32
    %dma_start3A_20 = arith.constant 0 : i32
    %dma_start3A_21 = tpu.memref_slice %arg2[%dma_start3A_19, %dma_start3A_20] : memref<16384x128xf32, #tpu.memory_space<hbm>> -> memref<16384x128xf32, #tpu.memory_space<hbm>>
    tpu.enqueue_indirect_dma source(%dma_start3A_21 : memref<16384x128xf32, #tpu.memory_space<hbm>>) target(%dma_start3A_15 : memref<128x128xf32, #tpu.memory_space<vmem>>) offsets(%dma_start3A_18 : memref<128xi32, #tpu.memory_space<vmem>>) semaphore(%arg7 : memref<!tpu.dma_semaphore, #tpu.memory_space<semaphore_mem>>)
    %dma_start3A_22 = arith.constant 2 : i32
    %dma_start3A_23 = arith.constant 256 : i32
    %dma_start3A_24 = arith.constant 0 : i32
    %dma_start3A_25 = tpu.memref_slice %arg6[%dma_start3A_23, %dma_start3A_24] : memref<512x128xf32, #tpu.memory_space<vmem>> -> memref<128x128xf32, #tpu.memory_space<vmem>>
    %dma_start3A_26 = arith.constant 0 : i32
    %dma_start3A_27 = tpu.memref_slice %arg5[%dma_start3A_22, %dma_start3A_26] : memref<8x128xi32, #tpu.memory_space<vmem>> -> memref<1x128xi32, #tpu.memory_space<vmem>>
    %dma_start3A_28 = tpu.memref_squeeze %dma_start3A_27 : memref<1x128xi32, #tpu.memory_space<vmem>> -> memref<128xi32, #tpu.memory_space<vmem>>
    %dma_start3A_29 = arith.constant 0 : i32
    %dma_start3A_30 = arith.constant 0 : i32
    %dma_start3A_31 = tpu.memref_slice %arg2[%dma_start3A_29, %dma_start3A_30] : memref<16384x128xf32, #tpu.memory_space<hbm>> -> memref<16384x128xf32, #tpu.memory_space<hbm>>
    tpu.enqueue_indirect_dma source(%dma_start3A_31 : memref<16384x128xf32, #tpu.memory_space<hbm>>) target(%dma_start3A_25 : memref<128x128xf32, #tpu.memory_space<vmem>>) offsets(%dma_start3A_28 : memref<128xi32, #tpu.memory_space<vmem>>) semaphore(%arg7 : memref<!tpu.dma_semaphore, #tpu.memory_space<semaphore_mem>>)
    %dma_start3A_32 = arith.constant 3 : i32
    %dma_start3A_33 = arith.constant 384 : i32
    %dma_start3A_34 = arith.constant 0 : i32
    %dma_start3A_35 = tpu.memref_slice %arg6[%dma_start3A_33, %dma_start3A_34] : memref<512x128xf32, #tpu.memory_space<vmem>> -> memref<128x128xf32, #tpu.memory_space<vmem>>
    %dma_start3A_36 = arith.constant 0 : i32
    %dma_start3A_37 = tpu.memref_slice %arg5[%dma_start3A_32, %dma_start3A_36] : memref<8x128xi32, #tpu.memory_space<vmem>> -> memref<1x128xi32, #tpu.memory_space<vmem>>
    %dma_start3A_38 = tpu.memref_squeeze %dma_start3A_37 : memref<1x128xi32, #tpu.memory_space<vmem>> -> memref<128xi32, #tpu.memory_space<vmem>>
    %dma_start3A_39 = arith.constant 0 : i32
    %dma_start3A_40 = arith.constant 0 : i32
    %dma_start3A_41 = tpu.memref_slice %arg2[%dma_start3A_39, %dma_start3A_40] : memref<16384x128xf32, #tpu.memory_space<hbm>> -> memref<16384x128xf32, #tpu.memory_space<hbm>>
    tpu.enqueue_indirect_dma source(%dma_start3A_41 : memref<16384x128xf32, #tpu.memory_space<hbm>>) target(%dma_start3A_35 : memref<128x128xf32, #tpu.memory_space<vmem>>) offsets(%dma_start3A_38 : memref<128xi32, #tpu.memory_space<vmem>>) semaphore(%arg7 : memref<!tpu.dma_semaphore, #tpu.memory_space<semaphore_mem>>)
    %dma_wait3A = arith.constant 0 : i32
    %dma_wait3A_42 = arith.constant 0 : i32
    %dma_wait3A_43 = arith.constant 0 : i32
    %dma_wait3A_44 = tpu.memref_slice %arg6[%dma_wait3A_42, %dma_wait3A_43] : memref<512x128xf32, #tpu.memory_space<vmem>> -> memref<128x128xf32, #tpu.memory_space<vmem>>
    %dma_wait3A_45 = arith.constant 0 : i32
    %dma_wait3A_46 = tpu.memref_slice %arg5[%dma_wait3A, %dma_wait3A_45] : memref<8x128xi32, #tpu.memory_space<vmem>> -> memref<1x128xi32, #tpu.memory_space<vmem>>
    %dma_wait3A_47 = tpu.memref_squeeze %dma_wait3A_46 : memref<1x128xi32, #tpu.memory_space<vmem>> -> memref<128xi32, #tpu.memory_space<vmem>>
    %dma_wait3A_48 = arith.constant 0 : i32
    %dma_wait3A_49 = arith.constant 0 : i32
    %dma_wait3A_50 = tpu.memref_slice %arg2[%dma_wait3A_48, %dma_wait3A_49] : memref<16384x128xf32, #tpu.memory_space<hbm>> -> memref<16384x128xf32, #tpu.memory_space<hbm>>
    tpu.wait_indirect_dma semaphore(%arg7 : memref<!tpu.dma_semaphore, #tpu.memory_space<semaphore_mem>>) src(%dma_wait3A_50 : memref<16384x128xf32, #tpu.memory_space<hbm>>) dst(%dma_wait3A_44 : memref<128x128xf32, #tpu.memory_space<vmem>>)
    %dma_wait3A_51 = arith.constant 1 : i32
    %dma_wait3A_52 = arith.constant 128 : i32
    %dma_wait3A_53 = arith.constant 0 : i32
    %dma_wait3A_54 = tpu.memref_slice %arg6[%dma_wait3A_52, %dma_wait3A_53] : memref<512x128xf32, #tpu.memory_space<vmem>> -> memref<128x128xf32, #tpu.memory_space<vmem>>
    %dma_wait3A_55 = arith.constant 0 : i32
    %dma_wait3A_56 = tpu.memref_slice %arg5[%dma_wait3A_51, %dma_wait3A_55] : memref<8x128xi32, #tpu.memory_space<vmem>> -> memref<1x128xi32, #tpu.memory_space<vmem>>
    %dma_wait3A_57 = tpu.memref_squeeze %dma_wait3A_56 : memref<1x128xi32, #tpu.memory_space<vmem>> -> memref<128xi32, #tpu.memory_space<vmem>>
    %dma_wait3A_58 = arith.constant 0 : i32
    %dma_wait3A_59 = arith.constant 0 : i32
    %dma_wait3A_60 = tpu.memref_slice %arg2[%dma_wait3A_58, %dma_wait3A_59] : memref<16384x128xf32, #tpu.memory_space<hbm>> -> memref<16384x128xf32, #tpu.memory_space<hbm>>
    tpu.wait_indirect_dma semaphore(%arg7 : memref<!tpu.dma_semaphore, #tpu.memory_space<semaphore_mem>>) src(%dma_wait3A_60 : memref<16384x128xf32, #tpu.memory_space<hbm>>) dst(%dma_wait3A_54 : memref<128x128xf32, #tpu.memory_space<vmem>>)
    %dma_wait3A_61 = arith.constant 2 : i32
    %dma_wait3A_62 = arith.constant 256 : i32
    %dma_wait3A_63 = arith.constant 0 : i32
    %dma_wait3A_64 = tpu.memref_slice %arg6[%dma_wait3A_62, %dma_wait3A_63] : memref<512x128xf32, #tpu.memory_space<vmem>> -> memref<128x128xf32, #tpu.memory_space<vmem>>
    %dma_wait3A_65 = arith.constant 0 : i32
    %dma_wait3A_66 = tpu.memref_slice %arg5[%dma_wait3A_61, %dma_wait3A_65] : memref<8x128xi32, #tpu.memory_space<vmem>> -> memref<1x128xi32, #tpu.memory_space<vmem>>
    %dma_wait3A_67 = tpu.memref_squeeze %dma_wait3A_66 : memref<1x128xi32, #tpu.memory_space<vmem>> -> memref<128xi32, #tpu.memory_space<vmem>>
    %dma_wait3A_68 = arith.constant 0 : i32
    %dma_wait3A_69 = arith.constant 0 : i32
    %dma_wait3A_70 = tpu.memref_slice %arg2[%dma_wait3A_68, %dma_wait3A_69] : memref<16384x128xf32, #tpu.memory_space<hbm>> -> memref<16384x128xf32, #tpu.memory_space<hbm>>
    tpu.wait_indirect_dma semaphore(%arg7 : memref<!tpu.dma_semaphore, #tpu.memory_space<semaphore_mem>>) src(%dma_wait3A_70 : memref<16384x128xf32, #tpu.memory_space<hbm>>) dst(%dma_wait3A_64 : memref<128x128xf32, #tpu.memory_space<vmem>>)
    %dma_wait3A_71 = arith.constant 3 : i32
    %dma_wait3A_72 = arith.constant 384 : i32
    %dma_wait3A_73 = arith.constant 0 : i32
    %dma_wait3A_74 = tpu.memref_slice %arg6[%dma_wait3A_72, %dma_wait3A_73] : memref<512x128xf32, #tpu.memory_space<vmem>> -> memref<128x128xf32, #tpu.memory_space<vmem>>
    %dma_wait3A_75 = arith.constant 0 : i32
    %dma_wait3A_76 = tpu.memref_slice %arg5[%dma_wait3A_71, %dma_wait3A_75] : memref<8x128xi32, #tpu.memory_space<vmem>> -> memref<1x128xi32, #tpu.memory_space<vmem>>
    %dma_wait3A_77 = tpu.memref_squeeze %dma_wait3A_76 : memref<1x128xi32, #tpu.memory_space<vmem>> -> memref<128xi32, #tpu.memory_space<vmem>>
    %dma_wait3A_78 = arith.constant 0 : i32
    %dma_wait3A_79 = arith.constant 0 : i32
    %dma_wait3A_80 = tpu.memref_slice %arg2[%dma_wait3A_78, %dma_wait3A_79] : memref<16384x128xf32, #tpu.memory_space<hbm>> -> memref<16384x128xf32, #tpu.memory_space<hbm>>
    tpu.wait_indirect_dma semaphore(%arg7 : memref<!tpu.dma_semaphore, #tpu.memory_space<semaphore_mem>>) src(%dma_wait3A_80 : memref<16384x128xf32, #tpu.memory_space<hbm>>) dst(%dma_wait3A_74 : memref<128x128xf32, #tpu.memory_space<vmem>>)
    %mul3A_81 = arith.constant 1024 : i32
    %mul3A_82 = arith.muli %add3A, %mul3A_81 : i32
    %add3A_83 = arith.constant 0 : i32
    %add3A_84 = arith.addi %mul3A_82, %add3A_83 : i32
    "tpu.region"() ({
      %run_scoped3A = tpu.sem_alloc : memref<!tpu.dma_semaphore, #tpu.memory_space<semaphore_mem>>
      %dma_start3A_169 = arith.constant 0 : i32
      %dma_start3A_170 = tpu.memref_slice %arg4[%add3A_84, %dma_start3A_169] : memref<32768x128xf32, #tpu.memory_space<hbm>> -> memref<512x128xf32, #tpu.memory_space<hbm>>
      %dma_start3A_171 = arith.constant 0 : i32
      %dma_start3A_172 = tpu.memref_slice %arg4[%add3A_84, %dma_start3A_171] : memref<32768x128xf32, #tpu.memory_space<hbm>> -> memref<512x128xf32, #tpu.memory_space<hbm>>
      tpu.enqueue_dma source(%arg6 : memref<512x128xf32, #tpu.memory_space<vmem>>) target(%dma_start3A_172 : memref<512x128xf32, #tpu.memory_space<hbm>>) target_semaphore(%run_scoped3A : memref<!tpu.dma_semaphore, #tpu.memory_space<semaphore_mem>>)
      %dma_wait3A_173 = arith.constant 0 : i32
      %dma_wait3A_174 = tpu.memref_slice %arg4[%add3A_84, %dma_wait3A_173] : memref<32768x128xf32, #tpu.memory_space<hbm>> -> memref<512x128xf32, #tpu.memory_space<hbm>>
      %dma_wait3A_175 = arith.constant 0 : i32
      %dma_wait3A_176 = tpu.memref_slice %arg4[%add3A_84, %dma_wait3A_175] : memref<32768x128xf32, #tpu.memory_space<hbm>> -> memref<512x128xf32, #tpu.memory_space<hbm>>
      tpu.wait_dma2 semaphore(%run_scoped3A : memref<!tpu.dma_semaphore, #tpu.memory_space<semaphore_mem>>) src(%arg6 : memref<512x128xf32, #tpu.memory_space<vmem>>) dst(%dma_wait3A_176 : memref<512x128xf32, #tpu.memory_space<hbm>>)
      tpu.yield
    }) : () -> ()
    %dma_start3A_85 = arith.constant 4 : i32
    %dma_start3A_86 = arith.constant 0 : i32
    %dma_start3A_87 = arith.constant 0 : i32
    %dma_start3A_88 = tpu.memref_slice %arg6[%dma_start3A_86, %dma_start3A_87] : memref<512x128xf32, #tpu.memory_space<vmem>> -> memref<128x128xf32, #tpu.memory_space<vmem>>
    %dma_start3A_89 = arith.constant 0 : i32
    %dma_start3A_90 = tpu.memref_slice %arg5[%dma_start3A_85, %dma_start3A_89] : memref<8x128xi32, #tpu.memory_space<vmem>> -> memref<1x128xi32, #tpu.memory_space<vmem>>
    %dma_start3A_91 = tpu.memref_squeeze %dma_start3A_90 : memref<1x128xi32, #tpu.memory_space<vmem>> -> memref<128xi32, #tpu.memory_space<vmem>>
    %dma_start3A_92 = arith.constant 0 : i32
    %dma_start3A_93 = arith.constant 0 : i32
    %dma_start3A_94 = tpu.memref_slice %arg2[%dma_start3A_92, %dma_start3A_93] : memref<16384x128xf32, #tpu.memory_space<hbm>> -> memref<16384x128xf32, #tpu.memory_space<hbm>>
    tpu.enqueue_indirect_dma source(%dma_start3A_94 : memref<16384x128xf32, #tpu.memory_space<hbm>>) target(%dma_start3A_88 : memref<128x128xf32, #tpu.memory_space<vmem>>) offsets(%dma_start3A_91 : memref<128xi32, #tpu.memory_space<vmem>>) semaphore(%arg7 : memref<!tpu.dma_semaphore, #tpu.memory_space<semaphore_mem>>)
    %dma_start3A_95 = arith.constant 5 : i32
    %dma_start3A_96 = arith.constant 128 : i32
    %dma_start3A_97 = arith.constant 0 : i32
    %dma_start3A_98 = tpu.memref_slice %arg6[%dma_start3A_96, %dma_start3A_97] : memref<512x128xf32, #tpu.memory_space<vmem>> -> memref<128x128xf32, #tpu.memory_space<vmem>>
    %dma_start3A_99 = arith.constant 0 : i32
    %dma_start3A_100 = tpu.memref_slice %arg5[%dma_start3A_95, %dma_start3A_99] : memref<8x128xi32, #tpu.memory_space<vmem>> -> memref<1x128xi32, #tpu.memory_space<vmem>>
    %dma_start3A_101 = tpu.memref_squeeze %dma_start3A_100 : memref<1x128xi32, #tpu.memory_space<vmem>> -> memref<128xi32, #tpu.memory_space<vmem>>
    %dma_start3A_102 = arith.constant 0 : i32
    %dma_start3A_103 = arith.constant 0 : i32
    %dma_start3A_104 = tpu.memref_slice %arg2[%dma_start3A_102, %dma_start3A_103] : memref<16384x128xf32, #tpu.memory_space<hbm>> -> memref<16384x128xf32, #tpu.memory_space<hbm>>
    tpu.enqueue_indirect_dma source(%dma_start3A_104 : memref<16384x128xf32, #tpu.memory_space<hbm>>) target(%dma_start3A_98 : memref<128x128xf32, #tpu.memory_space<vmem>>) offsets(%dma_start3A_101 : memref<128xi32, #tpu.memory_space<vmem>>) semaphore(%arg7 : memref<!tpu.dma_semaphore, #tpu.memory_space<semaphore_mem>>)
    %dma_start3A_105 = arith.constant 6 : i32
    %dma_start3A_106 = arith.constant 256 : i32
    %dma_start3A_107 = arith.constant 0 : i32
    %dma_start3A_108 = tpu.memref_slice %arg6[%dma_start3A_106, %dma_start3A_107] : memref<512x128xf32, #tpu.memory_space<vmem>> -> memref<128x128xf32, #tpu.memory_space<vmem>>
    %dma_start3A_109 = arith.constant 0 : i32
    %dma_start3A_110 = tpu.memref_slice %arg5[%dma_start3A_105, %dma_start3A_109] : memref<8x128xi32, #tpu.memory_space<vmem>> -> memref<1x128xi32, #tpu.memory_space<vmem>>
    %dma_start3A_111 = tpu.memref_squeeze %dma_start3A_110 : memref<1x128xi32, #tpu.memory_space<vmem>> -> memref<128xi32, #tpu.memory_space<vmem>>
    %dma_start3A_112 = arith.constant 0 : i32
    %dma_start3A_113 = arith.constant 0 : i32
    %dma_start3A_114 = tpu.memref_slice %arg2[%dma_start3A_112, %dma_start3A_113] : memref<16384x128xf32, #tpu.memory_space<hbm>> -> memref<16384x128xf32, #tpu.memory_space<hbm>>
    tpu.enqueue_indirect_dma source(%dma_start3A_114 : memref<16384x128xf32, #tpu.memory_space<hbm>>) target(%dma_start3A_108 : memref<128x128xf32, #tpu.memory_space<vmem>>) offsets(%dma_start3A_111 : memref<128xi32, #tpu.memory_space<vmem>>) semaphore(%arg7 : memref<!tpu.dma_semaphore, #tpu.memory_space<semaphore_mem>>)
    %dma_start3A_115 = arith.constant 7 : i32
    %dma_start3A_116 = arith.constant 384 : i32
    %dma_start3A_117 = arith.constant 0 : i32
    %dma_start3A_118 = tpu.memref_slice %arg6[%dma_start3A_116, %dma_start3A_117] : memref<512x128xf32, #tpu.memory_space<vmem>> -> memref<128x128xf32, #tpu.memory_space<vmem>>
    %dma_start3A_119 = arith.constant 0 : i32
    %dma_start3A_120 = tpu.memref_slice %arg5[%dma_start3A_115, %dma_start3A_119] : memref<8x128xi32, #tpu.memory_space<vmem>> -> memref<1x128xi32, #tpu.memory_space<vmem>>
    %dma_start3A_121 = tpu.memref_squeeze %dma_start3A_120 : memref<1x128xi32, #tpu.memory_space<vmem>> -> memref<128xi32, #tpu.memory_space<vmem>>
    %dma_start3A_122 = arith.constant 0 : i32
    %dma_start3A_123 = arith.constant 0 : i32
    %dma_start3A_124 = tpu.memref_slice %arg2[%dma_start3A_122, %dma_start3A_123] : memref<16384x128xf32, #tpu.memory_space<hbm>> -> memref<16384x128xf32, #tpu.memory_space<hbm>>
    tpu.enqueue_indirect_dma source(%dma_start3A_124 : memref<16384x128xf32, #tpu.memory_space<hbm>>) target(%dma_start3A_118 : memref<128x128xf32, #tpu.memory_space<vmem>>) offsets(%dma_start3A_121 : memref<128xi32, #tpu.memory_space<vmem>>) semaphore(%arg7 : memref<!tpu.dma_semaphore, #tpu.memory_space<semaphore_mem>>)
    %dma_wait3A_125 = arith.constant 4 : i32
    %dma_wait3A_126 = arith.constant 0 : i32
    %dma_wait3A_127 = arith.constant 0 : i32
    %dma_wait3A_128 = tpu.memref_slice %arg6[%dma_wait3A_126, %dma_wait3A_127] : memref<512x128xf32, #tpu.memory_space<vmem>> -> memref<128x128xf32, #tpu.memory_space<vmem>>
    %dma_wait3A_129 = arith.constant 0 : i32
    %dma_wait3A_130 = tpu.memref_slice %arg5[%dma_wait3A_125, %dma_wait3A_129] : memref<8x128xi32, #tpu.memory_space<vmem>> -> memref<1x128xi32, #tpu.memory_space<vmem>>
    %dma_wait3A_131 = tpu.memref_squeeze %dma_wait3A_130 : memref<1x128xi32, #tpu.memory_space<vmem>> -> memref<128xi32, #tpu.memory_space<vmem>>
    %dma_wait3A_132 = arith.constant 0 : i32
    %dma_wait3A_133 = arith.constant 0 : i32
    %dma_wait3A_134 = tpu.memref_slice %arg2[%dma_wait3A_132, %dma_wait3A_133] : memref<16384x128xf32, #tpu.memory_space<hbm>> -> memref<16384x128xf32, #tpu.memory_space<hbm>>
    tpu.wait_indirect_dma semaphore(%arg7 : memref<!tpu.dma_semaphore, #tpu.memory_space<semaphore_mem>>) src(%dma_wait3A_134 : memref<16384x128xf32, #tpu.memory_space<hbm>>) dst(%dma_wait3A_128 : memref<128x128xf32, #tpu.memory_space<vmem>>)
    %dma_wait3A_135 = arith.constant 5 : i32
    %dma_wait3A_136 = arith.constant 128 : i32
    %dma_wait3A_137 = arith.constant 0 : i32
    %dma_wait3A_138 = tpu.memref_slice %arg6[%dma_wait3A_136, %dma_wait3A_137] : memref<512x128xf32, #tpu.memory_space<vmem>> -> memref<128x128xf32, #tpu.memory_space<vmem>>
    %dma_wait3A_139 = arith.constant 0 : i32
    %dma_wait3A_140 = tpu.memref_slice %arg5[%dma_wait3A_135, %dma_wait3A_139] : memref<8x128xi32, #tpu.memory_space<vmem>> -> memref<1x128xi32, #tpu.memory_space<vmem>>
    %dma_wait3A_141 = tpu.memref_squeeze %dma_wait3A_140 : memref<1x128xi32, #tpu.memory_space<vmem>> -> memref<128xi32, #tpu.memory_space<vmem>>
    %dma_wait3A_142 = arith.constant 0 : i32
    %dma_wait3A_143 = arith.constant 0 : i32
    %dma_wait3A_144 = tpu.memref_slice %arg2[%dma_wait3A_142, %dma_wait3A_143] : memref<16384x128xf32, #tpu.memory_space<hbm>> -> memref<16384x128xf32, #tpu.memory_space<hbm>>
    tpu.wait_indirect_dma semaphore(%arg7 : memref<!tpu.dma_semaphore, #tpu.memory_space<semaphore_mem>>) src(%dma_wait3A_144 : memref<16384x128xf32, #tpu.memory_space<hbm>>) dst(%dma_wait3A_138 : memref<128x128xf32, #tpu.memory_space<vmem>>)
    %dma_wait3A_145 = arith.constant 6 : i32
    %dma_wait3A_146 = arith.constant 256 : i32
    %dma_wait3A_147 = arith.constant 0 : i32
    %dma_wait3A_148 = tpu.memref_slice %arg6[%dma_wait3A_146, %dma_wait3A_147] : memref<512x128xf32, #tpu.memory_space<vmem>> -> memref<128x128xf32, #tpu.memory_space<vmem>>
    %dma_wait3A_149 = arith.constant 0 : i32
    %dma_wait3A_150 = tpu.memref_slice %arg5[%dma_wait3A_145, %dma_wait3A_149] : memref<8x128xi32, #tpu.memory_space<vmem>> -> memref<1x128xi32, #tpu.memory_space<vmem>>
    %dma_wait3A_151 = tpu.memref_squeeze %dma_wait3A_150 : memref<1x128xi32, #tpu.memory_space<vmem>> -> memref<128xi32, #tpu.memory_space<vmem>>
    %dma_wait3A_152 = arith.constant 0 : i32
    %dma_wait3A_153 = arith.constant 0 : i32
    %dma_wait3A_154 = tpu.memref_slice %arg2[%dma_wait3A_152, %dma_wait3A_153] : memref<16384x128xf32, #tpu.memory_space<hbm>> -> memref<16384x128xf32, #tpu.memory_space<hbm>>
    tpu.wait_indirect_dma semaphore(%arg7 : memref<!tpu.dma_semaphore, #tpu.memory_space<semaphore_mem>>) src(%dma_wait3A_154 : memref<16384x128xf32, #tpu.memory_space<hbm>>) dst(%dma_wait3A_148 : memref<128x128xf32, #tpu.memory_space<vmem>>)
    %dma_wait3A_155 = arith.constant 7 : i32
    %dma_wait3A_156 = arith.constant 384 : i32
    %dma_wait3A_157 = arith.constant 0 : i32
    %dma_wait3A_158 = tpu.memref_slice %arg6[%dma_wait3A_156, %dma_wait3A_157] : memref<512x128xf32, #tpu.memory_space<vmem>> -> memref<128x128xf32, #tpu.memory_space<vmem>>
    %dma_wait3A_159 = arith.constant 0 : i32
    %dma_wait3A_160 = tpu.memref_slice %arg5[%dma_wait3A_155, %dma_wait3A_159] : memref<8x128xi32, #tpu.memory_space<vmem>> -> memref<1x128xi32, #tpu.memory_space<vmem>>
    %dma_wait3A_161 = tpu.memref_squeeze %dma_wait3A_160 : memref<1x128xi32, #tpu.memory_space<vmem>> -> memref<128xi32, #tpu.memory_space<vmem>>
    %dma_wait3A_162 = arith.constant 0 : i32
    %dma_wait3A_163 = arith.constant 0 : i32
    %dma_wait3A_164 = tpu.memref_slice %arg2[%dma_wait3A_162, %dma_wait3A_163] : memref<16384x128xf32, #tpu.memory_space<hbm>> -> memref<16384x128xf32, #tpu.memory_space<hbm>>
    tpu.wait_indirect_dma semaphore(%arg7 : memref<!tpu.dma_semaphore, #tpu.memory_space<semaphore_mem>>) src(%dma_wait3A_164 : memref<16384x128xf32, #tpu.memory_space<hbm>>) dst(%dma_wait3A_158 : memref<128x128xf32, #tpu.memory_space<vmem>>)
    %mul3A_165 = arith.constant 1024 : i32
    %mul3A_166 = arith.muli %add3A, %mul3A_165 : i32
    %add3A_167 = arith.constant 512 : i32
    %add3A_168 = arith.addi %mul3A_166, %add3A_167 : i32
    "tpu.region"() ({
      %run_scoped3A = tpu.sem_alloc : memref<!tpu.dma_semaphore, #tpu.memory_space<semaphore_mem>>
      %dma_start3A_169 = arith.constant 0 : i32
      %dma_start3A_170 = tpu.memref_slice %arg4[%add3A_168, %dma_start3A_169] : memref<32768x128xf32, #tpu.memory_space<hbm>> -> memref<512x128xf32, #tpu.memory_space<hbm>>
      %dma_start3A_171 = arith.constant 0 : i32
      %dma_start3A_172 = tpu.memref_slice %arg4[%add3A_168, %dma_start3A_171] : memref<32768x128xf32, #tpu.memory_space<hbm>> -> memref<512x128xf32, #tpu.memory_space<hbm>>
      tpu.enqueue_dma source(%arg6 : memref<512x128xf32, #tpu.memory_space<vmem>>) target(%dma_start3A_172 : memref<512x128xf32, #tpu.memory_space<hbm>>) target_semaphore(%run_scoped3A : memref<!tpu.dma_semaphore, #tpu.memory_space<semaphore_mem>>)
      %dma_wait3A_173 = arith.constant 0 : i32
      %dma_wait3A_174 = tpu.memref_slice %arg4[%add3A_168, %dma_wait3A_173] : memref<32768x128xf32, #tpu.memory_space<hbm>> -> memref<512x128xf32, #tpu.memory_space<hbm>>
      %dma_wait3A_175 = arith.constant 0 : i32
      %dma_wait3A_176 = tpu.memref_slice %arg4[%add3A_168, %dma_wait3A_175] : memref<32768x128xf32, #tpu.memory_space<hbm>> -> memref<512x128xf32, #tpu.memory_space<hbm>>
      tpu.wait_dma2 semaphore(%run_scoped3A : memref<!tpu.dma_semaphore, #tpu.memory_space<semaphore_mem>>) src(%arg6 : memref<512x128xf32, #tpu.memory_space<vmem>>) dst(%dma_wait3A_176 : memref<512x128xf32, #tpu.memory_space<hbm>>)
      tpu.yield
    }) : () -> ()
    return
  }
}

#map = affine_map<(d0, d1) -> (0, 0)>
module attributes {stable_mosaic.version = 14 : i64} {
  func.func @k(%arg0: i32, %arg1: i32, %arg2: memref<32768x128xf32, #tpu.memory_space<hbm>>, %arg3: memref<1024x128xi32, #tpu.memory_space<hbm>>, %arg4: memref<257x128xf32, #tpu.memory_space<hbm>>, %arg5: memref<16384x128xf32, #tpu.memory_space<hbm>>, %arg6: memref<16x128xi32, #tpu.memory_space<vmem>>, %arg7: memref<128x128xf32, #tpu.memory_space<vmem>>, %arg8: memref<128x128xf32, #tpu.memory_space<vmem>>, %arg9: memref<128x128xf32, #tpu.memory_space<vmem>>, %arg10: memref<128x128xf32, #tpu.memory_space<vmem>>, %arg11: memref<!tpu.dma_semaphore, #tpu.memory_space<semaphore_mem>>, %arg12: memref<!tpu.dma_semaphore, #tpu.memory_space<semaphore_mem>>, %arg13: memref<4112x128xf32, #tpu.memory_space<vmem_shared>>) attributes {dimension_semantics = [#tpu.dimension_semantics<core_parallel>, #tpu.dimension_semantics<subcore_parallel>], iteration_bounds = array<i64: 2, 16>, scalar_prefetch = 0 : i64, scratch_operands = 8 : i64, tpu.core_type = #tpu.core_type<sc_vector_subcore>, window_params = [{transform_indices = #map}, {transform_indices = #map}, {transform_indices = #map}, {transform_indices = #map}]} {
    %mul3A = arith.constant 2048 : i32
    %mul3A_0 = arith.muli %arg1, %mul3A : i32
    %mul3A_1 = arith.constant 2 : i32
    %mul3A_2 = arith.muli %arg0, %mul3A_1 : i32
    %add3A = arith.constant 0 : i32
    %add3A_3 = arith.addi %mul3A_2, %add3A : i32
    %mul3A_4 = arith.constant 257 : i32
    %mul3A_5 = arith.muli %arg1, %mul3A_4 : i32
    "tpu.region"() ({
      %run_scoped3A = tpu.sem_alloc : memref<!tpu.dma_semaphore, #tpu.memory_space<semaphore_mem>>
      %dma_start3A_807 = arith.constant 0 : i32
      %dma_start3A_808 = tpu.memref_slice %arg13[%mul3A_5, %dma_start3A_807] : memref<4112x128xf32, #tpu.memory_space<vmem_shared>> -> memref<257x128xf32, #tpu.memory_space<vmem_shared>>
      tpu.enqueue_dma source(%arg4 : memref<257x128xf32, #tpu.memory_space<hbm>>) target(%dma_start3A_808 : memref<257x128xf32, #tpu.memory_space<vmem_shared>>) target_semaphore(%run_scoped3A : memref<!tpu.dma_semaphore, #tpu.memory_space<semaphore_mem>>)
      %dma_wait3A_809 = arith.constant 0 : i32
      %dma_wait3A_810 = tpu.memref_slice %arg13[%mul3A_5, %dma_wait3A_809] : memref<4112x128xf32, #tpu.memory_space<vmem_shared>> -> memref<257x128xf32, #tpu.memory_space<vmem_shared>>
      tpu.wait_dma2 semaphore(%run_scoped3A : memref<!tpu.dma_semaphore, #tpu.memory_space<semaphore_mem>>) src(%arg4 : memref<257x128xf32, #tpu.memory_space<hbm>>) dst(%dma_wait3A_810 : memref<257x128xf32, #tpu.memory_space<vmem_shared>>)
      tpu.yield
    }) : () -> ()
    %barrier3A = arith.constant 0 : index
    tpu.barrier barrier_id(%barrier3A)
    %mul3A_6 = arith.constant 256 : i32
    %mul3A_7 = arith.muli %add3A_3, %mul3A_6 : i32
    %mul3A_8 = arith.constant 16 : i32
    %mul3A_9 = arith.muli %arg1, %mul3A_8 : i32
    %add3A_10 = arith.addi %mul3A_7, %mul3A_9 : i32
    "tpu.region"() ({
      %run_scoped3A = tpu.sem_alloc : memref<!tpu.dma_semaphore, #tpu.memory_space<semaphore_mem>>
      %dma_start3A_807 = arith.constant 0 : i32
      %dma_start3A_808 = tpu.memref_slice %arg3[%add3A_10, %dma_start3A_807] : memref<1024x128xi32, #tpu.memory_space<hbm>> -> memref<16x128xi32, #tpu.memory_space<hbm>>
      %dma_start3A_809 = arith.constant 0 : i32
      %dma_start3A_810 = tpu.memref_slice %arg3[%add3A_10, %dma_start3A_809] : memref<1024x128xi32, #tpu.memory_space<hbm>> -> memref<16x128xi32, #tpu.memory_space<hbm>>
      tpu.enqueue_dma source(%dma_start3A_810 : memref<16x128xi32, #tpu.memory_space<hbm>>) target(%arg6 : memref<16x128xi32, #tpu.memory_space<vmem>>) target_semaphore(%run_scoped3A : memref<!tpu.dma_semaphore, #tpu.memory_space<semaphore_mem>>)
      %dma_wait3A_811 = arith.constant 0 : i32
      %dma_wait3A_812 = tpu.memref_slice %arg3[%add3A_10, %dma_wait3A_811] : memref<1024x128xi32, #tpu.memory_space<hbm>> -> memref<16x128xi32, #tpu.memory_space<hbm>>
      %dma_wait3A_813 = arith.constant 0 : i32
      %dma_wait3A_814 = tpu.memref_slice %arg3[%add3A_10, %dma_wait3A_813] : memref<1024x128xi32, #tpu.memory_space<hbm>> -> memref<16x128xi32, #tpu.memory_space<hbm>>
      tpu.wait_dma2 semaphore(%run_scoped3A : memref<!tpu.dma_semaphore, #tpu.memory_space<semaphore_mem>>) src(%dma_wait3A_814 : memref<16x128xi32, #tpu.memory_space<hbm>>) dst(%arg6 : memref<16x128xi32, #tpu.memory_space<vmem>>)
      tpu.yield
    }) : () -> ()
    %add3A_11 = arith.constant 0 : i32
    %add3A_12 = arith.addi %mul3A_0, %add3A_11 : i32
    %dma_start3A = arith.constant 0 : i32
    %dma_start3A_13 = tpu.memref_slice %arg2[%add3A_12, %dma_start3A] : memref<32768x128xf32, #tpu.memory_space<hbm>> -> memref<128x128xf32, #tpu.memory_space<hbm>>
    %dma_start3A_14 = arith.constant 0 : i32
    %dma_start3A_15 = tpu.memref_slice %arg2[%add3A_12, %dma_start3A_14] : memref<32768x128xf32, #tpu.memory_space<hbm>> -> memref<128x128xf32, #tpu.memory_space<hbm>>
    tpu.enqueue_dma source(%dma_start3A_15 : memref<128x128xf32, #tpu.memory_space<hbm>>) target(%arg7 : memref<128x128xf32, #tpu.memory_space<vmem>>) target_semaphore(%arg11 : memref<!tpu.dma_semaphore, #tpu.memory_space<semaphore_mem>>)
    %add3A_16 = arith.constant 128 : i32
    %add3A_17 = arith.addi %mul3A_0, %add3A_16 : i32
    %dma_start3A_18 = arith.constant 0 : i32
    %dma_start3A_19 = tpu.memref_slice %arg2[%add3A_17, %dma_start3A_18] : memref<32768x128xf32, #tpu.memory_space<hbm>> -> memref<128x128xf32, #tpu.memory_space<hbm>>
    %dma_start3A_20 = arith.constant 0 : i32
    %dma_start3A_21 = tpu.memref_slice %arg2[%add3A_17, %dma_start3A_20] : memref<32768x128xf32, #tpu.memory_space<hbm>> -> memref<128x128xf32, #tpu.memory_space<hbm>>
    tpu.enqueue_dma source(%dma_start3A_21 : memref<128x128xf32, #tpu.memory_space<hbm>>) target(%arg8 : memref<128x128xf32, #tpu.memory_space<vmem>>) target_semaphore(%arg11 : memref<!tpu.dma_semaphore, #tpu.memory_space<semaphore_mem>>)
    %add3A_22 = arith.constant 256 : i32
    %add3A_23 = arith.addi %mul3A_0, %add3A_22 : i32
    %dma_start3A_24 = arith.constant 0 : i32
    %dma_start3A_25 = tpu.memref_slice %arg2[%add3A_23, %dma_start3A_24] : memref<32768x128xf32, #tpu.memory_space<hbm>> -> memref<128x128xf32, #tpu.memory_space<hbm>>
    %dma_start3A_26 = arith.constant 0 : i32
    %dma_start3A_27 = tpu.memref_slice %arg2[%add3A_23, %dma_start3A_26] : memref<32768x128xf32, #tpu.memory_space<hbm>> -> memref<128x128xf32, #tpu.memory_space<hbm>>
    tpu.enqueue_dma source(%dma_start3A_27 : memref<128x128xf32, #tpu.memory_space<hbm>>) target(%arg9 : memref<128x128xf32, #tpu.memory_space<vmem>>) target_semaphore(%arg11 : memref<!tpu.dma_semaphore, #tpu.memory_space<semaphore_mem>>)
    %dma_wait3A = arith.constant 0 : i32
    %dma_wait3A_28 = tpu.memref_slice %arg2[%add3A_12, %dma_wait3A] : memref<32768x128xf32, #tpu.memory_space<hbm>> -> memref<128x128xf32, #tpu.memory_space<hbm>>
    %dma_wait3A_29 = arith.constant 0 : i32
    %dma_wait3A_30 = tpu.memref_slice %arg2[%add3A_12, %dma_wait3A_29] : memref<32768x128xf32, #tpu.memory_space<hbm>> -> memref<128x128xf32, #tpu.memory_space<hbm>>
    tpu.wait_dma2 semaphore(%arg11 : memref<!tpu.dma_semaphore, #tpu.memory_space<semaphore_mem>>) src(%dma_wait3A_30 : memref<128x128xf32, #tpu.memory_space<hbm>>) dst(%arg7 : memref<128x128xf32, #tpu.memory_space<vmem>>)
    %dma_start3A_31 = arith.constant 0 : i32
    %dma_start3A_32 = arith.constant 0 : i32
    %dma_start3A_33 = tpu.memref_slice %arg6[%dma_start3A_31, %dma_start3A_32] : memref<16x128xi32, #tpu.memory_space<vmem>> -> memref<1x128xi32, #tpu.memory_space<vmem>>
    %dma_start3A_34 = tpu.memref_squeeze %dma_start3A_33 : memref<1x128xi32, #tpu.memory_space<vmem>> -> memref<128xi32, #tpu.memory_space<vmem>>
    %dma_start3A_35 = arith.constant 0 : i32
    %dma_start3A_36 = arith.constant 0 : i32
    %dma_start3A_37 = tpu.memref_slice %arg13[%dma_start3A_35, %dma_start3A_36] : memref<4112x128xf32, #tpu.memory_space<vmem_shared>> -> memref<4112x128xf32, #tpu.memory_space<vmem_shared>>
    tpu.enqueue_indirect_dma source(%arg7 : memref<128x128xf32, #tpu.memory_space<vmem>>) target(%dma_start3A_37 : memref<4112x128xf32, #tpu.memory_space<vmem_shared>>) offsets(%dma_start3A_34 : memref<128xi32, #tpu.memory_space<vmem>>) semaphore(%arg12 : memref<!tpu.dma_semaphore, #tpu.memory_space<semaphore_mem>>) {add = true}
    %add3A_38 = arith.constant 384 : i32
    %add3A_39 = arith.addi %mul3A_0, %add3A_38 : i32
    %dma_start3A_40 = arith.constant 0 : i32
    %dma_start3A_41 = tpu.memref_slice %arg2[%add3A_39, %dma_start3A_40] : memref<32768x128xf32, #tpu.memory_space<hbm>> -> memref<128x128xf32, #tpu.memory_space<hbm>>
    %dma_start3A_42 = arith.constant 0 : i32
    %dma_start3A_43 = tpu.memref_slice %arg2[%add3A_39, %dma_start3A_42] : memref<32768x128xf32, #tpu.memory_space<hbm>> -> memref<128x128xf32, #tpu.memory_space<hbm>>
    tpu.enqueue_dma source(%dma_start3A_43 : memref<128x128xf32, #tpu.memory_space<hbm>>) target(%arg10 : memref<128x128xf32, #tpu.memory_space<vmem>>) target_semaphore(%arg11 : memref<!tpu.dma_semaphore, #tpu.memory_space<semaphore_mem>>)
    %dma_wait3A_44 = arith.constant 0 : i32
    %dma_wait3A_45 = tpu.memref_slice %arg2[%add3A_17, %dma_wait3A_44] : memref<32768x128xf32, #tpu.memory_space<hbm>> -> memref<128x128xf32, #tpu.memory_space<hbm>>
    %dma_wait3A_46 = arith.constant 0 : i32
    %dma_wait3A_47 = tpu.memref_slice %arg2[%add3A_17, %dma_wait3A_46] : memref<32768x128xf32, #tpu.memory_space<hbm>> -> memref<128x128xf32, #tpu.memory_space<hbm>>
    tpu.wait_dma2 semaphore(%arg11 : memref<!tpu.dma_semaphore, #tpu.memory_space<semaphore_mem>>) src(%dma_wait3A_47 : memref<128x128xf32, #tpu.memory_space<hbm>>) dst(%arg8 : memref<128x128xf32, #tpu.memory_space<vmem>>)
    %dma_start3A_48 = arith.constant 1 : i32
    %dma_start3A_49 = arith.constant 0 : i32
    %dma_start3A_50 = tpu.memref_slice %arg6[%dma_start3A_48, %dma_start3A_49] : memref<16x128xi32, #tpu.memory_space<vmem>> -> memref<1x128xi32, #tpu.memory_space<vmem>>
    %dma_start3A_51 = tpu.memref_squeeze %dma_start3A_50 : memref<1x128xi32, #tpu.memory_space<vmem>> -> memref<128xi32, #tpu.memory_space<vmem>>
    %dma_start3A_52 = arith.constant 0 : i32
    %dma_start3A_53 = arith.constant 0 : i32
    %dma_start3A_54 = tpu.memref_slice %arg13[%dma_start3A_52, %dma_start3A_53] : memref<4112x128xf32, #tpu.memory_space<vmem_shared>> -> memref<4112x128xf32, #tpu.memory_space<vmem_shared>>
    tpu.enqueue_indirect_dma source(%arg8 : memref<128x128xf32, #tpu.memory_space<vmem>>) target(%dma_start3A_54 : memref<4112x128xf32, #tpu.memory_space<vmem_shared>>) offsets(%dma_start3A_51 : memref<128xi32, #tpu.memory_space<vmem>>) semaphore(%arg12 : memref<!tpu.dma_semaphore, #tpu.memory_space<semaphore_mem>>) {add = true}
    %dma_wait3A_55 = arith.constant 0 : i32
    %dma_wait3A_56 = arith.constant 0 : i32
    %dma_wait3A_57 = tpu.memref_slice %arg6[%dma_wait3A_55, %dma_wait3A_56] : memref<16x128xi32, #tpu.memory_space<vmem>> -> memref<1x128xi32, #tpu.memory_space<vmem>>
    %dma_wait3A_58 = tpu.memref_squeeze %dma_wait3A_57 : memref<1x128xi32, #tpu.memory_space<vmem>> -> memref<128xi32, #tpu.memory_space<vmem>>
    %dma_wait3A_59 = arith.constant 0 : i32
    %dma_wait3A_60 = arith.constant 0 : i32
    %dma_wait3A_61 = tpu.memref_slice %arg13[%dma_wait3A_59, %dma_wait3A_60] : memref<4112x128xf32, #tpu.memory_space<vmem_shared>> -> memref<4112x128xf32, #tpu.memory_space<vmem_shared>>
    tpu.wait_indirect_dma semaphore(%arg12 : memref<!tpu.dma_semaphore, #tpu.memory_space<semaphore_mem>>) src(%arg7 : memref<128x128xf32, #tpu.memory_space<vmem>>) dst(%dma_wait3A_61 : memref<4112x128xf32, #tpu.memory_space<vmem_shared>>)
    %add3A_62 = arith.constant 512 : i32
    %add3A_63 = arith.addi %mul3A_0, %add3A_62 : i32
    %dma_start3A_64 = arith.constant 0 : i32
    %dma_start3A_65 = tpu.memref_slice %arg2[%add3A_63, %dma_start3A_64] : memref<32768x128xf32, #tpu.memory_space<hbm>> -> memref<128x128xf32, #tpu.memory_space<hbm>>
    %dma_start3A_66 = arith.constant 0 : i32
    %dma_start3A_67 = tpu.memref_slice %arg2[%add3A_63, %dma_start3A_66] : memref<32768x128xf32, #tpu.memory_space<hbm>> -> memref<128x128xf32, #tpu.memory_space<hbm>>
    tpu.enqueue_dma source(%dma_start3A_67 : memref<128x128xf32, #tpu.memory_space<hbm>>) target(%arg7 : memref<128x128xf32, #tpu.memory_space<vmem>>) target_semaphore(%arg11 : memref<!tpu.dma_semaphore, #tpu.memory_space<semaphore_mem>>)
    %dma_wait3A_68 = arith.constant 0 : i32
    %dma_wait3A_69 = tpu.memref_slice %arg2[%add3A_23, %dma_wait3A_68] : memref<32768x128xf32, #tpu.memory_space<hbm>> -> memref<128x128xf32, #tpu.memory_space<hbm>>
    %dma_wait3A_70 = arith.constant 0 : i32
    %dma_wait3A_71 = tpu.memref_slice %arg2[%add3A_23, %dma_wait3A_70] : memref<32768x128xf32, #tpu.memory_space<hbm>> -> memref<128x128xf32, #tpu.memory_space<hbm>>
    tpu.wait_dma2 semaphore(%arg11 : memref<!tpu.dma_semaphore, #tpu.memory_space<semaphore_mem>>) src(%dma_wait3A_71 : memref<128x128xf32, #tpu.memory_space<hbm>>) dst(%arg9 : memref<128x128xf32, #tpu.memory_space<vmem>>)
    %dma_start3A_72 = arith.constant 2 : i32
    %dma_start3A_73 = arith.constant 0 : i32
    %dma_start3A_74 = tpu.memref_slice %arg6[%dma_start3A_72, %dma_start3A_73] : memref<16x128xi32, #tpu.memory_space<vmem>> -> memref<1x128xi32, #tpu.memory_space<vmem>>
    %dma_start3A_75 = tpu.memref_squeeze %dma_start3A_74 : memref<1x128xi32, #tpu.memory_space<vmem>> -> memref<128xi32, #tpu.memory_space<vmem>>
    %dma_start3A_76 = arith.constant 0 : i32
    %dma_start3A_77 = arith.constant 0 : i32
    %dma_start3A_78 = tpu.memref_slice %arg13[%dma_start3A_76, %dma_start3A_77] : memref<4112x128xf32, #tpu.memory_space<vmem_shared>> -> memref<4112x128xf32, #tpu.memory_space<vmem_shared>>
    tpu.enqueue_indirect_dma source(%arg9 : memref<128x128xf32, #tpu.memory_space<vmem>>) target(%dma_start3A_78 : memref<4112x128xf32, #tpu.memory_space<vmem_shared>>) offsets(%dma_start3A_75 : memref<128xi32, #tpu.memory_space<vmem>>) semaphore(%arg12 : memref<!tpu.dma_semaphore, #tpu.memory_space<semaphore_mem>>) {add = true}
    %dma_wait3A_79 = arith.constant 1 : i32
    %dma_wait3A_80 = arith.constant 0 : i32
    %dma_wait3A_81 = tpu.memref_slice %arg6[%dma_wait3A_79, %dma_wait3A_80] : memref<16x128xi32, #tpu.memory_space<vmem>> -> memref<1x128xi32, #tpu.memory_space<vmem>>
    %dma_wait3A_82 = tpu.memref_squeeze %dma_wait3A_81 : memref<1x128xi32, #tpu.memory_space<vmem>> -> memref<128xi32, #tpu.memory_space<vmem>>
    %dma_wait3A_83 = arith.constant 0 : i32
    %dma_wait3A_84 = arith.constant 0 : i32
    %dma_wait3A_85 = tpu.memref_slice %arg13[%dma_wait3A_83, %dma_wait3A_84] : memref<4112x128xf32, #tpu.memory_space<vmem_shared>> -> memref<4112x128xf32, #tpu.memory_space<vmem_shared>>
    tpu.wait_indirect_dma semaphore(%arg12 : memref<!tpu.dma_semaphore, #tpu.memory_space<semaphore_mem>>) src(%arg8 : memref<128x128xf32, #tpu.memory_space<vmem>>) dst(%dma_wait3A_85 : memref<4112x128xf32, #tpu.memory_space<vmem_shared>>)
    %add3A_86 = arith.constant 640 : i32
    %add3A_87 = arith.addi %mul3A_0, %add3A_86 : i32
    %dma_start3A_88 = arith.constant 0 : i32
    %dma_start3A_89 = tpu.memref_slice %arg2[%add3A_87, %dma_start3A_88] : memref<32768x128xf32, #tpu.memory_space<hbm>> -> memref<128x128xf32, #tpu.memory_space<hbm>>
    %dma_start3A_90 = arith.constant 0 : i32
    %dma_start3A_91 = tpu.memref_slice %arg2[%add3A_87, %dma_start3A_90] : memref<32768x128xf32, #tpu.memory_space<hbm>> -> memref<128x128xf32, #tpu.memory_space<hbm>>
    tpu.enqueue_dma source(%dma_start3A_91 : memref<128x128xf32, #tpu.memory_space<hbm>>) target(%arg8 : memref<128x128xf32, #tpu.memory_space<vmem>>) target_semaphore(%arg11 : memref<!tpu.dma_semaphore, #tpu.memory_space<semaphore_mem>>)
    %dma_wait3A_92 = arith.constant 0 : i32
    %dma_wait3A_93 = tpu.memref_slice %arg2[%add3A_39, %dma_wait3A_92] : memref<32768x128xf32, #tpu.memory_space<hbm>> -> memref<128x128xf32, #tpu.memory_space<hbm>>
    %dma_wait3A_94 = arith.constant 0 : i32
    %dma_wait3A_95 = tpu.memref_slice %arg2[%add3A_39, %dma_wait3A_94] : memref<32768x128xf32, #tpu.memory_space<hbm>> -> memref<128x128xf32, #tpu.memory_space<hbm>>
    tpu.wait_dma2 semaphore(%arg11 : memref<!tpu.dma_semaphore, #tpu.memory_space<semaphore_mem>>) src(%dma_wait3A_95 : memref<128x128xf32, #tpu.memory_space<hbm>>) dst(%arg10 : memref<128x128xf32, #tpu.memory_space<vmem>>)
    %dma_start3A_96 = arith.constant 3 : i32
    %dma_start3A_97 = arith.constant 0 : i32
    %dma_start3A_98 = tpu.memref_slice %arg6[%dma_start3A_96, %dma_start3A_97] : memref<16x128xi32, #tpu.memory_space<vmem>> -> memref<1x128xi32, #tpu.memory_space<vmem>>
    %dma_start3A_99 = tpu.memref_squeeze %dma_start3A_98 : memref<1x128xi32, #tpu.memory_space<vmem>> -> memref<128xi32, #tpu.memory_space<vmem>>
    %dma_start3A_100 = arith.constant 0 : i32
    %dma_start3A_101 = arith.constant 0 : i32
    %dma_start3A_102 = tpu.memref_slice %arg13[%dma_start3A_100, %dma_start3A_101] : memref<4112x128xf32, #tpu.memory_space<vmem_shared>> -> memref<4112x128xf32, #tpu.memory_space<vmem_shared>>
    tpu.enqueue_indirect_dma source(%arg10 : memref<128x128xf32, #tpu.memory_space<vmem>>) target(%dma_start3A_102 : memref<4112x128xf32, #tpu.memory_space<vmem_shared>>) offsets(%dma_start3A_99 : memref<128xi32, #tpu.memory_space<vmem>>) semaphore(%arg12 : memref<!tpu.dma_semaphore, #tpu.memory_space<semaphore_mem>>) {add = true}
    %dma_wait3A_103 = arith.constant 2 : i32
    %dma_wait3A_104 = arith.constant 0 : i32
    %dma_wait3A_105 = tpu.memref_slice %arg6[%dma_wait3A_103, %dma_wait3A_104] : memref<16x128xi32, #tpu.memory_space<vmem>> -> memref<1x128xi32, #tpu.memory_space<vmem>>
    %dma_wait3A_106 = tpu.memref_squeeze %dma_wait3A_105 : memref<1x128xi32, #tpu.memory_space<vmem>> -> memref<128xi32, #tpu.memory_space<vmem>>
    %dma_wait3A_107 = arith.constant 0 : i32
    %dma_wait3A_108 = arith.constant 0 : i32
    %dma_wait3A_109 = tpu.memref_slice %arg13[%dma_wait3A_107, %dma_wait3A_108] : memref<4112x128xf32, #tpu.memory_space<vmem_shared>> -> memref<4112x128xf32, #tpu.memory_space<vmem_shared>>
    tpu.wait_indirect_dma semaphore(%arg12 : memref<!tpu.dma_semaphore, #tpu.memory_space<semaphore_mem>>) src(%arg9 : memref<128x128xf32, #tpu.memory_space<vmem>>) dst(%dma_wait3A_109 : memref<4112x128xf32, #tpu.memory_space<vmem_shared>>)
    %add3A_110 = arith.constant 768 : i32
    %add3A_111 = arith.addi %mul3A_0, %add3A_110 : i32
    %dma_start3A_112 = arith.constant 0 : i32
    %dma_start3A_113 = tpu.memref_slice %arg2[%add3A_111, %dma_start3A_112] : memref<32768x128xf32, #tpu.memory_space<hbm>> -> memref<128x128xf32, #tpu.memory_space<hbm>>
    %dma_start3A_114 = arith.constant 0 : i32
    %dma_start3A_115 = tpu.memref_slice %arg2[%add3A_111, %dma_start3A_114] : memref<32768x128xf32, #tpu.memory_space<hbm>> -> memref<128x128xf32, #tpu.memory_space<hbm>>
    tpu.enqueue_dma source(%dma_start3A_115 : memref<128x128xf32, #tpu.memory_space<hbm>>) target(%arg9 : memref<128x128xf32, #tpu.memory_space<vmem>>) target_semaphore(%arg11 : memref<!tpu.dma_semaphore, #tpu.memory_space<semaphore_mem>>)
    %dma_wait3A_116 = arith.constant 0 : i32
    %dma_wait3A_117 = tpu.memref_slice %arg2[%add3A_63, %dma_wait3A_116] : memref<32768x128xf32, #tpu.memory_space<hbm>> -> memref<128x128xf32, #tpu.memory_space<hbm>>
    %dma_wait3A_118 = arith.constant 0 : i32
    %dma_wait3A_119 = tpu.memref_slice %arg2[%add3A_63, %dma_wait3A_118] : memref<32768x128xf32, #tpu.memory_space<hbm>> -> memref<128x128xf32, #tpu.memory_space<hbm>>
    tpu.wait_dma2 semaphore(%arg11 : memref<!tpu.dma_semaphore, #tpu.memory_space<semaphore_mem>>) src(%dma_wait3A_119 : memref<128x128xf32, #tpu.memory_space<hbm>>) dst(%arg7 : memref<128x128xf32, #tpu.memory_space<vmem>>)
    %dma_start3A_120 = arith.constant 4 : i32
    %dma_start3A_121 = arith.constant 0 : i32
    %dma_start3A_122 = tpu.memref_slice %arg6[%dma_start3A_120, %dma_start3A_121] : memref<16x128xi32, #tpu.memory_space<vmem>> -> memref<1x128xi32, #tpu.memory_space<vmem>>
    %dma_start3A_123 = tpu.memref_squeeze %dma_start3A_122 : memref<1x128xi32, #tpu.memory_space<vmem>> -> memref<128xi32, #tpu.memory_space<vmem>>
    %dma_start3A_124 = arith.constant 0 : i32
    %dma_start3A_125 = arith.constant 0 : i32
    %dma_start3A_126 = tpu.memref_slice %arg13[%dma_start3A_124, %dma_start3A_125] : memref<4112x128xf32, #tpu.memory_space<vmem_shared>> -> memref<4112x128xf32, #tpu.memory_space<vmem_shared>>
    tpu.enqueue_indirect_dma source(%arg7 : memref<128x128xf32, #tpu.memory_space<vmem>>) target(%dma_start3A_126 : memref<4112x128xf32, #tpu.memory_space<vmem_shared>>) offsets(%dma_start3A_123 : memref<128xi32, #tpu.memory_space<vmem>>) semaphore(%arg12 : memref<!tpu.dma_semaphore, #tpu.memory_space<semaphore_mem>>) {add = true}
    %dma_wait3A_127 = arith.constant 3 : i32
    %dma_wait3A_128 = arith.constant 0 : i32
    %dma_wait3A_129 = tpu.memref_slice %arg6[%dma_wait3A_127, %dma_wait3A_128] : memref<16x128xi32, #tpu.memory_space<vmem>> -> memref<1x128xi32, #tpu.memory_space<vmem>>
    %dma_wait3A_130 = tpu.memref_squeeze %dma_wait3A_129 : memref<1x128xi32, #tpu.memory_space<vmem>> -> memref<128xi32, #tpu.memory_space<vmem>>
    %dma_wait3A_131 = arith.constant 0 : i32
    %dma_wait3A_132 = arith.constant 0 : i32
    %dma_wait3A_133 = tpu.memref_slice %arg13[%dma_wait3A_131, %dma_wait3A_132] : memref<4112x128xf32, #tpu.memory_space<vmem_shared>> -> memref<4112x128xf32, #tpu.memory_space<vmem_shared>>
    tpu.wait_indirect_dma semaphore(%arg12 : memref<!tpu.dma_semaphore, #tpu.memory_space<semaphore_mem>>) src(%arg10 : memref<128x128xf32, #tpu.memory_space<vmem>>) dst(%dma_wait3A_133 : memref<4112x128xf32, #tpu.memory_space<vmem_shared>>)
    %add3A_134 = arith.constant 896 : i32
    %add3A_135 = arith.addi %mul3A_0, %add3A_134 : i32
    %dma_start3A_136 = arith.constant 0 : i32
    %dma_start3A_137 = tpu.memref_slice %arg2[%add3A_135, %dma_start3A_136] : memref<32768x128xf32, #tpu.memory_space<hbm>> -> memref<128x128xf32, #tpu.memory_space<hbm>>
    %dma_start3A_138 = arith.constant 0 : i32
    %dma_start3A_139 = tpu.memref_slice %arg2[%add3A_135, %dma_start3A_138] : memref<32768x128xf32, #tpu.memory_space<hbm>> -> memref<128x128xf32, #tpu.memory_space<hbm>>
    tpu.enqueue_dma source(%dma_start3A_139 : memref<128x128xf32, #tpu.memory_space<hbm>>) target(%arg10 : memref<128x128xf32, #tpu.memory_space<vmem>>) target_semaphore(%arg11 : memref<!tpu.dma_semaphore, #tpu.memory_space<semaphore_mem>>)
    %dma_wait3A_140 = arith.constant 0 : i32
    %dma_wait3A_141 = tpu.memref_slice %arg2[%add3A_87, %dma_wait3A_140] : memref<32768x128xf32, #tpu.memory_space<hbm>> -> memref<128x128xf32, #tpu.memory_space<hbm>>
    %dma_wait3A_142 = arith.constant 0 : i32
    %dma_wait3A_143 = tpu.memref_slice %arg2[%add3A_87, %dma_wait3A_142] : memref<32768x128xf32, #tpu.memory_space<hbm>> -> memref<128x128xf32, #tpu.memory_space<hbm>>
    tpu.wait_dma2 semaphore(%arg11 : memref<!tpu.dma_semaphore, #tpu.memory_space<semaphore_mem>>) src(%dma_wait3A_143 : memref<128x128xf32, #tpu.memory_space<hbm>>) dst(%arg8 : memref<128x128xf32, #tpu.memory_space<vmem>>)
    %dma_start3A_144 = arith.constant 5 : i32
    %dma_start3A_145 = arith.constant 0 : i32
    %dma_start3A_146 = tpu.memref_slice %arg6[%dma_start3A_144, %dma_start3A_145] : memref<16x128xi32, #tpu.memory_space<vmem>> -> memref<1x128xi32, #tpu.memory_space<vmem>>
    %dma_start3A_147 = tpu.memref_squeeze %dma_start3A_146 : memref<1x128xi32, #tpu.memory_space<vmem>> -> memref<128xi32, #tpu.memory_space<vmem>>
    %dma_start3A_148 = arith.constant 0 : i32
    %dma_start3A_149 = arith.constant 0 : i32
    %dma_start3A_150 = tpu.memref_slice %arg13[%dma_start3A_148, %dma_start3A_149] : memref<4112x128xf32, #tpu.memory_space<vmem_shared>> -> memref<4112x128xf32, #tpu.memory_space<vmem_shared>>
    tpu.enqueue_indirect_dma source(%arg8 : memref<128x128xf32, #tpu.memory_space<vmem>>) target(%dma_start3A_150 : memref<4112x128xf32, #tpu.memory_space<vmem_shared>>) offsets(%dma_start3A_147 : memref<128xi32, #tpu.memory_space<vmem>>) semaphore(%arg12 : memref<!tpu.dma_semaphore, #tpu.memory_space<semaphore_mem>>) {add = true}
    %dma_wait3A_151 = arith.constant 4 : i32
    %dma_wait3A_152 = arith.constant 0 : i32
    %dma_wait3A_153 = tpu.memref_slice %arg6[%dma_wait3A_151, %dma_wait3A_152] : memref<16x128xi32, #tpu.memory_space<vmem>> -> memref<1x128xi32, #tpu.memory_space<vmem>>
    %dma_wait3A_154 = tpu.memref_squeeze %dma_wait3A_153 : memref<1x128xi32, #tpu.memory_space<vmem>> -> memref<128xi32, #tpu.memory_space<vmem>>
    %dma_wait3A_155 = arith.constant 0 : i32
    %dma_wait3A_156 = arith.constant 0 : i32
    %dma_wait3A_157 = tpu.memref_slice %arg13[%dma_wait3A_155, %dma_wait3A_156] : memref<4112x128xf32, #tpu.memory_space<vmem_shared>> -> memref<4112x128xf32, #tpu.memory_space<vmem_shared>>
    tpu.wait_indirect_dma semaphore(%arg12 : memref<!tpu.dma_semaphore, #tpu.memory_space<semaphore_mem>>) src(%arg7 : memref<128x128xf32, #tpu.memory_space<vmem>>) dst(%dma_wait3A_157 : memref<4112x128xf32, #tpu.memory_space<vmem_shared>>)
    %add3A_158 = arith.constant 1024 : i32
    %add3A_159 = arith.addi %mul3A_0, %add3A_158 : i32
    %dma_start3A_160 = arith.constant 0 : i32
    %dma_start3A_161 = tpu.memref_slice %arg2[%add3A_159, %dma_start3A_160] : memref<32768x128xf32, #tpu.memory_space<hbm>> -> memref<128x128xf32, #tpu.memory_space<hbm>>
    %dma_start3A_162 = arith.constant 0 : i32
    %dma_start3A_163 = tpu.memref_slice %arg2[%add3A_159, %dma_start3A_162] : memref<32768x128xf32, #tpu.memory_space<hbm>> -> memref<128x128xf32, #tpu.memory_space<hbm>>
    tpu.enqueue_dma source(%dma_start3A_163 : memref<128x128xf32, #tpu.memory_space<hbm>>) target(%arg7 : memref<128x128xf32, #tpu.memory_space<vmem>>) target_semaphore(%arg11 : memref<!tpu.dma_semaphore, #tpu.memory_space<semaphore_mem>>)
    %dma_wait3A_164 = arith.constant 0 : i32
    %dma_wait3A_165 = tpu.memref_slice %arg2[%add3A_111, %dma_wait3A_164] : memref<32768x128xf32, #tpu.memory_space<hbm>> -> memref<128x128xf32, #tpu.memory_space<hbm>>
    %dma_wait3A_166 = arith.constant 0 : i32
    %dma_wait3A_167 = tpu.memref_slice %arg2[%add3A_111, %dma_wait3A_166] : memref<32768x128xf32, #tpu.memory_space<hbm>> -> memref<128x128xf32, #tpu.memory_space<hbm>>
    tpu.wait_dma2 semaphore(%arg11 : memref<!tpu.dma_semaphore, #tpu.memory_space<semaphore_mem>>) src(%dma_wait3A_167 : memref<128x128xf32, #tpu.memory_space<hbm>>) dst(%arg9 : memref<128x128xf32, #tpu.memory_space<vmem>>)
    %dma_start3A_168 = arith.constant 6 : i32
    %dma_start3A_169 = arith.constant 0 : i32
    %dma_start3A_170 = tpu.memref_slice %arg6[%dma_start3A_168, %dma_start3A_169] : memref<16x128xi32, #tpu.memory_space<vmem>> -> memref<1x128xi32, #tpu.memory_space<vmem>>
    %dma_start3A_171 = tpu.memref_squeeze %dma_start3A_170 : memref<1x128xi32, #tpu.memory_space<vmem>> -> memref<128xi32, #tpu.memory_space<vmem>>
    %dma_start3A_172 = arith.constant 0 : i32
    %dma_start3A_173 = arith.constant 0 : i32
    %dma_start3A_174 = tpu.memref_slice %arg13[%dma_start3A_172, %dma_start3A_173] : memref<4112x128xf32, #tpu.memory_space<vmem_shared>> -> memref<4112x128xf32, #tpu.memory_space<vmem_shared>>
    tpu.enqueue_indirect_dma source(%arg9 : memref<128x128xf32, #tpu.memory_space<vmem>>) target(%dma_start3A_174 : memref<4112x128xf32, #tpu.memory_space<vmem_shared>>) offsets(%dma_start3A_171 : memref<128xi32, #tpu.memory_space<vmem>>) semaphore(%arg12 : memref<!tpu.dma_semaphore, #tpu.memory_space<semaphore_mem>>) {add = true}
    %dma_wait3A_175 = arith.constant 5 : i32
    %dma_wait3A_176 = arith.constant 0 : i32
    %dma_wait3A_177 = tpu.memref_slice %arg6[%dma_wait3A_175, %dma_wait3A_176] : memref<16x128xi32, #tpu.memory_space<vmem>> -> memref<1x128xi32, #tpu.memory_space<vmem>>
    %dma_wait3A_178 = tpu.memref_squeeze %dma_wait3A_177 : memref<1x128xi32, #tpu.memory_space<vmem>> -> memref<128xi32, #tpu.memory_space<vmem>>
    %dma_wait3A_179 = arith.constant 0 : i32
    %dma_wait3A_180 = arith.constant 0 : i32
    %dma_wait3A_181 = tpu.memref_slice %arg13[%dma_wait3A_179, %dma_wait3A_180] : memref<4112x128xf32, #tpu.memory_space<vmem_shared>> -> memref<4112x128xf32, #tpu.memory_space<vmem_shared>>
    tpu.wait_indirect_dma semaphore(%arg12 : memref<!tpu.dma_semaphore, #tpu.memory_space<semaphore_mem>>) src(%arg8 : memref<128x128xf32, #tpu.memory_space<vmem>>) dst(%dma_wait3A_181 : memref<4112x128xf32, #tpu.memory_space<vmem_shared>>)
    %add3A_182 = arith.constant 1152 : i32
    %add3A_183 = arith.addi %mul3A_0, %add3A_182 : i32
    %dma_start3A_184 = arith.constant 0 : i32
    %dma_start3A_185 = tpu.memref_slice %arg2[%add3A_183, %dma_start3A_184] : memref<32768x128xf32, #tpu.memory_space<hbm>> -> memref<128x128xf32, #tpu.memory_space<hbm>>
    %dma_start3A_186 = arith.constant 0 : i32
    %dma_start3A_187 = tpu.memref_slice %arg2[%add3A_183, %dma_start3A_186] : memref<32768x128xf32, #tpu.memory_space<hbm>> -> memref<128x128xf32, #tpu.memory_space<hbm>>
    tpu.enqueue_dma source(%dma_start3A_187 : memref<128x128xf32, #tpu.memory_space<hbm>>) target(%arg8 : memref<128x128xf32, #tpu.memory_space<vmem>>) target_semaphore(%arg11 : memref<!tpu.dma_semaphore, #tpu.memory_space<semaphore_mem>>)
    %dma_wait3A_188 = arith.constant 0 : i32
    %dma_wait3A_189 = tpu.memref_slice %arg2[%add3A_135, %dma_wait3A_188] : memref<32768x128xf32, #tpu.memory_space<hbm>> -> memref<128x128xf32, #tpu.memory_space<hbm>>
    %dma_wait3A_190 = arith.constant 0 : i32
    %dma_wait3A_191 = tpu.memref_slice %arg2[%add3A_135, %dma_wait3A_190] : memref<32768x128xf32, #tpu.memory_space<hbm>> -> memref<128x128xf32, #tpu.memory_space<hbm>>
    tpu.wait_dma2 semaphore(%arg11 : memref<!tpu.dma_semaphore, #tpu.memory_space<semaphore_mem>>) src(%dma_wait3A_191 : memref<128x128xf32, #tpu.memory_space<hbm>>) dst(%arg10 : memref<128x128xf32, #tpu.memory_space<vmem>>)
    %dma_start3A_192 = arith.constant 7 : i32
    %dma_start3A_193 = arith.constant 0 : i32
    %dma_start3A_194 = tpu.memref_slice %arg6[%dma_start3A_192, %dma_start3A_193] : memref<16x128xi32, #tpu.memory_space<vmem>> -> memref<1x128xi32, #tpu.memory_space<vmem>>
    %dma_start3A_195 = tpu.memref_squeeze %dma_start3A_194 : memref<1x128xi32, #tpu.memory_space<vmem>> -> memref<128xi32, #tpu.memory_space<vmem>>
    %dma_start3A_196 = arith.constant 0 : i32
    %dma_start3A_197 = arith.constant 0 : i32
    %dma_start3A_198 = tpu.memref_slice %arg13[%dma_start3A_196, %dma_start3A_197] : memref<4112x128xf32, #tpu.memory_space<vmem_shared>> -> memref<4112x128xf32, #tpu.memory_space<vmem_shared>>
    tpu.enqueue_indirect_dma source(%arg10 : memref<128x128xf32, #tpu.memory_space<vmem>>) target(%dma_start3A_198 : memref<4112x128xf32, #tpu.memory_space<vmem_shared>>) offsets(%dma_start3A_195 : memref<128xi32, #tpu.memory_space<vmem>>) semaphore(%arg12 : memref<!tpu.dma_semaphore, #tpu.memory_space<semaphore_mem>>) {add = true}
    %dma_wait3A_199 = arith.constant 6 : i32
    %dma_wait3A_200 = arith.constant 0 : i32
    %dma_wait3A_201 = tpu.memref_slice %arg6[%dma_wait3A_199, %dma_wait3A_200] : memref<16x128xi32, #tpu.memory_space<vmem>> -> memref<1x128xi32, #tpu.memory_space<vmem>>
    %dma_wait3A_202 = tpu.memref_squeeze %dma_wait3A_201 : memref<1x128xi32, #tpu.memory_space<vmem>> -> memref<128xi32, #tpu.memory_space<vmem>>
    %dma_wait3A_203 = arith.constant 0 : i32
    %dma_wait3A_204 = arith.constant 0 : i32
    %dma_wait3A_205 = tpu.memref_slice %arg13[%dma_wait3A_203, %dma_wait3A_204] : memref<4112x128xf32, #tpu.memory_space<vmem_shared>> -> memref<4112x128xf32, #tpu.memory_space<vmem_shared>>
    tpu.wait_indirect_dma semaphore(%arg12 : memref<!tpu.dma_semaphore, #tpu.memory_space<semaphore_mem>>) src(%arg9 : memref<128x128xf32, #tpu.memory_space<vmem>>) dst(%dma_wait3A_205 : memref<4112x128xf32, #tpu.memory_space<vmem_shared>>)
    %add3A_206 = arith.constant 1280 : i32
    %add3A_207 = arith.addi %mul3A_0, %add3A_206 : i32
    %dma_start3A_208 = arith.constant 0 : i32
    %dma_start3A_209 = tpu.memref_slice %arg2[%add3A_207, %dma_start3A_208] : memref<32768x128xf32, #tpu.memory_space<hbm>> -> memref<128x128xf32, #tpu.memory_space<hbm>>
    %dma_start3A_210 = arith.constant 0 : i32
    %dma_start3A_211 = tpu.memref_slice %arg2[%add3A_207, %dma_start3A_210] : memref<32768x128xf32, #tpu.memory_space<hbm>> -> memref<128x128xf32, #tpu.memory_space<hbm>>
    tpu.enqueue_dma source(%dma_start3A_211 : memref<128x128xf32, #tpu.memory_space<hbm>>) target(%arg9 : memref<128x128xf32, #tpu.memory_space<vmem>>) target_semaphore(%arg11 : memref<!tpu.dma_semaphore, #tpu.memory_space<semaphore_mem>>)
    %dma_wait3A_212 = arith.constant 0 : i32
    %dma_wait3A_213 = tpu.memref_slice %arg2[%add3A_159, %dma_wait3A_212] : memref<32768x128xf32, #tpu.memory_space<hbm>> -> memref<128x128xf32, #tpu.memory_space<hbm>>
    %dma_wait3A_214 = arith.constant 0 : i32
    %dma_wait3A_215 = tpu.memref_slice %arg2[%add3A_159, %dma_wait3A_214] : memref<32768x128xf32, #tpu.memory_space<hbm>> -> memref<128x128xf32, #tpu.memory_space<hbm>>
    tpu.wait_dma2 semaphore(%arg11 : memref<!tpu.dma_semaphore, #tpu.memory_space<semaphore_mem>>) src(%dma_wait3A_215 : memref<128x128xf32, #tpu.memory_space<hbm>>) dst(%arg7 : memref<128x128xf32, #tpu.memory_space<vmem>>)
    %dma_start3A_216 = arith.constant 8 : i32
    %dma_start3A_217 = arith.constant 0 : i32
    %dma_start3A_218 = tpu.memref_slice %arg6[%dma_start3A_216, %dma_start3A_217] : memref<16x128xi32, #tpu.memory_space<vmem>> -> memref<1x128xi32, #tpu.memory_space<vmem>>
    %dma_start3A_219 = tpu.memref_squeeze %dma_start3A_218 : memref<1x128xi32, #tpu.memory_space<vmem>> -> memref<128xi32, #tpu.memory_space<vmem>>
    %dma_start3A_220 = arith.constant 0 : i32
    %dma_start3A_221 = arith.constant 0 : i32
    %dma_start3A_222 = tpu.memref_slice %arg13[%dma_start3A_220, %dma_start3A_221] : memref<4112x128xf32, #tpu.memory_space<vmem_shared>> -> memref<4112x128xf32, #tpu.memory_space<vmem_shared>>
    tpu.enqueue_indirect_dma source(%arg7 : memref<128x128xf32, #tpu.memory_space<vmem>>) target(%dma_start3A_222 : memref<4112x128xf32, #tpu.memory_space<vmem_shared>>) offsets(%dma_start3A_219 : memref<128xi32, #tpu.memory_space<vmem>>) semaphore(%arg12 : memref<!tpu.dma_semaphore, #tpu.memory_space<semaphore_mem>>) {add = true}
    %dma_wait3A_223 = arith.constant 7 : i32
    %dma_wait3A_224 = arith.constant 0 : i32
    %dma_wait3A_225 = tpu.memref_slice %arg6[%dma_wait3A_223, %dma_wait3A_224] : memref<16x128xi32, #tpu.memory_space<vmem>> -> memref<1x128xi32, #tpu.memory_space<vmem>>
    %dma_wait3A_226 = tpu.memref_squeeze %dma_wait3A_225 : memref<1x128xi32, #tpu.memory_space<vmem>> -> memref<128xi32, #tpu.memory_space<vmem>>
    %dma_wait3A_227 = arith.constant 0 : i32
    %dma_wait3A_228 = arith.constant 0 : i32
    %dma_wait3A_229 = tpu.memref_slice %arg13[%dma_wait3A_227, %dma_wait3A_228] : memref<4112x128xf32, #tpu.memory_space<vmem_shared>> -> memref<4112x128xf32, #tpu.memory_space<vmem_shared>>
    tpu.wait_indirect_dma semaphore(%arg12 : memref<!tpu.dma_semaphore, #tpu.memory_space<semaphore_mem>>) src(%arg10 : memref<128x128xf32, #tpu.memory_space<vmem>>) dst(%dma_wait3A_229 : memref<4112x128xf32, #tpu.memory_space<vmem_shared>>)
    %add3A_230 = arith.constant 1408 : i32
    %add3A_231 = arith.addi %mul3A_0, %add3A_230 : i32
    %dma_start3A_232 = arith.constant 0 : i32
    %dma_start3A_233 = tpu.memref_slice %arg2[%add3A_231, %dma_start3A_232] : memref<32768x128xf32, #tpu.memory_space<hbm>> -> memref<128x128xf32, #tpu.memory_space<hbm>>
    %dma_start3A_234 = arith.constant 0 : i32
    %dma_start3A_235 = tpu.memref_slice %arg2[%add3A_231, %dma_start3A_234] : memref<32768x128xf32, #tpu.memory_space<hbm>> -> memref<128x128xf32, #tpu.memory_space<hbm>>
    tpu.enqueue_dma source(%dma_start3A_235 : memref<128x128xf32, #tpu.memory_space<hbm>>) target(%arg10 : memref<128x128xf32, #tpu.memory_space<vmem>>) target_semaphore(%arg11 : memref<!tpu.dma_semaphore, #tpu.memory_space<semaphore_mem>>)
    %dma_wait3A_236 = arith.constant 0 : i32
    %dma_wait3A_237 = tpu.memref_slice %arg2[%add3A_183, %dma_wait3A_236] : memref<32768x128xf32, #tpu.memory_space<hbm>> -> memref<128x128xf32, #tpu.memory_space<hbm>>
    %dma_wait3A_238 = arith.constant 0 : i32
    %dma_wait3A_239 = tpu.memref_slice %arg2[%add3A_183, %dma_wait3A_238] : memref<32768x128xf32, #tpu.memory_space<hbm>> -> memref<128x128xf32, #tpu.memory_space<hbm>>
    tpu.wait_dma2 semaphore(%arg11 : memref<!tpu.dma_semaphore, #tpu.memory_space<semaphore_mem>>) src(%dma_wait3A_239 : memref<128x128xf32, #tpu.memory_space<hbm>>) dst(%arg8 : memref<128x128xf32, #tpu.memory_space<vmem>>)
    %dma_start3A_240 = arith.constant 9 : i32
    %dma_start3A_241 = arith.constant 0 : i32
    %dma_start3A_242 = tpu.memref_slice %arg6[%dma_start3A_240, %dma_start3A_241] : memref<16x128xi32, #tpu.memory_space<vmem>> -> memref<1x128xi32, #tpu.memory_space<vmem>>
    %dma_start3A_243 = tpu.memref_squeeze %dma_start3A_242 : memref<1x128xi32, #tpu.memory_space<vmem>> -> memref<128xi32, #tpu.memory_space<vmem>>
    %dma_start3A_244 = arith.constant 0 : i32
    %dma_start3A_245 = arith.constant 0 : i32
    %dma_start3A_246 = tpu.memref_slice %arg13[%dma_start3A_244, %dma_start3A_245] : memref<4112x128xf32, #tpu.memory_space<vmem_shared>> -> memref<4112x128xf32, #tpu.memory_space<vmem_shared>>
    tpu.enqueue_indirect_dma source(%arg8 : memref<128x128xf32, #tpu.memory_space<vmem>>) target(%dma_start3A_246 : memref<4112x128xf32, #tpu.memory_space<vmem_shared>>) offsets(%dma_start3A_243 : memref<128xi32, #tpu.memory_space<vmem>>) semaphore(%arg12 : memref<!tpu.dma_semaphore, #tpu.memory_space<semaphore_mem>>) {add = true}
    %dma_wait3A_247 = arith.constant 8 : i32
    %dma_wait3A_248 = arith.constant 0 : i32
    %dma_wait3A_249 = tpu.memref_slice %arg6[%dma_wait3A_247, %dma_wait3A_248] : memref<16x128xi32, #tpu.memory_space<vmem>> -> memref<1x128xi32, #tpu.memory_space<vmem>>
    %dma_wait3A_250 = tpu.memref_squeeze %dma_wait3A_249 : memref<1x128xi32, #tpu.memory_space<vmem>> -> memref<128xi32, #tpu.memory_space<vmem>>
    %dma_wait3A_251 = arith.constant 0 : i32
    %dma_wait3A_252 = arith.constant 0 : i32
    %dma_wait3A_253 = tpu.memref_slice %arg13[%dma_wait3A_251, %dma_wait3A_252] : memref<4112x128xf32, #tpu.memory_space<vmem_shared>> -> memref<4112x128xf32, #tpu.memory_space<vmem_shared>>
    tpu.wait_indirect_dma semaphore(%arg12 : memref<!tpu.dma_semaphore, #tpu.memory_space<semaphore_mem>>) src(%arg7 : memref<128x128xf32, #tpu.memory_space<vmem>>) dst(%dma_wait3A_253 : memref<4112x128xf32, #tpu.memory_space<vmem_shared>>)
    %add3A_254 = arith.constant 1536 : i32
    %add3A_255 = arith.addi %mul3A_0, %add3A_254 : i32
    %dma_start3A_256 = arith.constant 0 : i32
    %dma_start3A_257 = tpu.memref_slice %arg2[%add3A_255, %dma_start3A_256] : memref<32768x128xf32, #tpu.memory_space<hbm>> -> memref<128x128xf32, #tpu.memory_space<hbm>>
    %dma_start3A_258 = arith.constant 0 : i32
    %dma_start3A_259 = tpu.memref_slice %arg2[%add3A_255, %dma_start3A_258] : memref<32768x128xf32, #tpu.memory_space<hbm>> -> memref<128x128xf32, #tpu.memory_space<hbm>>
    tpu.enqueue_dma source(%dma_start3A_259 : memref<128x128xf32, #tpu.memory_space<hbm>>) target(%arg7 : memref<128x128xf32, #tpu.memory_space<vmem>>) target_semaphore(%arg11 : memref<!tpu.dma_semaphore, #tpu.memory_space<semaphore_mem>>)
    %dma_wait3A_260 = arith.constant 0 : i32
    %dma_wait3A_261 = tpu.memref_slice %arg2[%add3A_207, %dma_wait3A_260] : memref<32768x128xf32, #tpu.memory_space<hbm>> -> memref<128x128xf32, #tpu.memory_space<hbm>>
    %dma_wait3A_262 = arith.constant 0 : i32
    %dma_wait3A_263 = tpu.memref_slice %arg2[%add3A_207, %dma_wait3A_262] : memref<32768x128xf32, #tpu.memory_space<hbm>> -> memref<128x128xf32, #tpu.memory_space<hbm>>
    tpu.wait_dma2 semaphore(%arg11 : memref<!tpu.dma_semaphore, #tpu.memory_space<semaphore_mem>>) src(%dma_wait3A_263 : memref<128x128xf32, #tpu.memory_space<hbm>>) dst(%arg9 : memref<128x128xf32, #tpu.memory_space<vmem>>)
    %dma_start3A_264 = arith.constant 10 : i32
    %dma_start3A_265 = arith.constant 0 : i32
    %dma_start3A_266 = tpu.memref_slice %arg6[%dma_start3A_264, %dma_start3A_265] : memref<16x128xi32, #tpu.memory_space<vmem>> -> memref<1x128xi32, #tpu.memory_space<vmem>>
    %dma_start3A_267 = tpu.memref_squeeze %dma_start3A_266 : memref<1x128xi32, #tpu.memory_space<vmem>> -> memref<128xi32, #tpu.memory_space<vmem>>
    %dma_start3A_268 = arith.constant 0 : i32
    %dma_start3A_269 = arith.constant 0 : i32
    %dma_start3A_270 = tpu.memref_slice %arg13[%dma_start3A_268, %dma_start3A_269] : memref<4112x128xf32, #tpu.memory_space<vmem_shared>> -> memref<4112x128xf32, #tpu.memory_space<vmem_shared>>
    tpu.enqueue_indirect_dma source(%arg9 : memref<128x128xf32, #tpu.memory_space<vmem>>) target(%dma_start3A_270 : memref<4112x128xf32, #tpu.memory_space<vmem_shared>>) offsets(%dma_start3A_267 : memref<128xi32, #tpu.memory_space<vmem>>) semaphore(%arg12 : memref<!tpu.dma_semaphore, #tpu.memory_space<semaphore_mem>>) {add = true}
    %dma_wait3A_271 = arith.constant 9 : i32
    %dma_wait3A_272 = arith.constant 0 : i32
    %dma_wait3A_273 = tpu.memref_slice %arg6[%dma_wait3A_271, %dma_wait3A_272] : memref<16x128xi32, #tpu.memory_space<vmem>> -> memref<1x128xi32, #tpu.memory_space<vmem>>
    %dma_wait3A_274 = tpu.memref_squeeze %dma_wait3A_273 : memref<1x128xi32, #tpu.memory_space<vmem>> -> memref<128xi32, #tpu.memory_space<vmem>>
    %dma_wait3A_275 = arith.constant 0 : i32
    %dma_wait3A_276 = arith.constant 0 : i32
    %dma_wait3A_277 = tpu.memref_slice %arg13[%dma_wait3A_275, %dma_wait3A_276] : memref<4112x128xf32, #tpu.memory_space<vmem_shared>> -> memref<4112x128xf32, #tpu.memory_space<vmem_shared>>
    tpu.wait_indirect_dma semaphore(%arg12 : memref<!tpu.dma_semaphore, #tpu.memory_space<semaphore_mem>>) src(%arg8 : memref<128x128xf32, #tpu.memory_space<vmem>>) dst(%dma_wait3A_277 : memref<4112x128xf32, #tpu.memory_space<vmem_shared>>)
    %add3A_278 = arith.constant 1664 : i32
    %add3A_279 = arith.addi %mul3A_0, %add3A_278 : i32
    %dma_start3A_280 = arith.constant 0 : i32
    %dma_start3A_281 = tpu.memref_slice %arg2[%add3A_279, %dma_start3A_280] : memref<32768x128xf32, #tpu.memory_space<hbm>> -> memref<128x128xf32, #tpu.memory_space<hbm>>
    %dma_start3A_282 = arith.constant 0 : i32
    %dma_start3A_283 = tpu.memref_slice %arg2[%add3A_279, %dma_start3A_282] : memref<32768x128xf32, #tpu.memory_space<hbm>> -> memref<128x128xf32, #tpu.memory_space<hbm>>
    tpu.enqueue_dma source(%dma_start3A_283 : memref<128x128xf32, #tpu.memory_space<hbm>>) target(%arg8 : memref<128x128xf32, #tpu.memory_space<vmem>>) target_semaphore(%arg11 : memref<!tpu.dma_semaphore, #tpu.memory_space<semaphore_mem>>)
    %dma_wait3A_284 = arith.constant 0 : i32
    %dma_wait3A_285 = tpu.memref_slice %arg2[%add3A_231, %dma_wait3A_284] : memref<32768x128xf32, #tpu.memory_space<hbm>> -> memref<128x128xf32, #tpu.memory_space<hbm>>
    %dma_wait3A_286 = arith.constant 0 : i32
    %dma_wait3A_287 = tpu.memref_slice %arg2[%add3A_231, %dma_wait3A_286] : memref<32768x128xf32, #tpu.memory_space<hbm>> -> memref<128x128xf32, #tpu.memory_space<hbm>>
    tpu.wait_dma2 semaphore(%arg11 : memref<!tpu.dma_semaphore, #tpu.memory_space<semaphore_mem>>) src(%dma_wait3A_287 : memref<128x128xf32, #tpu.memory_space<hbm>>) dst(%arg10 : memref<128x128xf32, #tpu.memory_space<vmem>>)
    %dma_start3A_288 = arith.constant 11 : i32
    %dma_start3A_289 = arith.constant 0 : i32
    %dma_start3A_290 = tpu.memref_slice %arg6[%dma_start3A_288, %dma_start3A_289] : memref<16x128xi32, #tpu.memory_space<vmem>> -> memref<1x128xi32, #tpu.memory_space<vmem>>
    %dma_start3A_291 = tpu.memref_squeeze %dma_start3A_290 : memref<1x128xi32, #tpu.memory_space<vmem>> -> memref<128xi32, #tpu.memory_space<vmem>>
    %dma_start3A_292 = arith.constant 0 : i32
    %dma_start3A_293 = arith.constant 0 : i32
    %dma_start3A_294 = tpu.memref_slice %arg13[%dma_start3A_292, %dma_start3A_293] : memref<4112x128xf32, #tpu.memory_space<vmem_shared>> -> memref<4112x128xf32, #tpu.memory_space<vmem_shared>>
    tpu.enqueue_indirect_dma source(%arg10 : memref<128x128xf32, #tpu.memory_space<vmem>>) target(%dma_start3A_294 : memref<4112x128xf32, #tpu.memory_space<vmem_shared>>) offsets(%dma_start3A_291 : memref<128xi32, #tpu.memory_space<vmem>>) semaphore(%arg12 : memref<!tpu.dma_semaphore, #tpu.memory_space<semaphore_mem>>) {add = true}
    %dma_wait3A_295 = arith.constant 10 : i32
    %dma_wait3A_296 = arith.constant 0 : i32
    %dma_wait3A_297 = tpu.memref_slice %arg6[%dma_wait3A_295, %dma_wait3A_296] : memref<16x128xi32, #tpu.memory_space<vmem>> -> memref<1x128xi32, #tpu.memory_space<vmem>>
    %dma_wait3A_298 = tpu.memref_squeeze %dma_wait3A_297 : memref<1x128xi32, #tpu.memory_space<vmem>> -> memref<128xi32, #tpu.memory_space<vmem>>
    %dma_wait3A_299 = arith.constant 0 : i32
    %dma_wait3A_300 = arith.constant 0 : i32
    %dma_wait3A_301 = tpu.memref_slice %arg13[%dma_wait3A_299, %dma_wait3A_300] : memref<4112x128xf32, #tpu.memory_space<vmem_shared>> -> memref<4112x128xf32, #tpu.memory_space<vmem_shared>>
    tpu.wait_indirect_dma semaphore(%arg12 : memref<!tpu.dma_semaphore, #tpu.memory_space<semaphore_mem>>) src(%arg9 : memref<128x128xf32, #tpu.memory_space<vmem>>) dst(%dma_wait3A_301 : memref<4112x128xf32, #tpu.memory_space<vmem_shared>>)
    %add3A_302 = arith.constant 1792 : i32
    %add3A_303 = arith.addi %mul3A_0, %add3A_302 : i32
    %dma_start3A_304 = arith.constant 0 : i32
    %dma_start3A_305 = tpu.memref_slice %arg2[%add3A_303, %dma_start3A_304] : memref<32768x128xf32, #tpu.memory_space<hbm>> -> memref<128x128xf32, #tpu.memory_space<hbm>>
    %dma_start3A_306 = arith.constant 0 : i32
    %dma_start3A_307 = tpu.memref_slice %arg2[%add3A_303, %dma_start3A_306] : memref<32768x128xf32, #tpu.memory_space<hbm>> -> memref<128x128xf32, #tpu.memory_space<hbm>>
    tpu.enqueue_dma source(%dma_start3A_307 : memref<128x128xf32, #tpu.memory_space<hbm>>) target(%arg9 : memref<128x128xf32, #tpu.memory_space<vmem>>) target_semaphore(%arg11 : memref<!tpu.dma_semaphore, #tpu.memory_space<semaphore_mem>>)
    %dma_wait3A_308 = arith.constant 0 : i32
    %dma_wait3A_309 = tpu.memref_slice %arg2[%add3A_255, %dma_wait3A_308] : memref<32768x128xf32, #tpu.memory_space<hbm>> -> memref<128x128xf32, #tpu.memory_space<hbm>>
    %dma_wait3A_310 = arith.constant 0 : i32
    %dma_wait3A_311 = tpu.memref_slice %arg2[%add3A_255, %dma_wait3A_310] : memref<32768x128xf32, #tpu.memory_space<hbm>> -> memref<128x128xf32, #tpu.memory_space<hbm>>
    tpu.wait_dma2 semaphore(%arg11 : memref<!tpu.dma_semaphore, #tpu.memory_space<semaphore_mem>>) src(%dma_wait3A_311 : memref<128x128xf32, #tpu.memory_space<hbm>>) dst(%arg7 : memref<128x128xf32, #tpu.memory_space<vmem>>)
    %dma_start3A_312 = arith.constant 12 : i32
    %dma_start3A_313 = arith.constant 0 : i32
    %dma_start3A_314 = tpu.memref_slice %arg6[%dma_start3A_312, %dma_start3A_313] : memref<16x128xi32, #tpu.memory_space<vmem>> -> memref<1x128xi32, #tpu.memory_space<vmem>>
    %dma_start3A_315 = tpu.memref_squeeze %dma_start3A_314 : memref<1x128xi32, #tpu.memory_space<vmem>> -> memref<128xi32, #tpu.memory_space<vmem>>
    %dma_start3A_316 = arith.constant 0 : i32
    %dma_start3A_317 = arith.constant 0 : i32
    %dma_start3A_318 = tpu.memref_slice %arg13[%dma_start3A_316, %dma_start3A_317] : memref<4112x128xf32, #tpu.memory_space<vmem_shared>> -> memref<4112x128xf32, #tpu.memory_space<vmem_shared>>
    tpu.enqueue_indirect_dma source(%arg7 : memref<128x128xf32, #tpu.memory_space<vmem>>) target(%dma_start3A_318 : memref<4112x128xf32, #tpu.memory_space<vmem_shared>>) offsets(%dma_start3A_315 : memref<128xi32, #tpu.memory_space<vmem>>) semaphore(%arg12 : memref<!tpu.dma_semaphore, #tpu.memory_space<semaphore_mem>>) {add = true}
    %dma_wait3A_319 = arith.constant 11 : i32
    %dma_wait3A_320 = arith.constant 0 : i32
    %dma_wait3A_321 = tpu.memref_slice %arg6[%dma_wait3A_319, %dma_wait3A_320] : memref<16x128xi32, #tpu.memory_space<vmem>> -> memref<1x128xi32, #tpu.memory_space<vmem>>
    %dma_wait3A_322 = tpu.memref_squeeze %dma_wait3A_321 : memref<1x128xi32, #tpu.memory_space<vmem>> -> memref<128xi32, #tpu.memory_space<vmem>>
    %dma_wait3A_323 = arith.constant 0 : i32
    %dma_wait3A_324 = arith.constant 0 : i32
    %dma_wait3A_325 = tpu.memref_slice %arg13[%dma_wait3A_323, %dma_wait3A_324] : memref<4112x128xf32, #tpu.memory_space<vmem_shared>> -> memref<4112x128xf32, #tpu.memory_space<vmem_shared>>
    tpu.wait_indirect_dma semaphore(%arg12 : memref<!tpu.dma_semaphore, #tpu.memory_space<semaphore_mem>>) src(%arg10 : memref<128x128xf32, #tpu.memory_space<vmem>>) dst(%dma_wait3A_325 : memref<4112x128xf32, #tpu.memory_space<vmem_shared>>)
    %add3A_326 = arith.constant 1920 : i32
    %add3A_327 = arith.addi %mul3A_0, %add3A_326 : i32
    %dma_start3A_328 = arith.constant 0 : i32
    %dma_start3A_329 = tpu.memref_slice %arg2[%add3A_327, %dma_start3A_328] : memref<32768x128xf32, #tpu.memory_space<hbm>> -> memref<128x128xf32, #tpu.memory_space<hbm>>
    %dma_start3A_330 = arith.constant 0 : i32
    %dma_start3A_331 = tpu.memref_slice %arg2[%add3A_327, %dma_start3A_330] : memref<32768x128xf32, #tpu.memory_space<hbm>> -> memref<128x128xf32, #tpu.memory_space<hbm>>
    tpu.enqueue_dma source(%dma_start3A_331 : memref<128x128xf32, #tpu.memory_space<hbm>>) target(%arg10 : memref<128x128xf32, #tpu.memory_space<vmem>>) target_semaphore(%arg11 : memref<!tpu.dma_semaphore, #tpu.memory_space<semaphore_mem>>)
    %dma_wait3A_332 = arith.constant 0 : i32
    %dma_wait3A_333 = tpu.memref_slice %arg2[%add3A_279, %dma_wait3A_332] : memref<32768x128xf32, #tpu.memory_space<hbm>> -> memref<128x128xf32, #tpu.memory_space<hbm>>
    %dma_wait3A_334 = arith.constant 0 : i32
    %dma_wait3A_335 = tpu.memref_slice %arg2[%add3A_279, %dma_wait3A_334] : memref<32768x128xf32, #tpu.memory_space<hbm>> -> memref<128x128xf32, #tpu.memory_space<hbm>>
    tpu.wait_dma2 semaphore(%arg11 : memref<!tpu.dma_semaphore, #tpu.memory_space<semaphore_mem>>) src(%dma_wait3A_335 : memref<128x128xf32, #tpu.memory_space<hbm>>) dst(%arg8 : memref<128x128xf32, #tpu.memory_space<vmem>>)
    %dma_start3A_336 = arith.constant 13 : i32
    %dma_start3A_337 = arith.constant 0 : i32
    %dma_start3A_338 = tpu.memref_slice %arg6[%dma_start3A_336, %dma_start3A_337] : memref<16x128xi32, #tpu.memory_space<vmem>> -> memref<1x128xi32, #tpu.memory_space<vmem>>
    %dma_start3A_339 = tpu.memref_squeeze %dma_start3A_338 : memref<1x128xi32, #tpu.memory_space<vmem>> -> memref<128xi32, #tpu.memory_space<vmem>>
    %dma_start3A_340 = arith.constant 0 : i32
    %dma_start3A_341 = arith.constant 0 : i32
    %dma_start3A_342 = tpu.memref_slice %arg13[%dma_start3A_340, %dma_start3A_341] : memref<4112x128xf32, #tpu.memory_space<vmem_shared>> -> memref<4112x128xf32, #tpu.memory_space<vmem_shared>>
    tpu.enqueue_indirect_dma source(%arg8 : memref<128x128xf32, #tpu.memory_space<vmem>>) target(%dma_start3A_342 : memref<4112x128xf32, #tpu.memory_space<vmem_shared>>) offsets(%dma_start3A_339 : memref<128xi32, #tpu.memory_space<vmem>>) semaphore(%arg12 : memref<!tpu.dma_semaphore, #tpu.memory_space<semaphore_mem>>) {add = true}
    %dma_wait3A_343 = arith.constant 0 : i32
    %dma_wait3A_344 = tpu.memref_slice %arg2[%add3A_303, %dma_wait3A_343] : memref<32768x128xf32, #tpu.memory_space<hbm>> -> memref<128x128xf32, #tpu.memory_space<hbm>>
    %dma_wait3A_345 = arith.constant 0 : i32
    %dma_wait3A_346 = tpu.memref_slice %arg2[%add3A_303, %dma_wait3A_345] : memref<32768x128xf32, #tpu.memory_space<hbm>> -> memref<128x128xf32, #tpu.memory_space<hbm>>
    tpu.wait_dma2 semaphore(%arg11 : memref<!tpu.dma_semaphore, #tpu.memory_space<semaphore_mem>>) src(%dma_wait3A_346 : memref<128x128xf32, #tpu.memory_space<hbm>>) dst(%arg9 : memref<128x128xf32, #tpu.memory_space<vmem>>)
    %dma_start3A_347 = arith.constant 14 : i32
    %dma_start3A_348 = arith.constant 0 : i32
    %dma_start3A_349 = tpu.memref_slice %arg6[%dma_start3A_347, %dma_start3A_348] : memref<16x128xi32, #tpu.memory_space<vmem>> -> memref<1x128xi32, #tpu.memory_space<vmem>>
    %dma_start3A_350 = tpu.memref_squeeze %dma_start3A_349 : memref<1x128xi32, #tpu.memory_space<vmem>> -> memref<128xi32, #tpu.memory_space<vmem>>
    %dma_start3A_351 = arith.constant 0 : i32
    %dma_start3A_352 = arith.constant 0 : i32
    %dma_start3A_353 = tpu.memref_slice %arg13[%dma_start3A_351, %dma_start3A_352] : memref<4112x128xf32, #tpu.memory_space<vmem_shared>> -> memref<4112x128xf32, #tpu.memory_space<vmem_shared>>
    tpu.enqueue_indirect_dma source(%arg9 : memref<128x128xf32, #tpu.memory_space<vmem>>) target(%dma_start3A_353 : memref<4112x128xf32, #tpu.memory_space<vmem_shared>>) offsets(%dma_start3A_350 : memref<128xi32, #tpu.memory_space<vmem>>) semaphore(%arg12 : memref<!tpu.dma_semaphore, #tpu.memory_space<semaphore_mem>>) {add = true}
    %dma_wait3A_354 = arith.constant 0 : i32
    %dma_wait3A_355 = tpu.memref_slice %arg2[%add3A_327, %dma_wait3A_354] : memref<32768x128xf32, #tpu.memory_space<hbm>> -> memref<128x128xf32, #tpu.memory_space<hbm>>
    %dma_wait3A_356 = arith.constant 0 : i32
    %dma_wait3A_357 = tpu.memref_slice %arg2[%add3A_327, %dma_wait3A_356] : memref<32768x128xf32, #tpu.memory_space<hbm>> -> memref<128x128xf32, #tpu.memory_space<hbm>>
    tpu.wait_dma2 semaphore(%arg11 : memref<!tpu.dma_semaphore, #tpu.memory_space<semaphore_mem>>) src(%dma_wait3A_357 : memref<128x128xf32, #tpu.memory_space<hbm>>) dst(%arg10 : memref<128x128xf32, #tpu.memory_space<vmem>>)
    %dma_start3A_358 = arith.constant 15 : i32
    %dma_start3A_359 = arith.constant 0 : i32
    %dma_start3A_360 = tpu.memref_slice %arg6[%dma_start3A_358, %dma_start3A_359] : memref<16x128xi32, #tpu.memory_space<vmem>> -> memref<1x128xi32, #tpu.memory_space<vmem>>
    %dma_start3A_361 = tpu.memref_squeeze %dma_start3A_360 : memref<1x128xi32, #tpu.memory_space<vmem>> -> memref<128xi32, #tpu.memory_space<vmem>>
    %dma_start3A_362 = arith.constant 0 : i32
    %dma_start3A_363 = arith.constant 0 : i32
    %dma_start3A_364 = tpu.memref_slice %arg13[%dma_start3A_362, %dma_start3A_363] : memref<4112x128xf32, #tpu.memory_space<vmem_shared>> -> memref<4112x128xf32, #tpu.memory_space<vmem_shared>>
    tpu.enqueue_indirect_dma source(%arg10 : memref<128x128xf32, #tpu.memory_space<vmem>>) target(%dma_start3A_364 : memref<4112x128xf32, #tpu.memory_space<vmem_shared>>) offsets(%dma_start3A_361 : memref<128xi32, #tpu.memory_space<vmem>>) semaphore(%arg12 : memref<!tpu.dma_semaphore, #tpu.memory_space<semaphore_mem>>) {add = true}
    %dma_wait3A_365 = arith.constant 12 : i32
    %dma_wait3A_366 = arith.constant 0 : i32
    %dma_wait3A_367 = tpu.memref_slice %arg6[%dma_wait3A_365, %dma_wait3A_366] : memref<16x128xi32, #tpu.memory_space<vmem>> -> memref<1x128xi32, #tpu.memory_space<vmem>>
    %dma_wait3A_368 = tpu.memref_squeeze %dma_wait3A_367 : memref<1x128xi32, #tpu.memory_space<vmem>> -> memref<128xi32, #tpu.memory_space<vmem>>
    %dma_wait3A_369 = arith.constant 0 : i32
    %dma_wait3A_370 = arith.constant 0 : i32
    %dma_wait3A_371 = tpu.memref_slice %arg13[%dma_wait3A_369, %dma_wait3A_370] : memref<4112x128xf32, #tpu.memory_space<vmem_shared>> -> memref<4112x128xf32, #tpu.memory_space<vmem_shared>>
    tpu.wait_indirect_dma semaphore(%arg12 : memref<!tpu.dma_semaphore, #tpu.memory_space<semaphore_mem>>) src(%arg7 : memref<128x128xf32, #tpu.memory_space<vmem>>) dst(%dma_wait3A_371 : memref<4112x128xf32, #tpu.memory_space<vmem_shared>>)
    %dma_wait3A_372 = arith.constant 13 : i32
    %dma_wait3A_373 = arith.constant 0 : i32
    %dma_wait3A_374 = tpu.memref_slice %arg6[%dma_wait3A_372, %dma_wait3A_373] : memref<16x128xi32, #tpu.memory_space<vmem>> -> memref<1x128xi32, #tpu.memory_space<vmem>>
    %dma_wait3A_375 = tpu.memref_squeeze %dma_wait3A_374 : memref<1x128xi32, #tpu.memory_space<vmem>> -> memref<128xi32, #tpu.memory_space<vmem>>
    %dma_wait3A_376 = arith.constant 0 : i32
    %dma_wait3A_377 = arith.constant 0 : i32
    %dma_wait3A_378 = tpu.memref_slice %arg13[%dma_wait3A_376, %dma_wait3A_377] : memref<4112x128xf32, #tpu.memory_space<vmem_shared>> -> memref<4112x128xf32, #tpu.memory_space<vmem_shared>>
    tpu.wait_indirect_dma semaphore(%arg12 : memref<!tpu.dma_semaphore, #tpu.memory_space<semaphore_mem>>) src(%arg8 : memref<128x128xf32, #tpu.memory_space<vmem>>) dst(%dma_wait3A_378 : memref<4112x128xf32, #tpu.memory_space<vmem_shared>>)
    %dma_wait3A_379 = arith.constant 14 : i32
    %dma_wait3A_380 = arith.constant 0 : i32
    %dma_wait3A_381 = tpu.memref_slice %arg6[%dma_wait3A_379, %dma_wait3A_380] : memref<16x128xi32, #tpu.memory_space<vmem>> -> memref<1x128xi32, #tpu.memory_space<vmem>>
    %dma_wait3A_382 = tpu.memref_squeeze %dma_wait3A_381 : memref<1x128xi32, #tpu.memory_space<vmem>> -> memref<128xi32, #tpu.memory_space<vmem>>
    %dma_wait3A_383 = arith.constant 0 : i32
    %dma_wait3A_384 = arith.constant 0 : i32
    %dma_wait3A_385 = tpu.memref_slice %arg13[%dma_wait3A_383, %dma_wait3A_384] : memref<4112x128xf32, #tpu.memory_space<vmem_shared>> -> memref<4112x128xf32, #tpu.memory_space<vmem_shared>>
    tpu.wait_indirect_dma semaphore(%arg12 : memref<!tpu.dma_semaphore, #tpu.memory_space<semaphore_mem>>) src(%arg9 : memref<128x128xf32, #tpu.memory_space<vmem>>) dst(%dma_wait3A_385 : memref<4112x128xf32, #tpu.memory_space<vmem_shared>>)
    %dma_wait3A_386 = arith.constant 15 : i32
    %dma_wait3A_387 = arith.constant 0 : i32
    %dma_wait3A_388 = tpu.memref_slice %arg6[%dma_wait3A_386, %dma_wait3A_387] : memref<16x128xi32, #tpu.memory_space<vmem>> -> memref<1x128xi32, #tpu.memory_space<vmem>>
    %dma_wait3A_389 = tpu.memref_squeeze %dma_wait3A_388 : memref<1x128xi32, #tpu.memory_space<vmem>> -> memref<128xi32, #tpu.memory_space<vmem>>
    %dma_wait3A_390 = arith.constant 0 : i32
    %dma_wait3A_391 = arith.constant 0 : i32
    %dma_wait3A_392 = tpu.memref_slice %arg13[%dma_wait3A_390, %dma_wait3A_391] : memref<4112x128xf32, #tpu.memory_space<vmem_shared>> -> memref<4112x128xf32, #tpu.memory_space<vmem_shared>>
    tpu.wait_indirect_dma semaphore(%arg12 : memref<!tpu.dma_semaphore, #tpu.memory_space<semaphore_mem>>) src(%arg10 : memref<128x128xf32, #tpu.memory_space<vmem>>) dst(%dma_wait3A_392 : memref<4112x128xf32, #tpu.memory_space<vmem_shared>>)
    %barrier3A_393 = arith.constant 0 : index
    tpu.barrier barrier_id(%barrier3A_393)
    %mul3A_394 = arith.constant 256 : i32
    %mul3A_395 = arith.muli %arg1, %mul3A_394 : i32
    %mul3A_396 = arith.constant 4096 : i32
    %mul3A_397 = arith.muli %add3A_3, %mul3A_396 : i32
    %mul3A_398 = arith.constant 256 : i32
    %mul3A_399 = arith.muli %arg1, %mul3A_398 : i32
    %add3A_400 = arith.addi %mul3A_397, %mul3A_399 : i32
    "tpu.region"() ({
      %run_scoped3A = tpu.sem_alloc : memref<!tpu.dma_semaphore, #tpu.memory_space<semaphore_mem>>
      %dma_start3A_807 = arith.constant 0 : i32
      %dma_start3A_808 = tpu.memref_slice %arg5[%add3A_400, %dma_start3A_807] : memref<16384x128xf32, #tpu.memory_space<hbm>> -> memref<256x128xf32, #tpu.memory_space<hbm>>
      %dma_start3A_809 = arith.constant 0 : i32
      %dma_start3A_810 = tpu.memref_slice %arg13[%mul3A_395, %dma_start3A_809] : memref<4112x128xf32, #tpu.memory_space<vmem_shared>> -> memref<256x128xf32, #tpu.memory_space<vmem_shared>>
      tpu.enqueue_dma source(%dma_start3A_810 : memref<256x128xf32, #tpu.memory_space<vmem_shared>>) target(%dma_start3A_808 : memref<256x128xf32, #tpu.memory_space<hbm>>) target_semaphore(%run_scoped3A : memref<!tpu.dma_semaphore, #tpu.memory_space<semaphore_mem>>)
      %dma_wait3A_811 = arith.constant 0 : i32
      %dma_wait3A_812 = tpu.memref_slice %arg5[%add3A_400, %dma_wait3A_811] : memref<16384x128xf32, #tpu.memory_space<hbm>> -> memref<256x128xf32, #tpu.memory_space<hbm>>
      %dma_wait3A_813 = arith.constant 0 : i32
      %dma_wait3A_814 = tpu.memref_slice %arg13[%mul3A_395, %dma_wait3A_813] : memref<4112x128xf32, #tpu.memory_space<vmem_shared>> -> memref<256x128xf32, #tpu.memory_space<vmem_shared>>
      tpu.wait_dma2 semaphore(%run_scoped3A : memref<!tpu.dma_semaphore, #tpu.memory_space<semaphore_mem>>) src(%dma_wait3A_814 : memref<256x128xf32, #tpu.memory_space<vmem_shared>>) dst(%dma_wait3A_812 : memref<256x128xf32, #tpu.memory_space<hbm>>)
      tpu.yield
    }) : () -> ()
    %barrier3A_401 = arith.constant 0 : index
    tpu.barrier barrier_id(%barrier3A_401)
    %mul3A_402 = arith.constant 2 : i32
    %mul3A_403 = arith.muli %arg0, %mul3A_402 : i32
    %add3A_404 = arith.constant 1 : i32
    %add3A_405 = arith.addi %mul3A_403, %add3A_404 : i32
    %mul3A_406 = arith.constant 257 : i32
    %mul3A_407 = arith.muli %arg1, %mul3A_406 : i32
    "tpu.region"() ({
      %run_scoped3A = tpu.sem_alloc : memref<!tpu.dma_semaphore, #tpu.memory_space<semaphore_mem>>
      %dma_start3A_807 = arith.constant 0 : i32
      %dma_start3A_808 = tpu.memref_slice %arg13[%mul3A_407, %dma_start3A_807] : memref<4112x128xf32, #tpu.memory_space<vmem_shared>> -> memref<257x128xf32, #tpu.memory_space<vmem_shared>>
      tpu.enqueue_dma source(%arg4 : memref<257x128xf32, #tpu.memory_space<hbm>>) target(%dma_start3A_808 : memref<257x128xf32, #tpu.memory_space<vmem_shared>>) target_semaphore(%run_scoped3A : memref<!tpu.dma_semaphore, #tpu.memory_space<semaphore_mem>>)
      %dma_wait3A_809 = arith.constant 0 : i32
      %dma_wait3A_810 = tpu.memref_slice %arg13[%mul3A_407, %dma_wait3A_809] : memref<4112x128xf32, #tpu.memory_space<vmem_shared>> -> memref<257x128xf32, #tpu.memory_space<vmem_shared>>
      tpu.wait_dma2 semaphore(%run_scoped3A : memref<!tpu.dma_semaphore, #tpu.memory_space<semaphore_mem>>) src(%arg4 : memref<257x128xf32, #tpu.memory_space<hbm>>) dst(%dma_wait3A_810 : memref<257x128xf32, #tpu.memory_space<vmem_shared>>)
      tpu.yield
    }) : () -> ()
    %barrier3A_408 = arith.constant 0 : index
    tpu.barrier barrier_id(%barrier3A_408)
    %mul3A_409 = arith.constant 256 : i32
    %mul3A_410 = arith.muli %add3A_405, %mul3A_409 : i32
    %mul3A_411 = arith.constant 16 : i32
    %mul3A_412 = arith.muli %arg1, %mul3A_411 : i32
    %add3A_413 = arith.addi %mul3A_410, %mul3A_412 : i32
    "tpu.region"() ({
      %run_scoped3A = tpu.sem_alloc : memref<!tpu.dma_semaphore, #tpu.memory_space<semaphore_mem>>
      %dma_start3A_807 = arith.constant 0 : i32
      %dma_start3A_808 = tpu.memref_slice %arg3[%add3A_413, %dma_start3A_807] : memref<1024x128xi32, #tpu.memory_space<hbm>> -> memref<16x128xi32, #tpu.memory_space<hbm>>
      %dma_start3A_809 = arith.constant 0 : i32
      %dma_start3A_810 = tpu.memref_slice %arg3[%add3A_413, %dma_start3A_809] : memref<1024x128xi32, #tpu.memory_space<hbm>> -> memref<16x128xi32, #tpu.memory_space<hbm>>
      tpu.enqueue_dma source(%dma_start3A_810 : memref<16x128xi32, #tpu.memory_space<hbm>>) target(%arg6 : memref<16x128xi32, #tpu.memory_space<vmem>>) target_semaphore(%run_scoped3A : memref<!tpu.dma_semaphore, #tpu.memory_space<semaphore_mem>>)
      %dma_wait3A_811 = arith.constant 0 : i32
      %dma_wait3A_812 = tpu.memref_slice %arg3[%add3A_413, %dma_wait3A_811] : memref<1024x128xi32, #tpu.memory_space<hbm>> -> memref<16x128xi32, #tpu.memory_space<hbm>>
      %dma_wait3A_813 = arith.constant 0 : i32
      %dma_wait3A_814 = tpu.memref_slice %arg3[%add3A_413, %dma_wait3A_813] : memref<1024x128xi32, #tpu.memory_space<hbm>> -> memref<16x128xi32, #tpu.memory_space<hbm>>
      tpu.wait_dma2 semaphore(%run_scoped3A : memref<!tpu.dma_semaphore, #tpu.memory_space<semaphore_mem>>) src(%dma_wait3A_814 : memref<16x128xi32, #tpu.memory_space<hbm>>) dst(%arg6 : memref<16x128xi32, #tpu.memory_space<vmem>>)
      tpu.yield
    }) : () -> ()
    %add3A_414 = arith.constant 0 : i32
    %add3A_415 = arith.addi %mul3A_0, %add3A_414 : i32
    %dma_start3A_416 = arith.constant 0 : i32
    %dma_start3A_417 = tpu.memref_slice %arg2[%add3A_415, %dma_start3A_416] : memref<32768x128xf32, #tpu.memory_space<hbm>> -> memref<128x128xf32, #tpu.memory_space<hbm>>
    %dma_start3A_418 = arith.constant 0 : i32
    %dma_start3A_419 = tpu.memref_slice %arg2[%add3A_415, %dma_start3A_418] : memref<32768x128xf32, #tpu.memory_space<hbm>> -> memref<128x128xf32, #tpu.memory_space<hbm>>
    tpu.enqueue_dma source(%dma_start3A_419 : memref<128x128xf32, #tpu.memory_space<hbm>>) target(%arg7 : memref<128x128xf32, #tpu.memory_space<vmem>>) target_semaphore(%arg11 : memref<!tpu.dma_semaphore, #tpu.memory_space<semaphore_mem>>)
    %add3A_420 = arith.constant 128 : i32
    %add3A_421 = arith.addi %mul3A_0, %add3A_420 : i32
    %dma_start3A_422 = arith.constant 0 : i32
    %dma_start3A_423 = tpu.memref_slice %arg2[%add3A_421, %dma_start3A_422] : memref<32768x128xf32, #tpu.memory_space<hbm>> -> memref<128x128xf32, #tpu.memory_space<hbm>>
    %dma_start3A_424 = arith.constant 0 : i32
    %dma_start3A_425 = tpu.memref_slice %arg2[%add3A_421, %dma_start3A_424] : memref<32768x128xf32, #tpu.memory_space<hbm>> -> memref<128x128xf32, #tpu.memory_space<hbm>>
    tpu.enqueue_dma source(%dma_start3A_425 : memref<128x128xf32, #tpu.memory_space<hbm>>) target(%arg8 : memref<128x128xf32, #tpu.memory_space<vmem>>) target_semaphore(%arg11 : memref<!tpu.dma_semaphore, #tpu.memory_space<semaphore_mem>>)
    %add3A_426 = arith.constant 256 : i32
    %add3A_427 = arith.addi %mul3A_0, %add3A_426 : i32
    %dma_start3A_428 = arith.constant 0 : i32
    %dma_start3A_429 = tpu.memref_slice %arg2[%add3A_427, %dma_start3A_428] : memref<32768x128xf32, #tpu.memory_space<hbm>> -> memref<128x128xf32, #tpu.memory_space<hbm>>
    %dma_start3A_430 = arith.constant 0 : i32
    %dma_start3A_431 = tpu.memref_slice %arg2[%add3A_427, %dma_start3A_430] : memref<32768x128xf32, #tpu.memory_space<hbm>> -> memref<128x128xf32, #tpu.memory_space<hbm>>
    tpu.enqueue_dma source(%dma_start3A_431 : memref<128x128xf32, #tpu.memory_space<hbm>>) target(%arg9 : memref<128x128xf32, #tpu.memory_space<vmem>>) target_semaphore(%arg11 : memref<!tpu.dma_semaphore, #tpu.memory_space<semaphore_mem>>)
    %dma_wait3A_432 = arith.constant 0 : i32
    %dma_wait3A_433 = tpu.memref_slice %arg2[%add3A_415, %dma_wait3A_432] : memref<32768x128xf32, #tpu.memory_space<hbm>> -> memref<128x128xf32, #tpu.memory_space<hbm>>
    %dma_wait3A_434 = arith.constant 0 : i32
    %dma_wait3A_435 = tpu.memref_slice %arg2[%add3A_415, %dma_wait3A_434] : memref<32768x128xf32, #tpu.memory_space<hbm>> -> memref<128x128xf32, #tpu.memory_space<hbm>>
    tpu.wait_dma2 semaphore(%arg11 : memref<!tpu.dma_semaphore, #tpu.memory_space<semaphore_mem>>) src(%dma_wait3A_435 : memref<128x128xf32, #tpu.memory_space<hbm>>) dst(%arg7 : memref<128x128xf32, #tpu.memory_space<vmem>>)
    %dma_start3A_436 = arith.constant 0 : i32
    %dma_start3A_437 = arith.constant 0 : i32
    %dma_start3A_438 = tpu.memref_slice %arg6[%dma_start3A_436, %dma_start3A_437] : memref<16x128xi32, #tpu.memory_space<vmem>> -> memref<1x128xi32, #tpu.memory_space<vmem>>
    %dma_start3A_439 = tpu.memref_squeeze %dma_start3A_438 : memref<1x128xi32, #tpu.memory_space<vmem>> -> memref<128xi32, #tpu.memory_space<vmem>>
    %dma_start3A_440 = arith.constant 0 : i32
    %dma_start3A_441 = arith.constant 0 : i32
    %dma_start3A_442 = tpu.memref_slice %arg13[%dma_start3A_440, %dma_start3A_441] : memref<4112x128xf32, #tpu.memory_space<vmem_shared>> -> memref<4112x128xf32, #tpu.memory_space<vmem_shared>>
    tpu.enqueue_indirect_dma source(%arg7 : memref<128x128xf32, #tpu.memory_space<vmem>>) target(%dma_start3A_442 : memref<4112x128xf32, #tpu.memory_space<vmem_shared>>) offsets(%dma_start3A_439 : memref<128xi32, #tpu.memory_space<vmem>>) semaphore(%arg12 : memref<!tpu.dma_semaphore, #tpu.memory_space<semaphore_mem>>) {add = true}
    %add3A_443 = arith.constant 384 : i32
    %add3A_444 = arith.addi %mul3A_0, %add3A_443 : i32
    %dma_start3A_445 = arith.constant 0 : i32
    %dma_start3A_446 = tpu.memref_slice %arg2[%add3A_444, %dma_start3A_445] : memref<32768x128xf32, #tpu.memory_space<hbm>> -> memref<128x128xf32, #tpu.memory_space<hbm>>
    %dma_start3A_447 = arith.constant 0 : i32
    %dma_start3A_448 = tpu.memref_slice %arg2[%add3A_444, %dma_start3A_447] : memref<32768x128xf32, #tpu.memory_space<hbm>> -> memref<128x128xf32, #tpu.memory_space<hbm>>
    tpu.enqueue_dma source(%dma_start3A_448 : memref<128x128xf32, #tpu.memory_space<hbm>>) target(%arg10 : memref<128x128xf32, #tpu.memory_space<vmem>>) target_semaphore(%arg11 : memref<!tpu.dma_semaphore, #tpu.memory_space<semaphore_mem>>)
    %dma_wait3A_449 = arith.constant 0 : i32
    %dma_wait3A_450 = tpu.memref_slice %arg2[%add3A_421, %dma_wait3A_449] : memref<32768x128xf32, #tpu.memory_space<hbm>> -> memref<128x128xf32, #tpu.memory_space<hbm>>
    %dma_wait3A_451 = arith.constant 0 : i32
    %dma_wait3A_452 = tpu.memref_slice %arg2[%add3A_421, %dma_wait3A_451] : memref<32768x128xf32, #tpu.memory_space<hbm>> -> memref<128x128xf32, #tpu.memory_space<hbm>>
    tpu.wait_dma2 semaphore(%arg11 : memref<!tpu.dma_semaphore, #tpu.memory_space<semaphore_mem>>) src(%dma_wait3A_452 : memref<128x128xf32, #tpu.memory_space<hbm>>) dst(%arg8 : memref<128x128xf32, #tpu.memory_space<vmem>>)
    %dma_start3A_453 = arith.constant 1 : i32
    %dma_start3A_454 = arith.constant 0 : i32
    %dma_start3A_455 = tpu.memref_slice %arg6[%dma_start3A_453, %dma_start3A_454] : memref<16x128xi32, #tpu.memory_space<vmem>> -> memref<1x128xi32, #tpu.memory_space<vmem>>
    %dma_start3A_456 = tpu.memref_squeeze %dma_start3A_455 : memref<1x128xi32, #tpu.memory_space<vmem>> -> memref<128xi32, #tpu.memory_space<vmem>>
    %dma_start3A_457 = arith.constant 0 : i32
    %dma_start3A_458 = arith.constant 0 : i32
    %dma_start3A_459 = tpu.memref_slice %arg13[%dma_start3A_457, %dma_start3A_458] : memref<4112x128xf32, #tpu.memory_space<vmem_shared>> -> memref<4112x128xf32, #tpu.memory_space<vmem_shared>>
    tpu.enqueue_indirect_dma source(%arg8 : memref<128x128xf32, #tpu.memory_space<vmem>>) target(%dma_start3A_459 : memref<4112x128xf32, #tpu.memory_space<vmem_shared>>) offsets(%dma_start3A_456 : memref<128xi32, #tpu.memory_space<vmem>>) semaphore(%arg12 : memref<!tpu.dma_semaphore, #tpu.memory_space<semaphore_mem>>) {add = true}
    %dma_wait3A_460 = arith.constant 0 : i32
    %dma_wait3A_461 = arith.constant 0 : i32
    %dma_wait3A_462 = tpu.memref_slice %arg6[%dma_wait3A_460, %dma_wait3A_461] : memref<16x128xi32, #tpu.memory_space<vmem>> -> memref<1x128xi32, #tpu.memory_space<vmem>>
    %dma_wait3A_463 = tpu.memref_squeeze %dma_wait3A_462 : memref<1x128xi32, #tpu.memory_space<vmem>> -> memref<128xi32, #tpu.memory_space<vmem>>
    %dma_wait3A_464 = arith.constant 0 : i32
    %dma_wait3A_465 = arith.constant 0 : i32
    %dma_wait3A_466 = tpu.memref_slice %arg13[%dma_wait3A_464, %dma_wait3A_465] : memref<4112x128xf32, #tpu.memory_space<vmem_shared>> -> memref<4112x128xf32, #tpu.memory_space<vmem_shared>>
    tpu.wait_indirect_dma semaphore(%arg12 : memref<!tpu.dma_semaphore, #tpu.memory_space<semaphore_mem>>) src(%arg7 : memref<128x128xf32, #tpu.memory_space<vmem>>) dst(%dma_wait3A_466 : memref<4112x128xf32, #tpu.memory_space<vmem_shared>>)
    %add3A_467 = arith.constant 512 : i32
    %add3A_468 = arith.addi %mul3A_0, %add3A_467 : i32
    %dma_start3A_469 = arith.constant 0 : i32
    %dma_start3A_470 = tpu.memref_slice %arg2[%add3A_468, %dma_start3A_469] : memref<32768x128xf32, #tpu.memory_space<hbm>> -> memref<128x128xf32, #tpu.memory_space<hbm>>
    %dma_start3A_471 = arith.constant 0 : i32
    %dma_start3A_472 = tpu.memref_slice %arg2[%add3A_468, %dma_start3A_471] : memref<32768x128xf32, #tpu.memory_space<hbm>> -> memref<128x128xf32, #tpu.memory_space<hbm>>
    tpu.enqueue_dma source(%dma_start3A_472 : memref<128x128xf32, #tpu.memory_space<hbm>>) target(%arg7 : memref<128x128xf32, #tpu.memory_space<vmem>>) target_semaphore(%arg11 : memref<!tpu.dma_semaphore, #tpu.memory_space<semaphore_mem>>)
    %dma_wait3A_473 = arith.constant 0 : i32
    %dma_wait3A_474 = tpu.memref_slice %arg2[%add3A_427, %dma_wait3A_473] : memref<32768x128xf32, #tpu.memory_space<hbm>> -> memref<128x128xf32, #tpu.memory_space<hbm>>
    %dma_wait3A_475 = arith.constant 0 : i32
    %dma_wait3A_476 = tpu.memref_slice %arg2[%add3A_427, %dma_wait3A_475] : memref<32768x128xf32, #tpu.memory_space<hbm>> -> memref<128x128xf32, #tpu.memory_space<hbm>>
    tpu.wait_dma2 semaphore(%arg11 : memref<!tpu.dma_semaphore, #tpu.memory_space<semaphore_mem>>) src(%dma_wait3A_476 : memref<128x128xf32, #tpu.memory_space<hbm>>) dst(%arg9 : memref<128x128xf32, #tpu.memory_space<vmem>>)
    %dma_start3A_477 = arith.constant 2 : i32
    %dma_start3A_478 = arith.constant 0 : i32
    %dma_start3A_479 = tpu.memref_slice %arg6[%dma_start3A_477, %dma_start3A_478] : memref<16x128xi32, #tpu.memory_space<vmem>> -> memref<1x128xi32, #tpu.memory_space<vmem>>
    %dma_start3A_480 = tpu.memref_squeeze %dma_start3A_479 : memref<1x128xi32, #tpu.memory_space<vmem>> -> memref<128xi32, #tpu.memory_space<vmem>>
    %dma_start3A_481 = arith.constant 0 : i32
    %dma_start3A_482 = arith.constant 0 : i32
    %dma_start3A_483 = tpu.memref_slice %arg13[%dma_start3A_481, %dma_start3A_482] : memref<4112x128xf32, #tpu.memory_space<vmem_shared>> -> memref<4112x128xf32, #tpu.memory_space<vmem_shared>>
    tpu.enqueue_indirect_dma source(%arg9 : memref<128x128xf32, #tpu.memory_space<vmem>>) target(%dma_start3A_483 : memref<4112x128xf32, #tpu.memory_space<vmem_shared>>) offsets(%dma_start3A_480 : memref<128xi32, #tpu.memory_space<vmem>>) semaphore(%arg12 : memref<!tpu.dma_semaphore, #tpu.memory_space<semaphore_mem>>) {add = true}
    %dma_wait3A_484 = arith.constant 1 : i32
    %dma_wait3A_485 = arith.constant 0 : i32
    %dma_wait3A_486 = tpu.memref_slice %arg6[%dma_wait3A_484, %dma_wait3A_485] : memref<16x128xi32, #tpu.memory_space<vmem>> -> memref<1x128xi32, #tpu.memory_space<vmem>>
    %dma_wait3A_487 = tpu.memref_squeeze %dma_wait3A_486 : memref<1x128xi32, #tpu.memory_space<vmem>> -> memref<128xi32, #tpu.memory_space<vmem>>
    %dma_wait3A_488 = arith.constant 0 : i32
    %dma_wait3A_489 = arith.constant 0 : i32
    %dma_wait3A_490 = tpu.memref_slice %arg13[%dma_wait3A_488, %dma_wait3A_489] : memref<4112x128xf32, #tpu.memory_space<vmem_shared>> -> memref<4112x128xf32, #tpu.memory_space<vmem_shared>>
    tpu.wait_indirect_dma semaphore(%arg12 : memref<!tpu.dma_semaphore, #tpu.memory_space<semaphore_mem>>) src(%arg8 : memref<128x128xf32, #tpu.memory_space<vmem>>) dst(%dma_wait3A_490 : memref<4112x128xf32, #tpu.memory_space<vmem_shared>>)
    %add3A_491 = arith.constant 640 : i32
    %add3A_492 = arith.addi %mul3A_0, %add3A_491 : i32
    %dma_start3A_493 = arith.constant 0 : i32
    %dma_start3A_494 = tpu.memref_slice %arg2[%add3A_492, %dma_start3A_493] : memref<32768x128xf32, #tpu.memory_space<hbm>> -> memref<128x128xf32, #tpu.memory_space<hbm>>
    %dma_start3A_495 = arith.constant 0 : i32
    %dma_start3A_496 = tpu.memref_slice %arg2[%add3A_492, %dma_start3A_495] : memref<32768x128xf32, #tpu.memory_space<hbm>> -> memref<128x128xf32, #tpu.memory_space<hbm>>
    tpu.enqueue_dma source(%dma_start3A_496 : memref<128x128xf32, #tpu.memory_space<hbm>>) target(%arg8 : memref<128x128xf32, #tpu.memory_space<vmem>>) target_semaphore(%arg11 : memref<!tpu.dma_semaphore, #tpu.memory_space<semaphore_mem>>)
    %dma_wait3A_497 = arith.constant 0 : i32
    %dma_wait3A_498 = tpu.memref_slice %arg2[%add3A_444, %dma_wait3A_497] : memref<32768x128xf32, #tpu.memory_space<hbm>> -> memref<128x128xf32, #tpu.memory_space<hbm>>
    %dma_wait3A_499 = arith.constant 0 : i32
    %dma_wait3A_500 = tpu.memref_slice %arg2[%add3A_444, %dma_wait3A_499] : memref<32768x128xf32, #tpu.memory_space<hbm>> -> memref<128x128xf32, #tpu.memory_space<hbm>>
    tpu.wait_dma2 semaphore(%arg11 : memref<!tpu.dma_semaphore, #tpu.memory_space<semaphore_mem>>) src(%dma_wait3A_500 : memref<128x128xf32, #tpu.memory_space<hbm>>) dst(%arg10 : memref<128x128xf32, #tpu.memory_space<vmem>>)
    %dma_start3A_501 = arith.constant 3 : i32
    %dma_start3A_502 = arith.constant 0 : i32
    %dma_start3A_503 = tpu.memref_slice %arg6[%dma_start3A_501, %dma_start3A_502] : memref<16x128xi32, #tpu.memory_space<vmem>> -> memref<1x128xi32, #tpu.memory_space<vmem>>
    %dma_start3A_504 = tpu.memref_squeeze %dma_start3A_503 : memref<1x128xi32, #tpu.memory_space<vmem>> -> memref<128xi32, #tpu.memory_space<vmem>>
    %dma_start3A_505 = arith.constant 0 : i32
    %dma_start3A_506 = arith.constant 0 : i32
    %dma_start3A_507 = tpu.memref_slice %arg13[%dma_start3A_505, %dma_start3A_506] : memref<4112x128xf32, #tpu.memory_space<vmem_shared>> -> memref<4112x128xf32, #tpu.memory_space<vmem_shared>>
    tpu.enqueue_indirect_dma source(%arg10 : memref<128x128xf32, #tpu.memory_space<vmem>>) target(%dma_start3A_507 : memref<4112x128xf32, #tpu.memory_space<vmem_shared>>) offsets(%dma_start3A_504 : memref<128xi32, #tpu.memory_space<vmem>>) semaphore(%arg12 : memref<!tpu.dma_semaphore, #tpu.memory_space<semaphore_mem>>) {add = true}
    %dma_wait3A_508 = arith.constant 2 : i32
    %dma_wait3A_509 = arith.constant 0 : i32
    %dma_wait3A_510 = tpu.memref_slice %arg6[%dma_wait3A_508, %dma_wait3A_509] : memref<16x128xi32, #tpu.memory_space<vmem>> -> memref<1x128xi32, #tpu.memory_space<vmem>>
    %dma_wait3A_511 = tpu.memref_squeeze %dma_wait3A_510 : memref<1x128xi32, #tpu.memory_space<vmem>> -> memref<128xi32, #tpu.memory_space<vmem>>
    %dma_wait3A_512 = arith.constant 0 : i32
    %dma_wait3A_513 = arith.constant 0 : i32
    %dma_wait3A_514 = tpu.memref_slice %arg13[%dma_wait3A_512, %dma_wait3A_513] : memref<4112x128xf32, #tpu.memory_space<vmem_shared>> -> memref<4112x128xf32, #tpu.memory_space<vmem_shared>>
    tpu.wait_indirect_dma semaphore(%arg12 : memref<!tpu.dma_semaphore, #tpu.memory_space<semaphore_mem>>) src(%arg9 : memref<128x128xf32, #tpu.memory_space<vmem>>) dst(%dma_wait3A_514 : memref<4112x128xf32, #tpu.memory_space<vmem_shared>>)
    %add3A_515 = arith.constant 768 : i32
    %add3A_516 = arith.addi %mul3A_0, %add3A_515 : i32
    %dma_start3A_517 = arith.constant 0 : i32
    %dma_start3A_518 = tpu.memref_slice %arg2[%add3A_516, %dma_start3A_517] : memref<32768x128xf32, #tpu.memory_space<hbm>> -> memref<128x128xf32, #tpu.memory_space<hbm>>
    %dma_start3A_519 = arith.constant 0 : i32
    %dma_start3A_520 = tpu.memref_slice %arg2[%add3A_516, %dma_start3A_519] : memref<32768x128xf32, #tpu.memory_space<hbm>> -> memref<128x128xf32, #tpu.memory_space<hbm>>
    tpu.enqueue_dma source(%dma_start3A_520 : memref<128x128xf32, #tpu.memory_space<hbm>>) target(%arg9 : memref<128x128xf32, #tpu.memory_space<vmem>>) target_semaphore(%arg11 : memref<!tpu.dma_semaphore, #tpu.memory_space<semaphore_mem>>)
    %dma_wait3A_521 = arith.constant 0 : i32
    %dma_wait3A_522 = tpu.memref_slice %arg2[%add3A_468, %dma_wait3A_521] : memref<32768x128xf32, #tpu.memory_space<hbm>> -> memref<128x128xf32, #tpu.memory_space<hbm>>
    %dma_wait3A_523 = arith.constant 0 : i32
    %dma_wait3A_524 = tpu.memref_slice %arg2[%add3A_468, %dma_wait3A_523] : memref<32768x128xf32, #tpu.memory_space<hbm>> -> memref<128x128xf32, #tpu.memory_space<hbm>>
    tpu.wait_dma2 semaphore(%arg11 : memref<!tpu.dma_semaphore, #tpu.memory_space<semaphore_mem>>) src(%dma_wait3A_524 : memref<128x128xf32, #tpu.memory_space<hbm>>) dst(%arg7 : memref<128x128xf32, #tpu.memory_space<vmem>>)
    %dma_start3A_525 = arith.constant 4 : i32
    %dma_start3A_526 = arith.constant 0 : i32
    %dma_start3A_527 = tpu.memref_slice %arg6[%dma_start3A_525, %dma_start3A_526] : memref<16x128xi32, #tpu.memory_space<vmem>> -> memref<1x128xi32, #tpu.memory_space<vmem>>
    %dma_start3A_528 = tpu.memref_squeeze %dma_start3A_527 : memref<1x128xi32, #tpu.memory_space<vmem>> -> memref<128xi32, #tpu.memory_space<vmem>>
    %dma_start3A_529 = arith.constant 0 : i32
    %dma_start3A_530 = arith.constant 0 : i32
    %dma_start3A_531 = tpu.memref_slice %arg13[%dma_start3A_529, %dma_start3A_530] : memref<4112x128xf32, #tpu.memory_space<vmem_shared>> -> memref<4112x128xf32, #tpu.memory_space<vmem_shared>>
    tpu.enqueue_indirect_dma source(%arg7 : memref<128x128xf32, #tpu.memory_space<vmem>>) target(%dma_start3A_531 : memref<4112x128xf32, #tpu.memory_space<vmem_shared>>) offsets(%dma_start3A_528 : memref<128xi32, #tpu.memory_space<vmem>>) semaphore(%arg12 : memref<!tpu.dma_semaphore, #tpu.memory_space<semaphore_mem>>) {add = true}
    %dma_wait3A_532 = arith.constant 3 : i32
    %dma_wait3A_533 = arith.constant 0 : i32
    %dma_wait3A_534 = tpu.memref_slice %arg6[%dma_wait3A_532, %dma_wait3A_533] : memref<16x128xi32, #tpu.memory_space<vmem>> -> memref<1x128xi32, #tpu.memory_space<vmem>>
    %dma_wait3A_535 = tpu.memref_squeeze %dma_wait3A_534 : memref<1x128xi32, #tpu.memory_space<vmem>> -> memref<128xi32, #tpu.memory_space<vmem>>
    %dma_wait3A_536 = arith.constant 0 : i32
    %dma_wait3A_537 = arith.constant 0 : i32
    %dma_wait3A_538 = tpu.memref_slice %arg13[%dma_wait3A_536, %dma_wait3A_537] : memref<4112x128xf32, #tpu.memory_space<vmem_shared>> -> memref<4112x128xf32, #tpu.memory_space<vmem_shared>>
    tpu.wait_indirect_dma semaphore(%arg12 : memref<!tpu.dma_semaphore, #tpu.memory_space<semaphore_mem>>) src(%arg10 : memref<128x128xf32, #tpu.memory_space<vmem>>) dst(%dma_wait3A_538 : memref<4112x128xf32, #tpu.memory_space<vmem_shared>>)
    %add3A_539 = arith.constant 896 : i32
    %add3A_540 = arith.addi %mul3A_0, %add3A_539 : i32
    %dma_start3A_541 = arith.constant 0 : i32
    %dma_start3A_542 = tpu.memref_slice %arg2[%add3A_540, %dma_start3A_541] : memref<32768x128xf32, #tpu.memory_space<hbm>> -> memref<128x128xf32, #tpu.memory_space<hbm>>
    %dma_start3A_543 = arith.constant 0 : i32
    %dma_start3A_544 = tpu.memref_slice %arg2[%add3A_540, %dma_start3A_543] : memref<32768x128xf32, #tpu.memory_space<hbm>> -> memref<128x128xf32, #tpu.memory_space<hbm>>
    tpu.enqueue_dma source(%dma_start3A_544 : memref<128x128xf32, #tpu.memory_space<hbm>>) target(%arg10 : memref<128x128xf32, #tpu.memory_space<vmem>>) target_semaphore(%arg11 : memref<!tpu.dma_semaphore, #tpu.memory_space<semaphore_mem>>)
    %dma_wait3A_545 = arith.constant 0 : i32
    %dma_wait3A_546 = tpu.memref_slice %arg2[%add3A_492, %dma_wait3A_545] : memref<32768x128xf32, #tpu.memory_space<hbm>> -> memref<128x128xf32, #tpu.memory_space<hbm>>
    %dma_wait3A_547 = arith.constant 0 : i32
    %dma_wait3A_548 = tpu.memref_slice %arg2[%add3A_492, %dma_wait3A_547] : memref<32768x128xf32, #tpu.memory_space<hbm>> -> memref<128x128xf32, #tpu.memory_space<hbm>>
    tpu.wait_dma2 semaphore(%arg11 : memref<!tpu.dma_semaphore, #tpu.memory_space<semaphore_mem>>) src(%dma_wait3A_548 : memref<128x128xf32, #tpu.memory_space<hbm>>) dst(%arg8 : memref<128x128xf32, #tpu.memory_space<vmem>>)
    %dma_start3A_549 = arith.constant 5 : i32
    %dma_start3A_550 = arith.constant 0 : i32
    %dma_start3A_551 = tpu.memref_slice %arg6[%dma_start3A_549, %dma_start3A_550] : memref<16x128xi32, #tpu.memory_space<vmem>> -> memref<1x128xi32, #tpu.memory_space<vmem>>
    %dma_start3A_552 = tpu.memref_squeeze %dma_start3A_551 : memref<1x128xi32, #tpu.memory_space<vmem>> -> memref<128xi32, #tpu.memory_space<vmem>>
    %dma_start3A_553 = arith.constant 0 : i32
    %dma_start3A_554 = arith.constant 0 : i32
    %dma_start3A_555 = tpu.memref_slice %arg13[%dma_start3A_553, %dma_start3A_554] : memref<4112x128xf32, #tpu.memory_space<vmem_shared>> -> memref<4112x128xf32, #tpu.memory_space<vmem_shared>>
    tpu.enqueue_indirect_dma source(%arg8 : memref<128x128xf32, #tpu.memory_space<vmem>>) target(%dma_start3A_555 : memref<4112x128xf32, #tpu.memory_space<vmem_shared>>) offsets(%dma_start3A_552 : memref<128xi32, #tpu.memory_space<vmem>>) semaphore(%arg12 : memref<!tpu.dma_semaphore, #tpu.memory_space<semaphore_mem>>) {add = true}
    %dma_wait3A_556 = arith.constant 4 : i32
    %dma_wait3A_557 = arith.constant 0 : i32
    %dma_wait3A_558 = tpu.memref_slice %arg6[%dma_wait3A_556, %dma_wait3A_557] : memref<16x128xi32, #tpu.memory_space<vmem>> -> memref<1x128xi32, #tpu.memory_space<vmem>>
    %dma_wait3A_559 = tpu.memref_squeeze %dma_wait3A_558 : memref<1x128xi32, #tpu.memory_space<vmem>> -> memref<128xi32, #tpu.memory_space<vmem>>
    %dma_wait3A_560 = arith.constant 0 : i32
    %dma_wait3A_561 = arith.constant 0 : i32
    %dma_wait3A_562 = tpu.memref_slice %arg13[%dma_wait3A_560, %dma_wait3A_561] : memref<4112x128xf32, #tpu.memory_space<vmem_shared>> -> memref<4112x128xf32, #tpu.memory_space<vmem_shared>>
    tpu.wait_indirect_dma semaphore(%arg12 : memref<!tpu.dma_semaphore, #tpu.memory_space<semaphore_mem>>) src(%arg7 : memref<128x128xf32, #tpu.memory_space<vmem>>) dst(%dma_wait3A_562 : memref<4112x128xf32, #tpu.memory_space<vmem_shared>>)
    %add3A_563 = arith.constant 1024 : i32
    %add3A_564 = arith.addi %mul3A_0, %add3A_563 : i32
    %dma_start3A_565 = arith.constant 0 : i32
    %dma_start3A_566 = tpu.memref_slice %arg2[%add3A_564, %dma_start3A_565] : memref<32768x128xf32, #tpu.memory_space<hbm>> -> memref<128x128xf32, #tpu.memory_space<hbm>>
    %dma_start3A_567 = arith.constant 0 : i32
    %dma_start3A_568 = tpu.memref_slice %arg2[%add3A_564, %dma_start3A_567] : memref<32768x128xf32, #tpu.memory_space<hbm>> -> memref<128x128xf32, #tpu.memory_space<hbm>>
    tpu.enqueue_dma source(%dma_start3A_568 : memref<128x128xf32, #tpu.memory_space<hbm>>) target(%arg7 : memref<128x128xf32, #tpu.memory_space<vmem>>) target_semaphore(%arg11 : memref<!tpu.dma_semaphore, #tpu.memory_space<semaphore_mem>>)
    %dma_wait3A_569 = arith.constant 0 : i32
    %dma_wait3A_570 = tpu.memref_slice %arg2[%add3A_516, %dma_wait3A_569] : memref<32768x128xf32, #tpu.memory_space<hbm>> -> memref<128x128xf32, #tpu.memory_space<hbm>>
    %dma_wait3A_571 = arith.constant 0 : i32
    %dma_wait3A_572 = tpu.memref_slice %arg2[%add3A_516, %dma_wait3A_571] : memref<32768x128xf32, #tpu.memory_space<hbm>> -> memref<128x128xf32, #tpu.memory_space<hbm>>
    tpu.wait_dma2 semaphore(%arg11 : memref<!tpu.dma_semaphore, #tpu.memory_space<semaphore_mem>>) src(%dma_wait3A_572 : memref<128x128xf32, #tpu.memory_space<hbm>>) dst(%arg9 : memref<128x128xf32, #tpu.memory_space<vmem>>)
    %dma_start3A_573 = arith.constant 6 : i32
    %dma_start3A_574 = arith.constant 0 : i32
    %dma_start3A_575 = tpu.memref_slice %arg6[%dma_start3A_573, %dma_start3A_574] : memref<16x128xi32, #tpu.memory_space<vmem>> -> memref<1x128xi32, #tpu.memory_space<vmem>>
    %dma_start3A_576 = tpu.memref_squeeze %dma_start3A_575 : memref<1x128xi32, #tpu.memory_space<vmem>> -> memref<128xi32, #tpu.memory_space<vmem>>
    %dma_start3A_577 = arith.constant 0 : i32
    %dma_start3A_578 = arith.constant 0 : i32
    %dma_start3A_579 = tpu.memref_slice %arg13[%dma_start3A_577, %dma_start3A_578] : memref<4112x128xf32, #tpu.memory_space<vmem_shared>> -> memref<4112x128xf32, #tpu.memory_space<vmem_shared>>
    tpu.enqueue_indirect_dma source(%arg9 : memref<128x128xf32, #tpu.memory_space<vmem>>) target(%dma_start3A_579 : memref<4112x128xf32, #tpu.memory_space<vmem_shared>>) offsets(%dma_start3A_576 : memref<128xi32, #tpu.memory_space<vmem>>) semaphore(%arg12 : memref<!tpu.dma_semaphore, #tpu.memory_space<semaphore_mem>>) {add = true}
    %dma_wait3A_580 = arith.constant 5 : i32
    %dma_wait3A_581 = arith.constant 0 : i32
    %dma_wait3A_582 = tpu.memref_slice %arg6[%dma_wait3A_580, %dma_wait3A_581] : memref<16x128xi32, #tpu.memory_space<vmem>> -> memref<1x128xi32, #tpu.memory_space<vmem>>
    %dma_wait3A_583 = tpu.memref_squeeze %dma_wait3A_582 : memref<1x128xi32, #tpu.memory_space<vmem>> -> memref<128xi32, #tpu.memory_space<vmem>>
    %dma_wait3A_584 = arith.constant 0 : i32
    %dma_wait3A_585 = arith.constant 0 : i32
    %dma_wait3A_586 = tpu.memref_slice %arg13[%dma_wait3A_584, %dma_wait3A_585] : memref<4112x128xf32, #tpu.memory_space<vmem_shared>> -> memref<4112x128xf32, #tpu.memory_space<vmem_shared>>
    tpu.wait_indirect_dma semaphore(%arg12 : memref<!tpu.dma_semaphore, #tpu.memory_space<semaphore_mem>>) src(%arg8 : memref<128x128xf32, #tpu.memory_space<vmem>>) dst(%dma_wait3A_586 : memref<4112x128xf32, #tpu.memory_space<vmem_shared>>)
    %add3A_587 = arith.constant 1152 : i32
    %add3A_588 = arith.addi %mul3A_0, %add3A_587 : i32
    %dma_start3A_589 = arith.constant 0 : i32
    %dma_start3A_590 = tpu.memref_slice %arg2[%add3A_588, %dma_start3A_589] : memref<32768x128xf32, #tpu.memory_space<hbm>> -> memref<128x128xf32, #tpu.memory_space<hbm>>
    %dma_start3A_591 = arith.constant 0 : i32
    %dma_start3A_592 = tpu.memref_slice %arg2[%add3A_588, %dma_start3A_591] : memref<32768x128xf32, #tpu.memory_space<hbm>> -> memref<128x128xf32, #tpu.memory_space<hbm>>
    tpu.enqueue_dma source(%dma_start3A_592 : memref<128x128xf32, #tpu.memory_space<hbm>>) target(%arg8 : memref<128x128xf32, #tpu.memory_space<vmem>>) target_semaphore(%arg11 : memref<!tpu.dma_semaphore, #tpu.memory_space<semaphore_mem>>)
    %dma_wait3A_593 = arith.constant 0 : i32
    %dma_wait3A_594 = tpu.memref_slice %arg2[%add3A_540, %dma_wait3A_593] : memref<32768x128xf32, #tpu.memory_space<hbm>> -> memref<128x128xf32, #tpu.memory_space<hbm>>
    %dma_wait3A_595 = arith.constant 0 : i32
    %dma_wait3A_596 = tpu.memref_slice %arg2[%add3A_540, %dma_wait3A_595] : memref<32768x128xf32, #tpu.memory_space<hbm>> -> memref<128x128xf32, #tpu.memory_space<hbm>>
    tpu.wait_dma2 semaphore(%arg11 : memref<!tpu.dma_semaphore, #tpu.memory_space<semaphore_mem>>) src(%dma_wait3A_596 : memref<128x128xf32, #tpu.memory_space<hbm>>) dst(%arg10 : memref<128x128xf32, #tpu.memory_space<vmem>>)
    %dma_start3A_597 = arith.constant 7 : i32
    %dma_start3A_598 = arith.constant 0 : i32
    %dma_start3A_599 = tpu.memref_slice %arg6[%dma_start3A_597, %dma_start3A_598] : memref<16x128xi32, #tpu.memory_space<vmem>> -> memref<1x128xi32, #tpu.memory_space<vmem>>
    %dma_start3A_600 = tpu.memref_squeeze %dma_start3A_599 : memref<1x128xi32, #tpu.memory_space<vmem>> -> memref<128xi32, #tpu.memory_space<vmem>>
    %dma_start3A_601 = arith.constant 0 : i32
    %dma_start3A_602 = arith.constant 0 : i32
    %dma_start3A_603 = tpu.memref_slice %arg13[%dma_start3A_601, %dma_start3A_602] : memref<4112x128xf32, #tpu.memory_space<vmem_shared>> -> memref<4112x128xf32, #tpu.memory_space<vmem_shared>>
    tpu.enqueue_indirect_dma source(%arg10 : memref<128x128xf32, #tpu.memory_space<vmem>>) target(%dma_start3A_603 : memref<4112x128xf32, #tpu.memory_space<vmem_shared>>) offsets(%dma_start3A_600 : memref<128xi32, #tpu.memory_space<vmem>>) semaphore(%arg12 : memref<!tpu.dma_semaphore, #tpu.memory_space<semaphore_mem>>) {add = true}
    %dma_wait3A_604 = arith.constant 6 : i32
    %dma_wait3A_605 = arith.constant 0 : i32
    %dma_wait3A_606 = tpu.memref_slice %arg6[%dma_wait3A_604, %dma_wait3A_605] : memref<16x128xi32, #tpu.memory_space<vmem>> -> memref<1x128xi32, #tpu.memory_space<vmem>>
    %dma_wait3A_607 = tpu.memref_squeeze %dma_wait3A_606 : memref<1x128xi32, #tpu.memory_space<vmem>> -> memref<128xi32, #tpu.memory_space<vmem>>
    %dma_wait3A_608 = arith.constant 0 : i32
    %dma_wait3A_609 = arith.constant 0 : i32
    %dma_wait3A_610 = tpu.memref_slice %arg13[%dma_wait3A_608, %dma_wait3A_609] : memref<4112x128xf32, #tpu.memory_space<vmem_shared>> -> memref<4112x128xf32, #tpu.memory_space<vmem_shared>>
    tpu.wait_indirect_dma semaphore(%arg12 : memref<!tpu.dma_semaphore, #tpu.memory_space<semaphore_mem>>) src(%arg9 : memref<128x128xf32, #tpu.memory_space<vmem>>) dst(%dma_wait3A_610 : memref<4112x128xf32, #tpu.memory_space<vmem_shared>>)
    %add3A_611 = arith.constant 1280 : i32
    %add3A_612 = arith.addi %mul3A_0, %add3A_611 : i32
    %dma_start3A_613 = arith.constant 0 : i32
    %dma_start3A_614 = tpu.memref_slice %arg2[%add3A_612, %dma_start3A_613] : memref<32768x128xf32, #tpu.memory_space<hbm>> -> memref<128x128xf32, #tpu.memory_space<hbm>>
    %dma_start3A_615 = arith.constant 0 : i32
    %dma_start3A_616 = tpu.memref_slice %arg2[%add3A_612, %dma_start3A_615] : memref<32768x128xf32, #tpu.memory_space<hbm>> -> memref<128x128xf32, #tpu.memory_space<hbm>>
    tpu.enqueue_dma source(%dma_start3A_616 : memref<128x128xf32, #tpu.memory_space<hbm>>) target(%arg9 : memref<128x128xf32, #tpu.memory_space<vmem>>) target_semaphore(%arg11 : memref<!tpu.dma_semaphore, #tpu.memory_space<semaphore_mem>>)
    %dma_wait3A_617 = arith.constant 0 : i32
    %dma_wait3A_618 = tpu.memref_slice %arg2[%add3A_564, %dma_wait3A_617] : memref<32768x128xf32, #tpu.memory_space<hbm>> -> memref<128x128xf32, #tpu.memory_space<hbm>>
    %dma_wait3A_619 = arith.constant 0 : i32
    %dma_wait3A_620 = tpu.memref_slice %arg2[%add3A_564, %dma_wait3A_619] : memref<32768x128xf32, #tpu.memory_space<hbm>> -> memref<128x128xf32, #tpu.memory_space<hbm>>
    tpu.wait_dma2 semaphore(%arg11 : memref<!tpu.dma_semaphore, #tpu.memory_space<semaphore_mem>>) src(%dma_wait3A_620 : memref<128x128xf32, #tpu.memory_space<hbm>>) dst(%arg7 : memref<128x128xf32, #tpu.memory_space<vmem>>)
    %dma_start3A_621 = arith.constant 8 : i32
    %dma_start3A_622 = arith.constant 0 : i32
    %dma_start3A_623 = tpu.memref_slice %arg6[%dma_start3A_621, %dma_start3A_622] : memref<16x128xi32, #tpu.memory_space<vmem>> -> memref<1x128xi32, #tpu.memory_space<vmem>>
    %dma_start3A_624 = tpu.memref_squeeze %dma_start3A_623 : memref<1x128xi32, #tpu.memory_space<vmem>> -> memref<128xi32, #tpu.memory_space<vmem>>
    %dma_start3A_625 = arith.constant 0 : i32
    %dma_start3A_626 = arith.constant 0 : i32
    %dma_start3A_627 = tpu.memref_slice %arg13[%dma_start3A_625, %dma_start3A_626] : memref<4112x128xf32, #tpu.memory_space<vmem_shared>> -> memref<4112x128xf32, #tpu.memory_space<vmem_shared>>
    tpu.enqueue_indirect_dma source(%arg7 : memref<128x128xf32, #tpu.memory_space<vmem>>) target(%dma_start3A_627 : memref<4112x128xf32, #tpu.memory_space<vmem_shared>>) offsets(%dma_start3A_624 : memref<128xi32, #tpu.memory_space<vmem>>) semaphore(%arg12 : memref<!tpu.dma_semaphore, #tpu.memory_space<semaphore_mem>>) {add = true}
    %dma_wait3A_628 = arith.constant 7 : i32
    %dma_wait3A_629 = arith.constant 0 : i32
    %dma_wait3A_630 = tpu.memref_slice %arg6[%dma_wait3A_628, %dma_wait3A_629] : memref<16x128xi32, #tpu.memory_space<vmem>> -> memref<1x128xi32, #tpu.memory_space<vmem>>
    %dma_wait3A_631 = tpu.memref_squeeze %dma_wait3A_630 : memref<1x128xi32, #tpu.memory_space<vmem>> -> memref<128xi32, #tpu.memory_space<vmem>>
    %dma_wait3A_632 = arith.constant 0 : i32
    %dma_wait3A_633 = arith.constant 0 : i32
    %dma_wait3A_634 = tpu.memref_slice %arg13[%dma_wait3A_632, %dma_wait3A_633] : memref<4112x128xf32, #tpu.memory_space<vmem_shared>> -> memref<4112x128xf32, #tpu.memory_space<vmem_shared>>
    tpu.wait_indirect_dma semaphore(%arg12 : memref<!tpu.dma_semaphore, #tpu.memory_space<semaphore_mem>>) src(%arg10 : memref<128x128xf32, #tpu.memory_space<vmem>>) dst(%dma_wait3A_634 : memref<4112x128xf32, #tpu.memory_space<vmem_shared>>)
    %add3A_635 = arith.constant 1408 : i32
    %add3A_636 = arith.addi %mul3A_0, %add3A_635 : i32
    %dma_start3A_637 = arith.constant 0 : i32
    %dma_start3A_638 = tpu.memref_slice %arg2[%add3A_636, %dma_start3A_637] : memref<32768x128xf32, #tpu.memory_space<hbm>> -> memref<128x128xf32, #tpu.memory_space<hbm>>
    %dma_start3A_639 = arith.constant 0 : i32
    %dma_start3A_640 = tpu.memref_slice %arg2[%add3A_636, %dma_start3A_639] : memref<32768x128xf32, #tpu.memory_space<hbm>> -> memref<128x128xf32, #tpu.memory_space<hbm>>
    tpu.enqueue_dma source(%dma_start3A_640 : memref<128x128xf32, #tpu.memory_space<hbm>>) target(%arg10 : memref<128x128xf32, #tpu.memory_space<vmem>>) target_semaphore(%arg11 : memref<!tpu.dma_semaphore, #tpu.memory_space<semaphore_mem>>)
    %dma_wait3A_641 = arith.constant 0 : i32
    %dma_wait3A_642 = tpu.memref_slice %arg2[%add3A_588, %dma_wait3A_641] : memref<32768x128xf32, #tpu.memory_space<hbm>> -> memref<128x128xf32, #tpu.memory_space<hbm>>
    %dma_wait3A_643 = arith.constant 0 : i32
    %dma_wait3A_644 = tpu.memref_slice %arg2[%add3A_588, %dma_wait3A_643] : memref<32768x128xf32, #tpu.memory_space<hbm>> -> memref<128x128xf32, #tpu.memory_space<hbm>>
    tpu.wait_dma2 semaphore(%arg11 : memref<!tpu.dma_semaphore, #tpu.memory_space<semaphore_mem>>) src(%dma_wait3A_644 : memref<128x128xf32, #tpu.memory_space<hbm>>) dst(%arg8 : memref<128x128xf32, #tpu.memory_space<vmem>>)
    %dma_start3A_645 = arith.constant 9 : i32
    %dma_start3A_646 = arith.constant 0 : i32
    %dma_start3A_647 = tpu.memref_slice %arg6[%dma_start3A_645, %dma_start3A_646] : memref<16x128xi32, #tpu.memory_space<vmem>> -> memref<1x128xi32, #tpu.memory_space<vmem>>
    %dma_start3A_648 = tpu.memref_squeeze %dma_start3A_647 : memref<1x128xi32, #tpu.memory_space<vmem>> -> memref<128xi32, #tpu.memory_space<vmem>>
    %dma_start3A_649 = arith.constant 0 : i32
    %dma_start3A_650 = arith.constant 0 : i32
    %dma_start3A_651 = tpu.memref_slice %arg13[%dma_start3A_649, %dma_start3A_650] : memref<4112x128xf32, #tpu.memory_space<vmem_shared>> -> memref<4112x128xf32, #tpu.memory_space<vmem_shared>>
    tpu.enqueue_indirect_dma source(%arg8 : memref<128x128xf32, #tpu.memory_space<vmem>>) target(%dma_start3A_651 : memref<4112x128xf32, #tpu.memory_space<vmem_shared>>) offsets(%dma_start3A_648 : memref<128xi32, #tpu.memory_space<vmem>>) semaphore(%arg12 : memref<!tpu.dma_semaphore, #tpu.memory_space<semaphore_mem>>) {add = true}
    %dma_wait3A_652 = arith.constant 8 : i32
    %dma_wait3A_653 = arith.constant 0 : i32
    %dma_wait3A_654 = tpu.memref_slice %arg6[%dma_wait3A_652, %dma_wait3A_653] : memref<16x128xi32, #tpu.memory_space<vmem>> -> memref<1x128xi32, #tpu.memory_space<vmem>>
    %dma_wait3A_655 = tpu.memref_squeeze %dma_wait3A_654 : memref<1x128xi32, #tpu.memory_space<vmem>> -> memref<128xi32, #tpu.memory_space<vmem>>
    %dma_wait3A_656 = arith.constant 0 : i32
    %dma_wait3A_657 = arith.constant 0 : i32
    %dma_wait3A_658 = tpu.memref_slice %arg13[%dma_wait3A_656, %dma_wait3A_657] : memref<4112x128xf32, #tpu.memory_space<vmem_shared>> -> memref<4112x128xf32, #tpu.memory_space<vmem_shared>>
    tpu.wait_indirect_dma semaphore(%arg12 : memref<!tpu.dma_semaphore, #tpu.memory_space<semaphore_mem>>) src(%arg7 : memref<128x128xf32, #tpu.memory_space<vmem>>) dst(%dma_wait3A_658 : memref<4112x128xf32, #tpu.memory_space<vmem_shared>>)
    %add3A_659 = arith.constant 1536 : i32
    %add3A_660 = arith.addi %mul3A_0, %add3A_659 : i32
    %dma_start3A_661 = arith.constant 0 : i32
    %dma_start3A_662 = tpu.memref_slice %arg2[%add3A_660, %dma_start3A_661] : memref<32768x128xf32, #tpu.memory_space<hbm>> -> memref<128x128xf32, #tpu.memory_space<hbm>>
    %dma_start3A_663 = arith.constant 0 : i32
    %dma_start3A_664 = tpu.memref_slice %arg2[%add3A_660, %dma_start3A_663] : memref<32768x128xf32, #tpu.memory_space<hbm>> -> memref<128x128xf32, #tpu.memory_space<hbm>>
    tpu.enqueue_dma source(%dma_start3A_664 : memref<128x128xf32, #tpu.memory_space<hbm>>) target(%arg7 : memref<128x128xf32, #tpu.memory_space<vmem>>) target_semaphore(%arg11 : memref<!tpu.dma_semaphore, #tpu.memory_space<semaphore_mem>>)
    %dma_wait3A_665 = arith.constant 0 : i32
    %dma_wait3A_666 = tpu.memref_slice %arg2[%add3A_612, %dma_wait3A_665] : memref<32768x128xf32, #tpu.memory_space<hbm>> -> memref<128x128xf32, #tpu.memory_space<hbm>>
    %dma_wait3A_667 = arith.constant 0 : i32
    %dma_wait3A_668 = tpu.memref_slice %arg2[%add3A_612, %dma_wait3A_667] : memref<32768x128xf32, #tpu.memory_space<hbm>> -> memref<128x128xf32, #tpu.memory_space<hbm>>
    tpu.wait_dma2 semaphore(%arg11 : memref<!tpu.dma_semaphore, #tpu.memory_space<semaphore_mem>>) src(%dma_wait3A_668 : memref<128x128xf32, #tpu.memory_space<hbm>>) dst(%arg9 : memref<128x128xf32, #tpu.memory_space<vmem>>)
    %dma_start3A_669 = arith.constant 10 : i32
    %dma_start3A_670 = arith.constant 0 : i32
    %dma_start3A_671 = tpu.memref_slice %arg6[%dma_start3A_669, %dma_start3A_670] : memref<16x128xi32, #tpu.memory_space<vmem>> -> memref<1x128xi32, #tpu.memory_space<vmem>>
    %dma_start3A_672 = tpu.memref_squeeze %dma_start3A_671 : memref<1x128xi32, #tpu.memory_space<vmem>> -> memref<128xi32, #tpu.memory_space<vmem>>
    %dma_start3A_673 = arith.constant 0 : i32
    %dma_start3A_674 = arith.constant 0 : i32
    %dma_start3A_675 = tpu.memref_slice %arg13[%dma_start3A_673, %dma_start3A_674] : memref<4112x128xf32, #tpu.memory_space<vmem_shared>> -> memref<4112x128xf32, #tpu.memory_space<vmem_shared>>
    tpu.enqueue_indirect_dma source(%arg9 : memref<128x128xf32, #tpu.memory_space<vmem>>) target(%dma_start3A_675 : memref<4112x128xf32, #tpu.memory_space<vmem_shared>>) offsets(%dma_start3A_672 : memref<128xi32, #tpu.memory_space<vmem>>) semaphore(%arg12 : memref<!tpu.dma_semaphore, #tpu.memory_space<semaphore_mem>>) {add = true}
    %dma_wait3A_676 = arith.constant 9 : i32
    %dma_wait3A_677 = arith.constant 0 : i32
    %dma_wait3A_678 = tpu.memref_slice %arg6[%dma_wait3A_676, %dma_wait3A_677] : memref<16x128xi32, #tpu.memory_space<vmem>> -> memref<1x128xi32, #tpu.memory_space<vmem>>
    %dma_wait3A_679 = tpu.memref_squeeze %dma_wait3A_678 : memref<1x128xi32, #tpu.memory_space<vmem>> -> memref<128xi32, #tpu.memory_space<vmem>>
    %dma_wait3A_680 = arith.constant 0 : i32
    %dma_wait3A_681 = arith.constant 0 : i32
    %dma_wait3A_682 = tpu.memref_slice %arg13[%dma_wait3A_680, %dma_wait3A_681] : memref<4112x128xf32, #tpu.memory_space<vmem_shared>> -> memref<4112x128xf32, #tpu.memory_space<vmem_shared>>
    tpu.wait_indirect_dma semaphore(%arg12 : memref<!tpu.dma_semaphore, #tpu.memory_space<semaphore_mem>>) src(%arg8 : memref<128x128xf32, #tpu.memory_space<vmem>>) dst(%dma_wait3A_682 : memref<4112x128xf32, #tpu.memory_space<vmem_shared>>)
    %add3A_683 = arith.constant 1664 : i32
    %add3A_684 = arith.addi %mul3A_0, %add3A_683 : i32
    %dma_start3A_685 = arith.constant 0 : i32
    %dma_start3A_686 = tpu.memref_slice %arg2[%add3A_684, %dma_start3A_685] : memref<32768x128xf32, #tpu.memory_space<hbm>> -> memref<128x128xf32, #tpu.memory_space<hbm>>
    %dma_start3A_687 = arith.constant 0 : i32
    %dma_start3A_688 = tpu.memref_slice %arg2[%add3A_684, %dma_start3A_687] : memref<32768x128xf32, #tpu.memory_space<hbm>> -> memref<128x128xf32, #tpu.memory_space<hbm>>
    tpu.enqueue_dma source(%dma_start3A_688 : memref<128x128xf32, #tpu.memory_space<hbm>>) target(%arg8 : memref<128x128xf32, #tpu.memory_space<vmem>>) target_semaphore(%arg11 : memref<!tpu.dma_semaphore, #tpu.memory_space<semaphore_mem>>)
    %dma_wait3A_689 = arith.constant 0 : i32
    %dma_wait3A_690 = tpu.memref_slice %arg2[%add3A_636, %dma_wait3A_689] : memref<32768x128xf32, #tpu.memory_space<hbm>> -> memref<128x128xf32, #tpu.memory_space<hbm>>
    %dma_wait3A_691 = arith.constant 0 : i32
    %dma_wait3A_692 = tpu.memref_slice %arg2[%add3A_636, %dma_wait3A_691] : memref<32768x128xf32, #tpu.memory_space<hbm>> -> memref<128x128xf32, #tpu.memory_space<hbm>>
    tpu.wait_dma2 semaphore(%arg11 : memref<!tpu.dma_semaphore, #tpu.memory_space<semaphore_mem>>) src(%dma_wait3A_692 : memref<128x128xf32, #tpu.memory_space<hbm>>) dst(%arg10 : memref<128x128xf32, #tpu.memory_space<vmem>>)
    %dma_start3A_693 = arith.constant 11 : i32
    %dma_start3A_694 = arith.constant 0 : i32
    %dma_start3A_695 = tpu.memref_slice %arg6[%dma_start3A_693, %dma_start3A_694] : memref<16x128xi32, #tpu.memory_space<vmem>> -> memref<1x128xi32, #tpu.memory_space<vmem>>
    %dma_start3A_696 = tpu.memref_squeeze %dma_start3A_695 : memref<1x128xi32, #tpu.memory_space<vmem>> -> memref<128xi32, #tpu.memory_space<vmem>>
    %dma_start3A_697 = arith.constant 0 : i32
    %dma_start3A_698 = arith.constant 0 : i32
    %dma_start3A_699 = tpu.memref_slice %arg13[%dma_start3A_697, %dma_start3A_698] : memref<4112x128xf32, #tpu.memory_space<vmem_shared>> -> memref<4112x128xf32, #tpu.memory_space<vmem_shared>>
    tpu.enqueue_indirect_dma source(%arg10 : memref<128x128xf32, #tpu.memory_space<vmem>>) target(%dma_start3A_699 : memref<4112x128xf32, #tpu.memory_space<vmem_shared>>) offsets(%dma_start3A_696 : memref<128xi32, #tpu.memory_space<vmem>>) semaphore(%arg12 : memref<!tpu.dma_semaphore, #tpu.memory_space<semaphore_mem>>) {add = true}
    %dma_wait3A_700 = arith.constant 10 : i32
    %dma_wait3A_701 = arith.constant 0 : i32
    %dma_wait3A_702 = tpu.memref_slice %arg6[%dma_wait3A_700, %dma_wait3A_701] : memref<16x128xi32, #tpu.memory_space<vmem>> -> memref<1x128xi32, #tpu.memory_space<vmem>>
    %dma_wait3A_703 = tpu.memref_squeeze %dma_wait3A_702 : memref<1x128xi32, #tpu.memory_space<vmem>> -> memref<128xi32, #tpu.memory_space<vmem>>
    %dma_wait3A_704 = arith.constant 0 : i32
    %dma_wait3A_705 = arith.constant 0 : i32
    %dma_wait3A_706 = tpu.memref_slice %arg13[%dma_wait3A_704, %dma_wait3A_705] : memref<4112x128xf32, #tpu.memory_space<vmem_shared>> -> memref<4112x128xf32, #tpu.memory_space<vmem_shared>>
    tpu.wait_indirect_dma semaphore(%arg12 : memref<!tpu.dma_semaphore, #tpu.memory_space<semaphore_mem>>) src(%arg9 : memref<128x128xf32, #tpu.memory_space<vmem>>) dst(%dma_wait3A_706 : memref<4112x128xf32, #tpu.memory_space<vmem_shared>>)
    %add3A_707 = arith.constant 1792 : i32
    %add3A_708 = arith.addi %mul3A_0, %add3A_707 : i32
    %dma_start3A_709 = arith.constant 0 : i32
    %dma_start3A_710 = tpu.memref_slice %arg2[%add3A_708, %dma_start3A_709] : memref<32768x128xf32, #tpu.memory_space<hbm>> -> memref<128x128xf32, #tpu.memory_space<hbm>>
    %dma_start3A_711 = arith.constant 0 : i32
    %dma_start3A_712 = tpu.memref_slice %arg2[%add3A_708, %dma_start3A_711] : memref<32768x128xf32, #tpu.memory_space<hbm>> -> memref<128x128xf32, #tpu.memory_space<hbm>>
    tpu.enqueue_dma source(%dma_start3A_712 : memref<128x128xf32, #tpu.memory_space<hbm>>) target(%arg9 : memref<128x128xf32, #tpu.memory_space<vmem>>) target_semaphore(%arg11 : memref<!tpu.dma_semaphore, #tpu.memory_space<semaphore_mem>>)
    %dma_wait3A_713 = arith.constant 0 : i32
    %dma_wait3A_714 = tpu.memref_slice %arg2[%add3A_660, %dma_wait3A_713] : memref<32768x128xf32, #tpu.memory_space<hbm>> -> memref<128x128xf32, #tpu.memory_space<hbm>>
    %dma_wait3A_715 = arith.constant 0 : i32
    %dma_wait3A_716 = tpu.memref_slice %arg2[%add3A_660, %dma_wait3A_715] : memref<32768x128xf32, #tpu.memory_space<hbm>> -> memref<128x128xf32, #tpu.memory_space<hbm>>
    tpu.wait_dma2 semaphore(%arg11 : memref<!tpu.dma_semaphore, #tpu.memory_space<semaphore_mem>>) src(%dma_wait3A_716 : memref<128x128xf32, #tpu.memory_space<hbm>>) dst(%arg7 : memref<128x128xf32, #tpu.memory_space<vmem>>)
    %dma_start3A_717 = arith.constant 12 : i32
    %dma_start3A_718 = arith.constant 0 : i32
    %dma_start3A_719 = tpu.memref_slice %arg6[%dma_start3A_717, %dma_start3A_718] : memref<16x128xi32, #tpu.memory_space<vmem>> -> memref<1x128xi32, #tpu.memory_space<vmem>>
    %dma_start3A_720 = tpu.memref_squeeze %dma_start3A_719 : memref<1x128xi32, #tpu.memory_space<vmem>> -> memref<128xi32, #tpu.memory_space<vmem>>
    %dma_start3A_721 = arith.constant 0 : i32
    %dma_start3A_722 = arith.constant 0 : i32
    %dma_start3A_723 = tpu.memref_slice %arg13[%dma_start3A_721, %dma_start3A_722] : memref<4112x128xf32, #tpu.memory_space<vmem_shared>> -> memref<4112x128xf32, #tpu.memory_space<vmem_shared>>
    tpu.enqueue_indirect_dma source(%arg7 : memref<128x128xf32, #tpu.memory_space<vmem>>) target(%dma_start3A_723 : memref<4112x128xf32, #tpu.memory_space<vmem_shared>>) offsets(%dma_start3A_720 : memref<128xi32, #tpu.memory_space<vmem>>) semaphore(%arg12 : memref<!tpu.dma_semaphore, #tpu.memory_space<semaphore_mem>>) {add = true}
    %dma_wait3A_724 = arith.constant 11 : i32
    %dma_wait3A_725 = arith.constant 0 : i32
    %dma_wait3A_726 = tpu.memref_slice %arg6[%dma_wait3A_724, %dma_wait3A_725] : memref<16x128xi32, #tpu.memory_space<vmem>> -> memref<1x128xi32, #tpu.memory_space<vmem>>
    %dma_wait3A_727 = tpu.memref_squeeze %dma_wait3A_726 : memref<1x128xi32, #tpu.memory_space<vmem>> -> memref<128xi32, #tpu.memory_space<vmem>>
    %dma_wait3A_728 = arith.constant 0 : i32
    %dma_wait3A_729 = arith.constant 0 : i32
    %dma_wait3A_730 = tpu.memref_slice %arg13[%dma_wait3A_728, %dma_wait3A_729] : memref<4112x128xf32, #tpu.memory_space<vmem_shared>> -> memref<4112x128xf32, #tpu.memory_space<vmem_shared>>
    tpu.wait_indirect_dma semaphore(%arg12 : memref<!tpu.dma_semaphore, #tpu.memory_space<semaphore_mem>>) src(%arg10 : memref<128x128xf32, #tpu.memory_space<vmem>>) dst(%dma_wait3A_730 : memref<4112x128xf32, #tpu.memory_space<vmem_shared>>)
    %add3A_731 = arith.constant 1920 : i32
    %add3A_732 = arith.addi %mul3A_0, %add3A_731 : i32
    %dma_start3A_733 = arith.constant 0 : i32
    %dma_start3A_734 = tpu.memref_slice %arg2[%add3A_732, %dma_start3A_733] : memref<32768x128xf32, #tpu.memory_space<hbm>> -> memref<128x128xf32, #tpu.memory_space<hbm>>
    %dma_start3A_735 = arith.constant 0 : i32
    %dma_start3A_736 = tpu.memref_slice %arg2[%add3A_732, %dma_start3A_735] : memref<32768x128xf32, #tpu.memory_space<hbm>> -> memref<128x128xf32, #tpu.memory_space<hbm>>
    tpu.enqueue_dma source(%dma_start3A_736 : memref<128x128xf32, #tpu.memory_space<hbm>>) target(%arg10 : memref<128x128xf32, #tpu.memory_space<vmem>>) target_semaphore(%arg11 : memref<!tpu.dma_semaphore, #tpu.memory_space<semaphore_mem>>)
    %dma_wait3A_737 = arith.constant 0 : i32
    %dma_wait3A_738 = tpu.memref_slice %arg2[%add3A_684, %dma_wait3A_737] : memref<32768x128xf32, #tpu.memory_space<hbm>> -> memref<128x128xf32, #tpu.memory_space<hbm>>
    %dma_wait3A_739 = arith.constant 0 : i32
    %dma_wait3A_740 = tpu.memref_slice %arg2[%add3A_684, %dma_wait3A_739] : memref<32768x128xf32, #tpu.memory_space<hbm>> -> memref<128x128xf32, #tpu.memory_space<hbm>>
    tpu.wait_dma2 semaphore(%arg11 : memref<!tpu.dma_semaphore, #tpu.memory_space<semaphore_mem>>) src(%dma_wait3A_740 : memref<128x128xf32, #tpu.memory_space<hbm>>) dst(%arg8 : memref<128x128xf32, #tpu.memory_space<vmem>>)
    %dma_start3A_741 = arith.constant 13 : i32
    %dma_start3A_742 = arith.constant 0 : i32
    %dma_start3A_743 = tpu.memref_slice %arg6[%dma_start3A_741, %dma_start3A_742] : memref<16x128xi32, #tpu.memory_space<vmem>> -> memref<1x128xi32, #tpu.memory_space<vmem>>
    %dma_start3A_744 = tpu.memref_squeeze %dma_start3A_743 : memref<1x128xi32, #tpu.memory_space<vmem>> -> memref<128xi32, #tpu.memory_space<vmem>>
    %dma_start3A_745 = arith.constant 0 : i32
    %dma_start3A_746 = arith.constant 0 : i32
    %dma_start3A_747 = tpu.memref_slice %arg13[%dma_start3A_745, %dma_start3A_746] : memref<4112x128xf32, #tpu.memory_space<vmem_shared>> -> memref<4112x128xf32, #tpu.memory_space<vmem_shared>>
    tpu.enqueue_indirect_dma source(%arg8 : memref<128x128xf32, #tpu.memory_space<vmem>>) target(%dma_start3A_747 : memref<4112x128xf32, #tpu.memory_space<vmem_shared>>) offsets(%dma_start3A_744 : memref<128xi32, #tpu.memory_space<vmem>>) semaphore(%arg12 : memref<!tpu.dma_semaphore, #tpu.memory_space<semaphore_mem>>) {add = true}
    %dma_wait3A_748 = arith.constant 0 : i32
    %dma_wait3A_749 = tpu.memref_slice %arg2[%add3A_708, %dma_wait3A_748] : memref<32768x128xf32, #tpu.memory_space<hbm>> -> memref<128x128xf32, #tpu.memory_space<hbm>>
    %dma_wait3A_750 = arith.constant 0 : i32
    %dma_wait3A_751 = tpu.memref_slice %arg2[%add3A_708, %dma_wait3A_750] : memref<32768x128xf32, #tpu.memory_space<hbm>> -> memref<128x128xf32, #tpu.memory_space<hbm>>
    tpu.wait_dma2 semaphore(%arg11 : memref<!tpu.dma_semaphore, #tpu.memory_space<semaphore_mem>>) src(%dma_wait3A_751 : memref<128x128xf32, #tpu.memory_space<hbm>>) dst(%arg9 : memref<128x128xf32, #tpu.memory_space<vmem>>)
    %dma_start3A_752 = arith.constant 14 : i32
    %dma_start3A_753 = arith.constant 0 : i32
    %dma_start3A_754 = tpu.memref_slice %arg6[%dma_start3A_752, %dma_start3A_753] : memref<16x128xi32, #tpu.memory_space<vmem>> -> memref<1x128xi32, #tpu.memory_space<vmem>>
    %dma_start3A_755 = tpu.memref_squeeze %dma_start3A_754 : memref<1x128xi32, #tpu.memory_space<vmem>> -> memref<128xi32, #tpu.memory_space<vmem>>
    %dma_start3A_756 = arith.constant 0 : i32
    %dma_start3A_757 = arith.constant 0 : i32
    %dma_start3A_758 = tpu.memref_slice %arg13[%dma_start3A_756, %dma_start3A_757] : memref<4112x128xf32, #tpu.memory_space<vmem_shared>> -> memref<4112x128xf32, #tpu.memory_space<vmem_shared>>
    tpu.enqueue_indirect_dma source(%arg9 : memref<128x128xf32, #tpu.memory_space<vmem>>) target(%dma_start3A_758 : memref<4112x128xf32, #tpu.memory_space<vmem_shared>>) offsets(%dma_start3A_755 : memref<128xi32, #tpu.memory_space<vmem>>) semaphore(%arg12 : memref<!tpu.dma_semaphore, #tpu.memory_space<semaphore_mem>>) {add = true}
    %dma_wait3A_759 = arith.constant 0 : i32
    %dma_wait3A_760 = tpu.memref_slice %arg2[%add3A_732, %dma_wait3A_759] : memref<32768x128xf32, #tpu.memory_space<hbm>> -> memref<128x128xf32, #tpu.memory_space<hbm>>
    %dma_wait3A_761 = arith.constant 0 : i32
    %dma_wait3A_762 = tpu.memref_slice %arg2[%add3A_732, %dma_wait3A_761] : memref<32768x128xf32, #tpu.memory_space<hbm>> -> memref<128x128xf32, #tpu.memory_space<hbm>>
    tpu.wait_dma2 semaphore(%arg11 : memref<!tpu.dma_semaphore, #tpu.memory_space<semaphore_mem>>) src(%dma_wait3A_762 : memref<128x128xf32, #tpu.memory_space<hbm>>) dst(%arg10 : memref<128x128xf32, #tpu.memory_space<vmem>>)
    %dma_start3A_763 = arith.constant 15 : i32
    %dma_start3A_764 = arith.constant 0 : i32
    %dma_start3A_765 = tpu.memref_slice %arg6[%dma_start3A_763, %dma_start3A_764] : memref<16x128xi32, #tpu.memory_space<vmem>> -> memref<1x128xi32, #tpu.memory_space<vmem>>
    %dma_start3A_766 = tpu.memref_squeeze %dma_start3A_765 : memref<1x128xi32, #tpu.memory_space<vmem>> -> memref<128xi32, #tpu.memory_space<vmem>>
    %dma_start3A_767 = arith.constant 0 : i32
    %dma_start3A_768 = arith.constant 0 : i32
    %dma_start3A_769 = tpu.memref_slice %arg13[%dma_start3A_767, %dma_start3A_768] : memref<4112x128xf32, #tpu.memory_space<vmem_shared>> -> memref<4112x128xf32, #tpu.memory_space<vmem_shared>>
    tpu.enqueue_indirect_dma source(%arg10 : memref<128x128xf32, #tpu.memory_space<vmem>>) target(%dma_start3A_769 : memref<4112x128xf32, #tpu.memory_space<vmem_shared>>) offsets(%dma_start3A_766 : memref<128xi32, #tpu.memory_space<vmem>>) semaphore(%arg12 : memref<!tpu.dma_semaphore, #tpu.memory_space<semaphore_mem>>) {add = true}
    %dma_wait3A_770 = arith.constant 12 : i32
    %dma_wait3A_771 = arith.constant 0 : i32
    %dma_wait3A_772 = tpu.memref_slice %arg6[%dma_wait3A_770, %dma_wait3A_771] : memref<16x128xi32, #tpu.memory_space<vmem>> -> memref<1x128xi32, #tpu.memory_space<vmem>>
    %dma_wait3A_773 = tpu.memref_squeeze %dma_wait3A_772 : memref<1x128xi32, #tpu.memory_space<vmem>> -> memref<128xi32, #tpu.memory_space<vmem>>
    %dma_wait3A_774 = arith.constant 0 : i32
    %dma_wait3A_775 = arith.constant 0 : i32
    %dma_wait3A_776 = tpu.memref_slice %arg13[%dma_wait3A_774, %dma_wait3A_775] : memref<4112x128xf32, #tpu.memory_space<vmem_shared>> -> memref<4112x128xf32, #tpu.memory_space<vmem_shared>>
    tpu.wait_indirect_dma semaphore(%arg12 : memref<!tpu.dma_semaphore, #tpu.memory_space<semaphore_mem>>) src(%arg7 : memref<128x128xf32, #tpu.memory_space<vmem>>) dst(%dma_wait3A_776 : memref<4112x128xf32, #tpu.memory_space<vmem_shared>>)
    %dma_wait3A_777 = arith.constant 13 : i32
    %dma_wait3A_778 = arith.constant 0 : i32
    %dma_wait3A_779 = tpu.memref_slice %arg6[%dma_wait3A_777, %dma_wait3A_778] : memref<16x128xi32, #tpu.memory_space<vmem>> -> memref<1x128xi32, #tpu.memory_space<vmem>>
    %dma_wait3A_780 = tpu.memref_squeeze %dma_wait3A_779 : memref<1x128xi32, #tpu.memory_space<vmem>> -> memref<128xi32, #tpu.memory_space<vmem>>
    %dma_wait3A_781 = arith.constant 0 : i32
    %dma_wait3A_782 = arith.constant 0 : i32
    %dma_wait3A_783 = tpu.memref_slice %arg13[%dma_wait3A_781, %dma_wait3A_782] : memref<4112x128xf32, #tpu.memory_space<vmem_shared>> -> memref<4112x128xf32, #tpu.memory_space<vmem_shared>>
    tpu.wait_indirect_dma semaphore(%arg12 : memref<!tpu.dma_semaphore, #tpu.memory_space<semaphore_mem>>) src(%arg8 : memref<128x128xf32, #tpu.memory_space<vmem>>) dst(%dma_wait3A_783 : memref<4112x128xf32, #tpu.memory_space<vmem_shared>>)
    %dma_wait3A_784 = arith.constant 14 : i32
    %dma_wait3A_785 = arith.constant 0 : i32
    %dma_wait3A_786 = tpu.memref_slice %arg6[%dma_wait3A_784, %dma_wait3A_785] : memref<16x128xi32, #tpu.memory_space<vmem>> -> memref<1x128xi32, #tpu.memory_space<vmem>>
    %dma_wait3A_787 = tpu.memref_squeeze %dma_wait3A_786 : memref<1x128xi32, #tpu.memory_space<vmem>> -> memref<128xi32, #tpu.memory_space<vmem>>
    %dma_wait3A_788 = arith.constant 0 : i32
    %dma_wait3A_789 = arith.constant 0 : i32
    %dma_wait3A_790 = tpu.memref_slice %arg13[%dma_wait3A_788, %dma_wait3A_789] : memref<4112x128xf32, #tpu.memory_space<vmem_shared>> -> memref<4112x128xf32, #tpu.memory_space<vmem_shared>>
    tpu.wait_indirect_dma semaphore(%arg12 : memref<!tpu.dma_semaphore, #tpu.memory_space<semaphore_mem>>) src(%arg9 : memref<128x128xf32, #tpu.memory_space<vmem>>) dst(%dma_wait3A_790 : memref<4112x128xf32, #tpu.memory_space<vmem_shared>>)
    %dma_wait3A_791 = arith.constant 15 : i32
    %dma_wait3A_792 = arith.constant 0 : i32
    %dma_wait3A_793 = tpu.memref_slice %arg6[%dma_wait3A_791, %dma_wait3A_792] : memref<16x128xi32, #tpu.memory_space<vmem>> -> memref<1x128xi32, #tpu.memory_space<vmem>>
    %dma_wait3A_794 = tpu.memref_squeeze %dma_wait3A_793 : memref<1x128xi32, #tpu.memory_space<vmem>> -> memref<128xi32, #tpu.memory_space<vmem>>
    %dma_wait3A_795 = arith.constant 0 : i32
    %dma_wait3A_796 = arith.constant 0 : i32
    %dma_wait3A_797 = tpu.memref_slice %arg13[%dma_wait3A_795, %dma_wait3A_796] : memref<4112x128xf32, #tpu.memory_space<vmem_shared>> -> memref<4112x128xf32, #tpu.memory_space<vmem_shared>>
    tpu.wait_indirect_dma semaphore(%arg12 : memref<!tpu.dma_semaphore, #tpu.memory_space<semaphore_mem>>) src(%arg10 : memref<128x128xf32, #tpu.memory_space<vmem>>) dst(%dma_wait3A_797 : memref<4112x128xf32, #tpu.memory_space<vmem_shared>>)
    %barrier3A_798 = arith.constant 0 : index
    tpu.barrier barrier_id(%barrier3A_798)
    %mul3A_799 = arith.constant 256 : i32
    %mul3A_800 = arith.muli %arg1, %mul3A_799 : i32
    %mul3A_801 = arith.constant 4096 : i32
    %mul3A_802 = arith.muli %add3A_405, %mul3A_801 : i32
    %mul3A_803 = arith.constant 256 : i32
    %mul3A_804 = arith.muli %arg1, %mul3A_803 : i32
    %add3A_805 = arith.addi %mul3A_802, %mul3A_804 : i32
    "tpu.region"() ({
      %run_scoped3A = tpu.sem_alloc : memref<!tpu.dma_semaphore, #tpu.memory_space<semaphore_mem>>
      %dma_start3A_807 = arith.constant 0 : i32
      %dma_start3A_808 = tpu.memref_slice %arg5[%add3A_805, %dma_start3A_807] : memref<16384x128xf32, #tpu.memory_space<hbm>> -> memref<256x128xf32, #tpu.memory_space<hbm>>
      %dma_start3A_809 = arith.constant 0 : i32
      %dma_start3A_810 = tpu.memref_slice %arg13[%mul3A_800, %dma_start3A_809] : memref<4112x128xf32, #tpu.memory_space<vmem_shared>> -> memref<256x128xf32, #tpu.memory_space<vmem_shared>>
      tpu.enqueue_dma source(%dma_start3A_810 : memref<256x128xf32, #tpu.memory_space<vmem_shared>>) target(%dma_start3A_808 : memref<256x128xf32, #tpu.memory_space<hbm>>) target_semaphore(%run_scoped3A : memref<!tpu.dma_semaphore, #tpu.memory_space<semaphore_mem>>)
      %dma_wait3A_811 = arith.constant 0 : i32
      %dma_wait3A_812 = tpu.memref_slice %arg5[%add3A_805, %dma_wait3A_811] : memref<16384x128xf32, #tpu.memory_space<hbm>> -> memref<256x128xf32, #tpu.memory_space<hbm>>
      %dma_wait3A_813 = arith.constant 0 : i32
      %dma_wait3A_814 = tpu.memref_slice %arg13[%mul3A_800, %dma_wait3A_813] : memref<4112x128xf32, #tpu.memory_space<vmem_shared>> -> memref<256x128xf32, #tpu.memory_space<vmem_shared>>
      tpu.wait_dma2 semaphore(%run_scoped3A : memref<!tpu.dma_semaphore, #tpu.memory_space<semaphore_mem>>) src(%dma_wait3A_814 : memref<256x128xf32, #tpu.memory_space<vmem_shared>>) dst(%dma_wait3A_812 : memref<256x128xf32, #tpu.memory_space<hbm>>)
      tpu.yield
    }) : () -> ()
    %barrier3A_806 = arith.constant 0 : index
    tpu.barrier barrier_id(%barrier3A_806)
    return
  }
}

module attributes {stable_mosaic.version = 14 : i64} {
  func.func @_dst_local_body(%arg0: memref<256x128xi32, #tpu.memory_space<vmem>>, %arg1: memref<1024x128xi32, #tpu.memory_space<vmem>>) attributes {dimension_semantics = [], scalar_prefetch = 0 : i64, scratch_operands = 0 : i64, tpu.core_type = #tpu.core_type<tc>} {
    %get3A = arith.constant 0 : index
    %get3A_0 = arith.constant 0 : index
    %get3A_1 = vector.load %arg0[%get3A, %get3A_0] : memref<256x128xi32, #tpu.memory_space<vmem>>, vector<256x128xi32>
    %sub3A = arith.constant 0 : i32
    %sub3A_2 = vector.broadcast %sub3A : i32 to vector<256x128xi32>
    %sub3A_3 = arith.subi %get3A_1, %sub3A_2 : vector<256x128xi32>
    %ge3A = arith.constant 0 : i32
    %ge3A_4 = vector.broadcast %ge3A : i32 to vector<256x128xi32>
    %ge3A_5 = arith.cmpi sge, %sub3A_3, %ge3A_4 : vector<256x128xi32>
    %lt3A = arith.constant 4096 : i32
    %lt3A_6 = vector.broadcast %lt3A : i32 to vector<256x128xi32>
    %lt3A_7 = arith.cmpi slt, %sub3A_3, %lt3A_6 : vector<256x128xi32>
    %and3A = arith.andi %ge3A_5, %lt3A_7 : vector<256x128xi1>
    %jit3A = arith.constant 4096 : i32
    %broadcast_in_dim3A = vector.broadcast %jit3A : i32 to vector<256x128xi32>
    %select_n3A = arith.select %and3A, %sub3A_3, %broadcast_in_dim3A : vector<256x128xi1>, vector<256x128xi32>
    %swap3A = arith.constant 0 : index
    %swap3A_8 = arith.constant 0 : index
    %swap3A_9 = vector.load %arg1[%swap3A, %swap3A_8] : memref<1024x128xi32, #tpu.memory_space<vmem>>, vector<256x128xi32>
    tpu.vector_store %arg1[%swap3A, %swap3A_8], %select_n3A {strides = array<i32>} : memref<1024x128xi32, #tpu.memory_space<vmem>>, vector<256x128xi32>,
    %sub3A_10 = arith.constant 4096 : i32
    %sub3A_11 = vector.broadcast %sub3A_10 : i32 to vector<256x128xi32>
    %sub3A_12 = arith.subi %get3A_1, %sub3A_11 : vector<256x128xi32>
    %ge3A_13 = arith.constant 0 : i32
    %ge3A_14 = vector.broadcast %ge3A_13 : i32 to vector<256x128xi32>
    %ge3A_15 = arith.cmpi sge, %sub3A_12, %ge3A_14 : vector<256x128xi32>
    %lt3A_16 = arith.constant 4096 : i32
    %lt3A_17 = vector.broadcast %lt3A_16 : i32 to vector<256x128xi32>
    %lt3A_18 = arith.cmpi slt, %sub3A_12, %lt3A_17 : vector<256x128xi32>
    %and3A_19 = arith.andi %ge3A_15, %lt3A_18 : vector<256x128xi1>
    %jit3A_20 = arith.constant 4096 : i32
    %broadcast_in_dim3A_21 = vector.broadcast %jit3A_20 : i32 to vector<256x128xi32>
    %select_n3A_22 = arith.select %and3A_19, %sub3A_12, %broadcast_in_dim3A_21 : vector<256x128xi1>, vector<256x128xi32>
    %swap3A_23 = arith.constant 256 : index
    %swap3A_24 = arith.constant 0 : index
    %swap3A_25 = vector.load %arg1[%swap3A_23, %swap3A_24] : memref<1024x128xi32, #tpu.memory_space<vmem>>, vector<256x128xi32>
    tpu.vector_store %arg1[%swap3A_23, %swap3A_24], %select_n3A_22 {strides = array<i32>} : memref<1024x128xi32, #tpu.memory_space<vmem>>, vector<256x128xi32>,
    %sub3A_26 = arith.constant 8192 : i32
    %sub3A_27 = vector.broadcast %sub3A_26 : i32 to vector<256x128xi32>
    %sub3A_28 = arith.subi %get3A_1, %sub3A_27 : vector<256x128xi32>
    %ge3A_29 = arith.constant 0 : i32
    %ge3A_30 = vector.broadcast %ge3A_29 : i32 to vector<256x128xi32>
    %ge3A_31 = arith.cmpi sge, %sub3A_28, %ge3A_30 : vector<256x128xi32>
    %lt3A_32 = arith.constant 4096 : i32
    %lt3A_33 = vector.broadcast %lt3A_32 : i32 to vector<256x128xi32>
    %lt3A_34 = arith.cmpi slt, %sub3A_28, %lt3A_33 : vector<256x128xi32>
    %and3A_35 = arith.andi %ge3A_31, %lt3A_34 : vector<256x128xi1>
    %jit3A_36 = arith.constant 4096 : i32
    %broadcast_in_dim3A_37 = vector.broadcast %jit3A_36 : i32 to vector<256x128xi32>
    %select_n3A_38 = arith.select %and3A_35, %sub3A_28, %broadcast_in_dim3A_37 : vector<256x128xi1>, vector<256x128xi32>
    %swap3A_39 = arith.constant 512 : index
    %swap3A_40 = arith.constant 0 : index
    %swap3A_41 = vector.load %arg1[%swap3A_39, %swap3A_40] : memref<1024x128xi32, #tpu.memory_space<vmem>>, vector<256x128xi32>
    tpu.vector_store %arg1[%swap3A_39, %swap3A_40], %select_n3A_38 {strides = array<i32>} : memref<1024x128xi32, #tpu.memory_space<vmem>>, vector<256x128xi32>,
    %sub3A_42 = arith.constant 12288 : i32
    %sub3A_43 = vector.broadcast %sub3A_42 : i32 to vector<256x128xi32>
    %sub3A_44 = arith.subi %get3A_1, %sub3A_43 : vector<256x128xi32>
    %ge3A_45 = arith.constant 0 : i32
    %ge3A_46 = vector.broadcast %ge3A_45 : i32 to vector<256x128xi32>
    %ge3A_47 = arith.cmpi sge, %sub3A_44, %ge3A_46 : vector<256x128xi32>
    %lt3A_48 = arith.constant 4096 : i32
    %lt3A_49 = vector.broadcast %lt3A_48 : i32 to vector<256x128xi32>
    %lt3A_50 = arith.cmpi slt, %sub3A_44, %lt3A_49 : vector<256x128xi32>
    %and3A_51 = arith.andi %ge3A_47, %lt3A_50 : vector<256x128xi1>
    %jit3A_52 = arith.constant 4096 : i32
    %broadcast_in_dim3A_53 = vector.broadcast %jit3A_52 : i32 to vector<256x128xi32>
    %select_n3A_54 = arith.select %and3A_51, %sub3A_44, %broadcast_in_dim3A_53 : vector<256x128xi1>, vector<256x128xi32>
    %swap3A_55 = arith.constant 768 : index
    %swap3A_56 = arith.constant 0 : index
    %swap3A_57 = vector.load %arg1[%swap3A_55, %swap3A_56] : memref<1024x128xi32, #tpu.memory_space<vmem>>, vector<256x128xi32>
    tpu.vector_store %arg1[%swap3A_55, %swap3A_56], %select_n3A_54 {strides = array<i32>} : memref<1024x128xi32, #tpu.memory_space<vmem>>, vector<256x128xi32>,
    return
  }
}

module attributes {stable_mosaic.version = 14 : i64} {
  func.func @_msg_kernel_body(%arg0: i32, %arg1: memref<2048x4xf32, #tpu.memory_space<vmem>>, %arg2: memref<2048x128xf32, #tpu.memory_space<vmem>>, %arg3: memref<4x64xf32, #tpu.memory_space<vmem>>, %arg4: memref<1x64xf32, #tpu.memory_space<vmem>>, %arg5: memref<64x64xf32, #tpu.memory_space<vmem>>, %arg6: memref<1x64xf32, #tpu.memory_space<vmem>>, %arg7: memref<64x64xf32, #tpu.memory_space<vmem>>, %arg8: memref<1x64xf32, #tpu.memory_space<vmem>>, %arg9: memref<64x1024xf32, #tpu.memory_space<vmem>>, %arg10: memref<16x1024xf32, #tpu.memory_space<vmem>>, %arg11: memref<16x64xf32, #tpu.memory_space<vmem>>, %arg12: memref<2048x128xf32, #tpu.memory_space<vmem>>) attributes {dimension_semantics = [#tpu.dimension_semantics<arbitrary>], iteration_bounds = array<i64: 16>, scalar_prefetch = 0 : i64, scratch_operands = 0 : i64, tpu.core_type = #tpu.core_type<tc>, window_params = [{transform_indices = @transform_0, window_bounds = array<i64: 2048, 4>}, {transform_indices = @transform_1, window_bounds = array<i64: 2048, 128>}, {pipeline_mode = #tpu.pipeline_mode<synchronous>, transform_indices = @transform_2, window_bounds = array<i64: 4, 64>}, {pipeline_mode = #tpu.pipeline_mode<synchronous>, transform_indices = @transform_3, window_bounds = array<i64: 1, 64>}, {pipeline_mode = #tpu.pipeline_mode<synchronous>, transform_indices = @transform_4, window_bounds = array<i64: 64, 64>}, {pipeline_mode = #tpu.pipeline_mode<synchronous>, transform_indices = @transform_5, window_bounds = array<i64: 1, 64>}, {pipeline_mode = #tpu.pipeline_mode<synchronous>, transform_indices = @transform_6, window_bounds = array<i64: 64, 64>}, {pipeline_mode = #tpu.pipeline_mode<synchronous>, transform_indices = @transform_7, window_bounds = array<i64: 1, 64>}, {pipeline_mode = #tpu.pipeline_mode<synchronous>, transform_indices = @transform_8, window_bounds = array<i64: 64, 1024>}, {pipeline_mode = #tpu.pipeline_mode<synchronous>, transform_indices = @transform_9, window_bounds = array<i64: 16, 1024>}, {pipeline_mode = #tpu.pipeline_mode<synchronous>, transform_indices = @transform_10, window_bounds = array<i64: 16, 64>}, {transform_indices = @transform_11, window_bounds = array<i64: 2048, 128>}]} {
    %get3A = arith.constant 0 : index
    %get3A_0 = arith.constant 0 : index
    %get3A_1 = vector.load %arg1[%get3A, %get3A_0] : memref<2048x4xf32, #tpu.memory_space<vmem>>, vector<2048x4xf32>
    %get3A_2 = arith.constant 0 : index
    %get3A_3 = arith.constant 0 : index
    %get3A_4 = vector.load %arg3[%get3A_2, %get3A_3] : memref<4x64xf32, #tpu.memory_space<vmem>>, vector<4x64xf32>
    %dot_general3A = arith.constant dense<0.000000e+00> : vector<2048x64xf32>
    %dot_general3A_5 = tpu.matmul %get3A_1, %get3A_4, %dot_general3A {dimension_numbers = #tpu.dot_dimension_numbers<[1], [0], [0], [1], [0, 0, 1, 1], [], []>, transpose_lhs_hint = false} : vector<2048x4xf32>, vector<4x64xf32>, vector<2048x64xf32> -> vector<2048x64xf32>
    %get3A_6 = arith.constant 0 : index
    %get3A_7 = arith.constant 0 : index
    %get3A_8 = vector.load %arg4[%get3A_6, %get3A_7] : memref<1x64xf32, #tpu.memory_space<vmem>>, vector<1x64xf32>
    %add3A = vector.broadcast %get3A_8 : vector<1x64xf32> to vector<2048x64xf32>
    %add3A_9 = arith.addf %dot_general3A_5, %add3A : vector<2048x64xf32>
    %max3A = arith.constant 0.000000e+00 : f32
    %max3A_10 = vector.broadcast %max3A : f32 to vector<2048x64xf32>
    %max3A_11 = arith.maximumf %add3A_9, %max3A_10 : vector<2048x64xf32>
    %get3A_12 = arith.constant 0 : index
    %get3A_13 = arith.constant 0 : index
    %get3A_14 = vector.load %arg5[%get3A_12, %get3A_13] : memref<64x64xf32, #tpu.memory_space<vmem>>, vector<64x64xf32>
    %dot_general3A_15 = arith.constant dense<0.000000e+00> : vector<2048x64xf32>
    %dot_general3A_16 = tpu.matmul %max3A_11, %get3A_14, %dot_general3A_15 {dimension_numbers = #tpu.dot_dimension_numbers<[1], [0], [0], [1], [0, 0, 1, 1], [], []>, transpose_lhs_hint = false} : vector<2048x64xf32>, vector<64x64xf32>, vector<2048x64xf32> -> vector<2048x64xf32>
    %get3A_17 = arith.constant 0 : index
    %get3A_18 = arith.constant 0 : index
    %get3A_19 = vector.load %arg6[%get3A_17, %get3A_18] : memref<1x64xf32, #tpu.memory_space<vmem>>, vector<1x64xf32>
    %add3A_20 = vector.broadcast %get3A_19 : vector<1x64xf32> to vector<2048x64xf32>
    %add3A_21 = arith.addf %dot_general3A_16, %add3A_20 : vector<2048x64xf32>
    %max3A_22 = arith.constant 0.000000e+00 : f32
    %max3A_23 = vector.broadcast %max3A_22 : f32 to vector<2048x64xf32>
    %max3A_24 = arith.maximumf %add3A_21, %max3A_23 : vector<2048x64xf32>
    %get3A_25 = arith.constant 0 : index
    %get3A_26 = arith.constant 0 : index
    %get3A_27 = vector.load %arg7[%get3A_25, %get3A_26] : memref<64x64xf32, #tpu.memory_space<vmem>>, vector<64x64xf32>
    %dot_general3A_28 = arith.constant dense<0.000000e+00> : vector<2048x64xf32>
    %dot_general3A_29 = tpu.matmul %max3A_24, %get3A_27, %dot_general3A_28 {dimension_numbers = #tpu.dot_dimension_numbers<[1], [0], [0], [1], [0, 0, 1, 1], [], []>, transpose_lhs_hint = false} : vector<2048x64xf32>, vector<64x64xf32>, vector<2048x64xf32> -> vector<2048x64xf32>
    %get3A_30 = arith.constant 0 : index
    %get3A_31 = arith.constant 0 : index
    %get3A_32 = vector.load %arg8[%get3A_30, %get3A_31] : memref<1x64xf32, #tpu.memory_space<vmem>>, vector<1x64xf32>
    %add3A_33 = vector.broadcast %get3A_32 : vector<1x64xf32> to vector<2048x64xf32>
    %add3A_34 = arith.addf %dot_general3A_29, %add3A_33 : vector<2048x64xf32>
    %max3A_35 = arith.constant 0.000000e+00 : f32
    %max3A_36 = vector.broadcast %max3A_35 : f32 to vector<2048x64xf32>
    %max3A_37 = arith.maximumf %add3A_34, %max3A_36 : vector<2048x64xf32>
    %get3A_38 = arith.constant 0 : index
    %get3A_39 = arith.constant 0 : index
    %get3A_40 = vector.load %arg2[%get3A_38, %get3A_39] : memref<2048x128xf32, #tpu.memory_space<vmem>>, vector<2048x16xf32>
    %get3A_41 = arith.constant 0 : index
    %get3A_42 = arith.constant 0 : index
    %get3A_43 = vector.load %arg9[%get3A_41, %get3A_42] : memref<64x1024xf32, #tpu.memory_space<vmem>>, vector<64x1024xf32>
    %dot_general3A_44 = arith.constant dense<0.000000e+00> : vector<2048x1024xf32>
    %dot_general3A_45 = tpu.matmul %max3A_37, %get3A_43, %dot_general3A_44 {dimension_numbers = #tpu.dot_dimension_numbers<[1], [0], [0], [1], [0, 0, 1, 1], [], []>, transpose_lhs_hint = false} : vector<2048x64xf32>, vector<64x1024xf32>, vector<2048x1024xf32> -> vector<2048x1024xf32>
    %get3A_46 = arith.constant 0 : index
    %get3A_47 = arith.constant 0 : index
    %get3A_48 = vector.load %arg10[%get3A_46, %get3A_47] : memref<16x1024xf32, #tpu.memory_space<vmem>>, vector<16x1024xf32>
    %dot_general3A_49 = arith.constant dense<0.000000e+00> : vector<2048x1024xf32>
    %dot_general3A_50 = tpu.matmul %get3A_40, %get3A_48, %dot_general3A_49 {dimension_numbers = #tpu.dot_dimension_numbers<[1], [0], [0], [1], [0, 0, 1, 1], [], []>, transpose_lhs_hint = false} : vector<2048x16xf32>, vector<16x1024xf32>, vector<2048x1024xf32> -> vector<2048x1024xf32>
    %broadcast_in_dim3A = arith.constant 0.000000e+00 : f32
    %broadcast_in_dim3A_51 = vector.broadcast %broadcast_in_dim3A : f32 to vector<2048x128xf32>
    %slice3A = vector.extract_strided_slice %dot_general3A_50 {offsets = [0, 0], sizes = [2048, 128], strides = [1, 1]} : vector<2048x1024xf32> to vector<2048x128xf32>
    %slice3A_52 = vector.extract_strided_slice %dot_general3A_45 {offsets = [0, 0], sizes = [2048, 128], strides = [1, 1]} : vector<2048x1024xf32> to vector<2048x128xf32>
    %mul3A = arith.mulf %slice3A, %slice3A_52 : vector<2048x128xf32>
    %add3A_53 = arith.addf %broadcast_in_dim3A_51, %mul3A : vector<2048x128xf32>
    %slice3A_54 = vector.extract_strided_slice %dot_general3A_50 {offsets = [0, 128], sizes = [2048, 128], strides = [1, 1]} : vector<2048x1024xf32> to vector<2048x128xf32>
    %slice3A_55 = vector.extract_strided_slice %dot_general3A_45 {offsets = [0, 128], sizes = [2048, 128], strides = [1, 1]} : vector<2048x1024xf32> to vector<2048x128xf32>
    %mul3A_56 = arith.mulf %slice3A_54, %slice3A_55 : vector<2048x128xf32>
    %add3A_57 = arith.addf %add3A_53, %mul3A_56 : vector<2048x128xf32>
    %slice3A_58 = vector.extract_strided_slice %dot_general3A_50 {offsets = [0, 256], sizes = [2048, 128], strides = [1, 1]} : vector<2048x1024xf32> to vector<2048x128xf32>
    %slice3A_59 = vector.extract_strided_slice %dot_general3A_45 {offsets = [0, 256], sizes = [2048, 128], strides = [1, 1]} : vector<2048x1024xf32> to vector<2048x128xf32>
    %mul3A_60 = arith.mulf %slice3A_58, %slice3A_59 : vector<2048x128xf32>
    %add3A_61 = arith.addf %add3A_57, %mul3A_60 : vector<2048x128xf32>
    %slice3A_62 = vector.extract_strided_slice %dot_general3A_50 {offsets = [0, 384], sizes = [2048, 128], strides = [1, 1]} : vector<2048x1024xf32> to vector<2048x128xf32>
    %slice3A_63 = vector.extract_strided_slice %dot_general3A_45 {offsets = [0, 384], sizes = [2048, 128], strides = [1, 1]} : vector<2048x1024xf32> to vector<2048x128xf32>
    %mul3A_64 = arith.mulf %slice3A_62, %slice3A_63 : vector<2048x128xf32>
    %add3A_65 = arith.addf %add3A_61, %mul3A_64 : vector<2048x128xf32>
    %slice3A_66 = vector.extract_strided_slice %dot_general3A_50 {offsets = [0, 512], sizes = [2048, 128], strides = [1, 1]} : vector<2048x1024xf32> to vector<2048x128xf32>
    %slice3A_67 = vector.extract_strided_slice %dot_general3A_45 {offsets = [0, 512], sizes = [2048, 128], strides = [1, 1]} : vector<2048x1024xf32> to vector<2048x128xf32>
    %mul3A_68 = arith.mulf %slice3A_66, %slice3A_67 : vector<2048x128xf32>
    %add3A_69 = arith.addf %add3A_65, %mul3A_68 : vector<2048x128xf32>
    %slice3A_70 = vector.extract_strided_slice %dot_general3A_50 {offsets = [0, 640], sizes = [2048, 128], strides = [1, 1]} : vector<2048x1024xf32> to vector<2048x128xf32>
    %slice3A_71 = vector.extract_strided_slice %dot_general3A_45 {offsets = [0, 640], sizes = [2048, 128], strides = [1, 1]} : vector<2048x1024xf32> to vector<2048x128xf32>
    %mul3A_72 = arith.mulf %slice3A_70, %slice3A_71 : vector<2048x128xf32>
    %add3A_73 = arith.addf %add3A_69, %mul3A_72 : vector<2048x128xf32>
    %slice3A_74 = vector.extract_strided_slice %dot_general3A_50 {offsets = [0, 768], sizes = [2048, 128], strides = [1, 1]} : vector<2048x1024xf32> to vector<2048x128xf32>
    %slice3A_75 = vector.extract_strided_slice %dot_general3A_45 {offsets = [0, 768], sizes = [2048, 128], strides = [1, 1]} : vector<2048x1024xf32> to vector<2048x128xf32>
    %mul3A_76 = arith.mulf %slice3A_74, %slice3A_75 : vector<2048x128xf32>
    %add3A_77 = arith.addf %add3A_73, %mul3A_76 : vector<2048x128xf32>
    %slice3A_78 = vector.extract_strided_slice %dot_general3A_50 {offsets = [0, 896], sizes = [2048, 128], strides = [1, 1]} : vector<2048x1024xf32> to vector<2048x128xf32>
    %slice3A_79 = vector.extract_strided_slice %dot_general3A_45 {offsets = [0, 896], sizes = [2048, 128], strides = [1, 1]} : vector<2048x1024xf32> to vector<2048x128xf32>
    %mul3A_80 = arith.mulf %slice3A_78, %slice3A_79 : vector<2048x128xf32>
    %add3A_81 = arith.addf %add3A_77, %mul3A_80 : vector<2048x128xf32>
    %slice3A_82 = vector.extract_strided_slice %add3A_81 {offsets = [0, 0], sizes = [2048, 64], strides = [1, 1]} : vector<2048x128xf32> to vector<2048x64xf32>
    %slice3A_83 = vector.extract_strided_slice %add3A_81 {offsets = [0, 64], sizes = [2048, 64], strides = [1, 1]} : vector<2048x128xf32> to vector<2048x64xf32>
    %add3A_84 = arith.addf %slice3A_82, %slice3A_83 : vector<2048x64xf32>
    %get3A_85 = arith.constant 0 : index
    %get3A_86 = arith.constant 0 : index
    %get3A_87 = vector.load %arg11[%get3A_85, %get3A_86] : memref<16x64xf32, #tpu.memory_space<vmem>>, vector<16x64xf32>
    %dot_general3A_88 = arith.constant dense<0.000000e+00> : vector<2048x64xf32>
    %dot_general3A_89 = tpu.matmul %get3A_40, %get3A_87, %dot_general3A_88 {dimension_numbers = #tpu.dot_dimension_numbers<[1], [0], [0], [1], [0, 0, 1, 1], [], []>, transpose_lhs_hint = false} : vector<2048x16xf32>, vector<16x64xf32>, vector<2048x64xf32> -> vector<2048x64xf32>
    %add3A_90 = arith.addf %add3A_84, %dot_general3A_89 : vector<2048x64xf32>
    %swap3A = arith.constant 0 : index
    %swap3A_91 = arith.constant 0 : index
    %swap3A_92 = vector.load %arg12[%swap3A, %swap3A_91] : memref<2048x128xf32, #tpu.memory_space<vmem>>, vector<2048x64xf32>
    tpu.vector_store %arg12[%swap3A, %swap3A_91], %add3A_90 {strides = array<i32>} : memref<2048x128xf32, #tpu.memory_space<vmem>>, vector<2048x64xf32>,
    %iota3A = tpu.iota {dimensions = array<i32: 1>} : vector<2048x64xi32>
    %eq3A = arith.constant 0 : i32
    %eq3A_93 = vector.broadcast %eq3A : i32 to vector<2048x64xi32>
    %eq3A_94 = arith.cmpi eq, %iota3A, %eq3A_93 : vector<2048x64xi32>
    %jit3A = arith.constant 1.000000e+00 : f32
    %jit3A_95 = arith.constant 0.000000e+00 : f32
    %broadcast_in_dim3A_96 = vector.broadcast %jit3A : f32 to vector<2048x64xf32>
    %broadcast_in_dim3A_97 = vector.broadcast %jit3A_95 : f32 to vector<2048x64xf32>
    %select_n3A = arith.select %eq3A_94, %broadcast_in_dim3A_96, %broadcast_in_dim3A_97 : vector<2048x64xi1>, vector<2048x64xf32>
    %swap3A_98 = arith.constant 0 : index
    %swap3A_99 = arith.constant 64 : index
    %swap3A_100 = vector.load %arg12[%swap3A_98, %swap3A_99] : memref<2048x128xf32, #tpu.memory_space<vmem>>, vector<2048x64xf32>
    tpu.vector_store %arg12[%swap3A_98, %swap3A_99], %select_n3A {strides = array<i32>} : memref<2048x128xf32, #tpu.memory_space<vmem>>, vector<2048x64xf32>,
    return
  }
  func.func @transform_0(%arg0: i32) -> (i32, i32) {
    %c0_i32 = arith.constant 0 : i32
    %c0_i32_0 = arith.constant 0 : i32
    return %arg0, %c0_i32 : i32, i32
  }
  func.func @transform_1(%arg0: i32) -> (i32, i32) {
    %c0_i32 = arith.constant 0 : i32
    %c0_i32_0 = arith.constant 0 : i32
    return %arg0, %c0_i32 : i32, i32
  }
  func.func @transform_2(%arg0: i32) -> (i32, i32) {
    %c0_i32 = arith.constant 0 : i32
    %c0_i32_0 = arith.constant 0 : i32
    %c0_i32_1 = arith.constant 0 : i32
    return %c0_i32, %c0_i32_0 : i32, i32
  }
  func.func @transform_3(%arg0: i32) -> (i32, i32) {
    %c0_i32 = arith.constant 0 : i32
    %c0_i32_0 = arith.constant 0 : i32
    %c0_i32_1 = arith.constant 0 : i32
    return %c0_i32, %c0_i32_0 : i32, i32
  }
  func.func @transform_4(%arg0: i32) -> (i32, i32) {
    %c0_i32 = arith.constant 0 : i32
    %c0_i32_0 = arith.constant 0 : i32
    %c0_i32_1 = arith.constant 0 : i32
    return %c0_i32, %c0_i32_0 : i32, i32
  }
  func.func @transform_5(%arg0: i32) -> (i32, i32) {
    %c0_i32 = arith.constant 0 : i32
    %c0_i32_0 = arith.constant 0 : i32
    %c0_i32_1 = arith.constant 0 : i32
    return %c0_i32, %c0_i32_0 : i32, i32
  }
  func.func @transform_6(%arg0: i32) -> (i32, i32) {
    %c0_i32 = arith.constant 0 : i32
    %c0_i32_0 = arith.constant 0 : i32
    %c0_i32_1 = arith.constant 0 : i32
    return %c0_i32, %c0_i32_0 : i32, i32
  }
  func.func @transform_7(%arg0: i32) -> (i32, i32) {
    %c0_i32 = arith.constant 0 : i32
    %c0_i32_0 = arith.constant 0 : i32
    %c0_i32_1 = arith.constant 0 : i32
    return %c0_i32, %c0_i32_0 : i32, i32
  }
  func.func @transform_8(%arg0: i32) -> (i32, i32) {
    %c0_i32 = arith.constant 0 : i32
    %c0_i32_0 = arith.constant 0 : i32
    %c0_i32_1 = arith.constant 0 : i32
    return %c0_i32, %c0_i32_0 : i32, i32
  }
  func.func @transform_9(%arg0: i32) -> (i32, i32) {
    %c0_i32 = arith.constant 0 : i32
    %c0_i32_0 = arith.constant 0 : i32
    %c0_i32_1 = arith.constant 0 : i32
    return %c0_i32, %c0_i32_0 : i32, i32
  }
  func.func @transform_10(%arg0: i32) -> (i32, i32) {
    %c0_i32 = arith.constant 0 : i32
    %c0_i32_0 = arith.constant 0 : i32
    %c0_i32_1 = arith.constant 0 : i32
    return %c0_i32, %c0_i32_0 : i32, i32
  }
  func.func @transform_11(%arg0: i32) -> (i32, i32) {
    %c0_i32 = arith.constant 0 : i32
    %c0_i32_0 = arith.constant 0 : i32
    return %arg0, %c0_i32 : i32, i32
  }
}

module attributes {stable_mosaic.version = 14 : i64} {
  func.func @_h1_body(%arg0: i32, %arg1: memref<2048x128xf32, #tpu.memory_space<vmem>>, %arg2: memref<2048x128xf32, #tpu.memory_space<vmem>>, %arg3: memref<16x64xf32, #tpu.memory_space<vmem>>, %arg4: memref<1x64xf32, #tpu.memory_space<vmem>>, %arg5: memref<2048x128xf32, #tpu.memory_space<vmem>>) attributes {dimension_semantics = [#tpu.dimension_semantics<arbitrary>], iteration_bounds = array<i64: 8>, scalar_prefetch = 0 : i64, scratch_operands = 0 : i64, tpu.core_type = #tpu.core_type<tc>, window_params = [{transform_indices = @transform_0, window_bounds = array<i64: 2048, 128>}, {transform_indices = @transform_1, window_bounds = array<i64: 2048, 128>}, {pipeline_mode = #tpu.pipeline_mode<synchronous>, transform_indices = @transform_2, window_bounds = array<i64: 16, 64>}, {pipeline_mode = #tpu.pipeline_mode<synchronous>, transform_indices = @transform_3, window_bounds = array<i64: 1, 64>}, {transform_indices = @transform_4, window_bounds = array<i64: 2048, 128>}]} {
    %get3A = arith.constant 0 : index
    %get3A_0 = arith.constant 0 : index
    %get3A_1 = vector.load %arg1[%get3A, %get3A_0] : memref<2048x128xf32, #tpu.memory_space<vmem>>, vector<2048x128xf32>
    %slice3A = vector.extract_strided_slice %get3A_1 {offsets = [0, 0], sizes = [2048, 64], strides = [1, 1]} : vector<2048x128xf32> to vector<2048x64xf32>
    %slice3A_2 = vector.extract_strided_slice %get3A_1 {offsets = [0, 64], sizes = [2048, 1], strides = [1, 1]} : vector<2048x128xf32> to vector<2048x1xf32>
    %max3A = arith.constant 1.000000e+00 : f32
    %max3A_3 = vector.broadcast %max3A : f32 to vector<2048x1xf32>
    %max3A_4 = arith.maximumf %slice3A_2, %max3A_3 : vector<2048x1xf32>
    %div3A = vector.broadcast %max3A_4 : vector<2048x1xf32> to vector<2048x64xf32>
    %div3A_5 = arith.divf %slice3A, %div3A : vector<2048x64xf32>
    %get3A_6 = arith.constant 0 : index
    %get3A_7 = arith.constant 0 : index
    %get3A_8 = vector.load %arg2[%get3A_6, %get3A_7] : memref<2048x128xf32, #tpu.memory_space<vmem>>, vector<2048x16xf32>
    %get3A_9 = arith.constant 0 : index
    %get3A_10 = arith.constant 0 : index
    %get3A_11 = vector.load %arg3[%get3A_9, %get3A_10] : memref<16x64xf32, #tpu.memory_space<vmem>>, vector<16x64xf32>
    %dot_general3A = arith.constant dense<0.000000e+00> : vector<2048x64xf32>
    %dot_general3A_12 = tpu.matmul %get3A_8, %get3A_11, %dot_general3A {dimension_numbers = #tpu.dot_dimension_numbers<[1], [0], [0], [1], [0, 0, 1, 1], [], []>, transpose_lhs_hint = false} : vector<2048x16xf32>, vector<16x64xf32>, vector<2048x64xf32> -> vector<2048x64xf32>
    %add3A = arith.addf %div3A_5, %dot_general3A_12 : vector<2048x64xf32>
    %get3A_13 = arith.constant 0 : index
    %get3A_14 = arith.constant 0 : index
    %get3A_15 = vector.load %arg4[%get3A_13, %get3A_14] : memref<1x64xf32, #tpu.memory_space<vmem>>, vector<1x64xf32>
    %add3A_16 = vector.broadcast %get3A_15 : vector<1x64xf32> to vector<2048x64xf32>
    %add3A_17 = arith.addf %add3A, %add3A_16 : vector<2048x64xf32>
    %gt3A = arith.constant 0.000000e+00 : f32
    %gt3A_18 = vector.broadcast %gt3A : f32 to vector<2048x64xf32>
    %gt3A_19 = arith.cmpf ogt, %add3A_17, %gt3A_18 : vector<2048x64xf32>
    %exp3A = math.exp %add3A_17 : vector<2048x64xf32>
    %sub3A = arith.constant 1.000000e+00 : f32
    %sub3A_20 = vector.broadcast %sub3A : f32 to vector<2048x64xf32>
    %sub3A_21 = arith.subf %exp3A, %sub3A_20 : vector<2048x64xf32>
    %select_n3A = arith.select %gt3A_19, %add3A_17, %sub3A_21 : vector<2048x64xi1>, vector<2048x64xf32>
    %swap3A = arith.constant 0 : index
    %swap3A_22 = arith.constant 0 : index
    %swap3A_23 = vector.load %arg5[%swap3A, %swap3A_22] : memref<2048x128xf32, #tpu.memory_space<vmem>>, vector<2048x64xf32>
    tpu.vector_store %arg5[%swap3A, %swap3A_22], %select_n3A {strides = array<i32>} : memref<2048x128xf32, #tpu.memory_space<vmem>>, vector<2048x64xf32>,
    %broadcast_in_dim3A = arith.constant 0.000000e+00 : f32
    %broadcast_in_dim3A_24 = vector.broadcast %broadcast_in_dim3A : f32 to vector<2048x64xf32>
    %swap3A_25 = arith.constant 0 : index
    %swap3A_26 = arith.constant 64 : index
    %swap3A_27 = vector.load %arg5[%swap3A_25, %swap3A_26] : memref<2048x128xf32, #tpu.memory_space<vmem>>, vector<2048x64xf32>
    tpu.vector_store %arg5[%swap3A_25, %swap3A_26], %broadcast_in_dim3A_24 {strides = array<i32>} : memref<2048x128xf32, #tpu.memory_space<vmem>>, vector<2048x64xf32>,
    return
  }
  func.func @transform_0(%arg0: i32) -> (i32, i32) {
    %c0_i32 = arith.constant 0 : i32
    %c0_i32_0 = arith.constant 0 : i32
    return %arg0, %c0_i32 : i32, i32
  }
  func.func @transform_1(%arg0: i32) -> (i32, i32) {
    %c0_i32 = arith.constant 0 : i32
    %c0_i32_0 = arith.constant 0 : i32
    return %arg0, %c0_i32 : i32, i32
  }
  func.func @transform_2(%arg0: i32) -> (i32, i32) {
    %c0_i32 = arith.constant 0 : i32
    %c0_i32_0 = arith.constant 0 : i32
    %c0_i32_1 = arith.constant 0 : i32
    return %c0_i32, %c0_i32_0 : i32, i32
  }
  func.func @transform_3(%arg0: i32) -> (i32, i32) {
    %c0_i32 = arith.constant 0 : i32
    %c0_i32_0 = arith.constant 0 : i32
    %c0_i32_1 = arith.constant 0 : i32
    return %c0_i32, %c0_i32_0 : i32, i32
  }
  func.func @transform_4(%arg0: i32) -> (i32, i32) {
    %c0_i32 = arith.constant 0 : i32
    %c0_i32_0 = arith.constant 0 : i32
    return %arg0, %c0_i32 : i32, i32
  }
}

module attributes {stable_mosaic.version = 14 : i64} {
  func.func @_msg_kernel_body(%arg0: i32, %arg1: memref<2048x4xf32, #tpu.memory_space<vmem>>, %arg2: memref<2048x128xf32, #tpu.memory_space<vmem>>, %arg3: memref<4x25xf32, #tpu.memory_space<vmem>>, %arg4: memref<1x25xf32, #tpu.memory_space<vmem>>, %arg5: memref<25x25xf32, #tpu.memory_space<vmem>>, %arg6: memref<1x25xf32, #tpu.memory_space<vmem>>, %arg7: memref<25x26xf32, #tpu.memory_space<vmem>>, %arg8: memref<1x26xf32, #tpu.memory_space<vmem>>, %arg9: memref<64x1664xf32, #tpu.memory_space<vmem>>, %arg10: memref<26x1664xf32, #tpu.memory_space<vmem>>, %arg11: memref<64x64xf32, #tpu.memory_space<vmem>>, %arg12: memref<2048x128xf32, #tpu.memory_space<vmem>>) attributes {dimension_semantics = [#tpu.dimension_semantics<arbitrary>], iteration_bounds = array<i64: 16>, scalar_prefetch = 0 : i64, scratch_operands = 0 : i64, tpu.core_type = #tpu.core_type<tc>, window_params = [{transform_indices = @transform_0, window_bounds = array<i64: 2048, 4>}, {transform_indices = @transform_1, window_bounds = array<i64: 2048, 128>}, {pipeline_mode = #tpu.pipeline_mode<synchronous>, transform_indices = @transform_2, window_bounds = array<i64: 4, 25>}, {pipeline_mode = #tpu.pipeline_mode<synchronous>, transform_indices = @transform_3, window_bounds = array<i64: 1, 25>}, {pipeline_mode = #tpu.pipeline_mode<synchronous>, transform_indices = @transform_4, window_bounds = array<i64: 25, 25>}, {pipeline_mode = #tpu.pipeline_mode<synchronous>, transform_indices = @transform_5, window_bounds = array<i64: 1, 25>}, {pipeline_mode = #tpu.pipeline_mode<synchronous>, transform_indices = @transform_6, window_bounds = array<i64: 25, 26>}, {pipeline_mode = #tpu.pipeline_mode<synchronous>, transform_indices = @transform_7, window_bounds = array<i64: 1, 26>}, {pipeline_mode = #tpu.pipeline_mode<synchronous>, transform_indices = @transform_8, window_bounds = array<i64: 64, 1664>}, {pipeline_mode = #tpu.pipeline_mode<synchronous>, transform_indices = @transform_9, window_bounds = array<i64: 26, 1664>}, {pipeline_mode = #tpu.pipeline_mode<synchronous>, transform_indices = @transform_10, window_bounds = array<i64: 64, 64>}, {transform_indices = @transform_11, window_bounds = array<i64: 2048, 128>}]} {
    %get3A = arith.constant 0 : index
    %get3A_0 = arith.constant 0 : index
    %get3A_1 = vector.load %arg1[%get3A, %get3A_0] : memref<2048x4xf32, #tpu.memory_space<vmem>>, vector<2048x4xf32>
    %get3A_2 = arith.constant 0 : index
    %get3A_3 = arith.constant 0 : index
    %get3A_4 = vector.load %arg3[%get3A_2, %get3A_3] : memref<4x25xf32, #tpu.memory_space<vmem>>, vector<4x25xf32>
    %dot_general3A = arith.constant dense<0.000000e+00> : vector<2048x25xf32>
    %dot_general3A_5 = tpu.matmul %get3A_1, %get3A_4, %dot_general3A {dimension_numbers = #tpu.dot_dimension_numbers<[1], [0], [0], [1], [0, 0, 1, 1], [], []>, transpose_lhs_hint = false} : vector<2048x4xf32>, vector<4x25xf32>, vector<2048x25xf32> -> vector<2048x25xf32>
    %get3A_6 = arith.constant 0 : index
    %get3A_7 = arith.constant 0 : index
    %get3A_8 = vector.load %arg4[%get3A_6, %get3A_7] : memref<1x25xf32, #tpu.memory_space<vmem>>, vector<1x25xf32>
    %add3A = vector.broadcast %get3A_8 : vector<1x25xf32> to vector<2048x25xf32>
    %add3A_9 = arith.addf %dot_general3A_5, %add3A : vector<2048x25xf32>
    %max3A = arith.constant 0.000000e+00 : f32
    %max3A_10 = vector.broadcast %max3A : f32 to vector<2048x25xf32>
    %max3A_11 = arith.maximumf %add3A_9, %max3A_10 : vector<2048x25xf32>
    %get3A_12 = arith.constant 0 : index
    %get3A_13 = arith.constant 0 : index
    %get3A_14 = vector.load %arg5[%get3A_12, %get3A_13] : memref<25x25xf32, #tpu.memory_space<vmem>>, vector<25x25xf32>
    %dot_general3A_15 = arith.constant dense<0.000000e+00> : vector<2048x25xf32>
    %dot_general3A_16 = tpu.matmul %max3A_11, %get3A_14, %dot_general3A_15 {dimension_numbers = #tpu.dot_dimension_numbers<[1], [0], [0], [1], [0, 0, 1, 1], [], []>, transpose_lhs_hint = false} : vector<2048x25xf32>, vector<25x25xf32>, vector<2048x25xf32> -> vector<2048x25xf32>
    %get3A_17 = arith.constant 0 : index
    %get3A_18 = arith.constant 0 : index
    %get3A_19 = vector.load %arg6[%get3A_17, %get3A_18] : memref<1x25xf32, #tpu.memory_space<vmem>>, vector<1x25xf32>
    %add3A_20 = vector.broadcast %get3A_19 : vector<1x25xf32> to vector<2048x25xf32>
    %add3A_21 = arith.addf %dot_general3A_16, %add3A_20 : vector<2048x25xf32>
    %max3A_22 = arith.constant 0.000000e+00 : f32
    %max3A_23 = vector.broadcast %max3A_22 : f32 to vector<2048x25xf32>
    %max3A_24 = arith.maximumf %add3A_21, %max3A_23 : vector<2048x25xf32>
    %get3A_25 = arith.constant 0 : index
    %get3A_26 = arith.constant 0 : index
    %get3A_27 = vector.load %arg7[%get3A_25, %get3A_26] : memref<25x26xf32, #tpu.memory_space<vmem>>, vector<25x26xf32>
    %dot_general3A_28 = arith.constant dense<0.000000e+00> : vector<2048x26xf32>
    %dot_general3A_29 = tpu.matmul %max3A_24, %get3A_27, %dot_general3A_28 {dimension_numbers = #tpu.dot_dimension_numbers<[1], [0], [0], [1], [0, 0, 1, 1], [], []>, transpose_lhs_hint = false} : vector<2048x25xf32>, vector<25x26xf32>, vector<2048x26xf32> -> vector<2048x26xf32>
    %get3A_30 = arith.constant 0 : index
    %get3A_31 = arith.constant 0 : index
    %get3A_32 = vector.load %arg8[%get3A_30, %get3A_31] : memref<1x26xf32, #tpu.memory_space<vmem>>, vector<1x26xf32>
    %add3A_33 = vector.broadcast %get3A_32 : vector<1x26xf32> to vector<2048x26xf32>
    %add3A_34 = arith.addf %dot_general3A_29, %add3A_33 : vector<2048x26xf32>
    %max3A_35 = arith.constant 0.000000e+00 : f32
    %max3A_36 = vector.broadcast %max3A_35 : f32 to vector<2048x26xf32>
    %max3A_37 = arith.maximumf %add3A_34, %max3A_36 : vector<2048x26xf32>
    %get3A_38 = arith.constant 0 : index
    %get3A_39 = arith.constant 0 : index
    %get3A_40 = vector.load %arg2[%get3A_38, %get3A_39] : memref<2048x128xf32, #tpu.memory_space<vmem>>, vector<2048x64xf32>
    %get3A_41 = arith.constant 0 : index
    %get3A_42 = arith.constant 0 : index
    %get3A_43 = vector.load %arg9[%get3A_41, %get3A_42] : memref<64x1664xf32, #tpu.memory_space<vmem>>, vector<64x1664xf32>
    %dot_general3A_44 = arith.constant dense<0.000000e+00> : vector<2048x1664xf32>
    %dot_general3A_45 = tpu.matmul %get3A_40, %get3A_43, %dot_general3A_44 {dimension_numbers = #tpu.dot_dimension_numbers<[1], [0], [0], [1], [0, 0, 1, 1], [], []>, transpose_lhs_hint = false} : vector<2048x64xf32>, vector<64x1664xf32>, vector<2048x1664xf32> -> vector<2048x1664xf32>
    %get3A_46 = arith.constant 0 : index
    %get3A_47 = arith.constant 0 : index
    %get3A_48 = vector.load %arg10[%get3A_46, %get3A_47] : memref<26x1664xf32, #tpu.memory_space<vmem>>, vector<26x1664xf32>
    %dot_general3A_49 = arith.constant dense<0.000000e+00> : vector<2048x1664xf32>
    %dot_general3A_50 = tpu.matmul %max3A_37, %get3A_48, %dot_general3A_49 {dimension_numbers = #tpu.dot_dimension_numbers<[1], [0], [0], [1], [0, 0, 1, 1], [], []>, transpose_lhs_hint = false} : vector<2048x26xf32>, vector<26x1664xf32>, vector<2048x1664xf32> -> vector<2048x1664xf32>
    %broadcast_in_dim3A = arith.constant 0.000000e+00 : f32
    %broadcast_in_dim3A_51 = vector.broadcast %broadcast_in_dim3A : f32 to vector<2048x128xf32>
    %slice3A = vector.extract_strided_slice %dot_general3A_50 {offsets = [0, 0], sizes = [2048, 128], strides = [1, 1]} : vector<2048x1664xf32> to vector<2048x128xf32>
    %slice3A_52 = vector.extract_strided_slice %dot_general3A_45 {offsets = [0, 0], sizes = [2048, 128], strides = [1, 1]} : vector<2048x1664xf32> to vector<2048x128xf32>
    %mul3A = arith.mulf %slice3A, %slice3A_52 : vector<2048x128xf32>
    %add3A_53 = arith.addf %broadcast_in_dim3A_51, %mul3A : vector<2048x128xf32>
    %slice3A_54 = vector.extract_strided_slice %dot_general3A_50 {offsets = [0, 128], sizes = [2048, 128], strides = [1, 1]} : vector<2048x1664xf32> to vector<2048x128xf32>
    %slice3A_55 = vector.extract_strided_slice %dot_general3A_45 {offsets = [0, 128], sizes = [2048, 128], strides = [1, 1]} : vector<2048x1664xf32> to vector<2048x128xf32>
    %mul3A_56 = arith.mulf %slice3A_54, %slice3A_55 : vector<2048x128xf32>
    %add3A_57 = arith.addf %add3A_53, %mul3A_56 : vector<2048x128xf32>
    %slice3A_58 = vector.extract_strided_slice %dot_general3A_50 {offsets = [0, 256], sizes = [2048, 128], strides = [1, 1]} : vector<2048x1664xf32> to vector<2048x128xf32>
    %slice3A_59 = vector.extract_strided_slice %dot_general3A_45 {offsets = [0, 256], sizes = [2048, 128], strides = [1, 1]} : vector<2048x1664xf32> to vector<2048x128xf32>
    %mul3A_60 = arith.mulf %slice3A_58, %slice3A_59 : vector<2048x128xf32>
    %add3A_61 = arith.addf %add3A_57, %mul3A_60 : vector<2048x128xf32>
    %slice3A_62 = vector.extract_strided_slice %dot_general3A_50 {offsets = [0, 384], sizes = [2048, 128], strides = [1, 1]} : vector<2048x1664xf32> to vector<2048x128xf32>
    %slice3A_63 = vector.extract_strided_slice %dot_general3A_45 {offsets = [0, 384], sizes = [2048, 128], strides = [1, 1]} : vector<2048x1664xf32> to vector<2048x128xf32>
    %mul3A_64 = arith.mulf %slice3A_62, %slice3A_63 : vector<2048x128xf32>
    %add3A_65 = arith.addf %add3A_61, %mul3A_64 : vector<2048x128xf32>
    %slice3A_66 = vector.extract_strided_slice %dot_general3A_50 {offsets = [0, 512], sizes = [2048, 128], strides = [1, 1]} : vector<2048x1664xf32> to vector<2048x128xf32>
    %slice3A_67 = vector.extract_strided_slice %dot_general3A_45 {offsets = [0, 512], sizes = [2048, 128], strides = [1, 1]} : vector<2048x1664xf32> to vector<2048x128xf32>
    %mul3A_68 = arith.mulf %slice3A_66, %slice3A_67 : vector<2048x128xf32>
    %add3A_69 = arith.addf %add3A_65, %mul3A_68 : vector<2048x128xf32>
    %slice3A_70 = vector.extract_strided_slice %dot_general3A_50 {offsets = [0, 640], sizes = [2048, 128], strides = [1, 1]} : vector<2048x1664xf32> to vector<2048x128xf32>
    %slice3A_71 = vector.extract_strided_slice %dot_general3A_45 {offsets = [0, 640], sizes = [2048, 128], strides = [1, 1]} : vector<2048x1664xf32> to vector<2048x128xf32>
    %mul3A_72 = arith.mulf %slice3A_70, %slice3A_71 : vector<2048x128xf32>
    %add3A_73 = arith.addf %add3A_69, %mul3A_72 : vector<2048x128xf32>
    %slice3A_74 = vector.extract_strided_slice %dot_general3A_50 {offsets = [0, 768], sizes = [2048, 128], strides = [1, 1]} : vector<2048x1664xf32> to vector<2048x128xf32>
    %slice3A_75 = vector.extract_strided_slice %dot_general3A_45 {offsets = [0, 768], sizes = [2048, 128], strides = [1, 1]} : vector<2048x1664xf32> to vector<2048x128xf32>
    %mul3A_76 = arith.mulf %slice3A_74, %slice3A_75 : vector<2048x128xf32>
    %add3A_77 = arith.addf %add3A_73, %mul3A_76 : vector<2048x128xf32>
    %slice3A_78 = vector.extract_strided_slice %dot_general3A_50 {offsets = [0, 896], sizes = [2048, 128], strides = [1, 1]} : vector<2048x1664xf32> to vector<2048x128xf32>
    %slice3A_79 = vector.extract_strided_slice %dot_general3A_45 {offsets = [0, 896], sizes = [2048, 128], strides = [1, 1]} : vector<2048x1664xf32> to vector<2048x128xf32>
    %mul3A_80 = arith.mulf %slice3A_78, %slice3A_79 : vector<2048x128xf32>
    %add3A_81 = arith.addf %add3A_77, %mul3A_80 : vector<2048x128xf32>
    %slice3A_82 = vector.extract_strided_slice %dot_general3A_50 {offsets = [0, 1024], sizes = [2048, 128], strides = [1, 1]} : vector<2048x1664xf32> to vector<2048x128xf32>
    %slice3A_83 = vector.extract_strided_slice %dot_general3A_45 {offsets = [0, 1024], sizes = [2048, 128], strides = [1, 1]} : vector<2048x1664xf32> to vector<2048x128xf32>
    %mul3A_84 = arith.mulf %slice3A_82, %slice3A_83 : vector<2048x128xf32>
    %add3A_85 = arith.addf %add3A_81, %mul3A_84 : vector<2048x128xf32>
    %slice3A_86 = vector.extract_strided_slice %dot_general3A_50 {offsets = [0, 1152], sizes = [2048, 128], strides = [1, 1]} : vector<2048x1664xf32> to vector<2048x128xf32>
    %slice3A_87 = vector.extract_strided_slice %dot_general3A_45 {offsets = [0, 1152], sizes = [2048, 128], strides = [1, 1]} : vector<2048x1664xf32> to vector<2048x128xf32>
    %mul3A_88 = arith.mulf %slice3A_86, %slice3A_87 : vector<2048x128xf32>
    %add3A_89 = arith.addf %add3A_85, %mul3A_88 : vector<2048x128xf32>
    %slice3A_90 = vector.extract_strided_slice %dot_general3A_50 {offsets = [0, 1280], sizes = [2048, 128], strides = [1, 1]} : vector<2048x1664xf32> to vector<2048x128xf32>
    %slice3A_91 = vector.extract_strided_slice %dot_general3A_45 {offsets = [0, 1280], sizes = [2048, 128], strides = [1, 1]} : vector<2048x1664xf32> to vector<2048x128xf32>
    %mul3A_92 = arith.mulf %slice3A_90, %slice3A_91 : vector<2048x128xf32>
    %add3A_93 = arith.addf %add3A_89, %mul3A_92 : vector<2048x128xf32>
    %slice3A_94 = vector.extract_strided_slice %dot_general3A_50 {offsets = [0, 1408], sizes = [2048, 128], strides = [1, 1]} : vector<2048x1664xf32> to vector<2048x128xf32>
    %slice3A_95 = vector.extract_strided_slice %dot_general3A_45 {offsets = [0, 1408], sizes = [2048, 128], strides = [1, 1]} : vector<2048x1664xf32> to vector<2048x128xf32>
    %mul3A_96 = arith.mulf %slice3A_94, %slice3A_95 : vector<2048x128xf32>
    %add3A_97 = arith.addf %add3A_93, %mul3A_96 : vector<2048x128xf32>
    %slice3A_98 = vector.extract_strided_slice %dot_general3A_50 {offsets = [0, 1536], sizes = [2048, 128], strides = [1, 1]} : vector<2048x1664xf32> to vector<2048x128xf32>
    %slice3A_99 = vector.extract_strided_slice %dot_general3A_45 {offsets = [0, 1536], sizes = [2048, 128], strides = [1, 1]} : vector<2048x1664xf32> to vector<2048x128xf32>
    %mul3A_100 = arith.mulf %slice3A_98, %slice3A_99 : vector<2048x128xf32>
    %add3A_101 = arith.addf %add3A_97, %mul3A_100 : vector<2048x128xf32>
    %slice3A_102 = vector.extract_strided_slice %add3A_101 {offsets = [0, 0], sizes = [2048, 64], strides = [1, 1]} : vector<2048x128xf32> to vector<2048x64xf32>
    %slice3A_103 = vector.extract_strided_slice %add3A_101 {offsets = [0, 64], sizes = [2048, 64], strides = [1, 1]} : vector<2048x128xf32> to vector<2048x64xf32>
    %add3A_104 = arith.addf %slice3A_102, %slice3A_103 : vector<2048x64xf32>
    %get3A_105 = arith.constant 0 : index
    %get3A_106 = arith.constant 0 : index
    %get3A_107 = vector.load %arg11[%get3A_105, %get3A_106] : memref<64x64xf32, #tpu.memory_space<vmem>>, vector<64x64xf32>
    %dot_general3A_108 = arith.constant dense<0.000000e+00> : vector<2048x64xf32>
    %dot_general3A_109 = tpu.matmul %get3A_40, %get3A_107, %dot_general3A_108 {dimension_numbers = #tpu.dot_dimension_numbers<[1], [0], [0], [1], [0, 0, 1, 1], [], []>, transpose_lhs_hint = false} : vector<2048x64xf32>, vector<64x64xf32>, vector<2048x64xf32> -> vector<2048x64xf32>
    %add3A_110 = arith.addf %add3A_104, %dot_general3A_109 : vector<2048x64xf32>
    %swap3A = arith.constant 0 : index
    %swap3A_111 = arith.constant 0 : index
    %swap3A_112 = vector.load %arg12[%swap3A, %swap3A_111] : memref<2048x128xf32, #tpu.memory_space<vmem>>, vector<2048x64xf32>
    tpu.vector_store %arg12[%swap3A, %swap3A_111], %add3A_110 {strides = array<i32>} : memref<2048x128xf32, #tpu.memory_space<vmem>>, vector<2048x64xf32>,
    %iota3A = tpu.iota {dimensions = array<i32: 1>} : vector<2048x64xi32>
    %eq3A = arith.constant 0 : i32
    %eq3A_113 = vector.broadcast %eq3A : i32 to vector<2048x64xi32>
    %eq3A_114 = arith.cmpi eq, %iota3A, %eq3A_113 : vector<2048x64xi32>
    %jit3A = arith.constant 1.000000e+00 : f32
    %jit3A_115 = arith.constant 0.000000e+00 : f32
    %broadcast_in_dim3A_116 = vector.broadcast %jit3A : f32 to vector<2048x64xf32>
    %broadcast_in_dim3A_117 = vector.broadcast %jit3A_115 : f32 to vector<2048x64xf32>
    %select_n3A = arith.select %eq3A_114, %broadcast_in_dim3A_116, %broadcast_in_dim3A_117 : vector<2048x64xi1>, vector<2048x64xf32>
    %swap3A_118 = arith.constant 0 : index
    %swap3A_119 = arith.constant 64 : index
    %swap3A_120 = vector.load %arg12[%swap3A_118, %swap3A_119] : memref<2048x128xf32, #tpu.memory_space<vmem>>, vector<2048x64xf32>
    tpu.vector_store %arg12[%swap3A_118, %swap3A_119], %select_n3A {strides = array<i32>} : memref<2048x128xf32, #tpu.memory_space<vmem>>, vector<2048x64xf32>,
    return
  }
  func.func @transform_0(%arg0: i32) -> (i32, i32) {
    %c0_i32 = arith.constant 0 : i32
    %c0_i32_0 = arith.constant 0 : i32
    return %arg0, %c0_i32 : i32, i32
  }
  func.func @transform_1(%arg0: i32) -> (i32, i32) {
    %c0_i32 = arith.constant 0 : i32
    %c0_i32_0 = arith.constant 0 : i32
    return %arg0, %c0_i32 : i32, i32
  }
  func.func @transform_2(%arg0: i32) -> (i32, i32) {
    %c0_i32 = arith.constant 0 : i32
    %c0_i32_0 = arith.constant 0 : i32
    %c0_i32_1 = arith.constant 0 : i32
    return %c0_i32, %c0_i32_0 : i32, i32
  }
  func.func @transform_3(%arg0: i32) -> (i32, i32) {
    %c0_i32 = arith.constant 0 : i32
    %c0_i32_0 = arith.constant 0 : i32
    %c0_i32_1 = arith.constant 0 : i32
    return %c0_i32, %c0_i32_0 : i32, i32
  }
  func.func @transform_4(%arg0: i32) -> (i32, i32) {
    %c0_i32 = arith.constant 0 : i32
    %c0_i32_0 = arith.constant 0 : i32
    %c0_i32_1 = arith.constant 0 : i32
    return %c0_i32, %c0_i32_0 : i32, i32
  }
  func.func @transform_5(%arg0: i32) -> (i32, i32) {
    %c0_i32 = arith.constant 0 : i32
    %c0_i32_0 = arith.constant 0 : i32
    %c0_i32_1 = arith.constant 0 : i32
    return %c0_i32, %c0_i32_0 : i32, i32
  }
  func.func @transform_6(%arg0: i32) -> (i32, i32) {
    %c0_i32 = arith.constant 0 : i32
    %c0_i32_0 = arith.constant 0 : i32
    %c0_i32_1 = arith.constant 0 : i32
    return %c0_i32, %c0_i32_0 : i32, i32
  }
  func.func @transform_7(%arg0: i32) -> (i32, i32) {
    %c0_i32 = arith.constant 0 : i32
    %c0_i32_0 = arith.constant 0 : i32
    %c0_i32_1 = arith.constant 0 : i32
    return %c0_i32, %c0_i32_0 : i32, i32
  }
  func.func @transform_8(%arg0: i32) -> (i32, i32) {
    %c0_i32 = arith.constant 0 : i32
    %c0_i32_0 = arith.constant 0 : i32
    %c0_i32_1 = arith.constant 0 : i32
    return %c0_i32, %c0_i32_0 : i32, i32
  }
  func.func @transform_9(%arg0: i32) -> (i32, i32) {
    %c0_i32 = arith.constant 0 : i32
    %c0_i32_0 = arith.constant 0 : i32
    %c0_i32_1 = arith.constant 0 : i32
    return %c0_i32, %c0_i32_0 : i32, i32
  }
  func.func @transform_10(%arg0: i32) -> (i32, i32) {
    %c0_i32 = arith.constant 0 : i32
    %c0_i32_0 = arith.constant 0 : i32
    %c0_i32_1 = arith.constant 0 : i32
    return %c0_i32, %c0_i32_0 : i32, i32
  }
  func.func @transform_11(%arg0: i32) -> (i32, i32) {
    %c0_i32 = arith.constant 0 : i32
    %c0_i32_0 = arith.constant 0 : i32
    return %arg0, %c0_i32 : i32, i32
  }
}

module attributes {stable_mosaic.version = 14 : i64} {
  func.func @_head_body(%arg0: i32, %arg1: memref<2048x128xf32, #tpu.memory_space<vmem>>, %arg2: memref<2048x128xf32, #tpu.memory_space<vmem>>, %arg3: memref<64x64xf32, #tpu.memory_space<vmem>>, %arg4: memref<1x64xf32, #tpu.memory_space<vmem>>, %arg5: memref<64x64xf32, #tpu.memory_space<vmem>>, %arg6: memref<1x64xf32, #tpu.memory_space<vmem>>, %arg7: memref<64x10xf32, #tpu.memory_space<vmem>>, %arg8: memref<1x10xf32, #tpu.memory_space<vmem>>, %arg9: memref<2048x10xf32, #tpu.memory_space<vmem>>) attributes {dimension_semantics = [#tpu.dimension_semantics<arbitrary>], iteration_bounds = array<i64: 8>, scalar_prefetch = 0 : i64, scratch_operands = 0 : i64, tpu.core_type = #tpu.core_type<tc>, window_params = [{transform_indices = @transform_0, window_bounds = array<i64: 2048, 128>}, {transform_indices = @transform_1, window_bounds = array<i64: 2048, 128>}, {pipeline_mode = #tpu.pipeline_mode<synchronous>, transform_indices = @transform_2, window_bounds = array<i64: 64, 64>}, {pipeline_mode = #tpu.pipeline_mode<synchronous>, transform_indices = @transform_3, window_bounds = array<i64: 1, 64>}, {pipeline_mode = #tpu.pipeline_mode<synchronous>, transform_indices = @transform_4, window_bounds = array<i64: 64, 64>}, {pipeline_mode = #tpu.pipeline_mode<synchronous>, transform_indices = @transform_5, window_bounds = array<i64: 1, 64>}, {pipeline_mode = #tpu.pipeline_mode<synchronous>, transform_indices = @transform_6, window_bounds = array<i64: 64, 10>}, {pipeline_mode = #tpu.pipeline_mode<synchronous>, transform_indices = @transform_7, window_bounds = array<i64: 1, 10>}, {transform_indices = @transform_8, window_bounds = array<i64: 2048, 10>}]} {
    %get3A = arith.constant 0 : index
    %get3A_0 = arith.constant 0 : index
    %get3A_1 = vector.load %arg1[%get3A, %get3A_0] : memref<2048x128xf32, #tpu.memory_space<vmem>>, vector<2048x128xf32>
    %slice3A = vector.extract_strided_slice %get3A_1 {offsets = [0, 0], sizes = [2048, 64], strides = [1, 1]} : vector<2048x128xf32> to vector<2048x64xf32>
    %slice3A_2 = vector.extract_strided_slice %get3A_1 {offsets = [0, 64], sizes = [2048, 1], strides = [1, 1]} : vector<2048x128xf32> to vector<2048x1xf32>
    %max3A = arith.constant 1.000000e+00 : f32
    %max3A_3 = vector.broadcast %max3A : f32 to vector<2048x1xf32>
    %max3A_4 = arith.maximumf %slice3A_2, %max3A_3 : vector<2048x1xf32>
    %div3A = vector.broadcast %max3A_4 : vector<2048x1xf32> to vector<2048x64xf32>
    %div3A_5 = arith.divf %slice3A, %div3A : vector<2048x64xf32>
    %get3A_6 = arith.constant 0 : index
    %get3A_7 = arith.constant 0 : index
    %get3A_8 = vector.load %arg2[%get3A_6, %get3A_7] : memref<2048x128xf32, #tpu.memory_space<vmem>>, vector<2048x64xf32>
    %get3A_9 = arith.constant 0 : index
    %get3A_10 = arith.constant 0 : index
    %get3A_11 = vector.load %arg3[%get3A_9, %get3A_10] : memref<64x64xf32, #tpu.memory_space<vmem>>, vector<64x64xf32>
    %dot_general3A = arith.constant dense<0.000000e+00> : vector<2048x64xf32>
    %dot_general3A_12 = tpu.matmul %get3A_8, %get3A_11, %dot_general3A {dimension_numbers = #tpu.dot_dimension_numbers<[1], [0], [0], [1], [0, 0, 1, 1], [], []>, transpose_lhs_hint = false} : vector<2048x64xf32>, vector<64x64xf32>, vector<2048x64xf32> -> vector<2048x64xf32>
    %add3A = arith.addf %div3A_5, %dot_general3A_12 : vector<2048x64xf32>
    %get3A_13 = arith.constant 0 : index
    %get3A_14 = arith.constant 0 : index
    %get3A_15 = vector.load %arg4[%get3A_13, %get3A_14] : memref<1x64xf32, #tpu.memory_space<vmem>>, vector<1x64xf32>
    %add3A_16 = vector.broadcast %get3A_15 : vector<1x64xf32> to vector<2048x64xf32>
    %add3A_17 = arith.addf %add3A, %add3A_16 : vector<2048x64xf32>
    %gt3A = arith.constant 0.000000e+00 : f32
    %gt3A_18 = vector.broadcast %gt3A : f32 to vector<2048x64xf32>
    %gt3A_19 = arith.cmpf ogt, %add3A_17, %gt3A_18 : vector<2048x64xf32>
    %exp3A = math.exp %add3A_17 : vector<2048x64xf32>
    %sub3A = arith.constant 1.000000e+00 : f32
    %sub3A_20 = vector.broadcast %sub3A : f32 to vector<2048x64xf32>
    %sub3A_21 = arith.subf %exp3A, %sub3A_20 : vector<2048x64xf32>
    %select_n3A = arith.select %gt3A_19, %add3A_17, %sub3A_21 : vector<2048x64xi1>, vector<2048x64xf32>
    %get3A_22 = arith.constant 0 : index
    %get3A_23 = arith.constant 0 : index
    %get3A_24 = vector.load %arg5[%get3A_22, %get3A_23] : memref<64x64xf32, #tpu.memory_space<vmem>>, vector<64x64xf32>
    %dot_general3A_25 = arith.constant dense<0.000000e+00> : vector<2048x64xf32>
    %dot_general3A_26 = tpu.matmul %select_n3A, %get3A_24, %dot_general3A_25 {dimension_numbers = #tpu.dot_dimension_numbers<[1], [0], [0], [1], [0, 0, 1, 1], [], []>, transpose_lhs_hint = false} : vector<2048x64xf32>, vector<64x64xf32>, vector<2048x64xf32> -> vector<2048x64xf32>
    %get3A_27 = arith.constant 0 : index
    %get3A_28 = arith.constant 0 : index
    %get3A_29 = vector.load %arg6[%get3A_27, %get3A_28] : memref<1x64xf32, #tpu.memory_space<vmem>>, vector<1x64xf32>
    %add3A_30 = vector.broadcast %get3A_29 : vector<1x64xf32> to vector<2048x64xf32>
    %add3A_31 = arith.addf %dot_general3A_26, %add3A_30 : vector<2048x64xf32>
    %gt3A_32 = arith.constant 0.000000e+00 : f32
    %gt3A_33 = vector.broadcast %gt3A_32 : f32 to vector<2048x64xf32>
    %gt3A_34 = arith.cmpf ogt, %add3A_31, %gt3A_33 : vector<2048x64xf32>
    %exp3A_35 = math.exp %add3A_31 : vector<2048x64xf32>
    %sub3A_36 = arith.constant 1.000000e+00 : f32
    %sub3A_37 = vector.broadcast %sub3A_36 : f32 to vector<2048x64xf32>
    %sub3A_38 = arith.subf %exp3A_35, %sub3A_37 : vector<2048x64xf32>
    %select_n3A_39 = arith.select %gt3A_34, %add3A_31, %sub3A_38 : vector<2048x64xi1>, vector<2048x64xf32>
    %get3A_40 = arith.constant 0 : index
    %get3A_41 = arith.constant 0 : index
    %get3A_42 = vector.load %arg7[%get3A_40, %get3A_41] : memref<64x10xf32, #tpu.memory_space<vmem>>, vector<64x10xf32>
    %dot_general3A_43 = arith.constant dense<0.000000e+00> : vector<2048x10xf32>
    %dot_general3A_44 = tpu.matmul %select_n3A_39, %get3A_42, %dot_general3A_43 {dimension_numbers = #tpu.dot_dimension_numbers<[1], [0], [0], [1], [0, 0, 1, 1], [], []>, transpose_lhs_hint = false} : vector<2048x64xf32>, vector<64x10xf32>, vector<2048x10xf32> -> vector<2048x10xf32>
    %get3A_45 = arith.constant 0 : index
    %get3A_46 = arith.constant 0 : index
    %get3A_47 = vector.load %arg8[%get3A_45, %get3A_46] : memref<1x10xf32, #tpu.memory_space<vmem>>, vector<1x10xf32>
    %add3A_48 = vector.broadcast %get3A_47 : vector<1x10xf32> to vector<2048x10xf32>
    %add3A_49 = arith.addf %dot_general3A_44, %add3A_48 : vector<2048x10xf32>
    %reduce_max3A = arith.constant dense<0xFF800000> : vector<2048xf32>
    %reduce_max3A_50 = vector.multi_reduction <maximumf>, %add3A_49, %reduce_max3A [1] : vector<2048x10xf32> to vector<2048xf32>
    %broadcast_in_dim3A = vector.shape_cast %reduce_max3A_50 : vector<2048xf32> to vector<2048x1xf32>
    %sub3A_51 = vector.broadcast %broadcast_in_dim3A : vector<2048x1xf32> to vector<2048x10xf32>
    %sub3A_52 = arith.subf %add3A_49, %sub3A_51 : vector<2048x10xf32>
    %exp3A_53 = math.exp %sub3A_52 : vector<2048x10xf32>
    %reduce_sum3A = arith.constant dense<0.000000e+00> : vector<2048xf32>
    %reduce_sum3A_54 = vector.multi_reduction <add>, %exp3A_53, %reduce_sum3A [1] : vector<2048x10xf32> to vector<2048xf32>
    %broadcast_in_dim3A_55 = vector.shape_cast %reduce_sum3A_54 : vector<2048xf32> to vector<2048x1xf32>
    %log3A = math.log %broadcast_in_dim3A_55 : vector<2048x1xf32>
    %add3A_56 = arith.addf %broadcast_in_dim3A, %log3A : vector<2048x1xf32>
    %sub3A_57 = vector.broadcast %add3A_56 : vector<2048x1xf32> to vector<2048x10xf32>
    %sub3A_58 = arith.subf %add3A_49, %sub3A_57 : vector<2048x10xf32>
    %swap3A = arith.constant 0 : index
    %swap3A_59 = arith.constant 0 : index
    %swap3A_60 = vector.load %arg9[%swap3A, %swap3A_59] : memref<2048x10xf32, #tpu.memory_space<vmem>>, vector<2048x10xf32>
    tpu.vector_store %arg9[%swap3A, %swap3A_59], %sub3A_58 {strides = array<i32>} : memref<2048x10xf32, #tpu.memory_space<vmem>>, vector<2048x10xf32>,
    return
  }
  func.func @transform_0(%arg0: i32) -> (i32, i32) {
    %c0_i32 = arith.constant 0 : i32
    %c0_i32_0 = arith.constant 0 : i32
    return %arg0, %c0_i32 : i32, i32
  }
  func.func @transform_1(%arg0: i32) -> (i32, i32) {
    %c0_i32 = arith.constant 0 : i32
    %c0_i32_0 = arith.constant 0 : i32
    return %arg0, %c0_i32 : i32, i32
  }
  func.func @transform_2(%arg0: i32) -> (i32, i32) {
    %c0_i32 = arith.constant 0 : i32
    %c0_i32_0 = arith.constant 0 : i32
    %c0_i32_1 = arith.constant 0 : i32
    return %c0_i32, %c0_i32_0 : i32, i32
  }
  func.func @transform_3(%arg0: i32) -> (i32, i32) {
    %c0_i32 = arith.constant 0 : i32
    %c0_i32_0 = arith.constant 0 : i32
    %c0_i32_1 = arith.constant 0 : i32
    return %c0_i32, %c0_i32_0 : i32, i32
  }
  func.func @transform_4(%arg0: i32) -> (i32, i32) {
    %c0_i32 = arith.constant 0 : i32
    %c0_i32_0 = arith.constant 0 : i32
    %c0_i32_1 = arith.constant 0 : i32
    return %c0_i32, %c0_i32_0 : i32, i32
  }
  func.func @transform_5(%arg0: i32) -> (i32, i32) {
    %c0_i32 = arith.constant 0 : i32
    %c0_i32_0 = arith.constant 0 : i32
    %c0_i32_1 = arith.constant 0 : i32
    return %c0_i32, %c0_i32_0 : i32, i32
  }
  func.func @transform_6(%arg0: i32) -> (i32, i32) {
    %c0_i32 = arith.constant 0 : i32
    %c0_i32_0 = arith.constant 0 : i32
    %c0_i32_1 = arith.constant 0 : i32
    return %c0_i32, %c0_i32_0 : i32, i32
  }
  func.func @transform_7(%arg0: i32) -> (i32, i32) {
    %c0_i32 = arith.constant 0 : i32
    %c0_i32_0 = arith.constant 0 : i32
    %c0_i32_1 = arith.constant 0 : i32
    return %c0_i32, %c0_i32_0 : i32, i32
  }
  func.func @transform_8(%arg0: i32) -> (i32, i32) {
    %c0_i32 = arith.constant 0 : i32
    %c0_i32_0 = arith.constant 0 : i32
    return %arg0, %c0_i32 : i32, i32
  }
}

</mosaic_0001>

<sc_bundles>
// kernel: kernel.11.cloned.1.call-start
scs
__scs_entry_jumppad:
0x0: {  	(pc) =	sbr.rel $0x88, $3  }
0x1: {  	(tag) =	ssettag $0x0;
	lr =	simm.s32 $0x1  }
0x2: {  	[smem:$0x3F86] =	sst lr;
	_ =	strace $0xD0000000  }
0x3: {  	_ = 	snop  }
0x4: {  	_ = 	snop  }
0x5: {  	_ = 	snop  }
0x6: {  	_ = 	snop  }
0x7: {  	_ = 	snop  }
__scs_overlays_trampoline_lowered:
0x8: {  	[smem:$0x3F95] =	sst s0  }
0x9: {  	[smem:$0x3F96] =	sst s1  }
0xa: {  	[smem:$0x3F97] =	sst s2  }
0xb: {  	[smem:$0x3F98] =	sst s3  }
0xc: {  	[smem:$0x3F99] =	sst s4  }
0xd: {  	[smem:$0x3F9A] =	sst s5  }
0xe: {  	[smem:$0x3F9B] =	sst s6  }
0xf: {  	[smem:$0x3F9C] =	sst s7  }
0x10: {  	[smem:$0x3F9D] =	sst s8  }
0x11: {  	[smem:$0x3F9E] =	sst s9;
	s0 =	simm.s32 @!p0 $0x0  }
0x12: {  	s1 =	sld [smem:$0x3F84];
	s0 =	simm.s32 @p0 $0x1  }
0x13: {  	[smem:$0x3F9F] =	sst s0;
	s0 =	simm.s32 @!p1 $0x0  }
0x14: {  	s2 =	sld [smem:$0x3F83];
	s0 =	simm.s32 @p1 $0x1  }
0x15: {  	[smem:$0x3FA0] =	sst s0;
	s0 =	simm.s32 @!p2 $0x0  }
0x16: {  	s3 =	sld [smem:$0x3FDB];
	s0 =	simm.s32 @p2 $0x1  }
0x17: {  	s4 =	simm.s32 $0x1BF5;
	[smem:$0x3FA2] =	sst s0  }
0x18: {  	s0 =	sld [smem:$0x3F85];
	_ =	swait.ge [sflag:s4], $0x0  }
0x19: {  	s7 =	sld [smem:$0x3F86]  }
0x1a: {  	s8 =	sadd.s32 $0xFFFFE003, lr  }
0x1b: {  	s9 =	sadd.s32 $0xFFFFFEF7, lr;
	s5 =	simm.s32 $0xFFFFFFFF;
	p2 =	slt.u32 s8, $0xFFFFF086  }
0x1c: {  	p1 =	slt.u32 s9, $0xF7A;
	s5 =	simm.s32 @!p2 $0x0  }
0x1d: {  	s5 =	simm.s32 @p1 $0x1;
	p0 =	seq.s32 s7, s2  }
0x1e: {  	s7 =	smul.u32 @!p0 $0xF7A, s2;
	p2 =	seq.s32 @!p0 s5, $0x0  }
0x1f: {  	s9 =	smul.u32 $0xF7A, s1;
	s8 =	simm.s32 @!p0 $0x1BF5;
	p2 =	por !p2, p0  }
0x20: {  	[sflag:s8] =	ssyncset.s32 @!p0 $0xFFFFF086;
	s6 =	sadd.s32 @!p0 s3, s7;
	s7 =	simm.s32 @!p0 $0x108  }
0x21: {  	s3 =	sadd.s32 s3, s9;
	s6 =	sadd.s32 @!p0 $0x88, s6;
	s7 =	simm.s32 @p2 $0x1082  }
0x22: {  	[simem:s7], [sflag:s8] =	dma.local @!p0 [hbm:s6], $0xF7A  }
0x23: {  	s9 =	sor.u32 $0xD0000000, s2;
	s6 =	simm.s32 $0x108;
	_ =	swait.ge @!p0 [sflag:s8], $0x0  }
0x24: {  	s3 =	sadd.s32 $0x88, s3;
	s6 =	simm.s32 @!p1 $0x1082;
	[sflag:s4] =	ssyncset.s32 $0xFFFFF086  }
0x25: {  	[simem:s6], [sflag:s4] =	dma.local [hbm:s3], $0xF7A  }
0x26: {  	[smem:$0x3F86] =	sst s1;
	(tag) =	ssettag s2;
	_ =	strace s9  }
0x27: {  	s1 =	sld [smem:$0x3F96]  }
0x28: {  	s2 =	sld [smem:$0x3F97]  }
0x29: {  	s4 =	sld [smem:$0x3F99]  }
0x2a: {  	p0 =	seq.s32 s5, $0x0;
	s5 =	sld [smem:$0x3F9A]  }
0x2b: {  	s6 =	sld [smem:$0x3F9B]  }
0x2c: {  	s7 =	sld [smem:$0x3F9C]  }
0x2d: {  	s3 =	simm.s32 $0x108;
	s8 =	sld [smem:$0x3F9D]  }
0x2e: {  	s3 =	simm.s32 @!p0 $0x1082;
	s9 =	sld [smem:$0x3F9E]  }
0x2f: {  	lr =	sadd.s32 s0, s3;
	s0 =	sld [smem:$0x3F95]  }
0x30: {  	s3 =	sld [smem:$0x3F98]  }
0x31: {  	[smem:$0x3FA1] =	sst s10  }
0x32: {  	s10 =	sld [smem:$0x3F9F];
	_ =	sdelay $0x3  }
0x33: {  	p0 =	seq.s32 s10, $0x1;
	s10 =	sld [smem:$0x3FA1];
	_ =	sdelay $0x3  }
0x34: {  	[smem:$0x3FA1] =	sst s10  }
0x35: {  	s10 =	sld [smem:$0x3FA0];
	_ =	sdelay $0x3  }
0x36: {  	p1 =	seq.s32 s10, $0x1;
	s10 =	sld [smem:$0x3FA1];
	_ =	sdelay $0x3  }
0x37: {  	[smem:$0x3FA1] =	sst s10  }
0x38: {  	s10 =	sld [smem:$0x3FA2]  }
0x39: {  	_ = 	snop;
	(pc) =	sbr.ind lr, $3  }
0x3a: {  	_ = 	snop  }
0x3b: {  	_ = 	snop  }
0x3c: {  	p2 =	seq.s32 s10, $0x1;
	s10 =	sld [smem:$0x3FA1]  }
0x3d: {  	_ =	shalt  }
0x3e: {  	_ =	shalt  }
0x3f: {  	_ =	shalt  }
0x40: {  	_ =	shalt  }
0x41: {  	_ =	shalt  }
0x42: {  	_ =	shalt  }
0x43: {  	_ =	shalt  }
0x44: {  	_ =	shalt  }
0x45: {  	_ =	shalt  }
0x46: {  	_ =	shalt  }
0x47: {  	_ =	shalt  }
0x48: {  	_ =	shalt  }
0x49: {  	_ =	shalt  }
0x4a: {  	_ =	shalt  }
0x4b: {  	_ =	shalt  }
0x4c: {  	_ =	shalt  }
0x4d: {  	_ =	shalt  }
0x4e: {  	_ =	shalt  }
0x4f: {  	_ =	shalt  }
0x50: {  	_ =	shalt  }
0x51: {  	_ =	shalt  }
0x52: {  	_ =	shalt  }
0x53: {  	_ =	shalt  }
0x54: {  	_ =	shalt  }
0x55: {  	_ =	shalt  }
0x56: {  	_ =	shalt  }
0x57: {  	_ =	shalt  }
0x58: {  	_ =	shalt  }
0x59: {  	_ =	shalt  }
0x5a: {  	_ =	shalt  }
0x5b: {  	_ =	shalt  }
0x5c: {  	_ =	shalt  }
0x5d: {  	_ =	shalt  }
0x5e: {  	_ =	shalt  }
0x5f: {  	_ =	shalt  }
0x60: {  	_ =	shalt  }
0x61: {  	_ =	shalt  }
0x62: {  	_ =	shalt  }
0x63: {  	_ =	shalt  }
0x64: {  	_ =	shalt  }
0x65: {  	_ =	shalt  }
0x66: {  	_ =	shalt  }
0x67: {  	_ =	shalt  }
0x68: {  	_ =	shalt  }
0x69: {  	_ =	shalt  }
0x6a: {  	_ =	shalt  }
0x6b: {  	_ =	shalt  }
0x6c: {  	_ =	shalt  }
0x6d: {  	_ =	shalt  }
0x6e: {  	_ =	shalt  }
0x6f: {  	_ =	shalt  }
0x70: {  	_ =	shalt  }
0x71: {  	_ =	shalt  }
0x72: {  	_ =	shalt  }
0x73: {  	_ =	shalt  }
0x74: {  	_ =	shalt  }
0x75: {  	_ =	shalt  }
0x76: {  	_ =	shalt  }
0x77: {  	_ =	shalt  }
0x78: {  	_ =	shalt  }
0x79: {  	_ =	shalt  }
0x7a: {  	_ =	shalt  }
0x7b: {  	_ =	shalt  }
0x7c: {  	_ =	shalt  }
0x7d: {  	_ =	shalt  }
0x7e: {  	_ =	shalt  }
0x7f: {  	_ =	shalt  }
0x80: {  	_ =	shalt  }
0x81: {  	_ =	shalt  }
0x82: {  	_ =	shalt  }
0x83: {  	_ =	shalt  }
0x84: {  	_ =	shalt  }
0x85: {  	_ =	shalt  }
0x86: {  	_ =	shalt  }
0x87: {  	_ =	shalt  }
.Lfunc_end0:
.L_simem_size_0:
called_computation_lowered:
.L_overlay_start_0:
0x88: {  	s2 =	sld [smem:$0x3FD9]  }
0x89: {  	s3 =	sld [smem:$0x3FFE];
	_ =	sdelay $0x1  }
0x8a: {  	s1 =	srdreg.scid  }
0x8b: {  	s0 =	sand.u32 $0x1, s1  }
0x8c: {  	s16 =	sshll.u32 s0, $0xA;
	s2 =	sadd.s32 s3, s2  }
0x8d: {  	s2 =	sadd.s32 s2, s16  }
0x8e: {  	[smem:$0x3FAD] =	sst s2  }
0x8f: {  	_ = 	snop  }
0x90: {  	(tm) =	ssettm $0x1  }
0x91: {  	s17 =	sld [smem:$0x3FFB];
	_ =	sdelay $0x3  }
0x92: {  	_ =	strace s17  }
0x93: {  	s2 =	sld [smem:$0x3FFC];
	_ =	sdelay $0x3  }
0x94: {  	_ =	strace s2  }
0x95: {  	s2 =	sld [smem:$0x3FFD];
	_ =	sdelay $0x3  }
0x96: {  	_ =	strace s2  }
0x97: {  	_ =	strace $0x8FFFFFFF  }
0x98: {  	s18 =	sld [smem:$0x3FDB];
	_ =	sdelay $0x1  }
0x99: {  	s19 =	simm.s32 $_scs_section_size  }
0x9a: {  	s4 =	simm.s32 $_size__tile_overlayer_lowered;
	s5 =	simm.s32 $_tile_overlayer_lowered  }
0x9b: {  	s22 =	simm.s32 $0x1BFF;
	s21 =	sshll.u32 s5, $0x1;
	s2 =	sadd.s32 s19, s18  }
0x9c: {  	s6 =	simm.s32 $0x0;
	s20 =	sshll.u32 s4, $0x1;
	s4 =	sadd.s32 s21, s2  }
0x9d: {  	[timem:s6], [sflag:s22] =	dma.local [hbm:s4], s20  }
0x9e: {  	_ =	swait.ge [sflag:s22], s20  }
0x9f: {  	s3 =	ssub.s32 $0x0, s20;
	[sflag:s22] =	ssyncset.done $0x0  }
0xa0: {  	[sflag:s22] =	ssyncadd.s32 s3;
	_ =	sdelay $0x1  }
0xa1: {  	s23 =	simm.s32 $0x1B8B  }
0xa2: {  	_ =	swait.ge [sflag:s23], $0x1  }
0xa3: {  	[sflag:s23] =	ssyncset.done $0x0  }
0xa4: {  	s25 =	simm.s32 $0x1B8E;
	s24 =	sld [smem:$0x3FFE];
	[sflag:s23] =	ssyncadd.s32 $0xFFFFFFFF  }
0xa5: {  	s26 =	simm.s32 $execute0_lowered;
	[smem:$0x3FD2] =	sst s25  }
0xa6: {  	s4 =	sshll.u32 s26, $0x1;
	_ =	strace $0x80000046;
	[dreg:$0x1] =	wrdreg $0xFFFFFFFF  }
0xa7: {  	s28 =	simm.s32 $_size_execute0_lowered;
	s2 =	sadd.s32 s2, s4;
	[dreg:$0x0] =	wrdreg $0x0  }
0xa8: {  	s4 =	sshll.u32 s28, $0x1;
	[dreg:$0x2] =	wrdreg s2  }
0xa9: {  	[dreg:$0x3] =	wrdreg s4  }
0xaa: {  	[dreg:$0x4] =	wrdreg $0xC0  }
0xab: {  	_ =	task [dreg:s6], $0x5FFFF  }
0xac: {  	[dreg:$0x1] =	wrdreg $0xFFFFFFFF  }
0xad: {  	[dreg:$0x0] =	wrdreg $0x60  }
0xae: {  	[dreg:$0x2] =	wrdreg s24  }
0xaf: {  	[dreg:$0x3] =	wrdreg $0x9  }
0xb0: {  	_ =	task.clear_ibuf [dreg:s6], $0x4FFFF;
	_ =	strace $0x90000046  }
0xb1: {  	s29 =	simm.s32 $0x9;
	_ =	strace $0x80000048  }
0xb2: {  	_ =	swait.ge [sflag:s29], $0x1  }
0xb3: {  	[sflag:s29] =	ssyncadd.s32 $0xFFFFFFFF  }
0xb4: {  	_ =	strace $0x90000048  }
0xb5: {  	_ =	sfence  }
0xb6: {  	s30 =	sld [smem:$0x0];
	_ =	sdelay $0x2  }
0xb7: {  	s31 =	sshll.u32 s1, $0xD;
	s1 =	sshrl.u32 s1, $0x2  }
0xb8: {  	s3 =	sand.u32 $0x4000, s31;
	s1 =	sadd.s32 s1, s30  }
0xb9: {  	s0 =	sor.u32 s3, s0;
	s1 =	sshll.u32 s1, $0x11  }
0xba: {  	s0 =	sor.u32 s1, s0  }
0xbb: {  	s0 =	sadd.s32 $0x8F2B, s0  }
0xbc: {  	[sflag:s0] =	ssyncadd.remote.s32 $0x1  }
0xbd: {  	_ =	sfence.sel $0xFFFF  }
0xbe: {  	[dreg:$0x0] =	wrdreg $0xFFFFFFFF;
	(pc) =	sbr.abs _section_cstart, $3  }
0xbf: {  	[dreg:$0x1] =	wrdreg $0xFFFFFFFF  }
0xc0: {  	_ =	task.clear_ibuf [dreg:s6], $0x2FFFF;
	_ =	strace $0x9FFFFFFF  }
0xc1: {  	(tm) =	ssettm $0x7FFFFFFF  }
tec
execute0_lowered:
.L_overlay_start_1:
0x0: {  	(tag) =	ssettag $0x1  }
0x1: {  	s1 =	srdreg.scid;
	s0 =	stileid.u32  }
0x2: {  	s19 =	sand.u32 $0x1, s1;
	s30 =	sshll.u32 s0, $0x1  }
0x3: {  	s14 =	rddreg [dreg:$0x0];
	s15 =	sor.u32 s19, s30  }
0x4: {  	s2 =	simm.s32 $0x0;
	s1 =	rddreg [dreg:$0x1];
	s3 =	sshll.u32 s15, $0x7  }
0x5: {  	[smem:$0x7FF] =	sst s2;
	s3 =	sadd.s32 s3, s14  }
0x6: {  	_ =	strace $0x80000047;
	s4 =	sadd.s32 $0x5000, s3;
	s3 =	simm.s32 $0x2  }
0x7: {  	[tilespmem:s2], [sflag:$0x2] =	stream.linear.gather [hbm4b:s4+s2], $0x400, $0x38;
	[tilespmem:$0x10400] =	vst v63  }
0x8: {  	_ =	swait.ge [sflag:s3], $0x400  }
0x9: {  	s6 =	simm.s32 $0x80;
	[sflag:s3] =	ssyncset.done $0x0  }
0xa: {  	s7 =	simm.s32 $0x400;
	s5 =	sadd.s32 $0x6000, s14;
	[sflag:s3] =	ssyncadd.s32 $0xFFFFFC00  }
0xb: {  	[tilespmem:s7], [sflag:$0x1] =	stream.indirect.gather [hbm4b:s5+s6], $0x80, s2, s6, $0xb8;
	[tilespmem:$0x10400] =	vst v63  }
0xc: {  	s8 =	simm.s32 $0x4400  }
0xd: {  	[tilespmem:s8], [sflag:$0x1] =	stream.indirect.gather [hbm4b:s5+s6], $0x80, s6, s6, $0xb8;
	[tilespmem:$0x10400] =	vst v63  }
0xe: {  	s9 =	simm.s32 $0x100;
	s10 =	simm.s32 $0x8400  }
0xf: {  	[tilespmem:s10], [sflag:$0x1] =	stream.indirect.gather [hbm4b:s5+s6], $0x80, s9, s6, $0xb8;
	[tilespmem:$0x10400] =	vst v63  }
0x10: {  	s11 =	simm.s32 $0x180;
	s12 =	simm.s32 $0xC400;
	s13 =	simm.s32 $0x1  }
0x11: {  	[tilespmem:s12], [sflag:$0x1] =	stream.indirect.gather [hbm4b:s5+s6], $0x80, s11, s6, $0xb8;
	[tilespmem:$0x10400] =	vst v63  }
0x12: {  	_ =	swait.ge [sflag:s13], $0x4000  }
0x13: {  	[sflag:s13] =	ssyncset.done $0x0  }
0x14: {  	[sflag:s13] =	ssyncadd.s32 $0xFFFFC000  }
0x15: {  	_ =	swait.ge [sflag:s13], $0x4000  }
0x16: {  	[sflag:s13] =	ssyncset.done $0x0  }
0x17: {  	[sflag:s13] =	ssyncadd.s32 $0xFFFFC000  }
0x18: {  	_ =	swait.ge [sflag:s13], $0x4000  }
0x19: {  	[sflag:s13] =	ssyncset.done $0x0  }
0x1a: {  	[sflag:s13] =	ssyncadd.s32 $0xFFFFC000  }
0x1b: {  	s15 =	sshll.u32 s15, $0xE;
	_ =	swait.ge [sflag:s13], $0x4000  }
0x1c: {  	s20 =	sadd.s32 s15, s14;
	[sflag:s13] =	ssyncset.done $0x0  }
0x1d: {  	s14 =	sadd.s32 $0x46000, s20;
	[sflag:s13] =	ssyncadd.s32 $0xFFFFC000  }
0x1e: {  	[hbm4b:s14+s2] =	stream.linear.scatter [tilespmem:s7], [sflag:$0x2], $0x10000, $0x38;
	[tilespmem:$0x10400] =	vst v63  }
0x1f: {  	_ =	swait.ge [sflag:s3], $0x10000  }
0x20: {  	[sflag:s3] =	ssyncset.done $0x0  }
0x21: {  	s15 =	simm.s32 $0x200;
	[sflag:s3] =	ssyncadd.s32 $0xFFFF0000  }
0x22: {  	[tilespmem:s7], [sflag:$0x1] =	stream.indirect.gather [hbm4b:s5+s6], $0x80, s15, s6, $0xb8;
	[tilespmem:$0x10400] =	vst v63  }
0x23: {  	s16 =	simm.s32 $0x280  }
0x24: {  	[tilespmem:s8], [sflag:$0x1] =	stream.indirect.gather [hbm4b:s5+s6], $0x80, s16, s6, $0xb8;
	[tilespmem:$0x10400] =	vst v63  }
0x25: {  	s17 =	simm.s32 $0x300  }
0x26: {  	[tilespmem:s10], [sflag:$0x1] =	stream.indirect.gather [hbm4b:s5+s6], $0x80, s17, s6, $0xb8;
	[tilespmem:$0x10400] =	vst v63  }
0x27: {  	s18 =	simm.s32 $0x380  }
0x28: {  	[tilespmem:s12], [sflag:$0x1] =	stream.indirect.gather [hbm4b:s5+s6], $0x80, s18, s6, $0xb8;
	[tilespmem:$0x10400] =	vst v63  }
0x29: {  	_ =	swait.ge [sflag:s13], $0x4000  }
0x2a: {  	[sflag:s13] =	ssyncset.done $0x0  }
0x2b: {  	[sflag:s13] =	ssyncadd.s32 $0xFFFFC000  }
0x2c: {  	_ =	swait.ge [sflag:s13], $0x4000  }
0x2d: {  	[sflag:s13] =	ssyncset.done $0x0  }
0x2e: {  	s19 =	ssub.s32 $0x2, s19;
	[sflag:s13] =	ssyncadd.s32 $0xFFFFC000  }
0x2f: {  	s21 =	sshrl.u32 s19, $0x1;
	_ =	swait.ge [sflag:s13], $0x4000  }
0x30: {  	s21 =	ssub.s32 s19, s21;
	[sflag:s13] =	ssyncset.done $0x0  }
0x31: {  	s31 =	smax.u32 s21, $0x1;
	[sflag:s13] =	ssyncadd.s32 $0xFFFFC000  }
0x32: {  	p0 =	sne.s32 s31, $0x1;
	_ =	swait.ge [sflag:s13], $0x4000  }
.Ltmp0:
0x33: {  	[sflag:s13] =	ssyncset.done $0x0;
	(pc) =	sbr.rel @!p0 .LBB2_2-.Ltmp0, $4  }
0x34: {  	s19 =	sadd.s32 $0x48000, s20;
	[sflag:s13] =	ssyncadd.s32 $0xFFFFC000  }
0x35: {  	[hbm4b:s19+s2] =	stream.linear.scatter [tilespmem:s7], [sflag:$0x2], $0x10000, $0x38;
	[tilespmem:$0x10400] =	vst v63  }
0x36: {  	_ =	swait.ge [sflag:s3], $0x10000  }
0x37: {  	s20 =	sadd.s32 $0xFFFFFFFF, s31;
	[sflag:s3] =	ssyncset.done $0x0  }
.LBB2_1:
0x38: {  	p0 =	sne.s32 s20, $0x1;
	s20 =	sadd.s32 $0xFFFFFFFF, s20;
	[sflag:s3] =	ssyncadd.s32 $0xFFFF0000  }
0x39: {  	[tilespmem:s2], [sflag:$0x2] =	stream.linear.gather [hbm4b:s4+s2], $0x400, $0x38;
	[tilespmem:$0x10400] =	vst v63  }
0x3a: {  	_ =	swait.ge [sflag:s3], $0x400  }
0x3b: {  	[sflag:s3] =	ssyncset.done $0x0  }
0x3c: {  	[sflag:s3] =	ssyncadd.s32 $0xFFFFFC00  }
0x3d: {  	[tilespmem:s7], [sflag:$0x1] =	stream.indirect.gather [hbm4b:s5+s6], $0x80, s2, s6, $0xb8;
	[tilespmem:$0x10400] =	vst v63  }
0x3e: {  	_ = 	snop  }
0x3f: {  	[tilespmem:s8], [sflag:$0x1] =	stream.indirect.gather [hbm4b:s5+s6], $0x80, s6, s6, $0xb8;
	[tilespmem:$0x10400] =	vst v63  }
0x40: {  	_ = 	snop  }
0x41: {  	[tilespmem:s10], [sflag:$0x1] =	stream.indirect.gather [hbm4b:s5+s6], $0x80, s9, s6, $0xb8;
	[tilespmem:$0x10400] =	vst v63  }
0x42: {  	_ = 	snop  }
0x43: {  	[tilespmem:s12], [sflag:$0x1] =	stream.indirect.gather [hbm4b:s5+s6], $0x80, s11, s6, $0xb8;
	[tilespmem:$0x10400] =	vst v63  }
0x44: {  	_ =	swait.ge [sflag:s13], $0x4000  }
0x45: {  	[sflag:s13] =	ssyncset.done $0x0  }
0x46: {  	[sflag:s13] =	ssyncadd.s32 $0xFFFFC000  }
0x47: {  	_ =	swait.ge [sflag:s13], $0x4000  }
0x48: {  	[sflag:s13] =	ssyncset.done $0x0  }
0x49: {  	[sflag:s13] =	ssyncadd.s32 $0xFFFFC000  }
0x4a: {  	_ =	swait.ge [sflag:s13], $0x4000  }
0x4b: {  	[sflag:s13] =	ssyncset.done $0x0  }
0x4c: {  	[sflag:s13] =	ssyncadd.s32 $0xFFFFC000  }
0x4d: {  	_ =	swait.ge [sflag:s13], $0x4000  }
0x4e: {  	[sflag:s13] =	ssyncset.done $0x0  }
0x4f: {  	[sflag:s13] =	ssyncadd.s32 $0xFFFFC000  }
0x50: {  	[hbm4b:s14+s2] =	stream.linear.scatter [tilespmem:s7], [sflag:$0x2], $0x10000, $0x38;
	[tilespmem:$0x10400] =	vst v63  }
0x51: {  	_ =	swait.ge [sflag:s3], $0x10000  }
0x52: {  	[sflag:s3] =	ssyncset.done $0x0  }
0x53: {  	[sflag:s3] =	ssyncadd.s32 $0xFFFF0000  }
0x54: {  	[tilespmem:s7], [sflag:$0x1] =	stream.indirect.gather [hbm4b:s5+s6], $0x80, s15, s6, $0xb8;
	[tilespmem:$0x10400] =	vst v63  }
0x55: {  	_ = 	snop  }
0x56: {  	[tilespmem:s8], [sflag:$0x1] =	stream.indirect.gather [hbm4b:s5+s6], $0x80, s16, s6, $0xb8;
	[tilespmem:$0x10400] =	vst v63  }
0x57: {  	_ = 	snop  }
0x58: {  	[tilespmem:s10], [sflag:$0x1] =	stream.indirect.gather [hbm4b:s5+s6], $0x80, s17, s6, $0xb8;
	[tilespmem:$0x10400] =	vst v63  }
0x59: {  	_ = 	snop  }
0x5a: {  	[tilespmem:s12], [sflag:$0x1] =	stream.indirect.gather [hbm4b:s5+s6], $0x80, s18, s6, $0xb8;
	[tilespmem:$0x10400] =	vst v63  }
0x5b: {  	_ =	swait.ge [sflag:s13], $0x4000  }
0x5c: {  	[sflag:s13] =	ssyncset.done $0x0  }
0x5d: {  	[sflag:s13] =	ssyncadd.s32 $0xFFFFC000  }
0x5e: {  	_ =	swait.ge [sflag:s13], $0x4000  }
0x5f: {  	[sflag:s13] =	ssyncset.done $0x0  }
0x60: {  	[sflag:s13] =	ssyncadd.s32 $0xFFFFC000  }
0x61: {  	_ =	swait.ge [sflag:s13], $0x4000  }
0x62: {  	[sflag:s13] =	ssyncset.done $0x0  }
0x63: {  	[sflag:s13] =	ssyncadd.s32 $0xFFFFC000  }
0x64: {  	_ =	swait.ge [sflag:s13], $0x4000  }
.Ltmp1:
0x65: {  	[sflag:s13] =	ssyncset.done $0x0;
	(pc) =	sbr.rel @p0 .LBB2_1-.Ltmp1, $4  }
0x66: {  	[sflag:s13] =	ssyncadd.s32 $0xFFFFC000  }
0x67: {  	[hbm4b:s19+s2] =	stream.linear.scatter [tilespmem:s7], [sflag:$0x2], $0x10000, $0x38;
	[tilespmem:$0x10400] =	vst v63  }
0x68: {  	_ =	swait.ge [sflag:s3], $0x10000  }
0x69: {  	[sflag:s3] =	ssyncset.done $0x0  }
.LBB2_2:
0x6a: {  	[sflag:s3] =	ssyncadd.s32 $0xFFFF0000  }
0x6b: {  	_ =	sfence.sel $0x180000  }
0x6c: {  	[bflag:$0x0] =	sbarrier.arrive $0xFFFF  }
0x6d: {  	p0 =	sne.s32 s0, $0x0;
	_ =	strace $0x90000047  }
0x6e: {  	s0 =	sadd.s32 @!p0 $0x100000, s1;
	[bflag:$0x2] =	sbarrier.arrive $0xFFFF  }
0x6f: {  	[sflag:s0] =	ssyncadd.tile.s32 @!p0 $0x1;
	_ =	shalt  }
.Lfunc_end2:
_tile_overlayer_lowered:
.L_overlay_start_2:
0x70: {  	(tag) =	ssettag $0x2  }
0x71: {  	s0 =	rddreg [dreg:$0x0];
	s2 =	stileid.u32  }
0x72: {  	s1 =	rddreg [dreg:$0x1];
	p0 =	sne.s32 s2, $0x0  }
0x73: {  	s3 =	rddreg [dreg:$0x2];
	[bflag:$0x3] =	sbarrier.arrive $0xFFFF;
	s2 =	simm.s32 @!p0 $0x1C02  }
0x74: {  	[timem:s3], [sflag:s2] =	dma.local @!p0 [hbm:s0], s1  }
0x75: {  	s0 =	simm.s32 @!p0 $0x2  }
0x76: {  	_ =	swait.ge @!p0 [sflag:s0], s1  }
0x77: {  	s1 =	ssub.s32 @!p0 $0x0, s1;
	[sflag:s0] =	ssyncset.done @!p0 $0x0  }
0x78: {  	[sflag:s0] =	ssyncadd.s32 @!p0 s1  }
0x79: {  	[bflag:$0x3] =	sbarrier.arrive $0xFFFF  }
0x7a: {  	_ =	shalt  }

// kernel: kernel.14.cloned.1.call-start
scs
__scs_entry_jumppad:
0x0: {  	(pc) =	sbr.rel $0x88, $3  }
0x1: {  	(tag) =	ssettag $0x0;
	lr =	simm.s32 $0x1  }
0x2: {  	[smem:$0x3F86] =	sst lr;
	_ =	strace $0xD0000000  }
0x3: {  	_ = 	snop  }
0x4: {  	_ = 	snop  }
0x5: {  	_ = 	snop  }
0x6: {  	_ = 	snop  }
0x7: {  	_ = 	snop  }
__scs_overlays_trampoline_lowered:
0x8: {  	[smem:$0x3F95] =	sst s0  }
0x9: {  	[smem:$0x3F96] =	sst s1  }
0xa: {  	[smem:$0x3F97] =	sst s2  }
0xb: {  	[smem:$0x3F98] =	sst s3  }
0xc: {  	[smem:$0x3F99] =	sst s4  }
0xd: {  	[smem:$0x3F9A] =	sst s5  }
0xe: {  	[smem:$0x3F9B] =	sst s6  }
0xf: {  	[smem:$0x3F9C] =	sst s7  }
0x10: {  	[smem:$0x3F9D] =	sst s8  }
0x11: {  	[smem:$0x3F9E] =	sst s9;
	s0 =	simm.s32 @!p0 $0x0  }
0x12: {  	s1 =	sld [smem:$0x3F84];
	s0 =	simm.s32 @p0 $0x1  }
0x13: {  	[smem:$0x3F9F] =	sst s0;
	s0 =	simm.s32 @!p1 $0x0  }
0x14: {  	s2 =	sld [smem:$0x3F83];
	s0 =	simm.s32 @p1 $0x1  }
0x15: {  	[smem:$0x3FA0] =	sst s0;
	s0 =	simm.s32 @!p2 $0x0  }
0x16: {  	s3 =	sld [smem:$0x3FDB];
	s0 =	simm.s32 @p2 $0x1  }
0x17: {  	s4 =	simm.s32 $0x1BF5;
	[smem:$0x3FA2] =	sst s0  }
0x18: {  	s0 =	sld [smem:$0x3F85];
	_ =	swait.ge [sflag:s4], $0x0  }
0x19: {  	s7 =	sld [smem:$0x3F86]  }
0x1a: {  	s8 =	sadd.s32 $0xFFFFE003, lr  }
0x1b: {  	s9 =	sadd.s32 $0xFFFFFEF7, lr;
	s5 =	simm.s32 $0xFFFFFFFF;
	p2 =	slt.u32 s8, $0xFFFFF086  }
0x1c: {  	p1 =	slt.u32 s9, $0xF7A;
	s5 =	simm.s32 @!p2 $0x0  }
0x1d: {  	s5 =	simm.s32 @p1 $0x1;
	p0 =	seq.s32 s7, s2  }
0x1e: {  	s7 =	smul.u32 @!p0 $0xF7A, s2;
	p2 =	seq.s32 @!p0 s5, $0x0  }
0x1f: {  	s9 =	smul.u32 $0xF7A, s1;
	s8 =	simm.s32 @!p0 $0x1BF5;
	p2 =	por !p2, p0  }
0x20: {  	[sflag:s8] =	ssyncset.s32 @!p0 $0xFFFFF086;
	s6 =	sadd.s32 @!p0 s3, s7;
	s7 =	simm.s32 @!p0 $0x108  }
0x21: {  	s3 =	sadd.s32 s3, s9;
	s6 =	sadd.s32 @!p0 $0x88, s6;
	s7 =	simm.s32 @p2 $0x1082  }
0x22: {  	[simem:s7], [sflag:s8] =	dma.local @!p0 [hbm:s6], $0xF7A  }
0x23: {  	s9 =	sor.u32 $0xD0000000, s2;
	s6 =	simm.s32 $0x108;
	_ =	swait.ge @!p0 [sflag:s8], $0x0  }
0x24: {  	s3 =	sadd.s32 $0x88, s3;
	s6 =	simm.s32 @!p1 $0x1082;
	[sflag:s4] =	ssyncset.s32 $0xFFFFF086  }
0x25: {  	[simem:s6], [sflag:s4] =	dma.local [hbm:s3], $0xF7A  }
0x26: {  	[smem:$0x3F86] =	sst s1;
	(tag) =	ssettag s2;
	_ =	strace s9  }
0x27: {  	s1 =	sld [smem:$0x3F96]  }
0x28: {  	s2 =	sld [smem:$0x3F97]  }
0x29: {  	s4 =	sld [smem:$0x3F99]  }
0x2a: {  	p0 =	seq.s32 s5, $0x0;
	s5 =	sld [smem:$0x3F9A]  }
0x2b: {  	s6 =	sld [smem:$0x3F9B]  }
0x2c: {  	s7 =	sld [smem:$0x3F9C]  }
0x2d: {  	s3 =	simm.s32 $0x108;
	s8 =	sld [smem:$0x3F9D]  }
0x2e: {  	s3 =	simm.s32 @!p0 $0x1082;
	s9 =	sld [smem:$0x3F9E]  }
0x2f: {  	lr =	sadd.s32 s0, s3;
	s0 =	sld [smem:$0x3F95]  }
0x30: {  	s3 =	sld [smem:$0x3F98]  }
0x31: {  	[smem:$0x3FA1] =	sst s10  }
0x32: {  	s10 =	sld [smem:$0x3F9F];
	_ =	sdelay $0x3  }
0x33: {  	p0 =	seq.s32 s10, $0x1;
	s10 =	sld [smem:$0x3FA1];
	_ =	sdelay $0x3  }
0x34: {  	[smem:$0x3FA1] =	sst s10  }
0x35: {  	s10 =	sld [smem:$0x3FA0];
	_ =	sdelay $0x3  }
0x36: {  	p1 =	seq.s32 s10, $0x1;
	s10 =	sld [smem:$0x3FA1];
	_ =	sdelay $0x3  }
0x37: {  	[smem:$0x3FA1] =	sst s10  }
0x38: {  	s10 =	sld [smem:$0x3FA2]  }
0x39: {  	_ = 	snop;
	(pc) =	sbr.ind lr, $3  }
0x3a: {  	_ = 	snop  }
0x3b: {  	_ = 	snop  }
0x3c: {  	p2 =	seq.s32 s10, $0x1;
	s10 =	sld [smem:$0x3FA1]  }
0x3d: {  	_ =	shalt  }
0x3e: {  	_ =	shalt  }
0x3f: {  	_ =	shalt  }
0x40: {  	_ =	shalt  }
0x41: {  	_ =	shalt  }
0x42: {  	_ =	shalt  }
0x43: {  	_ =	shalt  }
0x44: {  	_ =	shalt  }
0x45: {  	_ =	shalt  }
0x46: {  	_ =	shalt  }
0x47: {  	_ =	shalt  }
0x48: {  	_ =	shalt  }
0x49: {  	_ =	shalt  }
0x4a: {  	_ =	shalt  }
0x4b: {  	_ =	shalt  }
0x4c: {  	_ =	shalt  }
0x4d: {  	_ =	shalt  }
0x4e: {  	_ =	shalt  }
0x4f: {  	_ =	shalt  }
0x50: {  	_ =	shalt  }
0x51: {  	_ =	shalt  }
0x52: {  	_ =	shalt  }
0x53: {  	_ =	shalt  }
0x54: {  	_ =	shalt  }
0x55: {  	_ =	shalt  }
0x56: {  	_ =	shalt  }
0x57: {  	_ =	shalt  }
0x58: {  	_ =	shalt  }
0x59: {  	_ =	shalt  }
0x5a: {  	_ =	shalt  }
0x5b: {  	_ =	shalt  }
0x5c: {  	_ =	shalt  }
0x5d: {  	_ =	shalt  }
0x5e: {  	_ =	shalt  }
0x5f: {  	_ =	shalt  }
0x60: {  	_ =	shalt  }
0x61: {  	_ =	shalt  }
0x62: {  	_ =	shalt  }
0x63: {  	_ =	shalt  }
0x64: {  	_ =	shalt  }
0x65: {  	_ =	shalt  }
0x66: {  	_ =	shalt  }
0x67: {  	_ =	shalt  }
0x68: {  	_ =	shalt  }
0x69: {  	_ =	shalt  }
0x6a: {  	_ =	shalt  }
0x6b: {  	_ =	shalt  }
0x6c: {  	_ =	shalt  }
0x6d: {  	_ =	shalt  }
0x6e: {  	_ =	shalt  }
0x6f: {  	_ =	shalt  }
0x70: {  	_ =	shalt  }
0x71: {  	_ =	shalt  }
0x72: {  	_ =	shalt  }
0x73: {  	_ =	shalt  }
0x74: {  	_ =	shalt  }
0x75: {  	_ =	shalt  }
0x76: {  	_ =	shalt  }
0x77: {  	_ =	shalt  }
0x78: {  	_ =	shalt  }
0x79: {  	_ =	shalt  }
0x7a: {  	_ =	shalt  }
0x7b: {  	_ =	shalt  }
0x7c: {  	_ =	shalt  }
0x7d: {  	_ =	shalt  }
0x7e: {  	_ =	shalt  }
0x7f: {  	_ =	shalt  }
0x80: {  	_ =	shalt  }
0x81: {  	_ =	shalt  }
0x82: {  	_ =	shalt  }
0x83: {  	_ =	shalt  }
0x84: {  	_ =	shalt  }
0x85: {  	_ =	shalt  }
0x86: {  	_ =	shalt  }
0x87: {  	_ =	shalt  }
.Lfunc_end0:
.L_simem_size_0:
called_computation.1_lowered:
.L_overlay_start_0:
0x88: {  	s2 =	sld [smem:$0x3FD9]  }
0x89: {  	s3 =	sld [smem:$0x3FFE];
	_ =	sdelay $0x1  }
0x8a: {  	s1 =	srdreg.scid  }
0x8b: {  	s0 =	sand.u32 $0x1, s1  }
0x8c: {  	s17 =	sshll.u32 s0, $0xA;
	s2 =	sadd.s32 s3, s2  }
0x8d: {  	s2 =	sadd.s32 s2, s17  }
0x8e: {  	[smem:$0x3FAD] =	sst s2  }
0x8f: {  	_ = 	snop  }
0x90: {  	s2 =	sld [smem:$0x3FD0];
	(tm) =	ssettm $0x1  }
0x91: {  	s18 =	sld [smem:$0x3FFB];
	_ =	sdelay $0x3  }
0x92: {  	_ =	strace s18  }
0x93: {  	s3 =	sld [smem:$0x3FFC];
	_ =	sdelay $0x3  }
0x94: {  	_ =	strace s3  }
0x95: {  	s3 =	sld [smem:$0x3FFD];
	_ =	sdelay $0x3  }
0x96: {  	_ =	strace s3  }
0x97: {  	_ =	strace $0x8FFFFFFF  }
0x98: {  	s19 =	sld [smem:$0x3FDB];
	_ =	sdelay $0x1  }
0x99: {  	s4 =	simm.s32 $_scs_section_size  }
0x9a: {  	s5 =	simm.s32 $_size__tile_overlayer_lowered;
	s6 =	simm.s32 $_tile_overlayer_lowered  }
0x9b: {  	s22 =	simm.s32 $0x1BFF;
	s21 =	sshll.u32 s6, $0x1;
	s3 =	sadd.s32 s4, s19  }
0x9c: {  	s7 =	simm.s32 $0x0;
	s20 =	sshll.u32 s5, $0x1;
	s5 =	sadd.s32 s21, s3  }
0x9d: {  	[timem:s7], [sflag:s22] =	dma.local [hbm:s5], s20  }
0x9e: {  	_ =	swait.ge [sflag:s22], s20  }
0x9f: {  	s4 =	ssub.s32 $0x0, s20;
	[sflag:s22] =	ssyncset.done $0x0  }
0xa0: {  	[sflag:s22] =	ssyncadd.s32 s4;
	_ =	sdelay $0x1  }
0xa1: {  	s23 =	simm.s32 $0x1B8B  }
0xa2: {  	_ =	swait.ge [sflag:s23], $0x1  }
0xa3: {  	[sflag:s23] =	ssyncset.done $0x0  }
0xa4: {  	s25 =	simm.s32 $0x1B8E;
	s24 =	sld [smem:$0x3FFE];
	[sflag:s23] =	ssyncadd.s32 $0xFFFFFFFF  }
0xa5: {  	s26 =	simm.s32 $execute0_lowered;
	[smem:$0x3FD2] =	sst s25  }
0xa6: {  	s5 =	sshll.u32 s26, $0x1;
	_ =	strace $0x80000049;
	[dreg:$0x1] =	wrdreg $0xFFFFFFFF  }
0xa7: {  	s28 =	simm.s32 $_size_execute0_lowered;
	s3 =	sadd.s32 s3, s5;
	[dreg:$0x0] =	wrdreg $0x0  }
0xa8: {  	s5 =	sshll.u32 s28, $0x1;
	[dreg:$0x2] =	wrdreg s3  }
0xa9: {  	[dreg:$0x3] =	wrdreg s5  }
0xaa: {  	[dreg:$0x4] =	wrdreg $0xC0  }
0xab: {  	_ =	task [dreg:s7], $0x5FFFF  }
0xac: {  	[dreg:$0x1] =	wrdreg $0xFFFFFFFF  }
0xad: {  	[dreg:$0x0] =	wrdreg $0x60  }
0xae: {  	[dreg:$0x2] =	wrdreg s24  }
0xaf: {  	[dreg:$0x3] =	wrdreg s2  }
0xb0: {  	[dreg:$0x4] =	wrdreg $0x108000  }
0xb1: {  	[dreg:$0x5] =	wrdreg $0x9  }
0xb2: {  	_ =	task.clear_ibuf [dreg:s7], $0x6FFFF;
	_ =	strace $0x90000049  }
0xb3: {  	s29 =	simm.s32 $0x9;
	_ =	strace $0x8000004B  }
0xb4: {  	_ =	swait.ge [sflag:s29], $0x1  }
0xb5: {  	[sflag:s29] =	ssyncadd.s32 $0xFFFFFFFF  }
0xb6: {  	_ =	strace $0x9000004B  }
0xb7: {  	_ =	sfence  }
0xb8: {  	s30 =	sld [smem:$0x0];
	_ =	sdelay $0x2  }
0xb9: {  	s31 =	sshll.u32 s1, $0xD;
	s1 =	sshrl.u32 s1, $0x2  }
0xba: {  	s3 =	sand.u32 $0x4000, s31;
	s1 =	sadd.s32 s1, s30  }
0xbb: {  	s0 =	sor.u32 s3, s0;
	s1 =	sshll.u32 s1, $0x11  }
0xbc: {  	s0 =	sor.u32 s1, s0  }
0xbd: {  	s0 =	sadd.s32 $0x8F2B, s0  }
0xbe: {  	[sflag:s0] =	ssyncadd.remote.s32 $0x1  }
0xbf: {  	_ =	sfence.sel $0xFFFF  }
0xc0: {  	[dreg:$0x0] =	wrdreg $0xFFFFFFFF;
	(pc) =	sbr.abs _section_cstart, $3  }
0xc1: {  	[dreg:$0x1] =	wrdreg $0xFFFFFFFF  }
0xc2: {  	_ =	task.clear_ibuf [dreg:s7], $0x2FFFF;
	_ =	strace $0x9FFFFFFF  }
0xc3: {  	(tm) =	ssettm $0x7FFFFFFF  }
tec
execute0_lowered:
.L_overlay_start_1:
0x0: {  	(tag) =	ssettag $0x1  }
0x1: {  	s0 =	rddreg [dreg:$0x0]  }
0x2: {  	s1 =	rddreg [dreg:$0x1]  }
0x3: {  	s2 =	rddreg [dreg:$0x2]  }
0x4: {  	s3 =	simm.s32 $0x0;
	s10 =	stileid.u32;
	s4 =	srdreg.scid  }
0x5: {  	s28 =	simm.s32 $0x3;
	[smem:$0x7FF] =	sst s3;
	s22 =	sshll.u32 s10, $0xF  }
0x6: {  	s4 =	sand.u32 $0x1, s4;
	s5 =	smul.u32 $0x20200, s10;
	s25 =	sadd.s32 $0x146000, s0  }
0x7: {  	s6 =	sshll.u32 s10, $0xB;
	s8 =	sadd.s32 $0x147200, s0;
	s16 =	sshll.u32 s10, $0x6  }
0x8: {  	_ =	strace $0x8000004A;
	[dreg:$0x1c] =	wrdreg s4;
	s7 =	sshll.u32 s4, $0x10  }
0x9: {  	s17 =	sshll.u32 s4, $0x14;
	s11 =	sshllo.u32 s4, $0x1;
	s5 =	sshrl.u32 s5, $0x2  }
0xa: {  	s7 =	sor.u32 s6, s7;
	s18 =	sor.u32 s22, s17;
	s19 =	sshll.u32 s11, $0xF  }
0xb: {  	s20 =	sshll.u32 s11, $0x13;
	s7 =	sshrl.u32 s7, $0x3;
	s6 =	sor.u32 s6, s19  }
0xc: {  	s10 =	sor.u32 s22, s20;
	s7 =	sadd.s32 s1, s7;
	s6 =	sshrl.u32 s6, $0x3  }
0xd: {  	s21 =	sshrl.u32 s10, $0x3;
	[dreg:$0x4] =	wrdreg s7;
	s1 =	sadd.s32 s1, s6  }
0xe: {  	s7 =	sshrl.u32 s18, $0x3;
	s24 =	sadd.s32 s8, s21;
	[dreg:$0x6] =	wrdreg s1  }
0xf: {  	s9 =	sadd.s32 s5, s2;
	s7 =	sadd.s32 s8, s7;
	[dreg:$0x7] =	wrdreg s24  }
0x10: {  	s23 =	sor.u32 $0x1C03, s16;
	s21 =	sshrl.u32 s9, $0x3;
	[dreg:$0x5] =	wrdreg s7  }
0x11: {  	[spmem:s21], [sflag:s23] =	dma.local [hbm:s25], $0x1010  }
0x12: {  	_ =	swait.ge [sflag:s28], $0x1010  }
0x13: {  	[sflag:s28] =	ssyncset.done $0x0  }
0x14: {  	[sflag:s28] =	ssyncadd.s32 $0xFFFFEFF0  }
0x15: {  	[bflag:$0x0] =	sbarrier.arrive $0xFFFF  }
0x16: {  	s26 =	rddreg [dreg:$0x4]  }
0x17: {  	[tilespmem:s3], [sflag:$0x3] =	stream.linear.gather [hbm4b:s26+s3], $0x800, $0x38;
	[tilespmem:$0x18880] =	vst v63  }
0x18: {  	_ =	swait.ge [sflag:s28], $0x800  }
0x19: {  	s26 =	sadd.s32 s22, s0;
	[sflag:s28] =	ssyncset.done $0x0  }
0x1a: {  	s11 =	simm.s32 $0x800;
	s8 =	sadd.s32 $0x46000, s26;
	[sflag:s28] =	ssyncadd.s32 $0xFFFFF800  }
0x1b: {  	[tilespmem:s11], [sflag:$0x1] =	stream.linear.gather [hbm4b:s8+s3], $0x4000, $0x38;
	[tilespmem:$0x18880] =	vst v63  }
0x1c: {  	s13 =	simm.s32 $0x4800;
	s10 =	sadd.s32 $0x46800, s26  }
0x1d: {  	[tilespmem:s13], [sflag:$0x1] =	stream.linear.gather [hbm4b:s10+s3], $0x4000, $0x38;
	[tilespmem:$0x18880] =	vst v63  }
0x1e: {  	s14 =	simm.s32 $0x1;
	s17 =	simm.s32 $0x8800;
	s12 =	sadd.s32 $0x47000, s26  }
0x1f: {  	[tilespmem:s17], [sflag:$0x1] =	stream.linear.gather [hbm4b:s12+s3], $0x4000, $0x38;
	[tilespmem:$0x18880] =	vst v63  }
0x20: {  	_ =	swait.ge [sflag:s14], $0x4000  }
0x21: {  	[sflag:s14] =	ssyncset.done $0x0  }
0x22: {  	s15 =	simm.s32 $0x80;
	[sflag:s14] =	ssyncadd.s32 $0xFFFFC000  }
0x23: {  	[spmem:s2] =	stream.indirect.scatter.add.f32 [tilespmem:s11], [sflag:$0x2], $0x80, s3, s15, $0xb8;
	[tilespmem:$0x18880] =	vst v63  }
0x24: {  	s7 =	simm.s32 $0xC800;
	s16 =	sadd.s32 $0x47800, s26  }
0x25: {  	[tilespmem:s7], [sflag:$0x1] =	stream.linear.gather [hbm4b:s16+s3], $0x4000, $0x38;
	[tilespmem:$0x18880] =	vst v63  }
0x26: {  	_ =	swait.ge [sflag:s14], $0x4000  }
0x27: {  	[sflag:s14] =	ssyncset.done $0x0  }
0x28: {  	s18 =	simm.s32 $0x2;
	[sflag:s14] =	ssyncadd.s32 $0xFFFFC000  }
0x29: {  	[spmem:s2] =	stream.indirect.scatter.add.f32 [tilespmem:s13], [sflag:$0x2], $0x80, s15, s15, $0xb8;
	[tilespmem:$0x18880] =	vst v63  }
0x2a: {  	_ =	swait.ge [sflag:s18], $0x4000  }
0x2b: {  	[sflag:s18] =	ssyncset.done $0x0  }
0x2c: {  	s19 =	sadd.s32 $0x48000, s26;
	[sflag:s18] =	ssyncadd.s32 $0xFFFFC000  }
0x2d: {  	[tilespmem:s11], [sflag:$0x1] =	stream.linear.gather [hbm4b:s19+s3], $0x4000, $0x38;
	[tilespmem:$0x18880] =	vst v63  }
0x2e: {  	_ =	swait.ge [sflag:s14], $0x4000  }
0x2f: {  	[sflag:s14] =	ssyncset.done $0x0  }
0x30: {  	s29 =	simm.s32 $0x100;
	[sflag:s14] =	ssyncadd.s32 $0xFFFFC000  }
0x31: {  	[spmem:s2] =	stream.indirect.scatter.add.f32 [tilespmem:s17], [sflag:$0x2], $0x80, s29, s15, $0xb8;
	[tilespmem:$0x18880] =	vst v63  }
0x32: {  	_ =	swait.ge [sflag:s18], $0x4000  }
0x33: {  	[sflag:s18] =	ssyncset.done $0x0  }
0x34: {  	s9 =	sadd.s32 $0x48800, s26;
	[sflag:s18] =	ssyncadd.s32 $0xFFFFC000  }
0x35: {  	[tilespmem:s13], [sflag:$0x1] =	stream.linear.gather [hbm4b:s9+s3], $0x4000, $0x38;
	[tilespmem:$0x18880] =	vst v63  }
0x36: {  	_ =	swait.ge [sflag:s14], $0x4000  }
0x37: {  	[sflag:s14] =	ssyncset.done $0x0  }
0x38: {  	s30 =	simm.s32 $0x180;
	[sflag:s14] =	ssyncadd.s32 $0xFFFFC000  }
0x39: {  	[spmem:s2] =	stream.indirect.scatter.add.f32 [tilespmem:s7], [sflag:$0x2], $0x80, s30, s15, $0xb8;
	[tilespmem:$0x18880] =	vst v63  }
0x3a: {  	_ =	swait.ge [sflag:s18], $0x4000  }
0x3b: {  	[sflag:s18] =	ssyncset.done $0x0  }
0x3c: {  	s24 =	sadd.s32 $0x49000, s26;
	[sflag:s18] =	ssyncadd.s32 $0xFFFFC000  }
0x3d: {  	[tilespmem:s17], [sflag:$0x1] =	stream.linear.gather [hbm4b:s24+s3], $0x4000, $0x38;
	[tilespmem:$0x18880] =	vst v63  }
0x3e: {  	_ =	swait.ge [sflag:s14], $0x4000  }
0x3f: {  	[sflag:s14] =	ssyncset.done $0x0  }
0x40: {  	s1 =	simm.s32 $0x200;
	[sflag:s14] =	ssyncadd.s32 $0xFFFFC000  }
0x41: {  	[spmem:s2] =	stream.indirect.scatter.add.f32 [tilespmem:s11], [sflag:$0x2], $0x80, s1, s15, $0xb8;
	[tilespmem:$0x18880] =	vst v63  }
0x42: {  	_ =	swait.ge [sflag:s18], $0x4000  }
0x43: {  	[sflag:s18] =	ssyncset.done $0x0  }
0x44: {  	s20 =	sadd.s32 $0x49800, s26;
	[sflag:s18] =	ssyncadd.s32 $0xFFFFC000  }
0x45: {  	[tilespmem:s7], [sflag:$0x1] =	stream.linear.gather [hbm4b:s20+s3], $0x4000, $0x38;
	[tilespmem:$0x18880] =	vst v63  }
0x46: {  	_ =	swait.ge [sflag:s14], $0x4000  }
0x47: {  	[sflag:s14] =	ssyncset.done $0x0  }
0x48: {  	s4 =	simm.s32 $0x280;
	[sflag:s14] =	ssyncadd.s32 $0xFFFFC000  }
0x49: {  	[spmem:s2] =	stream.indirect.scatter.add.f32 [tilespmem:s13], [sflag:$0x2], $0x80, s4, s15, $0xb8;
	[tilespmem:$0x18880] =	vst v63  }
0x4a: {  	_ =	swait.ge [sflag:s18], $0x4000  }
0x4b: {  	[sflag:s18] =	ssyncset.done $0x0  }
0x4c: {  	s29 =	sadd.s32 $0x4A000, s26;
	[sflag:s18] =	ssyncadd.s32 $0xFFFFC000  }
0x4d: {  	[tilespmem:s11], [sflag:$0x1] =	stream.linear.gather [hbm4b:s29+s3], $0x4000, $0x38;
	[tilespmem:$0x18880] =	vst v63  }
0x4e: {  	_ =	swait.ge [sflag:s14], $0x4000  }
0x4f: {  	[sflag:s14] =	ssyncset.done $0x0  }
0x50: {  	s5 =	simm.s32 $0x300;
	[sflag:s14] =	ssyncadd.s32 $0xFFFFC000  }
0x51: {  	[spmem:s2] =	stream.indirect.scatter.add.f32 [tilespmem:s17], [sflag:$0x2], $0x80, s5, s15, $0xb8;
	[tilespmem:$0x18880] =	vst v63  }
0x52: {  	_ =	swait.ge [sflag:s18], $0x4000  }
0x53: {  	[sflag:s18] =	ssyncset.done $0x0  }
0x54: {  	s30 =	sadd.s32 $0x4A800, s26;
	[sflag:s18] =	ssyncadd.s32 $0xFFFFC000  }
0x55: {  	[tilespmem:s13], [sflag:$0x1] =	stream.linear.gather [hbm4b:s30+s3], $0x4000, $0x38;
	[tilespmem:$0x18880] =	vst v63  }
0x56: {  	_ =	swait.ge [sflag:s14], $0x4000  }
0x57: {  	[sflag:s14] =	ssyncset.done $0x0  }
0x58: {  	s6 =	simm.s32 $0x380;
	[sflag:s14] =	ssyncadd.s32 $0xFFFFC000  }
0x59: {  	[spmem:s2] =	stream.indirect.scatter.add.f32 [tilespmem:s7], [sflag:$0x2], $0x80, s6, s15, $0xb8;
	[tilespmem:$0x18880] =	vst v63  }
0x5a: {  	_ =	swait.ge [sflag:s18], $0x4000  }
0x5b: {  	[sflag:s18] =	ssyncset.done $0x0  }
0x5c: {  	s6 =	sadd.s32 $0x4B000, s26;
	[sflag:s18] =	ssyncadd.s32 $0xFFFFC000  }
0x5d: {  	[tilespmem:s17], [sflag:$0x1] =	stream.linear.gather [hbm4b:s6+s3], $0x4000, $0x38;
	[tilespmem:$0x18880] =	vst v63  }
0x5e: {  	_ =	swait.ge [sflag:s14], $0x4000  }
0x5f: {  	[sflag:s14] =	ssyncset.done $0x0  }
0x60: {  	s1 =	simm.s32 $0x400;
	[sflag:s14] =	ssyncadd.s32 $0xFFFFC000  }
0x61: {  	[spmem:s2] =	stream.indirect.scatter.add.f32 [tilespmem:s11], [sflag:$0x2], $0x80, s1, s15, $0xb8;
	[tilespmem:$0x18880] =	vst v63  }
0x62: {  	_ =	swait.ge [sflag:s18], $0x4000  }
0x63: {  	[sflag:s18] =	ssyncset.done $0x0  }
0x64: {  	s5 =	sadd.s32 $0x4B800, s26;
	[sflag:s18] =	ssyncadd.s32 $0xFFFFC000  }
0x65: {  	[tilespmem:s7], [sflag:$0x1] =	stream.linear.gather [hbm4b:s5+s3], $0x4000, $0x38;
	[tilespmem:$0x18880] =	vst v63  }
0x66: {  	_ =	swait.ge [sflag:s14], $0x4000  }
0x67: {  	[sflag:s14] =	ssyncset.done $0x0  }
0x68: {  	s4 =	simm.s32 $0x480;
	[sflag:s14] =	ssyncadd.s32 $0xFFFFC000  }
0x69: {  	[spmem:s2] =	stream.indirect.scatter.add.f32 [tilespmem:s13], [sflag:$0x2], $0x80, s4, s15, $0xb8;
	[tilespmem:$0x18880] =	vst v63  }
0x6a: {  	_ =	swait.ge [sflag:s18], $0x4000  }
0x6b: {  	[sflag:s18] =	ssyncset.done $0x0  }
0x6c: {  	s4 =	sadd.s32 $0x4C000, s26;
	[sflag:s18] =	ssyncadd.s32 $0xFFFFC000  }
0x6d: {  	[tilespmem:s11], [sflag:$0x1] =	stream.linear.gather [hbm4b:s4+s3], $0x4000, $0x38;
	[tilespmem:$0x18880] =	vst v63  }
0x6e: {  	_ =	swait.ge [sflag:s14], $0x4000  }
0x6f: {  	[sflag:s14] =	ssyncset.done $0x0  }
0x70: {  	s1 =	simm.s32 $0x500;
	[sflag:s14] =	ssyncadd.s32 $0xFFFFC000  }
0x71: {  	[spmem:s2] =	stream.indirect.scatter.add.f32 [tilespmem:s17], [sflag:$0x2], $0x80, s1, s15, $0xb8;
	[tilespmem:$0x18880] =	vst v63  }
0x72: {  	_ =	swait.ge [sflag:s18], $0x4000  }
0x73: {  	[sflag:s18] =	ssyncset.done $0x0  }
0x74: {  	s1 =	sadd.s32 $0x4C800, s26;
	[sflag:s18] =	ssyncadd.s32 $0xFFFFC000  }
0x75: {  	[tilespmem:s13], [sflag:$0x1] =	stream.linear.gather [hbm4b:s1+s3], $0x4000, $0x38;
	[tilespmem:$0x18880] =	vst v63  }
0x76: {  	_ =	swait.ge [sflag:s14], $0x4000  }
0x77: {  	[sflag:s14] =	ssyncset.done $0x0  }
0x78: {  	s0 =	simm.s32 $0x580;
	[sflag:s14] =	ssyncadd.s32 $0xFFFFC000  }
0x79: {  	[spmem:s2] =	stream.indirect.scatter.add.f32 [tilespmem:s7], [sflag:$0x2], $0x80, s0, s15, $0xb8;
	[tilespmem:$0x18880] =	vst v63  }
0x7a: {  	_ =	swait.ge [sflag:s18], $0x4000  }
0x7b: {  	[sflag:s18] =	ssyncset.done $0x0  }
0x7c: {  	s0 =	sadd.s32 $0x4D000, s26;
	[sflag:s18] =	ssyncadd.s32 $0xFFFFC000  }
0x7d: {  	[tilespmem:s17], [sflag:$0x1] =	stream.linear.gather [hbm4b:s0+s3], $0x4000, $0x38;
	[tilespmem:$0x18880] =	vst v63  }
0x7e: {  	_ =	swait.ge [sflag:s14], $0x4000  }
0x7f: {  	[sflag:s14] =	ssyncset.done $0x0  }
0x80: {  	s31 =	simm.s32 $0x600;
	[sflag:s14] =	ssyncadd.s32 $0xFFFFC000  }
0x81: {  	[spmem:s2] =	stream.indirect.scatter.add.f32 [tilespmem:s11], [sflag:$0x2], $0x80, s31, s15, $0xb8;
	[tilespmem:$0x18880] =	vst v63  }
0x82: {  	_ =	swait.ge [sflag:s18], $0x4000  }
0x83: {  	[sflag:s18] =	ssyncset.done $0x0  }
0x84: {  	s26 =	sadd.s32 $0x4D800, s26;
	[sflag:s18] =	ssyncadd.s32 $0xFFFFC000  }
0x85: {  	[tilespmem:s7], [sflag:$0x1] =	stream.linear.gather [hbm4b:s26+s3], $0x4000, $0x38;
	[tilespmem:$0x18880] =	vst v63  }
0x86: {  	_ =	swait.ge [sflag:s14], $0x4000  }
0x87: {  	[sflag:s14] =	ssyncset.done $0x0  }
0x88: {  	s31 =	simm.s32 $0x680;
	[sflag:s14] =	ssyncadd.s32 $0xFFFFC000  }
0x89: {  	[spmem:s2] =	stream.indirect.scatter.add.f32 [tilespmem:s13], [sflag:$0x2], $0x80, s31, s15, $0xb8;
	[tilespmem:$0x18880] =	vst v63  }
0x8a: {  	_ =	swait.ge [sflag:s14], $0x4000  }
0x8b: {  	[sflag:s14] =	ssyncset.done $0x0  }
0x8c: {  	s31 =	simm.s32 $0x700;
	[sflag:s14] =	ssyncadd.s32 $0xFFFFC000  }
0x8d: {  	[spmem:s2] =	stream.indirect.scatter.add.f32 [tilespmem:s17], [sflag:$0x2], $0x80, s31, s15, $0xb8;
	[tilespmem:$0x18880] =	vst v63  }
0x8e: {  	_ =	swait.ge [sflag:s14], $0x4000  }
0x8f: {  	[sflag:s14] =	ssyncset.done $0x0  }
0x90: {  	s31 =	simm.s32 $0x780;
	[sflag:s14] =	ssyncadd.s32 $0xFFFFC000  }
0x91: {  	[spmem:s2] =	stream.indirect.scatter.add.f32 [tilespmem:s7], [sflag:$0x2], $0x80, s31, s15, $0xb8;
	[tilespmem:$0x18880] =	vst v63  }
0x92: {  	_ =	swait.ge [sflag:s18], $0x4000  }
0x93: {  	[sflag:s18] =	ssyncset.done $0x0  }
0x94: {  	[sflag:s18] =	ssyncadd.s32 $0xFFFFC000  }
0x95: {  	_ =	swait.ge [sflag:s18], $0x4000  }
0x96: {  	[sflag:s18] =	ssyncset.done $0x0  }
0x97: {  	[sflag:s18] =	ssyncadd.s32 $0xFFFFC000  }
0x98: {  	_ =	swait.ge [sflag:s18], $0x4000  }
0x99: {  	[sflag:s18] =	ssyncset.done $0x0  }
0x9a: {  	[sflag:s18] =	ssyncadd.s32 $0xFFFFC000  }
0x9b: {  	_ =	swait.ge [sflag:s18], $0x4000  }
0x9c: {  	[sflag:s18] =	ssyncset.done $0x0  }
0x9d: {  	[sflag:s18] =	ssyncadd.s32 $0xFFFFC000  }
0x9e: {  	s22 =	sadd.s32 s22, s2;
	[bflag:$0x0] =	sbarrier.arrive $0xFFFF  }
0x9f: {  	s22 =	sshrl.u32 s22, $0x3;
	s31 =	rddreg [dreg:$0x5]  }
0xa0: {  	[hbm:s31], [sflag:s23] =	dma.local [spmem:s22], $0x1000  }
0xa1: {  	_ =	swait.ge [sflag:s28], $0x1000  }
0xa2: {  	[sflag:s28] =	ssyncset.done $0x0  }
0xa3: {  	[sflag:s28] =	ssyncadd.s32 $0xFFFFF000  }
0xa4: {  	[bflag:$0x0] =	sbarrier.arrive $0xFFFF  }
0xa5: {  	[dreg:$0x8] =	wrdreg s25  }
0xa6: {  	[dreg:$0x9] =	wrdreg s21  }
0xa7: {  	[spmem:s21], [sflag:s23] =	dma.local [hbm:s25], $0x1010  }
0xa8: {  	_ =	swait.ge [sflag:s28], $0x1010  }
0xa9: {  	[sflag:s28] =	ssyncset.done $0x0  }
0xaa: {  	[sflag:s28] =	ssyncadd.s32 $0xFFFFEFF0  }
0xab: {  	[bflag:$0x0] =	sbarrier.arrive $0xFFFF  }
0xac: {  	s31 =	rddreg [dreg:$0x6]  }
0xad: {  	[tilespmem:s3], [sflag:$0x3] =	stream.linear.gather [hbm4b:s31+s3], $0x800, $0x38;
	[tilespmem:$0x18880] =	vst v63  }
0xae: {  	_ =	swait.ge [sflag:s28], $0x800  }
0xaf: {  	[sflag:s28] =	ssyncset.done $0x0  }
0xb0: {  	[dreg:$0xa] =	wrdreg s8;
	[sflag:s28] =	ssyncadd.s32 $0xFFFFF800  }
0xb1: {  	[tilespmem:s11], [sflag:$0x1] =	stream.linear.gather [hbm4b:s8+s3], $0x4000, $0x38;
	[tilespmem:$0x18880] =	vst v63  }
0xb2: {  	[dreg:$0xb] =	wrdreg s10  }
0xb3: {  	[tilespmem:s13], [sflag:$0x1] =	stream.linear.gather [hbm4b:s10+s3], $0x4000, $0x38;
	[tilespmem:$0x18880] =	vst v63  }
0xb4: {  	[dreg:$0xc] =	wrdreg s12  }
0xb5: {  	[tilespmem:s17], [sflag:$0x1] =	stream.linear.gather [hbm4b:s12+s3], $0x4000, $0x38;
	[tilespmem:$0x18880] =	vst v63  }
0xb6: {  	_ =	swait.ge [sflag:s14], $0x4000  }
0xb7: {  	[sflag:s14] =	ssyncset.done $0x0  }
0xb8: {  	[sflag:s14] =	ssyncadd.s32 $0xFFFFC000  }
0xb9: {  	[spmem:s2] =	stream.indirect.scatter.add.f32 [tilespmem:s11], [sflag:$0x2], $0x80, s3, s15, $0xb8;
	[tilespmem:$0x18880] =	vst v63  }
0xba: {  	[dreg:$0xd] =	wrdreg s16  }
0xbb: {  	[tilespmem:s7], [sflag:$0x1] =	stream.linear.gather [hbm4b:s16+s3], $0x4000, $0x38;
	[tilespmem:$0x18880] =	vst v63  }
0xbc: {  	_ =	swait.ge [sflag:s14], $0x4000  }
0xbd: {  	[sflag:s14] =	ssyncset.done $0x0  }
0xbe: {  	[sflag:s14] =	ssyncadd.s32 $0xFFFFC000  }
0xbf: {  	[spmem:s2] =	stream.indirect.scatter.add.f32 [tilespmem:s13], [sflag:$0x2], $0x80, s15, s15, $0xb8;
	[tilespmem:$0x18880] =	vst v63  }
0xc0: {  	_ =	swait.ge [sflag:s18], $0x4000  }
0xc1: {  	[sflag:s18] =	ssyncset.done $0x0  }
0xc2: {  	[dreg:$0xe] =	wrdreg s19;
	[sflag:s18] =	ssyncadd.s32 $0xFFFFC000  }
0xc3: {  	[tilespmem:s11], [sflag:$0x1] =	stream.linear.gather [hbm4b:s19+s3], $0x4000, $0x38;
	[tilespmem:$0x18880] =	vst v63  }
0xc4: {  	_ =	swait.ge [sflag:s14], $0x4000  }
0xc5: {  	[sflag:s14] =	ssyncset.done $0x0  }
0xc6: {  	s19 =	simm.s32 $0x100;
	[sflag:s14] =	ssyncadd.s32 $0xFFFFC000  }
0xc7: {  	[spmem:s2] =	stream.indirect.scatter.add.f32 [tilespmem:s17], [sflag:$0x2], $0x80, s19, s15, $0xb8;
	[tilespmem:$0x18880] =	vst v63  }
0xc8: {  	_ =	swait.ge [sflag:s18], $0x4000  }
0xc9: {  	[sflag:s18] =	ssyncset.done $0x0  }
0xca: {  	[dreg:$0xf] =	wrdreg s9;
	[sflag:s18] =	ssyncadd.s32 $0xFFFFC000  }
0xcb: {  	[tilespmem:s13], [sflag:$0x1] =	stream.linear.gather [hbm4b:s9+s3], $0x4000, $0x38;
	[tilespmem:$0x18880] =	vst v63  }
0xcc: {  	_ =	swait.ge [sflag:s14], $0x4000  }
0xcd: {  	[sflag:s14] =	ssyncset.done $0x0  }
0xce: {  	s21 =	simm.s32 $0x180;
	[sflag:s14] =	ssyncadd.s32 $0xFFFFC000  }
0xcf: {  	[spmem:s2] =	stream.indirect.scatter.add.f32 [tilespmem:s7], [sflag:$0x2], $0x80, s21, s15, $0xb8;
	[tilespmem:$0x18880] =	vst v63  }
0xd0: {  	_ =	swait.ge [sflag:s18], $0x4000  }
0xd1: {  	[sflag:s18] =	ssyncset.done $0x0  }
0xd2: {  	[dreg:$0x10] =	wrdreg s24;
	[sflag:s18] =	ssyncadd.s32 $0xFFFFC000  }
0xd3: {  	[tilespmem:s17], [sflag:$0x1] =	stream.linear.gather [hbm4b:s24+s3], $0x4000, $0x38;
	[tilespmem:$0x18880] =	vst v63  }
0xd4: {  	_ =	swait.ge [sflag:s14], $0x4000  }
0xd5: {  	[sflag:s14] =	ssyncset.done $0x0  }
0xd6: {  	s24 =	simm.s32 $0x200;
	[sflag:s14] =	ssyncadd.s32 $0xFFFFC000  }
0xd7: {  	[spmem:s2] =	stream.indirect.scatter.add.f32 [tilespmem:s11], [sflag:$0x2], $0x80, s24, s15, $0xb8;
	[tilespmem:$0x18880] =	vst v63  }
0xd8: {  	_ =	swait.ge [sflag:s18], $0x4000  }
0xd9: {  	[sflag:s18] =	ssyncset.done $0x0  }
0xda: {  	[dreg:$0x11] =	wrdreg s20;
	[sflag:s18] =	ssyncadd.s32 $0xFFFFC000  }
0xdb: {  	[tilespmem:s7], [sflag:$0x1] =	stream.linear.gather [hbm4b:s20+s3], $0x4000, $0x38;
	[tilespmem:$0x18880] =	vst v63  }
0xdc: {  	_ =	swait.ge [sflag:s14], $0x4000  }
0xdd: {  	[sflag:s14] =	ssyncset.done $0x0  }
0xde: {  	s25 =	simm.s32 $0x280;
	[sflag:s14] =	ssyncadd.s32 $0xFFFFC000  }
0xdf: {  	[spmem:s2] =	stream.indirect.scatter.add.f32 [tilespmem:s13], [sflag:$0x2], $0x80, s25, s15, $0xb8;
	[tilespmem:$0x18880] =	vst v63  }
0xe0: {  	_ =	swait.ge [sflag:s18], $0x4000  }
0xe1: {  	[sflag:s18] =	ssyncset.done $0x0  }
0xe2: {  	[dreg:$0x12] =	wrdreg s29;
	[sflag:s18] =	ssyncadd.s32 $0xFFFFC000  }
0xe3: {  	[tilespmem:s11], [sflag:$0x1] =	stream.linear.gather [hbm4b:s29+s3], $0x4000, $0x38;
	[tilespmem:$0x18880] =	vst v63  }
0xe4: {  	_ =	swait.ge [sflag:s14], $0x4000  }
0xe5: {  	[sflag:s14] =	ssyncset.done $0x0  }
0xe6: {  	s9 =	simm.s32 $0x300;
	[sflag:s14] =	ssyncadd.s32 $0xFFFFC000  }
0xe7: {  	[spmem:s2] =	stream.indirect.scatter.add.f32 [tilespmem:s17], [sflag:$0x2], $0x80, s9, s15, $0xb8;
	[tilespmem:$0x18880] =	vst v63  }
0xe8: {  	_ =	swait.ge [sflag:s18], $0x4000  }
0xe9: {  	[sflag:s18] =	ssyncset.done $0x0  }
0xea: {  	[dreg:$0x13] =	wrdreg s30;
	[sflag:s18] =	ssyncadd.s32 $0xFFFFC000  }
0xeb: {  	[tilespmem:s13], [sflag:$0x1] =	stream.linear.gather [hbm4b:s30+s3], $0x4000, $0x38;
	[tilespmem:$0x18880] =	vst v63  }
0xec: {  	_ =	swait.ge [sflag:s14], $0x4000  }
0xed: {  	[sflag:s14] =	ssyncset.done $0x0  }
0xee: {  	s10 =	simm.s32 $0x380;
	[sflag:s14] =	ssyncadd.s32 $0xFFFFC000  }
0xef: {  	[spmem:s2] =	stream.indirect.scatter.add.f32 [tilespmem:s7], [sflag:$0x2], $0x80, s10, s15, $0xb8;
	[tilespmem:$0x18880] =	vst v63  }
0xf0: {  	_ =	swait.ge [sflag:s18], $0x4000  }
0xf1: {  	[sflag:s18] =	ssyncset.done $0x0  }
0xf2: {  	[dreg:$0x14] =	wrdreg s6;
	[sflag:s18] =	ssyncadd.s32 $0xFFFFC000  }
0xf3: {  	[tilespmem:s17], [sflag:$0x1] =	stream.linear.gather [hbm4b:s6+s3], $0x4000, $0x38;
	[tilespmem:$0x18880] =	vst v63  }
0xf4: {  	_ =	swait.ge [sflag:s14], $0x4000  }
0xf5: {  	[sflag:s14] =	ssyncset.done $0x0  }
0xf6: {  	s12 =	simm.s32 $0x400;
	[sflag:s14] =	ssyncadd.s32 $0xFFFFC000  }
0xf7: {  	[spmem:s2] =	stream.indirect.scatter.add.f32 [tilespmem:s11], [sflag:$0x2], $0x80, s12, s15, $0xb8;
	[tilespmem:$0x18880] =	vst v63  }
0xf8: {  	_ =	swait.ge [sflag:s18], $0x4000  }
0xf9: {  	[sflag:s18] =	ssyncset.done $0x0  }
0xfa: {  	[dreg:$0x16] =	wrdreg s5;
	[sflag:s18] =	ssyncadd.s32 $0xFFFFC000  }
0xfb: {  	[tilespmem:s7], [sflag:$0x1] =	stream.linear.gather [hbm4b:s5+s3], $0x4000, $0x38;
	[tilespmem:$0x18880] =	vst v63  }
0xfc: {  	_ =	swait.ge [sflag:s14], $0x4000  }
0xfd: {  	[sflag:s14] =	ssyncset.done $0x0  }
0xfe: {  	s16 =	simm.s32 $0x480;
	[sflag:s14] =	ssyncadd.s32 $0xFFFFC000  }
0xff: {  	[spmem:s2] =	stream.indirect.scatter.add.f32 [tilespmem:s13], [sflag:$0x2], $0x80, s16, s15, $0xb8;
	[tilespmem:$0x18880] =	vst v63  }
0x100: {  	_ =	swait.ge [sflag:s18], $0x4000  }
0x101: {  	[sflag:s18] =	ssyncset.done $0x0  }
0x102: {  	[dreg:$0x17] =	wrdreg s4;
	[sflag:s18] =	ssyncadd.s32 $0xFFFFC000  }
0x103: {  	[tilespmem:s11], [sflag:$0x1] =	stream.linear.gather [hbm4b:s4+s3], $0x4000, $0x38;
	[tilespmem:$0x18880] =	vst v63  }
0x104: {  	_ =	swait.ge [sflag:s14], $0x4000  }
0x105: {  	[sflag:s14] =	ssyncset.done $0x0  }
0x106: {  	s19 =	simm.s32 $0x500;
	[sflag:s14] =	ssyncadd.s32 $0xFFFFC000  }
0x107: {  	[spmem:s2] =	stream.indirect.scatter.add.f32 [tilespmem:s17], [sflag:$0x2], $0x80, s19, s15, $0xb8;
	[tilespmem:$0x18880] =	vst v63  }
0x108: {  	_ =	swait.ge [sflag:s18], $0x4000  }
0x109: {  	[sflag:s18] =	ssyncset.done $0x0  }
0x10a: {  	[dreg:$0x18] =	wrdreg s1;
	[sflag:s18] =	ssyncadd.s32 $0xFFFFC000  }
0x10b: {  	[tilespmem:s13], [sflag:$0x1] =	stream.linear.gather [hbm4b:s1+s3], $0x4000, $0x38;
	[tilespmem:$0x18880] =	vst v63  }
0x10c: {  	_ =	swait.ge [sflag:s14], $0x4000  }
0x10d: {  	[sflag:s14] =	ssyncset.done $0x0  }
0x10e: {  	s20 =	simm.s32 $0x580;
	[sflag:s14] =	ssyncadd.s32 $0xFFFFC000  }
0x10f: {  	[spmem:s2] =	stream.indirect.scatter.add.f32 [tilespmem:s7], [sflag:$0x2], $0x80, s20, s15, $0xb8;
	[tilespmem:$0x18880] =	vst v63  }
0x110: {  	_ =	swait.ge [sflag:s18], $0x4000  }
0x111: {  	[sflag:s18] =	ssyncset.done $0x0  }
0x112: {  	[dreg:$0x19] =	wrdreg s0;
	[sflag:s18] =	ssyncadd.s32 $0xFFFFC000  }
0x113: {  	[tilespmem:s17], [sflag:$0x1] =	stream.linear.gather [hbm4b:s0+s3], $0x4000, $0x38;
	[tilespmem:$0x18880] =	vst v63  }
0x114: {  	_ =	swait.ge [sflag:s14], $0x4000  }
0x115: {  	[sflag:s14] =	ssyncset.done $0x0  }
0x116: {  	s21 =	simm.s32 $0x600;
	[sflag:s14] =	ssyncadd.s32 $0xFFFFC000  }
0x117: {  	[spmem:s2] =	stream.indirect.scatter.add.f32 [tilespmem:s11], [sflag:$0x2], $0x80, s21, s15, $0xb8;
	[tilespmem:$0x18880] =	vst v63  }
0x118: {  	_ =	swait.ge [sflag:s18], $0x4000  }
0x119: {  	[sflag:s18] =	ssyncset.done $0x0  }
0x11a: {  	[dreg:$0x1a] =	wrdreg s26;
	[sflag:s18] =	ssyncadd.s32 $0xFFFFC000  }
0x11b: {  	[tilespmem:s7], [sflag:$0x1] =	stream.linear.gather [hbm4b:s26+s3], $0x4000, $0x38;
	[tilespmem:$0x18880] =	vst v63  }
0x11c: {  	_ =	swait.ge [sflag:s14], $0x4000  }
0x11d: {  	[sflag:s14] =	ssyncset.done $0x0  }
0x11e: {  	s24 =	simm.s32 $0x680;
	[sflag:s14] =	ssyncadd.s32 $0xFFFFC000  }
0x11f: {  	[spmem:s2] =	stream.indirect.scatter.add.f32 [tilespmem:s13], [sflag:$0x2], $0x80, s24, s15, $0xb8;
	[tilespmem:$0x18880] =	vst v63  }
0x120: {  	_ =	swait.ge [sflag:s14], $0x4000  }
0x121: {  	[sflag:s14] =	ssyncset.done $0x0  }
0x122: {  	s25 =	simm.s32 $0x700;
	[sflag:s14] =	ssyncadd.s32 $0xFFFFC000  }
0x123: {  	[spmem:s2] =	stream.indirect.scatter.add.f32 [tilespmem:s17], [sflag:$0x2], $0x80, s25, s15, $0xb8;
	[tilespmem:$0x18880] =	vst v63  }
0x124: {  	_ =	swait.ge [sflag:s14], $0x4000  }
0x125: {  	[sflag:s14] =	ssyncset.done $0x0  }
0x126: {  	s26 =	simm.s32 $0x780;
	[sflag:s14] =	ssyncadd.s32 $0xFFFFC000  }
0x127: {  	[spmem:s2] =	stream.indirect.scatter.add.f32 [tilespmem:s7], [sflag:$0x2], $0x80, s26, s15, $0xb8;
	[tilespmem:$0x18880] =	vst v63  }
0x128: {  	_ =	swait.ge [sflag:s18], $0x4000  }
0x129: {  	[sflag:s18] =	ssyncset.done $0x0  }
0x12a: {  	[sflag:s18] =	ssyncadd.s32 $0xFFFFC000  }
0x12b: {  	_ =	swait.ge [sflag:s18], $0x4000  }
0x12c: {  	[sflag:s18] =	ssyncset.done $0x0  }
0x12d: {  	[sflag:s18] =	ssyncadd.s32 $0xFFFFC000  }
0x12e: {  	_ =	swait.ge [sflag:s18], $0x4000  }
0x12f: {  	[sflag:s18] =	ssyncset.done $0x0  }
0x130: {  	[sflag:s18] =	ssyncadd.s32 $0xFFFFC000  }
0x131: {  	_ =	swait.ge [sflag:s18], $0x4000  }
0x132: {  	[sflag:s18] =	ssyncset.done $0x0  }
0x133: {  	[sflag:s18] =	ssyncadd.s32 $0xFFFFC000  }
0x134: {  	[bflag:$0x0] =	sbarrier.arrive $0xFFFF  }
0x135: {  	s29 =	rddreg [dreg:$0x1c]  }
0x136: {  	s0 =	ssub.s32 $0x2, s29  }
0x137: {  	s31 =	sshrl.u32 s0, $0x1  }
0x138: {  	s31 =	ssub.s32 s0, s31  }
0x139: {  	s30 =	rddreg [dreg:$0x7];
	s31 =	smax.u32 s31, $0x1  }
0x13a: {  	[dreg:$0x15] =	wrdreg s23;
	p0 =	sne.s32 s31, $0x1  }
.Ltmp0:
0x13b: {  	[dreg:$0x1b] =	wrdreg s22;
	(pc) =	sbr.rel @!p0 .LBB2_3-.Ltmp0, $4  }
0x13c: {  	[hbm:s30], [sflag:s23] =	dma.local [spmem:s22], $0x1000  }
0x13d: {  	_ =	swait.ge [sflag:s28], $0x1000  }
0x13e: {  	[sflag:s28] =	ssyncset.done $0x0  }
0x13f: {  	[sflag:s28] =	ssyncadd.s32 $0xFFFFF000;
	s31 =	sadd.s32 $0xFFFFFFFF, s31  }
0x140: {  	s0 =	simm.s32 $0x3;
	s11 =	simm.s32 $0x800  }
0x141: {  	s13 =	simm.s32 $0x4800;
	s17 =	simm.s32 $0x8800;
	s7 =	simm.s32 $0xC800  }
.LBB2_2:
0x142: {  	[bflag:$0x0] =	sbarrier.arrive $0xFFFF  }
0x143: {  	s1 =	rddreg [dreg:$0x8]  }
0x144: {  	s8 =	rddreg [dreg:$0x9]  }
0x145: {  	s6 =	rddreg [dreg:$0x15]  }
0x146: {  	[spmem:s8], [sflag:s6] =	dma.local [hbm:s1], $0x1010  }
0x147: {  	_ =	swait.ge [sflag:s0], $0x1010  }
0x148: {  	[sflag:s0] =	ssyncset.done $0x0  }
0x149: {  	[sflag:s0] =	ssyncadd.s32 $0xFFFFEFF0  }
0x14a: {  	[bflag:$0x0] =	sbarrier.arrive $0xFFFF  }
0x14b: {  	s4 =	rddreg [dreg:$0x4]  }
0x14c: {  	[tilespmem:s3], [sflag:$0x3] =	stream.linear.gather [hbm4b:s4+s3], $0x800, $0x38;
	[tilespmem:$0x18880] =	vst v63  }
0x14d: {  	_ =	swait.ge [sflag:s0], $0x800  }
0x14e: {  	[sflag:s0] =	ssyncset.done $0x0  }
0x14f: {  	s10 =	rddreg [dreg:$0xa];
	[sflag:s0] =	ssyncadd.s32 $0xFFFFF800  }
0x150: {  	[tilespmem:s11], [sflag:$0x1] =	stream.linear.gather [hbm4b:s10+s3], $0x4000, $0x38;
	[tilespmem:$0x18880] =	vst v63  }
0x151: {  	s12 =	rddreg [dreg:$0xb]  }
0x152: {  	[tilespmem:s13], [sflag:$0x1] =	stream.linear.gather [hbm4b:s12+s3], $0x4000, $0x38;
	[tilespmem:$0x18880] =	vst v63  }
0x153: {  	s16 =	rddreg [dreg:$0xc]  }
0x154: {  	[tilespmem:s17], [sflag:$0x1] =	stream.linear.gather [hbm4b:s16+s3], $0x4000, $0x38;
	[tilespmem:$0x18880] =	vst v63  }
0x155: {  	_ =	swait.ge [sflag:s14], $0x4000  }
0x156: {  	[sflag:s14] =	ssyncset.done $0x0  }
0x157: {  	[sflag:s14] =	ssyncadd.s32 $0xFFFFC000  }
0x158: {  	[spmem:s2] =	stream.indirect.scatter.add.f32 [tilespmem:s11], [sflag:$0x2], $0x80, s3, s15, $0xb8;
	[tilespmem:$0x18880] =	vst v63  }
0x159: {  	s19 =	rddreg [dreg:$0xd]  }
0x15a: {  	[tilespmem:s7], [sflag:$0x1] =	stream.linear.gather [hbm4b:s19+s3], $0x4000, $0x38;
	[tilespmem:$0x18880] =	vst v63  }
0x15b: {  	_ =	swait.ge [sflag:s14], $0x4000  }
0x15c: {  	[sflag:s14] =	ssyncset.done $0x0  }
0x15d: {  	[sflag:s14] =	ssyncadd.s32 $0xFFFFC000  }
0x15e: {  	[spmem:s2] =	stream.indirect.scatter.add.f32 [tilespmem:s13], [sflag:$0x2], $0x80, s15, s15, $0xb8;
	[tilespmem:$0x18880] =	vst v63  }
0x15f: {  	_ =	swait.ge [sflag:s18], $0x4000  }
0x160: {  	[sflag:s18] =	ssyncset.done $0x0  }
0x161: {  	s21 =	rddreg [dreg:$0xe];
	[sflag:s18] =	ssyncadd.s32 $0xFFFFC000  }
0x162: {  	[tilespmem:s11], [sflag:$0x1] =	stream.linear.gather [hbm4b:s21+s3], $0x4000, $0x38;
	[tilespmem:$0x18880] =	vst v63  }
0x163: {  	_ =	swait.ge [sflag:s14], $0x4000  }
0x164: {  	[sflag:s14] =	ssyncset.done $0x0  }
0x165: {  	s5 =	simm.s32 $0x100;
	[sflag:s14] =	ssyncadd.s32 $0xFFFFC000  }
0x166: {  	[spmem:s2] =	stream.indirect.scatter.add.f32 [tilespmem:s17], [sflag:$0x2], $0x80, s5, s15, $0xb8;
	[tilespmem:$0x18880] =	vst v63  }
0x167: {  	_ =	swait.ge [sflag:s18], $0x4000  }
0x168: {  	[sflag:s18] =	ssyncset.done $0x0  }
0x169: {  	s25 =	rddreg [dreg:$0xf];
	[sflag:s18] =	ssyncadd.s32 $0xFFFFC000  }
0x16a: {  	[tilespmem:s13], [sflag:$0x1] =	stream.linear.gather [hbm4b:s25+s3], $0x4000, $0x38;
	[tilespmem:$0x18880] =	vst v63  }
0x16b: {  	_ =	swait.ge [sflag:s14], $0x4000  }
0x16c: {  	[sflag:s14] =	ssyncset.done $0x0  }
0x16d: {  	s9 =	simm.s32 $0x180;
	[sflag:s14] =	ssyncadd.s32 $0xFFFFC000  }
0x16e: {  	[spmem:s2] =	stream.indirect.scatter.add.f32 [tilespmem:s7], [sflag:$0x2], $0x80, s9, s15, $0xb8;
	[tilespmem:$0x18880] =	vst v63  }
0x16f: {  	_ =	swait.ge [sflag:s18], $0x4000  }
0x170: {  	[sflag:s18] =	ssyncset.done $0x0  }
0x171: {  	s30 =	rddreg [dreg:$0x10];
	[sflag:s18] =	ssyncadd.s32 $0xFFFFC000  }
0x172: {  	[tilespmem:s17], [sflag:$0x1] =	stream.linear.gather [hbm4b:s30+s3], $0x4000, $0x38;
	[tilespmem:$0x18880] =	vst v63  }
0x173: {  	_ =	swait.ge [sflag:s14], $0x4000  }
0x174: {  	[sflag:s14] =	ssyncset.done $0x0  }
0x175: {  	s20 =	simm.s32 $0x200;
	[sflag:s14] =	ssyncadd.s32 $0xFFFFC000  }
0x176: {  	[spmem:s2] =	stream.indirect.scatter.add.f32 [tilespmem:s11], [sflag:$0x2], $0x80, s20, s15, $0xb8;
	[tilespmem:$0x18880] =	vst v63  }
0x177: {  	_ =	swait.ge [sflag:s18], $0x4000  }
0x178: {  	[sflag:s18] =	ssyncset.done $0x0  }
0x179: {  	s20 =	rddreg [dreg:$0x11];
	[sflag:s18] =	ssyncadd.s32 $0xFFFFC000  }
0x17a: {  	[tilespmem:s7], [sflag:$0x1] =	stream.linear.gather [hbm4b:s20+s3], $0x4000, $0x38;
	[tilespmem:$0x18880] =	vst v63  }
0x17b: {  	_ =	swait.ge [sflag:s14], $0x4000  }
0x17c: {  	[sflag:s14] =	ssyncset.done $0x0  }
0x17d: {  	s22 =	simm.s32 $0x280;
	[sflag:s14] =	ssyncadd.s32 $0xFFFFC000  }
0x17e: {  	[spmem:s2] =	stream.indirect.scatter.add.f32 [tilespmem:s13], [sflag:$0x2], $0x80, s22, s15, $0xb8;
	[tilespmem:$0x18880] =	vst v63  }
0x17f: {  	_ =	swait.ge [sflag:s18], $0x4000  }
0x180: {  	[sflag:s18] =	ssyncset.done $0x0  }
0x181: {  	s29 =	rddreg [dreg:$0x12];
	[sflag:s18] =	ssyncadd.s32 $0xFFFFC000  }
0x182: {  	[tilespmem:s11], [sflag:$0x1] =	stream.linear.gather [hbm4b:s29+s3], $0x4000, $0x38;
	[tilespmem:$0x18880] =	vst v63  }
0x183: {  	_ =	swait.ge [sflag:s14], $0x4000  }
0x184: {  	[sflag:s14] =	ssyncset.done $0x0  }
0x185: {  	s23 =	simm.s32 $0x300;
	[sflag:s14] =	ssyncadd.s32 $0xFFFFC000  }
0x186: {  	[spmem:s2] =	stream.indirect.scatter.add.f32 [tilespmem:s17], [sflag:$0x2], $0x80, s23, s15, $0xb8;
	[tilespmem:$0x18880] =	vst v63  }
0x187: {  	_ =	swait.ge [sflag:s18], $0x4000  }
0x188: {  	[sflag:s18] =	ssyncset.done $0x0  }
0x189: {  	s26 =	rddreg [dreg:$0x13];
	[sflag:s18] =	ssyncadd.s32 $0xFFFFC000  }
0x18a: {  	[tilespmem:s13], [sflag:$0x1] =	stream.linear.gather [hbm4b:s26+s3], $0x4000, $0x38;
	[tilespmem:$0x18880] =	vst v63  }
0x18b: {  	_ =	swait.ge [sflag:s14], $0x4000  }
0x18c: {  	[sflag:s14] =	ssyncset.done $0x0  }
0x18d: {  	s24 =	simm.s32 $0x380;
	[sflag:s14] =	ssyncadd.s32 $0xFFFFC000  }
0x18e: {  	[spmem:s2] =	stream.indirect.scatter.add.f32 [tilespmem:s7], [sflag:$0x2], $0x80, s24, s15, $0xb8;
	[tilespmem:$0x18880] =	vst v63  }
0x18f: {  	_ =	swait.ge [sflag:s18], $0x4000  }
0x190: {  	[sflag:s18] =	ssyncset.done $0x0  }
0x191: {  	s5 =	rddreg [dreg:$0x14];
	[sflag:s18] =	ssyncadd.s32 $0xFFFFC000  }
0x192: {  	[tilespmem:s17], [sflag:$0x1] =	stream.linear.gather [hbm4b:s5+s3], $0x4000, $0x38;
	[tilespmem:$0x18880] =	vst v63  }
0x193: {  	_ =	swait.ge [sflag:s14], $0x4000  }
0x194: {  	[sflag:s14] =	ssyncset.done $0x0  }
0x195: {  	s28 =	simm.s32 $0x400;
	[sflag:s14] =	ssyncadd.s32 $0xFFFFC000  }
0x196: {  	[spmem:s2] =	stream.indirect.scatter.add.f32 [tilespmem:s11], [sflag:$0x2], $0x80, s28, s15, $0xb8;
	[tilespmem:$0x18880] =	vst v63  }
0x197: {  	_ =	swait.ge [sflag:s18], $0x4000  }
0x198: {  	[sflag:s18] =	ssyncset.done $0x0  }
0x199: {  	s22 =	rddreg [dreg:$0x16];
	[sflag:s18] =	ssyncadd.s32 $0xFFFFC000  }
0x19a: {  	[tilespmem:s7], [sflag:$0x1] =	stream.linear.gather [hbm4b:s22+s3], $0x4000, $0x38;
	[tilespmem:$0x18880] =	vst v63  }
0x19b: {  	_ =	swait.ge [sflag:s14], $0x4000  }
0x19c: {  	[sflag:s14] =	ssyncset.done $0x0  }
0x19d: {  	s4 =	simm.s32 $0x480;
	[sflag:s14] =	ssyncadd.s32 $0xFFFFC000  }
0x19e: {  	[spmem:s2] =	stream.indirect.scatter.add.f32 [tilespmem:s13], [sflag:$0x2], $0x80, s4, s15, $0xb8;
	[tilespmem:$0x18880] =	vst v63  }
0x19f: {  	_ =	swait.ge [sflag:s18], $0x4000  }
0x1a0: {  	[sflag:s18] =	ssyncset.done $0x0  }
0x1a1: {  	s1 =	rddreg [dreg:$0x17];
	[sflag:s18] =	ssyncadd.s32 $0xFFFFC000  }
0x1a2: {  	[tilespmem:s11], [sflag:$0x1] =	stream.linear.gather [hbm4b:s1+s3], $0x4000, $0x38;
	[tilespmem:$0x18880] =	vst v63  }
0x1a3: {  	_ =	swait.ge [sflag:s14], $0x4000  }
0x1a4: {  	[sflag:s14] =	ssyncset.done $0x0  }
0x1a5: {  	s9 =	simm.s32 $0x500;
	[sflag:s14] =	ssyncadd.s32 $0xFFFFC000  }
0x1a6: {  	[spmem:s2] =	stream.indirect.scatter.add.f32 [tilespmem:s17], [sflag:$0x2], $0x80, s9, s15, $0xb8;
	[tilespmem:$0x18880] =	vst v63  }
0x1a7: {  	_ =	swait.ge [sflag:s18], $0x4000  }
0x1a8: {  	[sflag:s18] =	ssyncset.done $0x0  }
0x1a9: {  	s9 =	rddreg [dreg:$0x18];
	[sflag:s18] =	ssyncadd.s32 $0xFFFFC000  }
0x1aa: {  	[tilespmem:s13], [sflag:$0x1] =	stream.linear.gather [hbm4b:s9+s3], $0x4000, $0x38;
	[tilespmem:$0x18880] =	vst v63  }
0x1ab: {  	_ =	swait.ge [sflag:s14], $0x4000  }
0x1ac: {  	[sflag:s14] =	ssyncset.done $0x0  }
0x1ad: {  	s23 =	simm.s32 $0x580;
	[sflag:s14] =	ssyncadd.s32 $0xFFFFC000  }
0x1ae: {  	[spmem:s2] =	stream.indirect.scatter.add.f32 [tilespmem:s7], [sflag:$0x2], $0x80, s23, s15, $0xb8;
	[tilespmem:$0x18880] =	vst v63  }
0x1af: {  	_ =	swait.ge [sflag:s18], $0x4000  }
0x1b0: {  	[sflag:s18] =	ssyncset.done $0x0  }
0x1b1: {  	s23 =	rddreg [dreg:$0x19];
	[sflag:s18] =	ssyncadd.s32 $0xFFFFC000  }
0x1b2: {  	[tilespmem:s17], [sflag:$0x1] =	stream.linear.gather [hbm4b:s23+s3], $0x4000, $0x38;
	[tilespmem:$0x18880] =	vst v63  }
0x1b3: {  	_ =	swait.ge [sflag:s14], $0x4000  }
0x1b4: {  	[sflag:s14] =	ssyncset.done $0x0  }
0x1b5: {  	s24 =	simm.s32 $0x600;
	[sflag:s14] =	ssyncadd.s32 $0xFFFFC000  }
0x1b6: {  	[spmem:s2] =	stream.indirect.scatter.add.f32 [tilespmem:s11], [sflag:$0x2], $0x80, s24, s15, $0xb8;
	[tilespmem:$0x18880] =	vst v63  }
0x1b7: {  	_ =	swait.ge [sflag:s18], $0x4000  }
0x1b8: {  	[sflag:s18] =	ssyncset.done $0x0  }
0x1b9: {  	s24 =	rddreg [dreg:$0x1a];
	[sflag:s18] =	ssyncadd.s32 $0xFFFFC000  }
0x1ba: {  	[tilespmem:s7], [sflag:$0x1] =	stream.linear.gather [hbm4b:s24+s3], $0x4000, $0x38;
	[tilespmem:$0x18880] =	vst v63  }
0x1bb: {  	_ =	swait.ge [sflag:s14], $0x4000  }
0x1bc: {  	[sflag:s14] =	ssyncset.done $0x0  }
0x1bd: {  	s28 =	simm.s32 $0x680;
	[sflag:s14] =	ssyncadd.s32 $0xFFFFC000  }
0x1be: {  	[spmem:s2] =	stream.indirect.scatter.add.f32 [tilespmem:s13], [sflag:$0x2], $0x80, s28, s15, $0xb8;
	[tilespmem:$0x18880] =	vst v63  }
0x1bf: {  	_ =	swait.ge [sflag:s14], $0x4000  }
0x1c0: {  	[sflag:s14] =	ssyncset.done $0x0  }
0x1c1: {  	s28 =	simm.s32 $0x700;
	[sflag:s14] =	ssyncadd.s32 $0xFFFFC000  }
0x1c2: {  	[spmem:s2] =	stream.indirect.scatter.add.f32 [tilespmem:s17], [sflag:$0x2], $0x80, s28, s15, $0xb8;
	[tilespmem:$0x18880] =	vst v63  }
0x1c3: {  	_ =	swait.ge [sflag:s14], $0x4000  }
0x1c4: {  	[sflag:s14] =	ssyncset.done $0x0  }
0x1c5: {  	s28 =	simm.s32 $0x780;
	[sflag:s14] =	ssyncadd.s32 $0xFFFFC000  }
0x1c6: {  	[spmem:s2] =	stream.indirect.scatter.add.f32 [tilespmem:s7], [sflag:$0x2], $0x80, s28, s15, $0xb8;
	[tilespmem:$0x18880] =	vst v63  }
0x1c7: {  	_ =	swait.ge [sflag:s18], $0x4000  }
0x1c8: {  	[sflag:s18] =	ssyncset.done $0x0  }
0x1c9: {  	[sflag:s18] =	ssyncadd.s32 $0xFFFFC000  }
0x1ca: {  	_ =	swait.ge [sflag:s18], $0x4000  }
0x1cb: {  	[sflag:s18] =	ssyncset.done $0x0  }
0x1cc: {  	[sflag:s18] =	ssyncadd.s32 $0xFFFFC000  }
0x1cd: {  	_ =	swait.ge [sflag:s18], $0x4000  }
0x1ce: {  	[sflag:s18] =	ssyncset.done $0x0  }
0x1cf: {  	[sflag:s18] =	ssyncadd.s32 $0xFFFFC000  }
0x1d0: {  	_ =	swait.ge [sflag:s18], $0x4000  }
0x1d1: {  	[sflag:s18] =	ssyncset.done $0x0  }
0x1d2: {  	[sflag:s18] =	ssyncadd.s32 $0xFFFFC000  }
0x1d3: {  	[bflag:$0x0] =	sbarrier.arrive $0xFFFF  }
0x1d4: {  	s4 =	rddreg [dreg:$0x5]  }
0x1d5: {  	s28 =	rddreg [dreg:$0x1b]  }
0x1d6: {  	[hbm:s4], [sflag:s6] =	dma.local [spmem:s28], $0x1000  }
0x1d7: {  	_ =	swait.ge [sflag:s0], $0x1000  }
0x1d8: {  	[sflag:s0] =	ssyncset.done $0x0  }
0x1d9: {  	[sflag:s0] =	ssyncadd.s32 $0xFFFFF000  }
0x1da: {  	[bflag:$0x0] =	sbarrier.arrive $0xFFFF  }
0x1db: {  	s4 =	rddreg [dreg:$0x8]  }
0x1dc: {  	[spmem:s8], [sflag:s6] =	dma.local [hbm:s4], $0x1010  }
0x1dd: {  	_ =	swait.ge [sflag:s0], $0x1010  }
0x1de: {  	[sflag:s0] =	ssyncset.done $0x0  }
0x1df: {  	[sflag:s0] =	ssyncadd.s32 $0xFFFFEFF0  }
0x1e0: {  	[bflag:$0x0] =	sbarrier.arrive $0xFFFF  }
0x1e1: {  	s8 =	rddreg [dreg:$0x6]  }
0x1e2: {  	[tilespmem:s3], [sflag:$0x3] =	stream.linear.gather [hbm4b:s8+s3], $0x800, $0x38;
	[tilespmem:$0x18880] =	vst v63  }
0x1e3: {  	_ =	swait.ge [sflag:s0], $0x800  }
0x1e4: {  	[sflag:s0] =	ssyncset.done $0x0  }
0x1e5: {  	[sflag:s0] =	ssyncadd.s32 $0xFFFFF800  }
0x1e6: {  	[tilespmem:s11], [sflag:$0x1] =	stream.linear.gather [hbm4b:s10+s3], $0x4000, $0x38;
	[tilespmem:$0x18880] =	vst v63  }
0x1e7: {  	_ = 	snop  }
0x1e8: {  	[tilespmem:s13], [sflag:$0x1] =	stream.linear.gather [hbm4b:s12+s3], $0x4000, $0x38;
	[tilespmem:$0x18880] =	vst v63  }
0x1e9: {  	_ = 	snop  }
0x1ea: {  	[tilespmem:s17], [sflag:$0x1] =	stream.linear.gather [hbm4b:s16+s3], $0x4000, $0x38;
	[tilespmem:$0x18880] =	vst v63  }
0x1eb: {  	_ =	swait.ge [sflag:s14], $0x4000  }
0x1ec: {  	[sflag:s14] =	ssyncset.done $0x0  }
0x1ed: {  	[sflag:s14] =	ssyncadd.s32 $0xFFFFC000  }
0x1ee: {  	[spmem:s2] =	stream.indirect.scatter.add.f32 [tilespmem:s11], [sflag:$0x2], $0x80, s3, s15, $0xb8;
	[tilespmem:$0x18880] =	vst v63  }
0x1ef: {  	_ = 	snop  }
0x1f0: {  	[tilespmem:s7], [sflag:$0x1] =	stream.linear.gather [hbm4b:s19+s3], $0x4000, $0x38;
	[tilespmem:$0x18880] =	vst v63  }
0x1f1: {  	_ =	swait.ge [sflag:s14], $0x4000  }
0x1f2: {  	[sflag:s14] =	ssyncset.done $0x0  }
0x1f3: {  	[sflag:s14] =	ssyncadd.s32 $0xFFFFC000  }
0x1f4: {  	[spmem:s2] =	stream.indirect.scatter.add.f32 [tilespmem:s13], [sflag:$0x2], $0x80, s15, s15, $0xb8;
	[tilespmem:$0x18880] =	vst v63  }
0x1f5: {  	_ =	swait.ge [sflag:s18], $0x4000  }
0x1f6: {  	[sflag:s18] =	ssyncset.done $0x0  }
0x1f7: {  	[sflag:s18] =	ssyncadd.s32 $0xFFFFC000  }
0x1f8: {  	[tilespmem:s11], [sflag:$0x1] =	stream.linear.gather [hbm4b:s21+s3], $0x4000, $0x38;
	[tilespmem:$0x18880] =	vst v63  }
0x1f9: {  	_ =	swait.ge [sflag:s14], $0x4000  }
0x1fa: {  	[sflag:s14] =	ssyncset.done $0x0  }
0x1fb: {  	s21 =	simm.s32 $0x100;
	[sflag:s14] =	ssyncadd.s32 $0xFFFFC000  }
0x1fc: {  	[spmem:s2] =	stream.indirect.scatter.add.f32 [tilespmem:s17], [sflag:$0x2], $0x80, s21, s15, $0xb8;
	[tilespmem:$0x18880] =	vst v63  }
0x1fd: {  	_ =	swait.ge [sflag:s18], $0x4000  }
0x1fe: {  	[sflag:s18] =	ssyncset.done $0x0  }
0x1ff: {  	[sflag:s18] =	ssyncadd.s32 $0xFFFFC000  }
0x200: {  	[tilespmem:s13], [sflag:$0x1] =	stream.linear.gather [hbm4b:s25+s3], $0x4000, $0x38;
	[tilespmem:$0x18880] =	vst v63  }
0x201: {  	_ =	swait.ge [sflag:s14], $0x4000  }
0x202: {  	[sflag:s14] =	ssyncset.done $0x0  }
0x203: {  	s25 =	simm.s32 $0x180;
	[sflag:s14] =	ssyncadd.s32 $0xFFFFC000  }
0x204: {  	[spmem:s2] =	stream.indirect.scatter.add.f32 [tilespmem:s7], [sflag:$0x2], $0x80, s25, s15, $0xb8;
	[tilespmem:$0x18880] =	vst v63  }
0x205: {  	_ =	swait.ge [sflag:s18], $0x4000  }
0x206: {  	[sflag:s18] =	ssyncset.done $0x0  }
0x207: {  	[sflag:s18] =	ssyncadd.s32 $0xFFFFC000  }
0x208: {  	[tilespmem:s17], [sflag:$0x1] =	stream.linear.gather [hbm4b:s30+s3], $0x4000, $0x38;
	[tilespmem:$0x18880] =	vst v63  }
0x209: {  	_ =	swait.ge [sflag:s14], $0x4000  }
0x20a: {  	[sflag:s14] =	ssyncset.done $0x0  }
0x20b: {  	s8 =	simm.s32 $0x200;
	[sflag:s14] =	ssyncadd.s32 $0xFFFFC000  }
0x20c: {  	[spmem:s2] =	stream.indirect.scatter.add.f32 [tilespmem:s11], [sflag:$0x2], $0x80, s8, s15, $0xb8;
	[tilespmem:$0x18880] =	vst v63  }
0x20d: {  	_ =	swait.ge [sflag:s18], $0x4000  }
0x20e: {  	[sflag:s18] =	ssyncset.done $0x0  }
0x20f: {  	[sflag:s18] =	ssyncadd.s32 $0xFFFFC000  }
0x210: {  	[tilespmem:s7], [sflag:$0x1] =	stream.linear.gather [hbm4b:s20+s3], $0x4000, $0x38;
	[tilespmem:$0x18880] =	vst v63  }
0x211: {  	_ =	swait.ge [sflag:s14], $0x4000  }
0x212: {  	[sflag:s14] =	ssyncset.done $0x0  }
0x213: {  	s10 =	simm.s32 $0x280;
	[sflag:s14] =	ssyncadd.s32 $0xFFFFC000  }
0x214: {  	[spmem:s2] =	stream.indirect.scatter.add.f32 [tilespmem:s13], [sflag:$0x2], $0x80, s10, s15, $0xb8;
	[tilespmem:$0x18880] =	vst v63  }
0x215: {  	_ =	swait.ge [sflag:s18], $0x4000  }
0x216: {  	[sflag:s18] =	ssyncset.done $0x0  }
0x217: {  	[sflag:s18] =	ssyncadd.s32 $0xFFFFC000  }
0x218: {  	[tilespmem:s11], [sflag:$0x1] =	stream.linear.gather [hbm4b:s29+s3], $0x4000, $0x38;
	[tilespmem:$0x18880] =	vst v63  }
0x219: {  	_ =	swait.ge [sflag:s14], $0x4000  }
0x21a: {  	[sflag:s14] =	ssyncset.done $0x0  }
0x21b: {  	s12 =	simm.s32 $0x300;
	[sflag:s14] =	ssyncadd.s32 $0xFFFFC000  }
0x21c: {  	[spmem:s2] =	stream.indirect.scatter.add.f32 [tilespmem:s17], [sflag:$0x2], $0x80, s12, s15, $0xb8;
	[tilespmem:$0x18880] =	vst v63  }
0x21d: {  	_ =	swait.ge [sflag:s18], $0x4000  }
0x21e: {  	[sflag:s18] =	ssyncset.done $0x0  }
0x21f: {  	[sflag:s18] =	ssyncadd.s32 $0xFFFFC000  }
0x220: {  	[tilespmem:s13], [sflag:$0x1] =	stream.linear.gather [hbm4b:s26+s3], $0x4000, $0x38;
	[tilespmem:$0x18880] =	vst v63  }
0x221: {  	_ =	swait.ge [sflag:s14], $0x4000  }
0x222: {  	[sflag:s14] =	ssyncset.done $0x0  }
0x223: {  	s16 =	simm.s32 $0x380;
	[sflag:s14] =	ssyncadd.s32 $0xFFFFC000  }
0x224: {  	[spmem:s2] =	stream.indirect.scatter.add.f32 [tilespmem:s7], [sflag:$0x2], $0x80, s16, s15, $0xb8;
	[tilespmem:$0x18880] =	vst v63  }
0x225: {  	_ =	swait.ge [sflag:s18], $0x4000  }
0x226: {  	[sflag:s18] =	ssyncset.done $0x0  }
0x227: {  	[sflag:s18] =	ssyncadd.s32 $0xFFFFC000  }
0x228: {  	[tilespmem:s17], [sflag:$0x1] =	stream.linear.gather [hbm4b:s5+s3], $0x4000, $0x38;
	[tilespmem:$0x18880] =	vst v63  }
0x229: {  	_ =	swait.ge [sflag:s14], $0x4000  }
0x22a: {  	[sflag:s14] =	ssyncset.done $0x0  }
0x22b: {  	s19 =	simm.s32 $0x400;
	[sflag:s14] =	ssyncadd.s32 $0xFFFFC000  }
0x22c: {  	[spmem:s2] =	stream.indirect.scatter.add.f32 [tilespmem:s11], [sflag:$0x2], $0x80, s19, s15, $0xb8;
	[tilespmem:$0x18880] =	vst v63  }
0x22d: {  	_ =	swait.ge [sflag:s18], $0x4000  }
0x22e: {  	[sflag:s18] =	ssyncset.done $0x0  }
0x22f: {  	[sflag:s18] =	ssyncadd.s32 $0xFFFFC000  }
0x230: {  	[tilespmem:s7], [sflag:$0x1] =	stream.linear.gather [hbm4b:s22+s3], $0x4000, $0x38;
	[tilespmem:$0x18880] =	vst v63  }
0x231: {  	_ =	swait.ge [sflag:s14], $0x4000  }
0x232: {  	[sflag:s14] =	ssyncset.done $0x0  }
0x233: {  	s20 =	simm.s32 $0x480;
	[sflag:s14] =	ssyncadd.s32 $0xFFFFC000  }
0x234: {  	[spmem:s2] =	stream.indirect.scatter.add.f32 [tilespmem:s13], [sflag:$0x2], $0x80, s20, s15, $0xb8;
	[tilespmem:$0x18880] =	vst v63  }
0x235: {  	_ =	swait.ge [sflag:s18], $0x4000  }
0x236: {  	[sflag:s18] =	ssyncset.done $0x0  }
0x237: {  	[sflag:s18] =	ssyncadd.s32 $0xFFFFC000  }
0x238: {  	[tilespmem:s11], [sflag:$0x1] =	stream.linear.gather [hbm4b:s1+s3], $0x4000, $0x38;
	[tilespmem:$0x18880] =	vst v63  }
0x239: {  	_ =	swait.ge [sflag:s14], $0x4000  }
0x23a: {  	[sflag:s14] =	ssyncset.done $0x0  }
0x23b: {  	s21 =	simm.s32 $0x500;
	[sflag:s14] =	ssyncadd.s32 $0xFFFFC000  }
0x23c: {  	[spmem:s2] =	stream.indirect.scatter.add.f32 [tilespmem:s17], [sflag:$0x2], $0x80, s21, s15, $0xb8;
	[tilespmem:$0x18880] =	vst v63  }
0x23d: {  	_ =	swait.ge [sflag:s18], $0x4000  }
0x23e: {  	[sflag:s18] =	ssyncset.done $0x0  }
0x23f: {  	[sflag:s18] =	ssyncadd.s32 $0xFFFFC000  }
0x240: {  	[tilespmem:s13], [sflag:$0x1] =	stream.linear.gather [hbm4b:s9+s3], $0x4000, $0x38;
	[tilespmem:$0x18880] =	vst v63  }
0x241: {  	_ =	swait.ge [sflag:s14], $0x4000  }
0x242: {  	[sflag:s14] =	ssyncset.done $0x0  }
0x243: {  	s22 =	simm.s32 $0x580;
	[sflag:s14] =	ssyncadd.s32 $0xFFFFC000  }
0x244: {  	[spmem:s2] =	stream.indirect.scatter.add.f32 [tilespmem:s7], [sflag:$0x2], $0x80, s22, s15, $0xb8;
	[tilespmem:$0x18880] =	vst v63  }
0x245: {  	_ =	swait.ge [sflag:s18], $0x4000  }
0x246: {  	[sflag:s18] =	ssyncset.done $0x0  }
0x247: {  	[sflag:s18] =	ssyncadd.s32 $0xFFFFC000  }
0x248: {  	[tilespmem:s17], [sflag:$0x1] =	stream.linear.gather [hbm4b:s23+s3], $0x4000, $0x38;
	[tilespmem:$0x18880] =	vst v63  }
0x249: {  	_ =	swait.ge [sflag:s14], $0x4000  }
0x24a: {  	[sflag:s14] =	ssyncset.done $0x0  }
0x24b: {  	s23 =	simm.s32 $0x600;
	[sflag:s14] =	ssyncadd.s32 $0xFFFFC000  }
0x24c: {  	[spmem:s2] =	stream.indirect.scatter.add.f32 [tilespmem:s11], [sflag:$0x2], $0x80, s23, s15, $0xb8;
	[tilespmem:$0x18880] =	vst v63  }
0x24d: {  	_ =	swait.ge [sflag:s18], $0x4000  }
0x24e: {  	[sflag:s18] =	ssyncset.done $0x0  }
0x24f: {  	[sflag:s18] =	ssyncadd.s32 $0xFFFFC000  }
0x250: {  	[tilespmem:s7], [sflag:$0x1] =	stream.linear.gather [hbm4b:s24+s3], $0x4000, $0x38;
	[tilespmem:$0x18880] =	vst v63  }
0x251: {  	_ =	swait.ge [sflag:s14], $0x4000  }
0x252: {  	[sflag:s14] =	ssyncset.done $0x0  }
0x253: {  	s25 =	simm.s32 $0x680;
	[sflag:s14] =	ssyncadd.s32 $0xFFFFC000  }
0x254: {  	[spmem:s2] =	stream.indirect.scatter.add.f32 [tilespmem:s13], [sflag:$0x2], $0x80, s25, s15, $0xb8;
	[tilespmem:$0x18880] =	vst v63  }
0x255: {  	_ =	swait.ge [sflag:s14], $0x4000  }
0x256: {  	[sflag:s14] =	ssyncset.done $0x0  }
0x257: {  	s26 =	simm.s32 $0x700;
	[sflag:s14] =	ssyncadd.s32 $0xFFFFC000  }
0x258: {  	[spmem:s2] =	stream.indirect.scatter.add.f32 [tilespmem:s17], [sflag:$0x2], $0x80, s26, s15, $0xb8;
	[tilespmem:$0x18880] =	vst v63  }
0x259: {  	_ =	swait.ge [sflag:s14], $0x4000  }
0x25a: {  	[sflag:s14] =	ssyncset.done $0x0  }
0x25b: {  	s29 =	simm.s32 $0x780;
	[sflag:s14] =	ssyncadd.s32 $0xFFFFC000  }
0x25c: {  	[spmem:s2] =	stream.indirect.scatter.add.f32 [tilespmem:s7], [sflag:$0x2], $0x80, s29, s15, $0xb8;
	[tilespmem:$0x18880] =	vst v63  }
0x25d: {  	_ =	swait.ge [sflag:s18], $0x4000  }
0x25e: {  	[sflag:s18] =	ssyncset.done $0x0  }
0x25f: {  	[sflag:s18] =	ssyncadd.s32 $0xFFFFC000  }
0x260: {  	_ =	swait.ge [sflag:s18], $0x4000  }
0x261: {  	[sflag:s18] =	ssyncset.done $0x0  }
0x262: {  	[sflag:s18] =	ssyncadd.s32 $0xFFFFC000  }
0x263: {  	_ =	swait.ge [sflag:s18], $0x4000  }
0x264: {  	[sflag:s18] =	ssyncset.done $0x0  }
0x265: {  	[sflag:s18] =	ssyncadd.s32 $0xFFFFC000  }
0x266: {  	_ =	swait.ge [sflag:s18], $0x4000  }
0x267: {  	[sflag:s18] =	ssyncset.done $0x0  }
0x268: {  	[sflag:s18] =	ssyncadd.s32 $0xFFFFC000  }
0x269: {  	p0 =	sne.s32 s31, $0x1;
	[bflag:$0x0] =	sbarrier.arrive $0xFFFF  }
.Ltmp1:
0x26a: {  	s30 =	rddreg [dreg:$0x7];
	(pc) =	sbr.rel @p0 .LBB2_2-.Ltmp1, $4  }
0x26b: {  	[hbm:s30], [sflag:s6] =	dma.local [spmem:s28], $0x1000  }
0x26c: {  	_ =	swait.ge [sflag:s0], $0x1000  }
0x26d: {  	[sflag:s0] =	ssyncset.done $0x0  }
0x26e: {  	s31 =	sadd.s32 $0xFFFFFFFF, s31;
	[sflag:s0] =	ssyncadd.s32 $0xFFFFF000  }
.LBB2_3:
0x26f: {  	[bflag:$0x0] =	sbarrier.arrive $0xFFFF  }
0x270: {  	_ =	sfence.sel $0x180000  }
0x271: {  	[bflag:$0x0] =	sbarrier.arrive $0xFFFF  }
0x272: {  	_ =	strace $0x9000004A  }
0x273: {  	s0 =	stileid.u32;
	[bflag:$0x2] =	sbarrier.arrive $0xFFFF  }
0x274: {  	p0 =	sne.s32 s0, $0x0;
	s0 =	rddreg [dreg:$0x3]  }
0x275: {  	s0 =	sadd.s32 @!p0 $0x100000, s0  }
0x276: {  	[sflag:s0] =	ssyncadd.tile.s32 @!p0 $0x1;
	_ =	shalt  }
.Lfunc_end2:
_tile_overlayer_lowered:
.L_overlay_start_2:
0x277: {  	(tag) =	ssettag $0x2  }
0x278: {  	s0 =	rddreg [dreg:$0x0];
	s2 =	stileid.u32  }
0x279: {  	s1 =	rddreg [dreg:$0x1];
	p0 =	sne.s32 s2, $0x0  }
0x27a: {  	s3 =	rddreg [dreg:$0x2];
	[bflag:$0x3] =	sbarrier.arrive $0xFFFF;
	s2 =	simm.s32 @!p0 $0x1C03  }
0x27b: {  	[timem:s3], [sflag:s2] =	dma.local @!p0 [hbm:s0], s1  }
0x27c: {  	s0 =	simm.s32 @!p0 $0x3  }
0x27d: {  	_ =	swait.ge @!p0 [sflag:s0], s1  }
0x27e: {  	s1 =	ssub.s32 @!p0 $0x0, s1;
	[sflag:s0] =	ssyncset.done @!p0 $0x0  }
0x27f: {  	[sflag:s0] =	ssyncadd.s32 @!p0 s1  }
0x280: {  	[bflag:$0x3] =	sbarrier.arrive $0xFFFF  }
0x281: {  	_ =	shalt  }

// kernel: kernel.17.cloned.1.call-start
scs
__scs_entry_jumppad:
0x0: {  	(pc) =	sbr.rel $0x88, $3  }
0x1: {  	(tag) =	ssettag $0x0;
	lr =	simm.s32 $0x1  }
0x2: {  	[smem:$0x3F86] =	sst lr;
	_ =	strace $0xD0000000  }
0x3: {  	_ = 	snop  }
0x4: {  	_ = 	snop  }
0x5: {  	_ = 	snop  }
0x6: {  	_ = 	snop  }
0x7: {  	_ = 	snop  }
__scs_overlays_trampoline_lowered:
0x8: {  	[smem:$0x3F95] =	sst s0  }
0x9: {  	[smem:$0x3F96] =	sst s1  }
0xa: {  	[smem:$0x3F97] =	sst s2  }
0xb: {  	[smem:$0x3F98] =	sst s3  }
0xc: {  	[smem:$0x3F99] =	sst s4  }
0xd: {  	[smem:$0x3F9A] =	sst s5  }
0xe: {  	[smem:$0x3F9B] =	sst s6  }
0xf: {  	[smem:$0x3F9C] =	sst s7  }
0x10: {  	[smem:$0x3F9D] =	sst s8  }
0x11: {  	[smem:$0x3F9E] =	sst s9;
	s0 =	simm.s32 @!p0 $0x0  }
0x12: {  	s1 =	sld [smem:$0x3F84];
	s0 =	simm.s32 @p0 $0x1  }
0x13: {  	[smem:$0x3F9F] =	sst s0;
	s0 =	simm.s32 @!p1 $0x0  }
0x14: {  	s2 =	sld [smem:$0x3F83];
	s0 =	simm.s32 @p1 $0x1  }
0x15: {  	[smem:$0x3FA0] =	sst s0;
	s0 =	simm.s32 @!p2 $0x0  }
0x16: {  	s3 =	sld [smem:$0x3FDB];
	s0 =	simm.s32 @p2 $0x1  }
0x17: {  	s4 =	simm.s32 $0x1BF5;
	[smem:$0x3FA2] =	sst s0  }
0x18: {  	s0 =	sld [smem:$0x3F85];
	_ =	swait.ge [sflag:s4], $0x0  }
0x19: {  	s7 =	sld [smem:$0x3F86]  }
0x1a: {  	s8 =	sadd.s32 $0xFFFFE003, lr  }
0x1b: {  	s9 =	sadd.s32 $0xFFFFFEF7, lr;
	s5 =	simm.s32 $0xFFFFFFFF;
	p2 =	slt.u32 s8, $0xFFFFF086  }
0x1c: {  	p1 =	slt.u32 s9, $0xF7A;
	s5 =	simm.s32 @!p2 $0x0  }
0x1d: {  	s5 =	simm.s32 @p1 $0x1;
	p0 =	seq.s32 s7, s2  }
0x1e: {  	s7 =	smul.u32 @!p0 $0xF7A, s2;
	p2 =	seq.s32 @!p0 s5, $0x0  }
0x1f: {  	s9 =	smul.u32 $0xF7A, s1;
	s8 =	simm.s32 @!p0 $0x1BF5;
	p2 =	por !p2, p0  }
0x20: {  	[sflag:s8] =	ssyncset.s32 @!p0 $0xFFFFF086;
	s6 =	sadd.s32 @!p0 s3, s7;
	s7 =	simm.s32 @!p0 $0x108  }
0x21: {  	s3 =	sadd.s32 s3, s9;
	s6 =	sadd.s32 @!p0 $0x88, s6;
	s7 =	simm.s32 @p2 $0x1082  }
0x22: {  	[simem:s7], [sflag:s8] =	dma.local @!p0 [hbm:s6], $0xF7A  }
0x23: {  	s9 =	sor.u32 $0xD0000000, s2;
	s6 =	simm.s32 $0x108;
	_ =	swait.ge @!p0 [sflag:s8], $0x0  }
0x24: {  	s3 =	sadd.s32 $0x88, s3;
	s6 =	simm.s32 @!p1 $0x1082;
	[sflag:s4] =	ssyncset.s32 $0xFFFFF086  }
0x25: {  	[simem:s6], [sflag:s4] =	dma.local [hbm:s3], $0xF7A  }
0x26: {  	[smem:$0x3F86] =	sst s1;
	(tag) =	ssettag s2;
	_ =	strace s9  }
0x27: {  	s1 =	sld [smem:$0x3F96]  }
0x28: {  	s2 =	sld [smem:$0x3F97]  }
0x29: {  	s4 =	sld [smem:$0x3F99]  }
0x2a: {  	p0 =	seq.s32 s5, $0x0;
	s5 =	sld [smem:$0x3F9A]  }
0x2b: {  	s6 =	sld [smem:$0x3F9B]  }
0x2c: {  	s7 =	sld [smem:$0x3F9C]  }
0x2d: {  	s3 =	simm.s32 $0x108;
	s8 =	sld [smem:$0x3F9D]  }
0x2e: {  	s3 =	simm.s32 @!p0 $0x1082;
	s9 =	sld [smem:$0x3F9E]  }
0x2f: {  	lr =	sadd.s32 s0, s3;
	s0 =	sld [smem:$0x3F95]  }
0x30: {  	s3 =	sld [smem:$0x3F98]  }
0x31: {  	[smem:$0x3FA1] =	sst s10  }
0x32: {  	s10 =	sld [smem:$0x3F9F];
	_ =	sdelay $0x3  }
0x33: {  	p0 =	seq.s32 s10, $0x1;
	s10 =	sld [smem:$0x3FA1];
	_ =	sdelay $0x3  }
0x34: {  	[smem:$0x3FA1] =	sst s10  }
0x35: {  	s10 =	sld [smem:$0x3FA0];
	_ =	sdelay $0x3  }
0x36: {  	p1 =	seq.s32 s10, $0x1;
	s10 =	sld [smem:$0x3FA1];
	_ =	sdelay $0x3  }
0x37: {  	[smem:$0x3FA1] =	sst s10  }
0x38: {  	s10 =	sld [smem:$0x3FA2]  }
0x39: {  	_ = 	snop;
	(pc) =	sbr.ind lr, $3  }
0x3a: {  	_ = 	snop  }
0x3b: {  	_ = 	snop  }
0x3c: {  	p2 =	seq.s32 s10, $0x1;
	s10 =	sld [smem:$0x3FA1]  }
0x3d: {  	_ =	shalt  }
0x3e: {  	_ =	shalt  }
0x3f: {  	_ =	shalt  }
0x40: {  	_ =	shalt  }
0x41: {  	_ =	shalt  }
0x42: {  	_ =	shalt  }
0x43: {  	_ =	shalt  }
0x44: {  	_ =	shalt  }
0x45: {  	_ =	shalt  }
0x46: {  	_ =	shalt  }
0x47: {  	_ =	shalt  }
0x48: {  	_ =	shalt  }
0x49: {  	_ =	shalt  }
0x4a: {  	_ =	shalt  }
0x4b: {  	_ =	shalt  }
0x4c: {  	_ =	shalt  }
0x4d: {  	_ =	shalt  }
0x4e: {  	_ =	shalt  }
0x4f: {  	_ =	shalt  }
0x50: {  	_ =	shalt  }
0x51: {  	_ =	shalt  }
0x52: {  	_ =	shalt  }
0x53: {  	_ =	shalt  }
0x54: {  	_ =	shalt  }
0x55: {  	_ =	shalt  }
0x56: {  	_ =	shalt  }
0x57: {  	_ =	shalt  }
0x58: {  	_ =	shalt  }
0x59: {  	_ =	shalt  }
0x5a: {  	_ =	shalt  }
0x5b: {  	_ =	shalt  }
0x5c: {  	_ =	shalt  }
0x5d: {  	_ =	shalt  }
0x5e: {  	_ =	shalt  }
0x5f: {  	_ =	shalt  }
0x60: {  	_ =	shalt  }
0x61: {  	_ =	shalt  }
0x62: {  	_ =	shalt  }
0x63: {  	_ =	shalt  }
0x64: {  	_ =	shalt  }
0x65: {  	_ =	shalt  }
0x66: {  	_ =	shalt  }
0x67: {  	_ =	shalt  }
0x68: {  	_ =	shalt  }
0x69: {  	_ =	shalt  }
0x6a: {  	_ =	shalt  }
0x6b: {  	_ =	shalt  }
0x6c: {  	_ =	shalt  }
0x6d: {  	_ =	shalt  }
0x6e: {  	_ =	shalt  }
0x6f: {  	_ =	shalt  }
0x70: {  	_ =	shalt  }
0x71: {  	_ =	shalt  }
0x72: {  	_ =	shalt  }
0x73: {  	_ =	shalt  }
0x74: {  	_ =	shalt  }
0x75: {  	_ =	shalt  }
0x76: {  	_ =	shalt  }
0x77: {  	_ =	shalt  }
0x78: {  	_ =	shalt  }
0x79: {  	_ =	shalt  }
0x7a: {  	_ =	shalt  }
0x7b: {  	_ =	shalt  }
0x7c: {  	_ =	shalt  }
0x7d: {  	_ =	shalt  }
0x7e: {  	_ =	shalt  }
0x7f: {  	_ =	shalt  }
0x80: {  	_ =	shalt  }
0x81: {  	_ =	shalt  }
0x82: {  	_ =	shalt  }
0x83: {  	_ =	shalt  }
0x84: {  	_ =	shalt  }
0x85: {  	_ =	shalt  }
0x86: {  	_ =	shalt  }
0x87: {  	_ =	shalt  }
.Lfunc_end0:
.L_simem_size_0:
called_computation.2_lowered:
.L_overlay_start_0:
0x88: {  	s2 =	sld [smem:$0x3FD9]  }
0x89: {  	s3 =	sld [smem:$0x3FFE];
	_ =	sdelay $0x1  }
0x8a: {  	s1 =	srdreg.scid  }
0x8b: {  	s0 =	sand.u32 $0x1, s1  }
0x8c: {  	s16 =	sshll.u32 s0, $0xA;
	s2 =	sadd.s32 s3, s2  }
0x8d: {  	s2 =	sadd.s32 s2, s16  }
0x8e: {  	[smem:$0x3FAD] =	sst s2  }
0x8f: {  	_ = 	snop  }
0x90: {  	(tm) =	ssettm $0x1  }
0x91: {  	s17 =	sld [smem:$0x3FFB];
	_ =	sdelay $0x3  }
0x92: {  	_ =	strace s17  }
0x93: {  	s2 =	sld [smem:$0x3FFC];
	_ =	sdelay $0x3  }
0x94: {  	_ =	strace s2  }
0x95: {  	s2 =	sld [smem:$0x3FFD];
	_ =	sdelay $0x3  }
0x96: {  	_ =	strace s2  }
0x97: {  	_ =	strace $0x8FFFFFFF  }
0x98: {  	s18 =	sld [smem:$0x3FDB];
	_ =	sdelay $0x1  }
0x99: {  	s19 =	simm.s32 $_scs_section_size  }
0x9a: {  	s4 =	simm.s32 $_size__tile_overlayer_lowered;
	s5 =	simm.s32 $_tile_overlayer_lowered  }
0x9b: {  	s22 =	simm.s32 $0x1BFF;
	s21 =	sshll.u32 s5, $0x1;
	s2 =	sadd.s32 s19, s18  }
0x9c: {  	s6 =	simm.s32 $0x0;
	s20 =	sshll.u32 s4, $0x1;
	s4 =	sadd.s32 s21, s2  }
0x9d: {  	[timem:s6], [sflag:s22] =	dma.local [hbm:s4], s20  }
0x9e: {  	_ =	swait.ge [sflag:s22], s20  }
0x9f: {  	s3 =	ssub.s32 $0x0, s20;
	[sflag:s22] =	ssyncset.done $0x0  }
0xa0: {  	[sflag:s22] =	ssyncadd.s32 s3;
	_ =	sdelay $0x1  }
0xa1: {  	s23 =	simm.s32 $0x1B8B  }
0xa2: {  	_ =	swait.ge [sflag:s23], $0x1  }
0xa3: {  	[sflag:s23] =	ssyncset.done $0x0  }
0xa4: {  	s25 =	simm.s32 $0x1B8E;
	s24 =	sld [smem:$0x3FFE];
	[sflag:s23] =	ssyncadd.s32 $0xFFFFFFFF  }
0xa5: {  	s26 =	simm.s32 $execute0_lowered;
	[smem:$0x3FD2] =	sst s25  }
0xa6: {  	s4 =	sshll.u32 s26, $0x1;
	_ =	strace $0x8000004C;
	[dreg:$0x1] =	wrdreg $0xFFFFFFFF  }
0xa7: {  	s28 =	simm.s32 $_size_execute0_lowered;
	s2 =	sadd.s32 s2, s4;
	[dreg:$0x0] =	wrdreg $0x0  }
0xa8: {  	s4 =	sshll.u32 s28, $0x1;
	[dreg:$0x2] =	wrdreg s2  }
0xa9: {  	[dreg:$0x3] =	wrdreg s4  }
0xaa: {  	[dreg:$0x4] =	wrdreg $0xC0  }
0xab: {  	_ =	task [dreg:s6], $0x5FFFF  }
0xac: {  	[dreg:$0x1] =	wrdreg $0xFFFFFFFF  }
0xad: {  	[dreg:$0x0] =	wrdreg $0x60  }
0xae: {  	[dreg:$0x2] =	wrdreg s24  }
0xaf: {  	[dreg:$0x3] =	wrdreg $0x9  }
0xb0: {  	_ =	task.clear_ibuf [dreg:s6], $0x4FFFF;
	_ =	strace $0x9000004C  }
0xb1: {  	s29 =	simm.s32 $0x9;
	_ =	strace $0x8000004E  }
0xb2: {  	_ =	swait.ge [sflag:s29], $0x1  }
0xb3: {  	[sflag:s29] =	ssyncadd.s32 $0xFFFFFFFF  }
0xb4: {  	_ =	strace $0x9000004E  }
0xb5: {  	_ =	sfence  }
0xb6: {  	s30 =	sld [smem:$0x0];
	_ =	sdelay $0x2  }
0xb7: {  	s31 =	sshll.u32 s1, $0xD;
	s1 =	sshrl.u32 s1, $0x2  }
0xb8: {  	s3 =	sand.u32 $0x4000, s31;
	s1 =	sadd.s32 s1, s30  }
0xb9: {  	s0 =	sor.u32 s3, s0;
	s1 =	sshll.u32 s1, $0x11  }
0xba: {  	s0 =	sor.u32 s1, s0  }
0xbb: {  	s0 =	sadd.s32 $0x8F2B, s0  }
0xbc: {  	[sflag:s0] =	ssyncadd.remote.s32 $0x1  }
0xbd: {  	_ =	sfence.sel $0xFFFF  }
0xbe: {  	[dreg:$0x0] =	wrdreg $0xFFFFFFFF;
	(pc) =	sbr.abs _section_cstart, $3  }
0xbf: {  	[dreg:$0x1] =	wrdreg $0xFFFFFFFF  }
0xc0: {  	_ =	task.clear_ibuf [dreg:s6], $0x2FFFF;
	_ =	strace $0x9FFFFFFF  }
0xc1: {  	(tm) =	ssettm $0x7FFFFFFF  }
tec
execute0_lowered:
.L_overlay_start_1:
0x0: {  	(tag) =	ssettag $0x1  }
0x1: {  	s1 =	srdreg.scid;
	s0 =	stileid.u32  }
0x2: {  	s19 =	sand.u32 $0x1, s1;
	s30 =	sshll.u32 s0, $0x1  }
0x3: {  	s14 =	rddreg [dreg:$0x0];
	s15 =	sor.u32 s19, s30  }
0x4: {  	s2 =	simm.s32 $0x0;
	s1 =	rddreg [dreg:$0x1];
	s3 =	sshll.u32 s15, $0x7  }
0x5: {  	[smem:$0x7FF] =	sst s2;
	s3 =	sadd.s32 s3, s14  }
0x6: {  	_ =	strace $0x8000004D;
	s4 =	sadd.s32 $0x5000, s3;
	s3 =	simm.s32 $0x2  }
0x7: {  	[tilespmem:s2], [sflag:$0x2] =	stream.linear.gather [hbm4b:s4+s2], $0x400, $0x38;
	[tilespmem:$0x10400] =	vst v63  }
0x8: {  	_ =	swait.ge [sflag:s3], $0x400  }
0x9: {  	s6 =	simm.s32 $0x80;
	[sflag:s3] =	ssyncset.done $0x0  }
0xa: {  	s7 =	simm.s32 $0x400;
	s5 =	sadd.s32 $0x6000, s14;
	[sflag:s3] =	ssyncadd.s32 $0xFFFFFC00  }
0xb: {  	[tilespmem:s7], [sflag:$0x1] =	stream.indirect.gather [hbm4b:s5+s6], $0x80, s2, s6, $0xb8;
	[tilespmem:$0x10400] =	vst v63  }
0xc: {  	s8 =	simm.s32 $0x4400  }
0xd: {  	[tilespmem:s8], [sflag:$0x1] =	stream.indirect.gather [hbm4b:s5+s6], $0x80, s6, s6, $0xb8;
	[tilespmem:$0x10400] =	vst v63  }
0xe: {  	s9 =	simm.s32 $0x100;
	s10 =	simm.s32 $0x8400  }
0xf: {  	[tilespmem:s10], [sflag:$0x1] =	stream.indirect.gather [hbm4b:s5+s6], $0x80, s9, s6, $0xb8;
	[tilespmem:$0x10400] =	vst v63  }
0x10: {  	s11 =	simm.s32 $0x180;
	s12 =	simm.s32 $0xC400;
	s13 =	simm.s32 $0x1  }
0x11: {  	[tilespmem:s12], [sflag:$0x1] =	stream.indirect.gather [hbm4b:s5+s6], $0x80, s11, s6, $0xb8;
	[tilespmem:$0x10400] =	vst v63  }
0x12: {  	_ =	swait.ge [sflag:s13], $0x4000  }
0x13: {  	[sflag:s13] =	ssyncset.done $0x0  }
0x14: {  	[sflag:s13] =	ssyncadd.s32 $0xFFFFC000  }
0x15: {  	_ =	swait.ge [sflag:s13], $0x4000  }
0x16: {  	[sflag:s13] =	ssyncset.done $0x0  }
0x17: {  	[sflag:s13] =	ssyncadd.s32 $0xFFFFC000  }
0x18: {  	_ =	swait.ge [sflag:s13], $0x4000  }
0x19: {  	[sflag:s13] =	ssyncset.done $0x0  }
0x1a: {  	[sflag:s13] =	ssyncadd.s32 $0xFFFFC000  }
0x1b: {  	s15 =	sshll.u32 s15, $0xE;
	_ =	swait.ge [sflag:s13], $0x4000  }
0x1c: {  	s20 =	sadd.s32 s15, s14;
	[sflag:s13] =	ssyncset.done $0x0  }
0x1d: {  	s14 =	sadd.s32 $0x46000, s20;
	[sflag:s13] =	ssyncadd.s32 $0xFFFFC000  }
0x1e: {  	[hbm4b:s14+s2] =	stream.linear.scatter [tilespmem:s7], [sflag:$0x2], $0x10000, $0x38;
	[tilespmem:$0x10400] =	vst v63  }
0x1f: {  	_ =	swait.ge [sflag:s3], $0x10000  }
0x20: {  	[sflag:s3] =	ssyncset.done $0x0  }
0x21: {  	s15 =	simm.s32 $0x200;
	[sflag:s3] =	ssyncadd.s32 $0xFFFF0000  }
0x22: {  	[tilespmem:s7], [sflag:$0x1] =	stream.indirect.gather [hbm4b:s5+s6], $0x80, s15, s6, $0xb8;
	[tilespmem:$0x10400] =	vst v63  }
0x23: {  	s16 =	simm.s32 $0x280  }
0x24: {  	[tilespmem:s8], [sflag:$0x1] =	stream.indirect.gather [hbm4b:s5+s6], $0x80, s16, s6, $0xb8;
	[tilespmem:$0x10400] =	vst v63  }
0x25: {  	s17 =	simm.s32 $0x300  }
0x26: {  	[tilespmem:s10], [sflag:$0x1] =	stream.indirect.gather [hbm4b:s5+s6], $0x80, s17, s6, $0xb8;
	[tilespmem:$0x10400] =	vst v63  }
0x27: {  	s18 =	simm.s32 $0x380  }
0x28: {  	[tilespmem:s12], [sflag:$0x1] =	stream.indirect.gather [hbm4b:s5+s6], $0x80, s18, s6, $0xb8;
	[tilespmem:$0x10400] =	vst v63  }
0x29: {  	_ =	swait.ge [sflag:s13], $0x4000  }
0x2a: {  	[sflag:s13] =	ssyncset.done $0x0  }
0x2b: {  	[sflag:s13] =	ssyncadd.s32 $0xFFFFC000  }
0x2c: {  	_ =	swait.ge [sflag:s13], $0x4000  }
0x2d: {  	[sflag:s13] =	ssyncset.done $0x0  }
0x2e: {  	s19 =	ssub.s32 $0x2, s19;
	[sflag:s13] =	ssyncadd.s32 $0xFFFFC000  }
0x2f: {  	s21 =	sshrl.u32 s19, $0x1;
	_ =	swait.ge [sflag:s13], $0x4000  }
0x30: {  	s21 =	ssub.s32 s19, s21;
	[sflag:s13] =	ssyncset.done $0x0  }
0x31: {  	s31 =	smax.u32 s21, $0x1;
	[sflag:s13] =	ssyncadd.s32 $0xFFFFC000  }
0x32: {  	p0 =	sne.s32 s31, $0x1;
	_ =	swait.ge [sflag:s13], $0x4000  }
.Ltmp0:
0x33: {  	[sflag:s13] =	ssyncset.done $0x0;
	(pc) =	sbr.rel @!p0 .LBB2_2-.Ltmp0, $4  }
0x34: {  	s19 =	sadd.s32 $0x48000, s20;
	[sflag:s13] =	ssyncadd.s32 $0xFFFFC000  }
0x35: {  	[hbm4b:s19+s2] =	stream.linear.scatter [tilespmem:s7], [sflag:$0x2], $0x10000, $0x38;
	[tilespmem:$0x10400] =	vst v63  }
0x36: {  	_ =	swait.ge [sflag:s3], $0x10000  }
0x37: {  	s20 =	sadd.s32 $0xFFFFFFFF, s31;
	[sflag:s3] =	ssyncset.done $0x0  }
.LBB2_1:
0x38: {  	p0 =	sne.s32 s20, $0x1;
	s20 =	sadd.s32 $0xFFFFFFFF, s20;
	[sflag:s3] =	ssyncadd.s32 $0xFFFF0000  }
0x39: {  	[tilespmem:s2], [sflag:$0x2] =	stream.linear.gather [hbm4b:s4+s2], $0x400, $0x38;
	[tilespmem:$0x10400] =	vst v63  }
0x3a: {  	_ =	swait.ge [sflag:s3], $0x400  }
0x3b: {  	[sflag:s3] =	ssyncset.done $0x0  }
0x3c: {  	[sflag:s3] =	ssyncadd.s32 $0xFFFFFC00  }
0x3d: {  	[tilespmem:s7], [sflag:$0x1] =	stream.indirect.gather [hbm4b:s5+s6], $0x80, s2, s6, $0xb8;
	[tilespmem:$0x10400] =	vst v63  }
0x3e: {  	_ = 	snop  }
0x3f: {  	[tilespmem:s8], [sflag:$0x1] =	stream.indirect.gather [hbm4b:s5+s6], $0x80, s6, s6, $0xb8;
	[tilespmem:$0x10400] =	vst v63  }
0x40: {  	_ = 	snop  }
0x41: {  	[tilespmem:s10], [sflag:$0x1] =	stream.indirect.gather [hbm4b:s5+s6], $0x80, s9, s6, $0xb8;
	[tilespmem:$0x10400] =	vst v63  }
0x42: {  	_ = 	snop  }
0x43: {  	[tilespmem:s12], [sflag:$0x1] =	stream.indirect.gather [hbm4b:s5+s6], $0x80, s11, s6, $0xb8;
	[tilespmem:$0x10400] =	vst v63  }
0x44: {  	_ =	swait.ge [sflag:s13], $0x4000  }
0x45: {  	[sflag:s13] =	ssyncset.done $0x0  }
0x46: {  	[sflag:s13] =	ssyncadd.s32 $0xFFFFC000  }
0x47: {  	_ =	swait.ge [sflag:s13], $0x4000  }
0x48: {  	[sflag:s13] =	ssyncset.done $0x0  }
0x49: {  	[sflag:s13] =	ssyncadd.s32 $0xFFFFC000  }
0x4a: {  	_ =	swait.ge [sflag:s13], $0x4000  }
0x4b: {  	[sflag:s13] =	ssyncset.done $0x0  }
0x4c: {  	[sflag:s13] =	ssyncadd.s32 $0xFFFFC000  }
0x4d: {  	_ =	swait.ge [sflag:s13], $0x4000  }
0x4e: {  	[sflag:s13] =	ssyncset.done $0x0  }
0x4f: {  	[sflag:s13] =	ssyncadd.s32 $0xFFFFC000  }
0x50: {  	[hbm4b:s14+s2] =	stream.linear.scatter [tilespmem:s7], [sflag:$0x2], $0x10000, $0x38;
	[tilespmem:$0x10400] =	vst v63  }
0x51: {  	_ =	swait.ge [sflag:s3], $0x10000  }
0x52: {  	[sflag:s3] =	ssyncset.done $0x0  }
0x53: {  	[sflag:s3] =	ssyncadd.s32 $0xFFFF0000  }
0x54: {  	[tilespmem:s7], [sflag:$0x1] =	stream.indirect.gather [hbm4b:s5+s6], $0x80, s15, s6, $0xb8;
	[tilespmem:$0x10400] =	vst v63  }
0x55: {  	_ = 	snop  }
0x56: {  	[tilespmem:s8], [sflag:$0x1] =	stream.indirect.gather [hbm4b:s5+s6], $0x80, s16, s6, $0xb8;
	[tilespmem:$0x10400] =	vst v63  }
0x57: {  	_ = 	snop  }
0x58: {  	[tilespmem:s10], [sflag:$0x1] =	stream.indirect.gather [hbm4b:s5+s6], $0x80, s17, s6, $0xb8;
	[tilespmem:$0x10400] =	vst v63  }
0x59: {  	_ = 	snop  }
0x5a: {  	[tilespmem:s12], [sflag:$0x1] =	stream.indirect.gather [hbm4b:s5+s6], $0x80, s18, s6, $0xb8;
	[tilespmem:$0x10400] =	vst v63  }
0x5b: {  	_ =	swait.ge [sflag:s13], $0x4000  }
0x5c: {  	[sflag:s13] =	ssyncset.done $0x0  }
0x5d: {  	[sflag:s13] =	ssyncadd.s32 $0xFFFFC000  }
0x5e: {  	_ =	swait.ge [sflag:s13], $0x4000  }
0x5f: {  	[sflag:s13] =	ssyncset.done $0x0  }
0x60: {  	[sflag:s13] =	ssyncadd.s32 $0xFFFFC000  }
0x61: {  	_ =	swait.ge [sflag:s13], $0x4000  }
0x62: {  	[sflag:s13] =	ssyncset.done $0x0  }
0x63: {  	[sflag:s13] =	ssyncadd.s32 $0xFFFFC000  }
0x64: {  	_ =	swait.ge [sflag:s13], $0x4000  }
.Ltmp1:
0x65: {  	[sflag:s13] =	ssyncset.done $0x0;
	(pc) =	sbr.rel @p0 .LBB2_1-.Ltmp1, $4  }
0x66: {  	[sflag:s13] =	ssyncadd.s32 $0xFFFFC000  }
0x67: {  	[hbm4b:s19+s2] =	stream.linear.scatter [tilespmem:s7], [sflag:$0x2], $0x10000, $0x38;
	[tilespmem:$0x10400] =	vst v63  }
0x68: {  	_ =	swait.ge [sflag:s3], $0x10000  }
0x69: {  	[sflag:s3] =	ssyncset.done $0x0  }
.LBB2_2:
0x6a: {  	[sflag:s3] =	ssyncadd.s32 $0xFFFF0000  }
0x6b: {  	_ =	sfence.sel $0x180000  }
0x6c: {  	[bflag:$0x0] =	sbarrier.arrive $0xFFFF  }
0x6d: {  	p0 =	sne.s32 s0, $0x0;
	_ =	strace $0x9000004D  }
0x6e: {  	s0 =	sadd.s32 @!p0 $0x100000, s1;
	[bflag:$0x2] =	sbarrier.arrive $0xFFFF  }
0x6f: {  	[sflag:s0] =	ssyncadd.tile.s32 @!p0 $0x1;
	_ =	shalt  }
.Lfunc_end2:
_tile_overlayer_lowered:
.L_overlay_start_2:
0x70: {  	(tag) =	ssettag $0x2  }
0x71: {  	s0 =	rddreg [dreg:$0x0];
	s2 =	stileid.u32  }
0x72: {  	s1 =	rddreg [dreg:$0x1];
	p0 =	sne.s32 s2, $0x0  }
0x73: {  	s3 =	rddreg [dreg:$0x2];
	[bflag:$0x3] =	sbarrier.arrive $0xFFFF;
	s2 =	simm.s32 @!p0 $0x1C02  }
0x74: {  	[timem:s3], [sflag:s2] =	dma.local @!p0 [hbm:s0], s1  }
0x75: {  	s0 =	simm.s32 @!p0 $0x2  }
0x76: {  	_ =	swait.ge @!p0 [sflag:s0], s1  }
0x77: {  	s1 =	ssub.s32 @!p0 $0x0, s1;
	[sflag:s0] =	ssyncset.done @!p0 $0x0  }
0x78: {  	[sflag:s0] =	ssyncadd.s32 @!p0 s1  }
0x79: {  	[bflag:$0x3] =	sbarrier.arrive $0xFFFF  }
0x7a: {  	_ =	shalt  }

// kernel: kernel.20.cloned.1.call-start
scs
__scs_entry_jumppad:
0x0: {  	(pc) =	sbr.rel $0x88, $3  }
0x1: {  	(tag) =	ssettag $0x0;
	lr =	simm.s32 $0x1  }
0x2: {  	[smem:$0x3F86] =	sst lr;
	_ =	strace $0xD0000000  }
0x3: {  	_ = 	snop  }
0x4: {  	_ = 	snop  }
0x5: {  	_ = 	snop  }
0x6: {  	_ = 	snop  }
0x7: {  	_ = 	snop  }
__scs_overlays_trampoline_lowered:
0x8: {  	[smem:$0x3F95] =	sst s0  }
0x9: {  	[smem:$0x3F96] =	sst s1  }
0xa: {  	[smem:$0x3F97] =	sst s2  }
0xb: {  	[smem:$0x3F98] =	sst s3  }
0xc: {  	[smem:$0x3F99] =	sst s4  }
0xd: {  	[smem:$0x3F9A] =	sst s5  }
0xe: {  	[smem:$0x3F9B] =	sst s6  }
0xf: {  	[smem:$0x3F9C] =	sst s7  }
0x10: {  	[smem:$0x3F9D] =	sst s8  }
0x11: {  	[smem:$0x3F9E] =	sst s9;
	s0 =	simm.s32 @!p0 $0x0  }
0x12: {  	s1 =	sld [smem:$0x3F84];
	s0 =	simm.s32 @p0 $0x1  }
0x13: {  	[smem:$0x3F9F] =	sst s0;
	s0 =	simm.s32 @!p1 $0x0  }
0x14: {  	s2 =	sld [smem:$0x3F83];
	s0 =	simm.s32 @p1 $0x1  }
0x15: {  	[smem:$0x3FA0] =	sst s0;
	s0 =	simm.s32 @!p2 $0x0  }
0x16: {  	s3 =	sld [smem:$0x3FDB];
	s0 =	simm.s32 @p2 $0x1  }
0x17: {  	s4 =	simm.s32 $0x1BF5;
	[smem:$0x3FA2] =	sst s0  }
0x18: {  	s0 =	sld [smem:$0x3F85];
	_ =	swait.ge [sflag:s4], $0x0  }
0x19: {  	s7 =	sld [smem:$0x3F86]  }
0x1a: {  	s8 =	sadd.s32 $0xFFFFE003, lr  }
0x1b: {  	s9 =	sadd.s32 $0xFFFFFEF7, lr;
	s5 =	simm.s32 $0xFFFFFFFF;
	p2 =	slt.u32 s8, $0xFFFFF086  }
0x1c: {  	p1 =	slt.u32 s9, $0xF7A;
	s5 =	simm.s32 @!p2 $0x0  }
0x1d: {  	s5 =	simm.s32 @p1 $0x1;
	p0 =	seq.s32 s7, s2  }
0x1e: {  	s7 =	smul.u32 @!p0 $0xF7A, s2;
	p2 =	seq.s32 @!p0 s5, $0x0  }
0x1f: {  	s9 =	smul.u32 $0xF7A, s1;
	s8 =	simm.s32 @!p0 $0x1BF5;
	p2 =	por !p2, p0  }
0x20: {  	[sflag:s8] =	ssyncset.s32 @!p0 $0xFFFFF086;
	s6 =	sadd.s32 @!p0 s3, s7;
	s7 =	simm.s32 @!p0 $0x108  }
0x21: {  	s3 =	sadd.s32 s3, s9;
	s6 =	sadd.s32 @!p0 $0x88, s6;
	s7 =	simm.s32 @p2 $0x1082  }
0x22: {  	[simem:s7], [sflag:s8] =	dma.local @!p0 [hbm:s6], $0xF7A  }
0x23: {  	s9 =	sor.u32 $0xD0000000, s2;
	s6 =	simm.s32 $0x108;
	_ =	swait.ge @!p0 [sflag:s8], $0x0  }
0x24: {  	s3 =	sadd.s32 $0x88, s3;
	s6 =	simm.s32 @!p1 $0x1082;
	[sflag:s4] =	ssyncset.s32 $0xFFFFF086  }
0x25: {  	[simem:s6], [sflag:s4] =	dma.local [hbm:s3], $0xF7A  }
0x26: {  	[smem:$0x3F86] =	sst s1;
	(tag) =	ssettag s2;
	_ =	strace s9  }
0x27: {  	s1 =	sld [smem:$0x3F96]  }
0x28: {  	s2 =	sld [smem:$0x3F97]  }
0x29: {  	s4 =	sld [smem:$0x3F99]  }
0x2a: {  	p0 =	seq.s32 s5, $0x0;
	s5 =	sld [smem:$0x3F9A]  }
0x2b: {  	s6 =	sld [smem:$0x3F9B]  }
0x2c: {  	s7 =	sld [smem:$0x3F9C]  }
0x2d: {  	s3 =	simm.s32 $0x108;
	s8 =	sld [smem:$0x3F9D]  }
0x2e: {  	s3 =	simm.s32 @!p0 $0x1082;
	s9 =	sld [smem:$0x3F9E]  }
0x2f: {  	lr =	sadd.s32 s0, s3;
	s0 =	sld [smem:$0x3F95]  }
0x30: {  	s3 =	sld [smem:$0x3F98]  }
0x31: {  	[smem:$0x3FA1] =	sst s10  }
0x32: {  	s10 =	sld [smem:$0x3F9F];
	_ =	sdelay $0x3  }
0x33: {  	p0 =	seq.s32 s10, $0x1;
	s10 =	sld [smem:$0x3FA1];
	_ =	sdelay $0x3  }
0x34: {  	[smem:$0x3FA1] =	sst s10  }
0x35: {  	s10 =	sld [smem:$0x3FA0];
	_ =	sdelay $0x3  }
0x36: {  	p1 =	seq.s32 s10, $0x1;
	s10 =	sld [smem:$0x3FA1];
	_ =	sdelay $0x3  }
0x37: {  	[smem:$0x3FA1] =	sst s10  }
0x38: {  	s10 =	sld [smem:$0x3FA2]  }
0x39: {  	_ = 	snop;
	(pc) =	sbr.ind lr, $3  }
0x3a: {  	_ = 	snop  }
0x3b: {  	_ = 	snop  }
0x3c: {  	p2 =	seq.s32 s10, $0x1;
	s10 =	sld [smem:$0x3FA1]  }
0x3d: {  	_ =	shalt  }
0x3e: {  	_ =	shalt  }
0x3f: {  	_ =	shalt  }
0x40: {  	_ =	shalt  }
0x41: {  	_ =	shalt  }
0x42: {  	_ =	shalt  }
0x43: {  	_ =	shalt  }
0x44: {  	_ =	shalt  }
0x45: {  	_ =	shalt  }
0x46: {  	_ =	shalt  }
0x47: {  	_ =	shalt  }
0x48: {  	_ =	shalt  }
0x49: {  	_ =	shalt  }
0x4a: {  	_ =	shalt  }
0x4b: {  	_ =	shalt  }
0x4c: {  	_ =	shalt  }
0x4d: {  	_ =	shalt  }
0x4e: {  	_ =	shalt  }
0x4f: {  	_ =	shalt  }
0x50: {  	_ =	shalt  }
0x51: {  	_ =	shalt  }
0x52: {  	_ =	shalt  }
0x53: {  	_ =	shalt  }
0x54: {  	_ =	shalt  }
0x55: {  	_ =	shalt  }
0x56: {  	_ =	shalt  }
0x57: {  	_ =	shalt  }
0x58: {  	_ =	shalt  }
0x59: {  	_ =	shalt  }
0x5a: {  	_ =	shalt  }
0x5b: {  	_ =	shalt  }
0x5c: {  	_ =	shalt  }
0x5d: {  	_ =	shalt  }
0x5e: {  	_ =	shalt  }
0x5f: {  	_ =	shalt  }
0x60: {  	_ =	shalt  }
0x61: {  	_ =	shalt  }
0x62: {  	_ =	shalt  }
0x63: {  	_ =	shalt  }
0x64: {  	_ =	shalt  }
0x65: {  	_ =	shalt  }
0x66: {  	_ =	shalt  }
0x67: {  	_ =	shalt  }
0x68: {  	_ =	shalt  }
0x69: {  	_ =	shalt  }
0x6a: {  	_ =	shalt  }
0x6b: {  	_ =	shalt  }
0x6c: {  	_ =	shalt  }
0x6d: {  	_ =	shalt  }
0x6e: {  	_ =	shalt  }
0x6f: {  	_ =	shalt  }
0x70: {  	_ =	shalt  }
0x71: {  	_ =	shalt  }
0x72: {  	_ =	shalt  }
0x73: {  	_ =	shalt  }
0x74: {  	_ =	shalt  }
0x75: {  	_ =	shalt  }
0x76: {  	_ =	shalt  }
0x77: {  	_ =	shalt  }
0x78: {  	_ =	shalt  }
0x79: {  	_ =	shalt  }
0x7a: {  	_ =	shalt  }
0x7b: {  	_ =	shalt  }
0x7c: {  	_ =	shalt  }
0x7d: {  	_ =	shalt  }
0x7e: {  	_ =	shalt  }
0x7f: {  	_ =	shalt  }
0x80: {  	_ =	shalt  }
0x81: {  	_ =	shalt  }
0x82: {  	_ =	shalt  }
0x83: {  	_ =	shalt  }
0x84: {  	_ =	shalt  }
0x85: {  	_ =	shalt  }
0x86: {  	_ =	shalt  }
0x87: {  	_ =	shalt  }
.Lfunc_end0:
.L_simem_size_0:
called_computation.3_lowered:
.L_overlay_start_0:
0x88: {  	s2 =	sld [smem:$0x3FD9]  }
0x89: {  	s3 =	sld [smem:$0x3FFE];
	_ =	sdelay $0x1  }
0x8a: {  	s1 =	srdreg.scid  }
0x8b: {  	s0 =	sand.u32 $0x1, s1  }
0x8c: {  	s17 =	sshll.u32 s0, $0xA;
	s2 =	sadd.s32 s3, s2  }
0x8d: {  	s2 =	sadd.s32 s2, s17  }
0x8e: {  	[smem:$0x3FAD] =	sst s2  }
0x8f: {  	_ = 	snop  }
0x90: {  	s2 =	sld [smem:$0x3FD0];
	(tm) =	ssettm $0x1  }
0x91: {  	s18 =	sld [smem:$0x3FFB];
	_ =	sdelay $0x3  }
0x92: {  	_ =	strace s18  }
0x93: {  	s3 =	sld [smem:$0x3FFC];
	_ =	sdelay $0x3  }
0x94: {  	_ =	strace s3  }
0x95: {  	s3 =	sld [smem:$0x3FFD];
	_ =	sdelay $0x3  }
0x96: {  	_ =	strace s3  }
0x97: {  	_ =	strace $0x8FFFFFFF  }
0x98: {  	s19 =	sld [smem:$0x3FDB];
	_ =	sdelay $0x1  }
0x99: {  	s4 =	simm.s32 $_scs_section_size  }
0x9a: {  	s5 =	simm.s32 $_size__tile_overlayer_lowered;
	s6 =	simm.s32 $_tile_overlayer_lowered  }
0x9b: {  	s22 =	simm.s32 $0x1BFF;
	s21 =	sshll.u32 s6, $0x1;
	s3 =	sadd.s32 s4, s19  }
0x9c: {  	s7 =	simm.s32 $0x0;
	s20 =	sshll.u32 s5, $0x1;
	s5 =	sadd.s32 s21, s3  }
0x9d: {  	[timem:s7], [sflag:s22] =	dma.local [hbm:s5], s20  }
0x9e: {  	_ =	swait.ge [sflag:s22], s20  }
0x9f: {  	s4 =	ssub.s32 $0x0, s20;
	[sflag:s22] =	ssyncset.done $0x0  }
0xa0: {  	[sflag:s22] =	ssyncadd.s32 s4;
	_ =	sdelay $0x1  }
0xa1: {  	s23 =	simm.s32 $0x1B8B  }
0xa2: {  	_ =	swait.ge [sflag:s23], $0x1  }
0xa3: {  	[sflag:s23] =	ssyncset.done $0x0  }
0xa4: {  	s25 =	simm.s32 $0x1B8E;
	s24 =	sld [smem:$0x3FFE];
	[sflag:s23] =	ssyncadd.s32 $0xFFFFFFFF  }
0xa5: {  	s26 =	simm.s32 $execute0_lowered;
	[smem:$0x3FD2] =	sst s25  }
0xa6: {  	s5 =	sshll.u32 s26, $0x1;
	_ =	strace $0x8000004F;
	[dreg:$0x1] =	wrdreg $0xFFFFFFFF  }
0xa7: {  	s28 =	simm.s32 $_size_execute0_lowered;
	s3 =	sadd.s32 s3, s5;
	[dreg:$0x0] =	wrdreg $0x0  }
0xa8: {  	s5 =	sshll.u32 s28, $0x1;
	[dreg:$0x2] =	wrdreg s3  }
0xa9: {  	[dreg:$0x3] =	wrdreg s5  }
0xaa: {  	[dreg:$0x4] =	wrdreg $0xC0  }
0xab: {  	_ =	task [dreg:s7], $0x5FFFF  }
0xac: {  	[dreg:$0x1] =	wrdreg $0xFFFFFFFF  }
0xad: {  	[dreg:$0x0] =	wrdreg $0x60  }
0xae: {  	[dreg:$0x2] =	wrdreg s24  }
0xaf: {  	[dreg:$0x3] =	wrdreg s2  }
0xb0: {  	[dreg:$0x4] =	wrdreg $0x108000  }
0xb1: {  	[dreg:$0x5] =	wrdreg $0x9  }
0xb2: {  	_ =	task.clear_ibuf [dreg:s7], $0x6FFFF;
	_ =	strace $0x9000004F  }
0xb3: {  	s29 =	simm.s32 $0x9;
	_ =	strace $0x80000051  }
0xb4: {  	_ =	swait.ge [sflag:s29], $0x1  }
0xb5: {  	[sflag:s29] =	ssyncadd.s32 $0xFFFFFFFF  }
0xb6: {  	_ =	strace $0x90000051  }
0xb7: {  	_ =	sfence  }
0xb8: {  	s30 =	sld [smem:$0x0];
	_ =	sdelay $0x2  }
0xb9: {  	s31 =	sshll.u32 s1, $0xD;
	s1 =	sshrl.u32 s1, $0x2  }
0xba: {  	s3 =	sand.u32 $0x4000, s31;
	s1 =	sadd.s32 s1, s30  }
0xbb: {  	s0 =	sor.u32 s3, s0;
	s1 =	sshll.u32 s1, $0x11  }
0xbc: {  	s0 =	sor.u32 s1, s0  }
0xbd: {  	s0 =	sadd.s32 $0x8F2B, s0  }
0xbe: {  	[sflag:s0] =	ssyncadd.remote.s32 $0x1  }
0xbf: {  	_ =	sfence.sel $0xFFFF  }
0xc0: {  	[dreg:$0x0] =	wrdreg $0xFFFFFFFF;
	(pc) =	sbr.abs _section_cstart, $3  }
0xc1: {  	[dreg:$0x1] =	wrdreg $0xFFFFFFFF  }
0xc2: {  	_ =	task.clear_ibuf [dreg:s7], $0x2FFFF;
	_ =	strace $0x9FFFFFFF  }
0xc3: {  	(tm) =	ssettm $0x7FFFFFFF  }
tec
execute0_lowered:
.L_overlay_start_1:
0x0: {  	(tag) =	ssettag $0x1  }
0x1: {  	s0 =	rddreg [dreg:$0x0]  }
0x2: {  	s1 =	rddreg [dreg:$0x1]  }
0x3: {  	s2 =	rddreg [dreg:$0x2]  }
0x4: {  	s3 =	simm.s32 $0x0;
	s10 =	stileid.u32;
	s4 =	srdreg.scid  }
0x5: {  	s28 =	simm.s32 $0x3;
	[smem:$0x7FF] =	sst s3;
	s22 =	sshll.u32 s10, $0xF  }
0x6: {  	s4 =	sand.u32 $0x1, s4;
	s5 =	smul.u32 $0x20200, s10;
	s25 =	sadd.s32 $0x146000, s0  }
0x7: {  	s6 =	sshll.u32 s10, $0xB;
	s8 =	sadd.s32 $0xC6000, s0;
	s16 =	sshll.u32 s10, $0x6  }
0x8: {  	_ =	strace $0x80000050;
	[dreg:$0x1c] =	wrdreg s4;
	s7 =	sshll.u32 s4, $0x10  }
0x9: {  	s17 =	sshll.u32 s4, $0x14;
	s11 =	sshllo.u32 s4, $0x1;
	s5 =	sshrl.u32 s5, $0x2  }
0xa: {  	s7 =	sor.u32 s6, s7;
	s18 =	sor.u32 s22, s17;
	s19 =	sshll.u32 s11, $0xF  }
0xb: {  	s20 =	sshll.u32 s11, $0x13;
	s7 =	sshrl.u32 s7, $0x3;
	s6 =	sor.u32 s6, s19  }
0xc: {  	s10 =	sor.u32 s22, s20;
	s7 =	sadd.s32 s1, s7;
	s6 =	sshrl.u32 s6, $0x3  }
0xd: {  	s21 =	sshrl.u32 s10, $0x3;
	[dreg:$0x4] =	wrdreg s7;
	s1 =	sadd.s32 s1, s6  }
0xe: {  	s7 =	sshrl.u32 s18, $0x3;
	s24 =	sadd.s32 s8, s21;
	[dreg:$0x6] =	wrdreg s1  }
0xf: {  	s9 =	sadd.s32 s5, s2;
	s7 =	sadd.s32 s8, s7;
	[dreg:$0x7] =	wrdreg s24  }
0x10: {  	s23 =	sor.u32 $0x1C03, s16;
	s21 =	sshrl.u32 s9, $0x3;
	[dreg:$0x5] =	wrdreg s7  }
0x11: {  	[spmem:s21], [sflag:s23] =	dma.local [hbm:s25], $0x1010  }
0x12: {  	_ =	swait.ge [sflag:s28], $0x1010  }
0x13: {  	[sflag:s28] =	ssyncset.done $0x0  }
0x14: {  	[sflag:s28] =	ssyncadd.s32 $0xFFFFEFF0  }
0x15: {  	[bflag:$0x0] =	sbarrier.arrive $0xFFFF  }
0x16: {  	s26 =	rddreg [dreg:$0x4]  }
0x17: {  	[tilespmem:s3], [sflag:$0x3] =	stream.linear.gather [hbm4b:s26+s3], $0x800, $0x38;
	[tilespmem:$0x18880] =	vst v63  }
0x18: {  	_ =	swait.ge [sflag:s28], $0x800  }
0x19: {  	s26 =	sadd.s32 s22, s0;
	[sflag:s28] =	ssyncset.done $0x0  }
0x1a: {  	s11 =	simm.s32 $0x800;
	s8 =	sadd.s32 $0x46000, s26;
	[sflag:s28] =	ssyncadd.s32 $0xFFFFF800  }
0x1b: {  	[tilespmem:s11], [sflag:$0x1] =	stream.linear.gather [hbm4b:s8+s3], $0x4000, $0x38;
	[tilespmem:$0x18880] =	vst v63  }
0x1c: {  	s13 =	simm.s32 $0x4800;
	s10 =	sadd.s32 $0x46800, s26  }
0x1d: {  	[tilespmem:s13], [sflag:$0x1] =	stream.linear.gather [hbm4b:s10+s3], $0x4000, $0x38;
	[tilespmem:$0x18880] =	vst v63  }
0x1e: {  	s14 =	simm.s32 $0x1;
	s17 =	simm.s32 $0x8800;
	s12 =	sadd.s32 $0x47000, s26  }
0x1f: {  	[tilespmem:s17], [sflag:$0x1] =	stream.linear.gather [hbm4b:s12+s3], $0x4000, $0x38;
	[tilespmem:$0x18880] =	vst v63  }
0x20: {  	_ =	swait.ge [sflag:s14], $0x4000  }
0x21: {  	[sflag:s14] =	ssyncset.done $0x0  }
0x22: {  	s15 =	simm.s32 $0x80;
	[sflag:s14] =	ssyncadd.s32 $0xFFFFC000  }
0x23: {  	[spmem:s2] =	stream.indirect.scatter.add.f32 [tilespmem:s11], [sflag:$0x2], $0x80, s3, s15, $0xb8;
	[tilespmem:$0x18880] =	vst v63  }
0x24: {  	s7 =	simm.s32 $0xC800;
	s16 =	sadd.s32 $0x47800, s26  }
0x25: {  	[tilespmem:s7], [sflag:$0x1] =	stream.linear.gather [hbm4b:s16+s3], $0x4000, $0x38;
	[tilespmem:$0x18880] =	vst v63  }
0x26: {  	_ =	swait.ge [sflag:s14], $0x4000  }
0x27: {  	[sflag:s14] =	ssyncset.done $0x0  }
0x28: {  	s18 =	simm.s32 $0x2;
	[sflag:s14] =	ssyncadd.s32 $0xFFFFC000  }
0x29: {  	[spmem:s2] =	stream.indirect.scatter.add.f32 [tilespmem:s13], [sflag:$0x2], $0x80, s15, s15, $0xb8;
	[tilespmem:$0x18880] =	vst v63  }
0x2a: {  	_ =	swait.ge [sflag:s18], $0x4000  }
0x2b: {  	[sflag:s18] =	ssyncset.done $0x0  }
0x2c: {  	s19 =	sadd.s32 $0x48000, s26;
	[sflag:s18] =	ssyncadd.s32 $0xFFFFC000  }
0x2d: {  	[tilespmem:s11], [sflag:$0x1] =	stream.linear.gather [hbm4b:s19+s3], $0x4000, $0x38;
	[tilespmem:$0x18880] =	vst v63  }
0x2e: {  	_ =	swait.ge [sflag:s14], $0x4000  }
0x2f: {  	[sflag:s14] =	ssyncset.done $0x0  }
0x30: {  	s29 =	simm.s32 $0x100;
	[sflag:s14] =	ssyncadd.s32 $0xFFFFC000  }
0x31: {  	[spmem:s2] =	stream.indirect.scatter.add.f32 [tilespmem:s17], [sflag:$0x2], $0x80, s29, s15, $0xb8;
	[tilespmem:$0x18880] =	vst v63  }
0x32: {  	_ =	swait.ge [sflag:s18], $0x4000  }
0x33: {  	[sflag:s18] =	ssyncset.done $0x0  }
0x34: {  	s9 =	sadd.s32 $0x48800, s26;
	[sflag:s18] =	ssyncadd.s32 $0xFFFFC000  }
0x35: {  	[tilespmem:s13], [sflag:$0x1] =	stream.linear.gather [hbm4b:s9+s3], $0x4000, $0x38;
	[tilespmem:$0x18880] =	vst v63  }
0x36: {  	_ =	swait.ge [sflag:s14], $0x4000  }
0x37: {  	[sflag:s14] =	ssyncset.done $0x0  }
0x38: {  	s30 =	simm.s32 $0x180;
	[sflag:s14] =	ssyncadd.s32 $0xFFFFC000  }
0x39: {  	[spmem:s2] =	stream.indirect.scatter.add.f32 [tilespmem:s7], [sflag:$0x2], $0x80, s30, s15, $0xb8;
	[tilespmem:$0x18880] =	vst v63  }
0x3a: {  	_ =	swait.ge [sflag:s18], $0x4000  }
0x3b: {  	[sflag:s18] =	ssyncset.done $0x0  }
0x3c: {  	s24 =	sadd.s32 $0x49000, s26;
	[sflag:s18] =	ssyncadd.s32 $0xFFFFC000  }
0x3d: {  	[tilespmem:s17], [sflag:$0x1] =	stream.linear.gather [hbm4b:s24+s3], $0x4000, $0x38;
	[tilespmem:$0x18880] =	vst v63  }
0x3e: {  	_ =	swait.ge [sflag:s14], $0x4000  }
0x3f: {  	[sflag:s14] =	ssyncset.done $0x0  }
0x40: {  	s1 =	simm.s32 $0x200;
	[sflag:s14] =	ssyncadd.s32 $0xFFFFC000  }
0x41: {  	[spmem:s2] =	stream.indirect.scatter.add.f32 [tilespmem:s11], [sflag:$0x2], $0x80, s1, s15, $0xb8;
	[tilespmem:$0x18880] =	vst v63  }
0x42: {  	_ =	swait.ge [sflag:s18], $0x4000  }
0x43: {  	[sflag:s18] =	ssyncset.done $0x0  }
0x44: {  	s20 =	sadd.s32 $0x49800, s26;
	[sflag:s18] =	ssyncadd.s32 $0xFFFFC000  }
0x45: {  	[tilespmem:s7], [sflag:$0x1] =	stream.linear.gather [hbm4b:s20+s3], $0x4000, $0x38;
	[tilespmem:$0x18880] =	vst v63  }
0x46: {  	_ =	swait.ge [sflag:s14], $0x4000  }
0x47: {  	[sflag:s14] =	ssyncset.done $0x0  }
0x48: {  	s4 =	simm.s32 $0x280;
	[sflag:s14] =	ssyncadd.s32 $0xFFFFC000  }
0x49: {  	[spmem:s2] =	stream.indirect.scatter.add.f32 [tilespmem:s13], [sflag:$0x2], $0x80, s4, s15, $0xb8;
	[tilespmem:$0x18880] =	vst v63  }
0x4a: {  	_ =	swait.ge [sflag:s18], $0x4000  }
0x4b: {  	[sflag:s18] =	ssyncset.done $0x0  }
0x4c: {  	s29 =	sadd.s32 $0x4A000, s26;
	[sflag:s18] =	ssyncadd.s32 $0xFFFFC000  }
0x4d: {  	[tilespmem:s11], [sflag:$0x1] =	stream.linear.gather [hbm4b:s29+s3], $0x4000, $0x38;
	[tilespmem:$0x18880] =	vst v63  }
0x4e: {  	_ =	swait.ge [sflag:s14], $0x4000  }
0x4f: {  	[sflag:s14] =	ssyncset.done $0x0  }
0x50: {  	s5 =	simm.s32 $0x300;
	[sflag:s14] =	ssyncadd.s32 $0xFFFFC000  }
0x51: {  	[spmem:s2] =	stream.indirect.scatter.add.f32 [tilespmem:s17], [sflag:$0x2], $0x80, s5, s15, $0xb8;
	[tilespmem:$0x18880] =	vst v63  }
0x52: {  	_ =	swait.ge [sflag:s18], $0x4000  }
0x53: {  	[sflag:s18] =	ssyncset.done $0x0  }
0x54: {  	s30 =	sadd.s32 $0x4A800, s26;
	[sflag:s18] =	ssyncadd.s32 $0xFFFFC000  }
0x55: {  	[tilespmem:s13], [sflag:$0x1] =	stream.linear.gather [hbm4b:s30+s3], $0x4000, $0x38;
	[tilespmem:$0x18880] =	vst v63  }
0x56: {  	_ =	swait.ge [sflag:s14], $0x4000  }
0x57: {  	[sflag:s14] =	ssyncset.done $0x0  }
0x58: {  	s6 =	simm.s32 $0x380;
	[sflag:s14] =	ssyncadd.s32 $0xFFFFC000  }
0x59: {  	[spmem:s2] =	stream.indirect.scatter.add.f32 [tilespmem:s7], [sflag:$0x2], $0x80, s6, s15, $0xb8;
	[tilespmem:$0x18880] =	vst v63  }
0x5a: {  	_ =	swait.ge [sflag:s18], $0x4000  }
0x5b: {  	[sflag:s18] =	ssyncset.done $0x0  }
0x5c: {  	s6 =	sadd.s32 $0x4B000, s26;
	[sflag:s18] =	ssyncadd.s32 $0xFFFFC000  }
0x5d: {  	[tilespmem:s17], [sflag:$0x1] =	stream.linear.gather [hbm4b:s6+s3], $0x4000, $0x38;
	[tilespmem:$0x18880] =	vst v63  }
0x5e: {  	_ =	swait.ge [sflag:s14], $0x4000  }
0x5f: {  	[sflag:s14] =	ssyncset.done $0x0  }
0x60: {  	s1 =	simm.s32 $0x400;
	[sflag:s14] =	ssyncadd.s32 $0xFFFFC000  }
0x61: {  	[spmem:s2] =	stream.indirect.scatter.add.f32 [tilespmem:s11], [sflag:$0x2], $0x80, s1, s15, $0xb8;
	[tilespmem:$0x18880] =	vst v63  }
0x62: {  	_ =	swait.ge [sflag:s18], $0x4000  }
0x63: {  	[sflag:s18] =	ssyncset.done $0x0  }
0x64: {  	s5 =	sadd.s32 $0x4B800, s26;
	[sflag:s18] =	ssyncadd.s32 $0xFFFFC000  }
0x65: {  	[tilespmem:s7], [sflag:$0x1] =	stream.linear.gather [hbm4b:s5+s3], $0x4000, $0x38;
	[tilespmem:$0x18880] =	vst v63  }
0x66: {  	_ =	swait.ge [sflag:s14], $0x4000  }
0x67: {  	[sflag:s14] =	ssyncset.done $0x0  }
0x68: {  	s4 =	simm.s32 $0x480;
	[sflag:s14] =	ssyncadd.s32 $0xFFFFC000  }
0x69: {  	[spmem:s2] =	stream.indirect.scatter.add.f32 [tilespmem:s13], [sflag:$0x2], $0x80, s4, s15, $0xb8;
	[tilespmem:$0x18880] =	vst v63  }
0x6a: {  	_ =	swait.ge [sflag:s18], $0x4000  }
0x6b: {  	[sflag:s18] =	ssyncset.done $0x0  }
0x6c: {  	s4 =	sadd.s32 $0x4C000, s26;
	[sflag:s18] =	ssyncadd.s32 $0xFFFFC000  }
0x6d: {  	[tilespmem:s11], [sflag:$0x1] =	stream.linear.gather [hbm4b:s4+s3], $0x4000, $0x38;
	[tilespmem:$0x18880] =	vst v63  }
0x6e: {  	_ =	swait.ge [sflag:s14], $0x4000  }
0x6f: {  	[sflag:s14] =	ssyncset.done $0x0  }
0x70: {  	s1 =	simm.s32 $0x500;
	[sflag:s14] =	ssyncadd.s32 $0xFFFFC000  }
0x71: {  	[spmem:s2] =	stream.indirect.scatter.add.f32 [tilespmem:s17], [sflag:$0x2], $0x80, s1, s15, $0xb8;
	[tilespmem:$0x18880] =	vst v63  }
0x72: {  	_ =	swait.ge [sflag:s18], $0x4000  }
0x73: {  	[sflag:s18] =	ssyncset.done $0x0  }
0x74: {  	s1 =	sadd.s32 $0x4C800, s26;
	[sflag:s18] =	ssyncadd.s32 $0xFFFFC000  }
0x75: {  	[tilespmem:s13], [sflag:$0x1] =	stream.linear.gather [hbm4b:s1+s3], $0x4000, $0x38;
	[tilespmem:$0x18880] =	vst v63  }
0x76: {  	_ =	swait.ge [sflag:s14], $0x4000  }
0x77: {  	[sflag:s14] =	ssyncset.done $0x0  }
0x78: {  	s0 =	simm.s32 $0x580;
	[sflag:s14] =	ssyncadd.s32 $0xFFFFC000  }
0x79: {  	[spmem:s2] =	stream.indirect.scatter.add.f32 [tilespmem:s7], [sflag:$0x2], $0x80, s0, s15, $0xb8;
	[tilespmem:$0x18880] =	vst v63  }
0x7a: {  	_ =	swait.ge [sflag:s18], $0x4000  }
0x7b: {  	[sflag:s18] =	ssyncset.done $0x0  }
0x7c: {  	s0 =	sadd.s32 $0x4D000, s26;
	[sflag:s18] =	ssyncadd.s32 $0xFFFFC000  }
0x7d: {  	[tilespmem:s17], [sflag:$0x1] =	stream.linear.gather [hbm4b:s0+s3], $0x4000, $0x38;
	[tilespmem:$0x18880] =	vst v63  }
0x7e: {  	_ =	swait.ge [sflag:s14], $0x4000  }
0x7f: {  	[sflag:s14] =	ssyncset.done $0x0  }
0x80: {  	s31 =	simm.s32 $0x600;
	[sflag:s14] =	ssyncadd.s32 $0xFFFFC000  }
0x81: {  	[spmem:s2] =	stream.indirect.scatter.add.f32 [tilespmem:s11], [sflag:$0x2], $0x80, s31, s15, $0xb8;
	[tilespmem:$0x18880] =	vst v63  }
0x82: {  	_ =	swait.ge [sflag:s18], $0x4000  }
0x83: {  	[sflag:s18] =	ssyncset.done $0x0  }
0x84: {  	s26 =	sadd.s32 $0x4D800, s26;
	[sflag:s18] =	ssyncadd.s32 $0xFFFFC000  }
0x85: {  	[tilespmem:s7], [sflag:$0x1] =	stream.linear.gather [hbm4b:s26+s3], $0x4000, $0x38;
	[tilespmem:$0x18880] =	vst v63  }
0x86: {  	_ =	swait.ge [sflag:s14], $0x4000  }
0x87: {  	[sflag:s14] =	ssyncset.done $0x0  }
0x88: {  	s31 =	simm.s32 $0x680;
	[sflag:s14] =	ssyncadd.s32 $0xFFFFC000  }
0x89: {  	[spmem:s2] =	stream.indirect.scatter.add.f32 [tilespmem:s13], [sflag:$0x2], $0x80, s31, s15, $0xb8;
	[tilespmem:$0x18880] =	vst v63  }
0x8a: {  	_ =	swait.ge [sflag:s14], $0x4000  }
0x8b: {  	[sflag:s14] =	ssyncset.done $0x0  }
0x8c: {  	s31 =	simm.s32 $0x700;
	[sflag:s14] =	ssyncadd.s32 $0xFFFFC000  }
0x8d: {  	[spmem:s2] =	stream.indirect.scatter.add.f32 [tilespmem:s17], [sflag:$0x2], $0x80, s31, s15, $0xb8;
	[tilespmem:$0x18880] =	vst v63  }
0x8e: {  	_ =	swait.ge [sflag:s14], $0x4000  }
0x8f: {  	[sflag:s14] =	ssyncset.done $0x0  }
0x90: {  	s31 =	simm.s32 $0x780;
	[sflag:s14] =	ssyncadd.s32 $0xFFFFC000  }
0x91: {  	[spmem:s2] =	stream.indirect.scatter.add.f32 [tilespmem:s7], [sflag:$0x2], $0x80, s31, s15, $0xb8;
	[tilespmem:$0x18880] =	vst v63  }
0x92: {  	_ =	swait.ge [sflag:s18], $0x4000  }
0x93: {  	[sflag:s18] =	ssyncset.done $0x0  }
0x94: {  	[sflag:s18] =	ssyncadd.s32 $0xFFFFC000  }
0x95: {  	_ =	swait.ge [sflag:s18], $0x4000  }
0x96: {  	[sflag:s18] =	ssyncset.done $0x0  }
0x97: {  	[sflag:s18] =	ssyncadd.s32 $0xFFFFC000  }
0x98: {  	_ =	swait.ge [sflag:s18], $0x4000  }
0x99: {  	[sflag:s18] =	ssyncset.done $0x0  }
0x9a: {  	[sflag:s18] =	ssyncadd.s32 $0xFFFFC000  }
0x9b: {  	_ =	swait.ge [sflag:s18], $0x4000  }
0x9c: {  	[sflag:s18] =	ssyncset.done $0x0  }
0x9d: {  	[sflag:s18] =	ssyncadd.s32 $0xFFFFC000  }
0x9e: {  	s22 =	sadd.s32 s22, s2;
	[bflag:$0x0] =	sbarrier.arrive $0xFFFF  }
0x9f: {  	s22 =	sshrl.u32 s22, $0x3;
	s31 =	rddreg [dreg:$0x5]  }
0xa0: {  	[hbm:s31], [sflag:s23] =	dma.local [spmem:s22], $0x1000  }
0xa1: {  	_ =	swait.ge [sflag:s28], $0x1000  }
0xa2: {  	[sflag:s28] =	ssyncset.done $0x0  }
0xa3: {  	[sflag:s28] =	ssyncadd.s32 $0xFFFFF000  }
0xa4: {  	[bflag:$0x0] =	sbarrier.arrive $0xFFFF  }
0xa5: {  	[dreg:$0x8] =	wrdreg s25  }
0xa6: {  	[dreg:$0x9] =	wrdreg s21  }
0xa7: {  	[spmem:s21], [sflag:s23] =	dma.local [hbm:s25], $0x1010  }
0xa8: {  	_ =	swait.ge [sflag:s28], $0x1010  }
0xa9: {  	[sflag:s28] =	ssyncset.done $0x0  }
0xaa: {  	[sflag:s28] =	ssyncadd.s32 $0xFFFFEFF0  }
0xab: {  	[bflag:$0x0] =	sbarrier.arrive $0xFFFF  }
0xac: {  	s31 =	rddreg [dreg:$0x6]  }
0xad: {  	[tilespmem:s3], [sflag:$0x3] =	stream.linear.gather [hbm4b:s31+s3], $0x800, $0x38;
	[tilespmem:$0x18880] =	vst v63  }
0xae: {  	_ =	swait.ge [sflag:s28], $0x800  }
0xaf: {  	[sflag:s28] =	ssyncset.done $0x0  }
0xb0: {  	[dreg:$0xa] =	wrdreg s8;
	[sflag:s28] =	ssyncadd.s32 $0xFFFFF800  }
0xb1: {  	[tilespmem:s11], [sflag:$0x1] =	stream.linear.gather [hbm4b:s8+s3], $0x4000, $0x38;
	[tilespmem:$0x18880] =	vst v63  }
0xb2: {  	[dreg:$0xb] =	wrdreg s10  }
0xb3: {  	[tilespmem:s13], [sflag:$0x1] =	stream.linear.gather [hbm4b:s10+s3], $0x4000, $0x38;
	[tilespmem:$0x18880] =	vst v63  }
0xb4: {  	[dreg:$0xc] =	wrdreg s12  }
0xb5: {  	[tilespmem:s17], [sflag:$0x1] =	stream.linear.gather [hbm4b:s12+s3], $0x4000, $0x38;
	[tilespmem:$0x18880] =	vst v63  }
0xb6: {  	_ =	swait.ge [sflag:s14], $0x4000  }
0xb7: {  	[sflag:s14] =	ssyncset.done $0x0  }
0xb8: {  	[sflag:s14] =	ssyncadd.s32 $0xFFFFC000  }
0xb9: {  	[spmem:s2] =	stream.indirect.scatter.add.f32 [tilespmem:s11], [sflag:$0x2], $0x80, s3, s15, $0xb8;
	[tilespmem:$0x18880] =	vst v63  }
0xba: {  	[dreg:$0xd] =	wrdreg s16  }
0xbb: {  	[tilespmem:s7], [sflag:$0x1] =	stream.linear.gather [hbm4b:s16+s3], $0x4000, $0x38;
	[tilespmem:$0x18880] =	vst v63  }
0xbc: {  	_ =	swait.ge [sflag:s14], $0x4000  }
0xbd: {  	[sflag:s14] =	ssyncset.done $0x0  }
0xbe: {  	[sflag:s14] =	ssyncadd.s32 $0xFFFFC000  }
0xbf: {  	[spmem:s2] =	stream.indirect.scatter.add.f32 [tilespmem:s13], [sflag:$0x2], $0x80, s15, s15, $0xb8;
	[tilespmem:$0x18880] =	vst v63  }
0xc0: {  	_ =	swait.ge [sflag:s18], $0x4000  }
0xc1: {  	[sflag:s18] =	ssyncset.done $0x0  }
0xc2: {  	[dreg:$0xe] =	wrdreg s19;
	[sflag:s18] =	ssyncadd.s32 $0xFFFFC000  }
0xc3: {  	[tilespmem:s11], [sflag:$0x1] =	stream.linear.gather [hbm4b:s19+s3], $0x4000, $0x38;
	[tilespmem:$0x18880] =	vst v63  }
0xc4: {  	_ =	swait.ge [sflag:s14], $0x4000  }
0xc5: {  	[sflag:s14] =	ssyncset.done $0x0  }
0xc6: {  	s19 =	simm.s32 $0x100;
	[sflag:s14] =	ssyncadd.s32 $0xFFFFC000  }
0xc7: {  	[spmem:s2] =	stream.indirect.scatter.add.f32 [tilespmem:s17], [sflag:$0x2], $0x80, s19, s15, $0xb8;
	[tilespmem:$0x18880] =	vst v63  }
0xc8: {  	_ =	swait.ge [sflag:s18], $0x4000  }
0xc9: {  	[sflag:s18] =	ssyncset.done $0x0  }
0xca: {  	[dreg:$0xf] =	wrdreg s9;
	[sflag:s18] =	ssyncadd.s32 $0xFFFFC000  }
0xcb: {  	[tilespmem:s13], [sflag:$0x1] =	stream.linear.gather [hbm4b:s9+s3], $0x4000, $0x38;
	[tilespmem:$0x18880] =	vst v63  }
0xcc: {  	_ =	swait.ge [sflag:s14], $0x4000  }
0xcd: {  	[sflag:s14] =	ssyncset.done $0x0  }
0xce: {  	s21 =	simm.s32 $0x180;
	[sflag:s14] =	ssyncadd.s32 $0xFFFFC000  }
0xcf: {  	[spmem:s2] =	stream.indirect.scatter.add.f32 [tilespmem:s7], [sflag:$0x2], $0x80, s21, s15, $0xb8;
	[tilespmem:$0x18880] =	vst v63  }
0xd0: {  	_ =	swait.ge [sflag:s18], $0x4000  }
0xd1: {  	[sflag:s18] =	ssyncset.done $0x0  }
0xd2: {  	[dreg:$0x10] =	wrdreg s24;
	[sflag:s18] =	ssyncadd.s32 $0xFFFFC000  }
0xd3: {  	[tilespmem:s17], [sflag:$0x1] =	stream.linear.gather [hbm4b:s24+s3], $0x4000, $0x38;
	[tilespmem:$0x18880] =	vst v63  }
0xd4: {  	_ =	swait.ge [sflag:s14], $0x4000  }
0xd5: {  	[sflag:s14] =	ssyncset.done $0x0  }
0xd6: {  	s24 =	simm.s32 $0x200;
	[sflag:s14] =	ssyncadd.s32 $0xFFFFC000  }
0xd7: {  	[spmem:s2] =	stream.indirect.scatter.add.f32 [tilespmem:s11], [sflag:$0x2], $0x80, s24, s15, $0xb8;
	[tilespmem:$0x18880] =	vst v63  }
0xd8: {  	_ =	swait.ge [sflag:s18], $0x4000  }
0xd9: {  	[sflag:s18] =	ssyncset.done $0x0  }
0xda: {  	[dreg:$0x11] =	wrdreg s20;
	[sflag:s18] =	ssyncadd.s32 $0xFFFFC000  }
0xdb: {  	[tilespmem:s7], [sflag:$0x1] =	stream.linear.gather [hbm4b:s20+s3], $0x4000, $0x38;
	[tilespmem:$0x18880] =	vst v63  }
0xdc: {  	_ =	swait.ge [sflag:s14], $0x4000  }
0xdd: {  	[sflag:s14] =	ssyncset.done $0x0  }
0xde: {  	s25 =	simm.s32 $0x280;
	[sflag:s14] =	ssyncadd.s32 $0xFFFFC000  }
0xdf: {  	[spmem:s2] =	stream.indirect.scatter.add.f32 [tilespmem:s13], [sflag:$0x2], $0x80, s25, s15, $0xb8;
	[tilespmem:$0x18880] =	vst v63  }
0xe0: {  	_ =	swait.ge [sflag:s18], $0x4000  }
0xe1: {  	[sflag:s18] =	ssyncset.done $0x0  }
0xe2: {  	[dreg:$0x12] =	wrdreg s29;
	[sflag:s18] =	ssyncadd.s32 $0xFFFFC000  }
0xe3: {  	[tilespmem:s11], [sflag:$0x1] =	stream.linear.gather [hbm4b:s29+s3], $0x4000, $0x38;
	[tilespmem:$0x18880] =	vst v63  }
0xe4: {  	_ =	swait.ge [sflag:s14], $0x4000  }
0xe5: {  	[sflag:s14] =	ssyncset.done $0x0  }
0xe6: {  	s9 =	simm.s32 $0x300;
	[sflag:s14] =	ssyncadd.s32 $0xFFFFC000  }
0xe7: {  	[spmem:s2] =	stream.indirect.scatter.add.f32 [tilespmem:s17], [sflag:$0x2], $0x80, s9, s15, $0xb8;
	[tilespmem:$0x18880] =	vst v63  }
0xe8: {  	_ =	swait.ge [sflag:s18], $0x4000  }
0xe9: {  	[sflag:s18] =	ssyncset.done $0x0  }
0xea: {  	[dreg:$0x13] =	wrdreg s30;
	[sflag:s18] =	ssyncadd.s32 $0xFFFFC000  }
0xeb: {  	[tilespmem:s13], [sflag:$0x1] =	stream.linear.gather [hbm4b:s30+s3], $0x4000, $0x38;
	[tilespmem:$0x18880] =	vst v63  }
0xec: {  	_ =	swait.ge [sflag:s14], $0x4000  }
0xed: {  	[sflag:s14] =	ssyncset.done $0x0  }
0xee: {  	s10 =	simm.s32 $0x380;
	[sflag:s14] =	ssyncadd.s32 $0xFFFFC000  }
0xef: {  	[spmem:s2] =	stream.indirect.scatter.add.f32 [tilespmem:s7], [sflag:$0x2], $0x80, s10, s15, $0xb8;
	[tilespmem:$0x18880] =	vst v63  }
0xf0: {  	_ =	swait.ge [sflag:s18], $0x4000  }
0xf1: {  	[sflag:s18] =	ssyncset.done $0x0  }
0xf2: {  	[dreg:$0x14] =	wrdreg s6;
	[sflag:s18] =	ssyncadd.s32 $0xFFFFC000  }
0xf3: {  	[tilespmem:s17], [sflag:$0x1] =	stream.linear.gather [hbm4b:s6+s3], $0x4000, $0x38;
	[tilespmem:$0x18880] =	vst v63  }
0xf4: {  	_ =	swait.ge [sflag:s14], $0x4000  }
0xf5: {  	[sflag:s14] =	ssyncset.done $0x0  }
0xf6: {  	s12 =	simm.s32 $0x400;
	[sflag:s14] =	ssyncadd.s32 $0xFFFFC000  }
0xf7: {  	[spmem:s2] =	stream.indirect.scatter.add.f32 [tilespmem:s11], [sflag:$0x2], $0x80, s12, s15, $0xb8;
	[tilespmem:$0x18880] =	vst v63  }
0xf8: {  	_ =	swait.ge [sflag:s18], $0x4000  }
0xf9: {  	[sflag:s18] =	ssyncset.done $0x0  }
0xfa: {  	[dreg:$0x16] =	wrdreg s5;
	[sflag:s18] =	ssyncadd.s32 $0xFFFFC000  }
0xfb: {  	[tilespmem:s7], [sflag:$0x1] =	stream.linear.gather [hbm4b:s5+s3], $0x4000, $0x38;
	[tilespmem:$0x18880] =	vst v63  }
0xfc: {  	_ =	swait.ge [sflag:s14], $0x4000  }
0xfd: {  	[sflag:s14] =	ssyncset.done $0x0  }
0xfe: {  	s16 =	simm.s32 $0x480;
	[sflag:s14] =	ssyncadd.s32 $0xFFFFC000  }
0xff: {  	[spmem:s2] =	stream.indirect.scatter.add.f32 [tilespmem:s13], [sflag:$0x2], $0x80, s16, s15, $0xb8;
	[tilespmem:$0x18880] =	vst v63  }
0x100: {  	_ =	swait.ge [sflag:s18], $0x4000  }
0x101: {  	[sflag:s18] =	ssyncset.done $0x0  }
0x102: {  	[dreg:$0x17] =	wrdreg s4;
	[sflag:s18] =	ssyncadd.s32 $0xFFFFC000  }
0x103: {  	[tilespmem:s11], [sflag:$0x1] =	stream.linear.gather [hbm4b:s4+s3], $0x4000, $0x38;
	[tilespmem:$0x18880] =	vst v63  }
0x104: {  	_ =	swait.ge [sflag:s14], $0x4000  }
0x105: {  	[sflag:s14] =	ssyncset.done $0x0  }
0x106: {  	s19 =	simm.s32 $0x500;
	[sflag:s14] =	ssyncadd.s32 $0xFFFFC000  }
0x107: {  	[spmem:s2] =	stream.indirect.scatter.add.f32 [tilespmem:s17], [sflag:$0x2], $0x80, s19, s15, $0xb8;
	[tilespmem:$0x18880] =	vst v63  }
0x108: {  	_ =	swait.ge [sflag:s18], $0x4000  }
0x109: {  	[sflag:s18] =	ssyncset.done $0x0  }
0x10a: {  	[dreg:$0x18] =	wrdreg s1;
	[sflag:s18] =	ssyncadd.s32 $0xFFFFC000  }
0x10b: {  	[tilespmem:s13], [sflag:$0x1] =	stream.linear.gather [hbm4b:s1+s3], $0x4000, $0x38;
	[tilespmem:$0x18880] =	vst v63  }
0x10c: {  	_ =	swait.ge [sflag:s14], $0x4000  }
0x10d: {  	[sflag:s14] =	ssyncset.done $0x0  }
0x10e: {  	s20 =	simm.s32 $0x580;
	[sflag:s14] =	ssyncadd.s32 $0xFFFFC000  }
0x10f: {  	[spmem:s2] =	stream.indirect.scatter.add.f32 [tilespmem:s7], [sflag:$0x2], $0x80, s20, s15, $0xb8;
	[tilespmem:$0x18880] =	vst v63  }
0x110: {  	_ =	swait.ge [sflag:s18], $0x4000  }
0x111: {  	[sflag:s18] =	ssyncset.done $0x0  }
0x112: {  	[dreg:$0x19] =	wrdreg s0;
	[sflag:s18] =	ssyncadd.s32 $0xFFFFC000  }
0x113: {  	[tilespmem:s17], [sflag:$0x1] =	stream.linear.gather [hbm4b:s0+s3], $0x4000, $0x38;
	[tilespmem:$0x18880] =	vst v63  }
0x114: {  	_ =	swait.ge [sflag:s14], $0x4000  }
0x115: {  	[sflag:s14] =	ssyncset.done $0x0  }
0x116: {  	s21 =	simm.s32 $0x600;
	[sflag:s14] =	ssyncadd.s32 $0xFFFFC000  }
0x117: {  	[spmem:s2] =	stream.indirect.scatter.add.f32 [tilespmem:s11], [sflag:$0x2], $0x80, s21, s15, $0xb8;
	[tilespmem:$0x18880] =	vst v63  }
0x118: {  	_ =	swait.ge [sflag:s18], $0x4000  }
0x119: {  	[sflag:s18] =	ssyncset.done $0x0  }
0x11a: {  	[dreg:$0x1a] =	wrdreg s26;
	[sflag:s18] =	ssyncadd.s32 $0xFFFFC000  }
0x11b: {  	[tilespmem:s7], [sflag:$0x1] =	stream.linear.gather [hbm4b:s26+s3], $0x4000, $0x38;
	[tilespmem:$0x18880] =	vst v63  }
0x11c: {  	_ =	swait.ge [sflag:s14], $0x4000  }
0x11d: {  	[sflag:s14] =	ssyncset.done $0x0  }
0x11e: {  	s24 =	simm.s32 $0x680;
	[sflag:s14] =	ssyncadd.s32 $0xFFFFC000  }
0x11f: {  	[spmem:s2] =	stream.indirect.scatter.add.f32 [tilespmem:s13], [sflag:$0x2], $0x80, s24, s15, $0xb8;
	[tilespmem:$0x18880] =	vst v63  }
0x120: {  	_ =	swait.ge [sflag:s14], $0x4000  }
0x121: {  	[sflag:s14] =	ssyncset.done $0x0  }
0x122: {  	s25 =	simm.s32 $0x700;
	[sflag:s14] =	ssyncadd.s32 $0xFFFFC000  }
0x123: {  	[spmem:s2] =	stream.indirect.scatter.add.f32 [tilespmem:s17], [sflag:$0x2], $0x80, s25, s15, $0xb8;
	[tilespmem:$0x18880] =	vst v63  }
0x124: {  	_ =	swait.ge [sflag:s14], $0x4000  }
0x125: {  	[sflag:s14] =	ssyncset.done $0x0  }
0x126: {  	s26 =	simm.s32 $0x780;
	[sflag:s14] =	ssyncadd.s32 $0xFFFFC000  }
0x127: {  	[spmem:s2] =	stream.indirect.scatter.add.f32 [tilespmem:s7], [sflag:$0x2], $0x80, s26, s15, $0xb8;
	[tilespmem:$0x18880] =	vst v63  }
0x128: {  	_ =	swait.ge [sflag:s18], $0x4000  }
0x129: {  	[sflag:s18] =	ssyncset.done $0x0  }
0x12a: {  	[sflag:s18] =	ssyncadd.s32 $0xFFFFC000  }
0x12b: {  	_ =	swait.ge [sflag:s18], $0x4000  }
0x12c: {  	[sflag:s18] =	ssyncset.done $0x0  }
0x12d: {  	[sflag:s18] =	ssyncadd.s32 $0xFFFFC000  }
0x12e: {  	_ =	swait.ge [sflag:s18], $0x4000  }
0x12f: {  	[sflag:s18] =	ssyncset.done $0x0  }
0x130: {  	[sflag:s18] =	ssyncadd.s32 $0xFFFFC000  }
0x131: {  	_ =	swait.ge [sflag:s18], $0x4000  }
0x132: {  	[sflag:s18] =	ssyncset.done $0x0  }
0x133: {  	[sflag:s18] =	ssyncadd.s32 $0xFFFFC000  }
0x134: {  	[bflag:$0x0] =	sbarrier.arrive $0xFFFF  }
0x135: {  	s29 =	rddreg [dreg:$0x1c]  }
0x136: {  	s0 =	ssub.s32 $0x2, s29  }
0x137: {  	s31 =	sshrl.u32 s0, $0x1  }
0x138: {  	s31 =	ssub.s32 s0, s31  }
0x139: {  	s30 =	rddreg [dreg:$0x7];
	s31 =	smax.u32 s31, $0x1  }
0x13a: {  	[dreg:$0x15] =	wrdreg s23;
	p0 =	sne.s32 s31, $0x1  }
.Ltmp0:
0x13b: {  	[dreg:$0x1b] =	wrdreg s22;
	(pc) =	sbr.rel @!p0 .LBB2_3-.Ltmp0, $4  }
0x13c: {  	[hbm:s30], [sflag:s23] =	dma.local [spmem:s22], $0x1000  }
0x13d: {  	_ =	swait.ge [sflag:s28], $0x1000  }
0x13e: {  	[sflag:s28] =	ssyncset.done $0x0  }
0x13f: {  	[sflag:s28] =	ssyncadd.s32 $0xFFFFF000;
	s31 =	sadd.s32 $0xFFFFFFFF, s31  }
0x140: {  	s0 =	simm.s32 $0x3;
	s11 =	simm.s32 $0x800  }
0x141: {  	s13 =	simm.s32 $0x4800;
	s17 =	simm.s32 $0x8800;
	s7 =	simm.s32 $0xC800  }
.LBB2_2:
0x142: {  	[bflag:$0x0] =	sbarrier.arrive $0xFFFF  }
0x143: {  	s1 =	rddreg [dreg:$0x8]  }
0x144: {  	s8 =	rddreg [dreg:$0x9]  }
0x145: {  	s6 =	rddreg [dreg:$0x15]  }
0x146: {  	[spmem:s8], [sflag:s6] =	dma.local [hbm:s1], $0x1010  }
0x147: {  	_ =	swait.ge [sflag:s0], $0x1010  }
0x148: {  	[sflag:s0] =	ssyncset.done $0x0  }
0x149: {  	[sflag:s0] =	ssyncadd.s32 $0xFFFFEFF0  }
0x14a: {  	[bflag:$0x0] =	sbarrier.arrive $0xFFFF  }
0x14b: {  	s4 =	rddreg [dreg:$0x4]  }
0x14c: {  	[tilespmem:s3], [sflag:$0x3] =	stream.linear.gather [hbm4b:s4+s3], $0x800, $0x38;
	[tilespmem:$0x18880] =	vst v63  }
0x14d: {  	_ =	swait.ge [sflag:s0], $0x800  }
0x14e: {  	[sflag:s0] =	ssyncset.done $0x0  }
0x14f: {  	s10 =	rddreg [dreg:$0xa];
	[sflag:s0] =	ssyncadd.s32 $0xFFFFF800  }
0x150: {  	[tilespmem:s11], [sflag:$0x1] =	stream.linear.gather [hbm4b:s10+s3], $0x4000, $0x38;
	[tilespmem:$0x18880] =	vst v63  }
0x151: {  	s12 =	rddreg [dreg:$0xb]  }
0x152: {  	[tilespmem:s13], [sflag:$0x1] =	stream.linear.gather [hbm4b:s12+s3], $0x4000, $0x38;
	[tilespmem:$0x18880] =	vst v63  }
0x153: {  	s16 =	rddreg [dreg:$0xc]  }
0x154: {  	[tilespmem:s17], [sflag:$0x1] =	stream.linear.gather [hbm4b:s16+s3], $0x4000, $0x38;
	[tilespmem:$0x18880] =	vst v63  }
0x155: {  	_ =	swait.ge [sflag:s14], $0x4000  }
0x156: {  	[sflag:s14] =	ssyncset.done $0x0  }
0x157: {  	[sflag:s14] =	ssyncadd.s32 $0xFFFFC000  }
0x158: {  	[spmem:s2] =	stream.indirect.scatter.add.f32 [tilespmem:s11], [sflag:$0x2], $0x80, s3, s15, $0xb8;
	[tilespmem:$0x18880] =	vst v63  }
0x159: {  	s19 =	rddreg [dreg:$0xd]  }
0x15a: {  	[tilespmem:s7], [sflag:$0x1] =	stream.linear.gather [hbm4b:s19+s3], $0x4000, $0x38;
	[tilespmem:$0x18880] =	vst v63  }
0x15b: {  	_ =	swait.ge [sflag:s14], $0x4000  }
0x15c: {  	[sflag:s14] =	ssyncset.done $0x0  }
0x15d: {  	[sflag:s14] =	ssyncadd.s32 $0xFFFFC000  }
0x15e: {  	[spmem:s2] =	stream.indirect.scatter.add.f32 [tilespmem:s13], [sflag:$0x2], $0x80, s15, s15, $0xb8;
	[tilespmem:$0x18880] =	vst v63  }
0x15f: {  	_ =	swait.ge [sflag:s18], $0x4000  }
0x160: {  	[sflag:s18] =	ssyncset.done $0x0  }
0x161: {  	s21 =	rddreg [dreg:$0xe];
	[sflag:s18] =	ssyncadd.s32 $0xFFFFC000  }
0x162: {  	[tilespmem:s11], [sflag:$0x1] =	stream.linear.gather [hbm4b:s21+s3], $0x4000, $0x38;
	[tilespmem:$0x18880] =	vst v63  }
0x163: {  	_ =	swait.ge [sflag:s14], $0x4000  }
0x164: {  	[sflag:s14] =	ssyncset.done $0x0  }
0x165: {  	s5 =	simm.s32 $0x100;
	[sflag:s14] =	ssyncadd.s32 $0xFFFFC000  }
0x166: {  	[spmem:s2] =	stream.indirect.scatter.add.f32 [tilespmem:s17], [sflag:$0x2], $0x80, s5, s15, $0xb8;
	[tilespmem:$0x18880] =	vst v63  }
0x167: {  	_ =	swait.ge [sflag:s18], $0x4000  }
0x168: {  	[sflag:s18] =	ssyncset.done $0x0  }
0x169: {  	s25 =	rddreg [dreg:$0xf];
	[sflag:s18] =	ssyncadd.s32 $0xFFFFC000  }
0x16a: {  	[tilespmem:s13], [sflag:$0x1] =	stream.linear.gather [hbm4b:s25+s3], $0x4000, $0x38;
	[tilespmem:$0x18880] =	vst v63  }
0x16b: {  	_ =	swait.ge [sflag:s14], $0x4000  }
0x16c: {  	[sflag:s14] =	ssyncset.done $0x0  }
0x16d: {  	s9 =	simm.s32 $0x180;
	[sflag:s14] =	ssyncadd.s32 $0xFFFFC000  }
0x16e: {  	[spmem:s2] =	stream.indirect.scatter.add.f32 [tilespmem:s7], [sflag:$0x2], $0x80, s9, s15, $0xb8;
	[tilespmem:$0x18880] =	vst v63  }
0x16f: {  	_ =	swait.ge [sflag:s18], $0x4000  }
0x170: {  	[sflag:s18] =	ssyncset.done $0x0  }
0x171: {  	s30 =	rddreg [dreg:$0x10];
	[sflag:s18] =	ssyncadd.s32 $0xFFFFC000  }
0x172: {  	[tilespmem:s17], [sflag:$0x1] =	stream.linear.gather [hbm4b:s30+s3], $0x4000, $0x38;
	[tilespmem:$0x18880] =	vst v63  }
0x173: {  	_ =	swait.ge [sflag:s14], $0x4000  }
0x174: {  	[sflag:s14] =	ssyncset.done $0x0  }
0x175: {  	s20 =	simm.s32 $0x200;
	[sflag:s14] =	ssyncadd.s32 $0xFFFFC000  }
0x176: {  	[spmem:s2] =	stream.indirect.scatter.add.f32 [tilespmem:s11], [sflag:$0x2], $0x80, s20, s15, $0xb8;
	[tilespmem:$0x18880] =	vst v63  }
0x177: {  	_ =	swait.ge [sflag:s18], $0x4000  }
0x178: {  	[sflag:s18] =	ssyncset.done $0x0  }
0x179: {  	s20 =	rddreg [dreg:$0x11];
	[sflag:s18] =	ssyncadd.s32 $0xFFFFC000  }
0x17a: {  	[tilespmem:s7], [sflag:$0x1] =	stream.linear.gather [hbm4b:s20+s3], $0x4000, $0x38;
	[tilespmem:$0x18880] =	vst v63  }
0x17b: {  	_ =	swait.ge [sflag:s14], $0x4000  }
0x17c: {  	[sflag:s14] =	ssyncset.done $0x0  }
0x17d: {  	s22 =	simm.s32 $0x280;
	[sflag:s14] =	ssyncadd.s32 $0xFFFFC000  }
0x17e: {  	[spmem:s2] =	stream.indirect.scatter.add.f32 [tilespmem:s13], [sflag:$0x2], $0x80, s22, s15, $0xb8;
	[tilespmem:$0x18880] =	vst v63  }
0x17f: {  	_ =	swait.ge [sflag:s18], $0x4000  }
0x180: {  	[sflag:s18] =	ssyncset.done $0x0  }
0x181: {  	s29 =	rddreg [dreg:$0x12];
	[sflag:s18] =	ssyncadd.s32 $0xFFFFC000  }
0x182: {  	[tilespmem:s11], [sflag:$0x1] =	stream.linear.gather [hbm4b:s29+s3], $0x4000, $0x38;
	[tilespmem:$0x18880] =	vst v63  }
0x183: {  	_ =	swait.ge [sflag:s14], $0x4000  }
0x184: {  	[sflag:s14] =	ssyncset.done $0x0  }
0x185: {  	s23 =	simm.s32 $0x300;
	[sflag:s14] =	ssyncadd.s32 $0xFFFFC000  }
0x186: {  	[spmem:s2] =	stream.indirect.scatter.add.f32 [tilespmem:s17], [sflag:$0x2], $0x80, s23, s15, $0xb8;
	[tilespmem:$0x18880] =	vst v63  }
0x187: {  	_ =	swait.ge [sflag:s18], $0x4000  }
0x188: {  	[sflag:s18] =	ssyncset.done $0x0  }
0x189: {  	s26 =	rddreg [dreg:$0x13];
	[sflag:s18] =	ssyncadd.s32 $0xFFFFC000  }
0x18a: {  	[tilespmem:s13], [sflag:$0x1] =	stream.linear.gather [hbm4b:s26+s3], $0x4000, $0x38;
	[tilespmem:$0x18880] =	vst v63  }
0x18b: {  	_ =	swait.ge [sflag:s14], $0x4000  }
0x18c: {  	[sflag:s14] =	ssyncset.done $0x0  }
0x18d: {  	s24 =	simm.s32 $0x380;
	[sflag:s14] =	ssyncadd.s32 $0xFFFFC000  }
0x18e: {  	[spmem:s2] =	stream.indirect.scatter.add.f32 [tilespmem:s7], [sflag:$0x2], $0x80, s24, s15, $0xb8;
	[tilespmem:$0x18880] =	vst v63  }
0x18f: {  	_ =	swait.ge [sflag:s18], $0x4000  }
0x190: {  	[sflag:s18] =	ssyncset.done $0x0  }
0x191: {  	s5 =	rddreg [dreg:$0x14];
	[sflag:s18] =	ssyncadd.s32 $0xFFFFC000  }
0x192: {  	[tilespmem:s17], [sflag:$0x1] =	stream.linear.gather [hbm4b:s5+s3], $0x4000, $0x38;
	[tilespmem:$0x18880] =	vst v63  }
0x193: {  	_ =	swait.ge [sflag:s14], $0x4000  }
0x194: {  	[sflag:s14] =	ssyncset.done $0x0  }
0x195: {  	s28 =	simm.s32 $0x400;
	[sflag:s14] =	ssyncadd.s32 $0xFFFFC000  }
0x196: {  	[spmem:s2] =	stream.indirect.scatter.add.f32 [tilespmem:s11], [sflag:$0x2], $0x80, s28, s15, $0xb8;
	[tilespmem:$0x18880] =	vst v63  }
0x197: {  	_ =	swait.ge [sflag:s18], $0x4000  }
0x198: {  	[sflag:s18] =	ssyncset.done $0x0  }
0x199: {  	s22 =	rddreg [dreg:$0x16];
	[sflag:s18] =	ssyncadd.s32 $0xFFFFC000  }
0x19a: {  	[tilespmem:s7], [sflag:$0x1] =	stream.linear.gather [hbm4b:s22+s3], $0x4000, $0x38;
	[tilespmem:$0x18880] =	vst v63  }
0x19b: {  	_ =	swait.ge [sflag:s14], $0x4000  }
0x19c: {  	[sflag:s14] =	ssyncset.done $0x0  }
0x19d: {  	s4 =	simm.s32 $0x480;
	[sflag:s14] =	ssyncadd.s32 $0xFFFFC000  }
0x19e: {  	[spmem:s2] =	stream.indirect.scatter.add.f32 [tilespmem:s13], [sflag:$0x2], $0x80, s4, s15, $0xb8;
	[tilespmem:$0x18880] =	vst v63  }
0x19f: {  	_ =	swait.ge [sflag:s18], $0x4000  }
0x1a0: {  	[sflag:s18] =	ssyncset.done $0x0  }
0x1a1: {  	s1 =	rddreg [dreg:$0x17];
	[sflag:s18] =	ssyncadd.s32 $0xFFFFC000  }
0x1a2: {  	[tilespmem:s11], [sflag:$0x1] =	stream.linear.gather [hbm4b:s1+s3], $0x4000, $0x38;
	[tilespmem:$0x18880] =	vst v63  }
0x1a3: {  	_ =	swait.ge [sflag:s14], $0x4000  }
0x1a4: {  	[sflag:s14] =	ssyncset.done $0x0  }
0x1a5: {  	s9 =	simm.s32 $0x500;
	[sflag:s14] =	ssyncadd.s32 $0xFFFFC000  }
0x1a6: {  	[spmem:s2] =	stream.indirect.scatter.add.f32 [tilespmem:s17], [sflag:$0x2], $0x80, s9, s15, $0xb8;
	[tilespmem:$0x18880] =	vst v63  }
0x1a7: {  	_ =	swait.ge [sflag:s18], $0x4000  }
0x1a8: {  	[sflag:s18] =	ssyncset.done $0x0  }
0x1a9: {  	s9 =	rddreg [dreg:$0x18];
	[sflag:s18] =	ssyncadd.s32 $0xFFFFC000  }
0x1aa: {  	[tilespmem:s13], [sflag:$0x1] =	stream.linear.gather [hbm4b:s9+s3], $0x4000, $0x38;
	[tilespmem:$0x18880] =	vst v63  }
0x1ab: {  	_ =	swait.ge [sflag:s14], $0x4000  }
0x1ac: {  	[sflag:s14] =	ssyncset.done $0x0  }
0x1ad: {  	s23 =	simm.s32 $0x580;
	[sflag:s14] =	ssyncadd.s32 $0xFFFFC000  }
0x1ae: {  	[spmem:s2] =	stream.indirect.scatter.add.f32 [tilespmem:s7], [sflag:$0x2], $0x80, s23, s15, $0xb8;
	[tilespmem:$0x18880] =	vst v63  }
0x1af: {  	_ =	swait.ge [sflag:s18], $0x4000  }
0x1b0: {  	[sflag:s18] =	ssyncset.done $0x0  }
0x1b1: {  	s23 =	rddreg [dreg:$0x19];
	[sflag:s18] =	ssyncadd.s32 $0xFFFFC000  }
0x1b2: {  	[tilespmem:s17], [sflag:$0x1] =	stream.linear.gather [hbm4b:s23+s3], $0x4000, $0x38;
	[tilespmem:$0x18880] =	vst v63  }
0x1b3: {  	_ =	swait.ge [sflag:s14], $0x4000  }
0x1b4: {  	[sflag:s14] =	ssyncset.done $0x0  }
0x1b5: {  	s24 =	simm.s32 $0x600;
	[sflag:s14] =	ssyncadd.s32 $0xFFFFC000  }
0x1b6: {  	[spmem:s2] =	stream.indirect.scatter.add.f32 [tilespmem:s11], [sflag:$0x2], $0x80, s24, s15, $0xb8;
	[tilespmem:$0x18880] =	vst v63  }
0x1b7: {  	_ =	swait.ge [sflag:s18], $0x4000  }
0x1b8: {  	[sflag:s18] =	ssyncset.done $0x0  }
0x1b9: {  	s24 =	rddreg [dreg:$0x1a];
	[sflag:s18] =	ssyncadd.s32 $0xFFFFC000  }
0x1ba: {  	[tilespmem:s7], [sflag:$0x1] =	stream.linear.gather [hbm4b:s24+s3], $0x4000, $0x38;
	[tilespmem:$0x18880] =	vst v63  }
0x1bb: {  	_ =	swait.ge [sflag:s14], $0x4000  }
0x1bc: {  	[sflag:s14] =	ssyncset.done $0x0  }
0x1bd: {  	s28 =	simm.s32 $0x680;
	[sflag:s14] =	ssyncadd.s32 $0xFFFFC000  }
0x1be: {  	[spmem:s2] =	stream.indirect.scatter.add.f32 [tilespmem:s13], [sflag:$0x2], $0x80, s28, s15, $0xb8;
	[tilespmem:$0x18880] =	vst v63  }
0x1bf: {  	_ =	swait.ge [sflag:s14], $0x4000  }
0x1c0: {  	[sflag:s14] =	ssyncset.done $0x0  }
0x1c1: {  	s28 =	simm.s32 $0x700;
	[sflag:s14] =	ssyncadd.s32 $0xFFFFC000  }
0x1c2: {  	[spmem:s2] =	stream.indirect.scatter.add.f32 [tilespmem:s17], [sflag:$0x2], $0x80, s28, s15, $0xb8;
	[tilespmem:$0x18880] =	vst v63  }
0x1c3: {  	_ =	swait.ge [sflag:s14], $0x4000  }
0x1c4: {  	[sflag:s14] =	ssyncset.done $0x0  }
0x1c5: {  	s28 =	simm.s32 $0x780;
	[sflag:s14] =	ssyncadd.s32 $0xFFFFC000  }
0x1c6: {  	[spmem:s2] =	stream.indirect.scatter.add.f32 [tilespmem:s7], [sflag:$0x2], $0x80, s28, s15, $0xb8;
	[tilespmem:$0x18880] =	vst v63  }
0x1c7: {  	_ =	swait.ge [sflag:s18], $0x4000  }
0x1c8: {  	[sflag:s18] =	ssyncset.done $0x0  }
0x1c9: {  	[sflag:s18] =	ssyncadd.s32 $0xFFFFC000  }
0x1ca: {  	_ =	swait.ge [sflag:s18], $0x4000  }
0x1cb: {  	[sflag:s18] =	ssyncset.done $0x0  }
0x1cc: {  	[sflag:s18] =	ssyncadd.s32 $0xFFFFC000  }
0x1cd: {  	_ =	swait.ge [sflag:s18], $0x4000  }
0x1ce: {  	[sflag:s18] =	ssyncset.done $0x0  }
0x1cf: {  	[sflag:s18] =	ssyncadd.s32 $0xFFFFC000  }
0x1d0: {  	_ =	swait.ge [sflag:s18], $0x4000  }
0x1d1: {  	[sflag:s18] =	ssyncset.done $0x0  }
0x1d2: {  	[sflag:s18] =	ssyncadd.s32 $0xFFFFC000  }
0x1d3: {  	[bflag:$0x0] =	sbarrier.arrive $0xFFFF  }
0x1d4: {  	s4 =	rddreg [dreg:$0x5]  }
0x1d5: {  	s28 =	rddreg [dreg:$0x1b]  }
0x1d6: {  	[hbm:s4], [sflag:s6] =	dma.local [spmem:s28], $0x1000  }
0x1d7: {  	_ =	swait.ge [sflag:s0], $0x1000  }
0x1d8: {  	[sflag:s0] =	ssyncset.done $0x0  }
0x1d9: {  	[sflag:s0] =	ssyncadd.s32 $0xFFFFF000  }
0x1da: {  	[bflag:$0x0] =	sbarrier.arrive $0xFFFF  }
0x1db: {  	s4 =	rddreg [dreg:$0x8]  }
0x1dc: {  	[spmem:s8], [sflag:s6] =	dma.local [hbm:s4], $0x1010  }
0x1dd: {  	_ =	swait.ge [sflag:s0], $0x1010  }
0x1de: {  	[sflag:s0] =	ssyncset.done $0x0  }
0x1df: {  	[sflag:s0] =	ssyncadd.s32 $0xFFFFEFF0  }
0x1e0: {  	[bflag:$0x0] =	sbarrier.arrive $0xFFFF  }
0x1e1: {  	s8 =	rddreg [dreg:$0x6]  }
0x1e2: {  	[tilespmem:s3], [sflag:$0x3] =	stream.linear.gather [hbm4b:s8+s3], $0x800, $0x38;
	[tilespmem:$0x18880] =	vst v63  }
0x1e3: {  	_ =	swait.ge [sflag:s0], $0x800  }
0x1e4: {  	[sflag:s0] =	ssyncset.done $0x0  }
0x1e5: {  	[sflag:s0] =	ssyncadd.s32 $0xFFFFF800  }
0x1e6: {  	[tilespmem:s11], [sflag:$0x1] =	stream.linear.gather [hbm4b:s10+s3], $0x4000, $0x38;
	[tilespmem:$0x18880] =	vst v63  }
0x1e7: {  	_ = 	snop  }
0x1e8: {  	[tilespmem:s13], [sflag:$0x1] =	stream.linear.gather [hbm4b:s12+s3], $0x4000, $0x38;
	[tilespmem:$0x18880] =	vst v63  }
0x1e9: {  	_ = 	snop  }
0x1ea: {  	[tilespmem:s17], [sflag:$0x1] =	stream.linear.gather [hbm4b:s16+s3], $0x4000, $0x38;
	[tilespmem:$0x18880] =	vst v63  }
0x1eb: {  	_ =	swait.ge [sflag:s14], $0x4000  }
0x1ec: {  	[sflag:s14] =	ssyncset.done $0x0  }
0x1ed: {  	[sflag:s14] =	ssyncadd.s32 $0xFFFFC000  }
0x1ee: {  	[spmem:s2] =	stream.indirect.scatter.add.f32 [tilespmem:s11], [sflag:$0x2], $0x80, s3, s15, $0xb8;
	[tilespmem:$0x18880] =	vst v63  }
0x1ef: {  	_ = 	snop  }
0x1f0: {  	[tilespmem:s7], [sflag:$0x1] =	stream.linear.gather [hbm4b:s19+s3], $0x4000, $0x38;
	[tilespmem:$0x18880] =	vst v63  }
0x1f1: {  	_ =	swait.ge [sflag:s14], $0x4000  }
0x1f2: {  	[sflag:s14] =	ssyncset.done $0x0  }
0x1f3: {  	[sflag:s14] =	ssyncadd.s32 $0xFFFFC000  }
0x1f4: {  	[spmem:s2] =	stream.indirect.scatter.add.f32 [tilespmem:s13], [sflag:$0x2], $0x80, s15, s15, $0xb8;
	[tilespmem:$0x18880] =	vst v63  }
0x1f5: {  	_ =	swait.ge [sflag:s18], $0x4000  }
0x1f6: {  	[sflag:s18] =	ssyncset.done $0x0  }
0x1f7: {  	[sflag:s18] =	ssyncadd.s32 $0xFFFFC000  }
0x1f8: {  	[tilespmem:s11], [sflag:$0x1] =	stream.linear.gather [hbm4b:s21+s3], $0x4000, $0x38;
	[tilespmem:$0x18880] =	vst v63  }
0x1f9: {  	_ =	swait.ge [sflag:s14], $0x4000  }
0x1fa: {  	[sflag:s14] =	ssyncset.done $0x0  }
0x1fb: {  	s21 =	simm.s32 $0x100;
	[sflag:s14] =	ssyncadd.s32 $0xFFFFC000  }
0x1fc: {  	[spmem:s2] =	stream.indirect.scatter.add.f32 [tilespmem:s17], [sflag:$0x2], $0x80, s21, s15, $0xb8;
	[tilespmem:$0x18880] =	vst v63  }
0x1fd: {  	_ =	swait.ge [sflag:s18], $0x4000  }
0x1fe: {  	[sflag:s18] =	ssyncset.done $0x0  }
0x1ff: {  	[sflag:s18] =	ssyncadd.s32 $0xFFFFC000  }
0x200: {  	[tilespmem:s13], [sflag:$0x1] =	stream.linear.gather [hbm4b:s25+s3], $0x4000, $0x38;
	[tilespmem:$0x18880] =	vst v63  }
0x201: {  	_ =	swait.ge [sflag:s14], $0x4000  }
0x202: {  	[sflag:s14] =	ssyncset.done $0x0  }
0x203: {  	s25 =	simm.s32 $0x180;
	[sflag:s14] =	ssyncadd.s32 $0xFFFFC000  }
0x204: {  	[spmem:s2] =	stream.indirect.scatter.add.f32 [tilespmem:s7], [sflag:$0x2], $0x80, s25, s15, $0xb8;
	[tilespmem:$0x18880] =	vst v63  }
0x205: {  	_ =	swait.ge [sflag:s18], $0x4000  }
0x206: {  	[sflag:s18] =	ssyncset.done $0x0  }
0x207: {  	[sflag:s18] =	ssyncadd.s32 $0xFFFFC000  }
0x208: {  	[tilespmem:s17], [sflag:$0x1] =	stream.linear.gather [hbm4b:s30+s3], $0x4000, $0x38;
	[tilespmem:$0x18880] =	vst v63  }
0x209: {  	_ =	swait.ge [sflag:s14], $0x4000  }
0x20a: {  	[sflag:s14] =	ssyncset.done $0x0  }
0x20b: {  	s8 =	simm.s32 $0x200;
	[sflag:s14] =	ssyncadd.s32 $0xFFFFC000  }
0x20c: {  	[spmem:s2] =	stream.indirect.scatter.add.f32 [tilespmem:s11], [sflag:$0x2], $0x80, s8, s15, $0xb8;
	[tilespmem:$0x18880] =	vst v63  }
0x20d: {  	_ =	swait.ge [sflag:s18], $0x4000  }
0x20e: {  	[sflag:s18] =	ssyncset.done $0x0  }
0x20f: {  	[sflag:s18] =	ssyncadd.s32 $0xFFFFC000  }
0x210: {  	[tilespmem:s7], [sflag:$0x1] =	stream.linear.gather [hbm4b:s20+s3], $0x4000, $0x38;
	[tilespmem:$0x18880] =	vst v63  }
0x211: {  	_ =	swait.ge [sflag:s14], $0x4000  }
0x212: {  	[sflag:s14] =	ssyncset.done $0x0  }
0x213: {  	s10 =	simm.s32 $0x280;
	[sflag:s14] =	ssyncadd.s32 $0xFFFFC000  }
0x214: {  	[spmem:s2] =	stream.indirect.scatter.add.f32 [tilespmem:s13], [sflag:$0x2], $0x80, s10, s15, $0xb8;
	[tilespmem:$0x18880] =	vst v63  }
0x215: {  	_ =	swait.ge [sflag:s18], $0x4000  }
0x216: {  	[sflag:s18] =	ssyncset.done $0x0  }
0x217: {  	[sflag:s18] =	ssyncadd.s32 $0xFFFFC000  }
0x218: {  	[tilespmem:s11], [sflag:$0x1] =	stream.linear.gather [hbm4b:s29+s3], $0x4000, $0x38;
	[tilespmem:$0x18880] =	vst v63  }
0x219: {  	_ =	swait.ge [sflag:s14], $0x4000  }
0x21a: {  	[sflag:s14] =	ssyncset.done $0x0  }
0x21b: {  	s12 =	simm.s32 $0x300;
	[sflag:s14] =	ssyncadd.s32 $0xFFFFC000  }
0x21c: {  	[spmem:s2] =	stream.indirect.scatter.add.f32 [tilespmem:s17], [sflag:$0x2], $0x80, s12, s15, $0xb8;
	[tilespmem:$0x18880] =	vst v63  }
0x21d: {  	_ =	swait.ge [sflag:s18], $0x4000  }
0x21e: {  	[sflag:s18] =	ssyncset.done $0x0  }
0x21f: {  	[sflag:s18] =	ssyncadd.s32 $0xFFFFC000  }
0x220: {  	[tilespmem:s13], [sflag:$0x1] =	stream.linear.gather [hbm4b:s26+s3], $0x4000, $0x38;
	[tilespmem:$0x18880] =	vst v63  }
0x221: {  	_ =	swait.ge [sflag:s14], $0x4000  }
0x222: {  	[sflag:s14] =	ssyncset.done $0x0  }
0x223: {  	s16 =	simm.s32 $0x380;
	[sflag:s14] =	ssyncadd.s32 $0xFFFFC000  }
0x224: {  	[spmem:s2] =	stream.indirect.scatter.add.f32 [tilespmem:s7], [sflag:$0x2], $0x80, s16, s15, $0xb8;
	[tilespmem:$0x18880] =	vst v63  }
0x225: {  	_ =	swait.ge [sflag:s18], $0x4000  }
0x226: {  	[sflag:s18] =	ssyncset.done $0x0  }
0x227: {  	[sflag:s18] =	ssyncadd.s32 $0xFFFFC000  }
0x228: {  	[tilespmem:s17], [sflag:$0x1] =	stream.linear.gather [hbm4b:s5+s3], $0x4000, $0x38;
	[tilespmem:$0x18880] =	vst v63  }
0x229: {  	_ =	swait.ge [sflag:s14], $0x4000  }
0x22a: {  	[sflag:s14] =	ssyncset.done $0x0  }
0x22b: {  	s19 =	simm.s32 $0x400;
	[sflag:s14] =	ssyncadd.s32 $0xFFFFC000  }
0x22c: {  	[spmem:s2] =	stream.indirect.scatter.add.f32 [tilespmem:s11], [sflag:$0x2], $0x80, s19, s15, $0xb8;
	[tilespmem:$0x18880] =	vst v63  }
0x22d: {  	_ =	swait.ge [sflag:s18], $0x4000  }
0x22e: {  	[sflag:s18] =	ssyncset.done $0x0  }
0x22f: {  	[sflag:s18] =	ssyncadd.s32 $0xFFFFC000  }
0x230: {  	[tilespmem:s7], [sflag:$0x1] =	stream.linear.gather [hbm4b:s22+s3], $0x4000, $0x38;
	[tilespmem:$0x18880] =	vst v63  }
0x231: {  	_ =	swait.ge [sflag:s14], $0x4000  }
0x232: {  	[sflag:s14] =	ssyncset.done $0x0  }
0x233: {  	s20 =	simm.s32 $0x480;
	[sflag:s14] =	ssyncadd.s32 $0xFFFFC000  }
0x234: {  	[spmem:s2] =	stream.indirect.scatter.add.f32 [tilespmem:s13], [sflag:$0x2], $0x80, s20, s15, $0xb8;
	[tilespmem:$0x18880] =	vst v63  }
0x235: {  	_ =	swait.ge [sflag:s18], $0x4000  }
0x236: {  	[sflag:s18] =	ssyncset.done $0x0  }
0x237: {  	[sflag:s18] =	ssyncadd.s32 $0xFFFFC000  }
0x238: {  	[tilespmem:s11], [sflag:$0x1] =	stream.linear.gather [hbm4b:s1+s3], $0x4000, $0x38;
	[tilespmem:$0x18880] =	vst v63  }
0x239: {  	_ =	swait.ge [sflag:s14], $0x4000  }
0x23a: {  	[sflag:s14] =	ssyncset.done $0x0  }
0x23b: {  	s21 =	simm.s32 $0x500;
	[sflag:s14] =	ssyncadd.s32 $0xFFFFC000  }
0x23c: {  	[spmem:s2] =	stream.indirect.scatter.add.f32 [tilespmem:s17], [sflag:$0x2], $0x80, s21, s15, $0xb8;
	[tilespmem:$0x18880] =	vst v63  }
0x23d: {  	_ =	swait.ge [sflag:s18], $0x4000  }
0x23e: {  	[sflag:s18] =	ssyncset.done $0x0  }
0x23f: {  	[sflag:s18] =	ssyncadd.s32 $0xFFFFC000  }
0x240: {  	[tilespmem:s13], [sflag:$0x1] =	stream.linear.gather [hbm4b:s9+s3], $0x4000, $0x38;
	[tilespmem:$0x18880] =	vst v63  }
0x241: {  	_ =	swait.ge [sflag:s14], $0x4000  }
0x242: {  	[sflag:s14] =	ssyncset.done $0x0  }
0x243: {  	s22 =	simm.s32 $0x580;
	[sflag:s14] =	ssyncadd.s32 $0xFFFFC000  }
0x244: {  	[spmem:s2] =	stream.indirect.scatter.add.f32 [tilespmem:s7], [sflag:$0x2], $0x80, s22, s15, $0xb8;
	[tilespmem:$0x18880] =	vst v63  }
0x245: {  	_ =	swait.ge [sflag:s18], $0x4000  }
0x246: {  	[sflag:s18] =	ssyncset.done $0x0  }
0x247: {  	[sflag:s18] =	ssyncadd.s32 $0xFFFFC000  }
0x248: {  	[tilespmem:s17], [sflag:$0x1] =	stream.linear.gather [hbm4b:s23+s3], $0x4000, $0x38;
	[tilespmem:$0x18880] =	vst v63  }
0x249: {  	_ =	swait.ge [sflag:s14], $0x4000  }
0x24a: {  	[sflag:s14] =	ssyncset.done $0x0  }
0x24b: {  	s23 =	simm.s32 $0x600;
	[sflag:s14] =	ssyncadd.s32 $0xFFFFC000  }
0x24c: {  	[spmem:s2] =	stream.indirect.scatter.add.f32 [tilespmem:s11], [sflag:$0x2], $0x80, s23, s15, $0xb8;
	[tilespmem:$0x18880] =	vst v63  }
0x24d: {  	_ =	swait.ge [sflag:s18], $0x4000  }
0x24e: {  	[sflag:s18] =	ssyncset.done $0x0  }
0x24f: {  	[sflag:s18] =	ssyncadd.s32 $0xFFFFC000  }
0x250: {  	[tilespmem:s7], [sflag:$0x1] =	stream.linear.gather [hbm4b:s24+s3], $0x4000, $0x38;
	[tilespmem:$0x18880] =	vst v63  }
0x251: {  	_ =	swait.ge [sflag:s14], $0x4000  }
0x252: {  	[sflag:s14] =	ssyncset.done $0x0  }
0x253: {  	s25 =	simm.s32 $0x680;
	[sflag:s14] =	ssyncadd.s32 $0xFFFFC000  }
0x254: {  	[spmem:s2] =	stream.indirect.scatter.add.f32 [tilespmem:s13], [sflag:$0x2], $0x80, s25, s15, $0xb8;
	[tilespmem:$0x18880] =	vst v63  }
0x255: {  	_ =	swait.ge [sflag:s14], $0x4000  }
0x256: {  	[sflag:s14] =	ssyncset.done $0x0  }
0x257: {  	s26 =	simm.s32 $0x700;
	[sflag:s14] =	ssyncadd.s32 $0xFFFFC000  }
0x258: {  	[spmem:s2] =	stream.indirect.scatter.add.f32 [tilespmem:s17], [sflag:$0x2], $0x80, s26, s15, $0xb8;
	[tilespmem:$0x18880] =	vst v63  }
0x259: {  	_ =	swait.ge [sflag:s14], $0x4000  }
0x25a: {  	[sflag:s14] =	ssyncset.done $0x0  }
0x25b: {  	s29 =	simm.s32 $0x780;
	[sflag:s14] =	ssyncadd.s32 $0xFFFFC000  }
0x25c: {  	[spmem:s2] =	stream.indirect.scatter.add.f32 [tilespmem:s7], [sflag:$0x2], $0x80, s29, s15, $0xb8;
	[tilespmem:$0x18880] =	vst v63  }
0x25d: {  	_ =	swait.ge [sflag:s18], $0x4000  }
0x25e: {  	[sflag:s18] =	ssyncset.done $0x0  }
0x25f: {  	[sflag:s18] =	ssyncadd.s32 $0xFFFFC000  }
0x260: {  	_ =	swait.ge [sflag:s18], $0x4000  }
0x261: {  	[sflag:s18] =	ssyncset.done $0x0  }
0x262: {  	[sflag:s18] =	ssyncadd.s32 $0xFFFFC000  }
0x263: {  	_ =	swait.ge [sflag:s18], $0x4000  }
0x264: {  	[sflag:s18] =	ssyncset.done $0x0  }
0x265: {  	[sflag:s18] =	ssyncadd.s32 $0xFFFFC000  }
0x266: {  	_ =	swait.ge [sflag:s18], $0x4000  }
0x267: {  	[sflag:s18] =	ssyncset.done $0x0  }
0x268: {  	[sflag:s18] =	ssyncadd.s32 $0xFFFFC000  }
0x269: {  	p0 =	sne.s32 s31, $0x1;
	[bflag:$0x0] =	sbarrier.arrive $0xFFFF  }
.Ltmp1:
0x26a: {  	s30 =	rddreg [dreg:$0x7];
	(pc) =	sbr.rel @p0 .LBB2_2-.Ltmp1, $4  }
0x26b: {  	[hbm:s30], [sflag:s6] =	dma.local [spmem:s28], $0x1000  }
0x26c: {  	_ =	swait.ge [sflag:s0], $0x1000  }
0x26d: {  	[sflag:s0] =	ssyncset.done $0x0  }
0x26e: {  	s31 =	sadd.s32 $0xFFFFFFFF, s31;
	[sflag:s0] =	ssyncadd.s32 $0xFFFFF000  }
.LBB2_3:
0x26f: {  	[bflag:$0x0] =	sbarrier.arrive $0xFFFF  }
0x270: {  	_ =	sfence.sel $0x180000  }
0x271: {  	[bflag:$0x0] =	sbarrier.arrive $0xFFFF  }
0x272: {  	_ =	strace $0x90000050  }
0x273: {  	s0 =	stileid.u32;
	[bflag:$0x2] =	sbarrier.arrive $0xFFFF  }
0x274: {  	p0 =	sne.s32 s0, $0x0;
	s0 =	rddreg [dreg:$0x3]  }
0x275: {  	s0 =	sadd.s32 @!p0 $0x100000, s0  }
0x276: {  	[sflag:s0] =	ssyncadd.tile.s32 @!p0 $0x1;
	_ =	shalt  }
.Lfunc_end2:
_tile_overlayer_lowered:
.L_overlay_start_2:
0x277: {  	(tag) =	ssettag $0x2  }
0x278: {  	s0 =	rddreg [dreg:$0x0];
	s2 =	stileid.u32  }
0x279: {  	s1 =	rddreg [dreg:$0x1];
	p0 =	sne.s32 s2, $0x0  }
0x27a: {  	s3 =	rddreg [dreg:$0x2];
	[bflag:$0x3] =	sbarrier.arrive $0xFFFF;
	s2 =	simm.s32 @!p0 $0x1C03  }
0x27b: {  	[timem:s3], [sflag:s2] =	dma.local @!p0 [hbm:s0], s1  }
0x27c: {  	s0 =	simm.s32 @!p0 $0x3  }
0x27d: {  	_ =	swait.ge @!p0 [sflag:s0], s1  }
0x27e: {  	s1 =	ssub.s32 @!p0 $0x0, s1;
	[sflag:s0] =	ssyncset.done @!p0 $0x0  }
0x27f: {  	[sflag:s0] =	ssyncadd.s32 @!p0 s1  }
0x280: {  	[bflag:$0x3] =	sbarrier.arrive $0xFFFF  }
0x281: {  	_ =	shalt  }

</sc_bundles>
